<compile_context>
chip_gen: v7x
topology: tpu7x:2x2x1
jax: 0.10.2.dev20260603
libtpu: 0.0.44.dev20260713+nightly
codegen_flags: <defaults>
</compile_context>

<pallas_src>
import jax
import jax.numpy as jnp
from jax import lax
from jax.experimental import pallas as pl
from jax.experimental.pallas import tpu as pltpu
from jax.experimental.pallas import tpu_sc as plsc

_P = 8
_C = 32
_G = 128
_SUB = 2
_CHUNK = _G * _SUB
_NS = 4
_NW = 32
_L = 16


def _sc_body(edges, table, wrow_in, ratios, wout, *refs):
    idx_i = list(refs[0:_NS])
    idx_j = list(refs[_NS:2 * _NS])
    rows_i = list(refs[2 * _NS:3 * _NS])
    rows_j = list(refs[3 * _NS:4 * _NS])
    out = list(refs[4 * _NS:5 * _NS])
    wrow = refs[5 * _NS]
    sem_idx = list(refs[5 * _NS + 1:6 * _NS + 1])
    sem_g = list(refs[6 * _NS + 1:7 * _NS + 1])
    sem_o = list(refs[7 * _NS + 1:8 * _NS + 1])
    sem_w = list(refs[8 * _NS + 1:9 * _NS + 1])

    total = edges.shape[1]
    wid = lax.axis_index("s") * 2 + lax.axis_index("c")
    pltpu.sync_copy(wrow_in, wrow)
    iota = lax.broadcasted_iota(jnp.int32, (_L,), 0)

    kmax = (total + _NW - 1) // _NW
    kmax += (-kmax) % _NS
    nsteps = kmax // _NS

    def fire_idx(b, c):
        pltpu.async_copy(edges.at[0, c], idx_i[b], sem_idx[b])
        pltpu.async_copy(edges.at[1, c], idx_j[b], sem_idx[b])

    def wait_idx(b, c):
        pltpu.make_async_copy(edges.at[0, c], idx_i[b], sem_idx[b]).wait()
        pltpu.make_async_copy(edges.at[1, c], idx_j[b], sem_idx[b]).wait()

    def fire_gathers(b):
        for r in range(_SUB):
            dst_i = rows_i[b].at[pl.ds(r * _G, _G), :]
            dst_j = rows_j[b].at[pl.ds(r * _G, _G), :]
            pltpu.async_copy(table.at[idx_i[b].at[r]], dst_i, sem_g[b])
            pltpu.async_copy(table.at[idx_j[b].at[r]], dst_j, sem_g[b])

    def wait_gathers(b):
        for r in range(_SUB):
            dst_i = rows_i[b].at[pl.ds(r * _G, _G), :]
            dst_j = rows_j[b].at[pl.ds(r * _G, _G), :]
            pltpu.make_async_copy(table.at[idx_i[b].at[r]], dst_i,
                                  sem_g[b]).wait()
            pltpu.make_async_copy(table.at[idx_j[b].at[r]], dst_j,
                                  sem_g[b]).wait()

    def fire_out(b, c):
        pltpu.async_copy(out[b],
                         ratios.at[pl.ds(c * _CHUNK, _CHUNK), :],
                         sem_o[b])
        pltpu.async_copy(wrow, wout.at[pl.ds(c * _CHUNK, _CHUNK), :],
                         sem_w[b])

    def wait_out(b, c):
        pltpu.make_async_copy(out[b],
                              ratios.at[pl.ds(c * _CHUNK, _CHUNK), :],
                              sem_o[b]).wait()
        pltpu.make_async_copy(wrow,
                              wout.at[pl.ds(c * _CHUNK, _CHUNK), :],
                              sem_w[b]).wait()

    def compute(b):
        def g_body(g, carry):
            e0 = g * _L + iota
            for p in range(_P):
                c0 = jnp.full((_L,), 4 * p, jnp.int32)
                c1 = c0 + 1
                c2 = c0 + 2
                c3 = c0 + 3
                pw = plsc.load_gather(rows_i[b], [e0, c0])
                px = plsc.load_gather(rows_i[b], [e0, c1])
                py = plsc.load_gather(rows_i[b], [e0, c2])
                pz = plsc.load_gather(rows_i[b], [e0, c3])
                qw = plsc.load_gather(rows_j[b], [e0, c0])
                qx = plsc.load_gather(rows_j[b], [e0, c1])
                qy = plsc.load_gather(rows_j[b], [e0, c2])
                qz = plsc.load_gather(rows_j[b], [e0, c3])
                r = 1.0 / (qw * qw + qx * qx + qy * qy + qz * qz)
                ow = (pw * qw + px * qx + py * qy + pz * qz) * r
                ox = (px * qw - pw * qx - py * qz + pz * qy) * r
                oy = (py * qw - pw * qy + px * qz - pz * qx) * r
                oz = (pz * qw - pw * qz - px * qy + py * qx) * r
                plsc.store_scatter(out[b], [e0, c0], ow)
                plsc.store_scatter(out[b], [e0, c1], ox)
                plsc.store_scatter(out[b], [e0, c2], oy)
                plsc.store_scatter(out[b], [e0, c3], oz)
            return carry

        lax.fori_loop(0, _CHUNK // _L, g_body, 0)

    for b in range(_NS):
        fire_idx(b, wid + b * _NW)
    for b in range(_NS):
        wait_idx(b, wid + b * _NW)
        fire_gathers(b)

    def step(t, carry):
        for b in range(_NS):
            k = _NS * t + b
            c = wid + k * _NW
            cn = c + _NS * _NW

            def process():
                wait_gathers(b)

                @pl.when(cn < total)
                def _():
                    fire_idx(b, cn)

                @pl.when(t >= 1)
                def _():
                    wait_out(b, c - _NS * _NW)

                compute(b)
                fire_out(b, c)

                @pl.when(cn < total)
                def _():
                    wait_idx(b, cn)
                    fire_gathers(b)

            pl.when(c < total)(process)
        return carry

    lax.fori_loop(0, nsteps, step, 0)

    for b in range(_NS):
        c_last = wid + (kmax - _NS + b) * _NW

        @pl.when(c_last < total)
        def _():
            wait_out(b, c_last)


def kernel(particles, weights, edges):
    n_nodes = particles.shape[0]
    e = edges.shape[1]
    n_macro = e // _CHUNK
    table = particles.reshape(n_nodes, _C)
    edges4 = edges.reshape(2, n_macro, _SUB, _G)
    wrow_in = jnp.tile(weights, (_CHUNK, 1))
    scratch = (
        [pltpu.VMEM((_SUB, _G), jnp.int32) for _ in range(2 * _NS)]
        + [pltpu.VMEM((_CHUNK, _C), jnp.float32) for _ in range(2 * _NS)]
        + [pltpu.VMEM((_CHUNK, _C), jnp.float32) for _ in range(_NS)]
        + [pltpu.VMEM((_CHUNK, _P), jnp.float32)]
        + [pltpu.SemaphoreType.DMA for _ in range(4 * _NS)]
    )
    call = pl.kernel(
        _sc_body,
        out_type=[
            jax.ShapeDtypeStruct((e, _C), jnp.float32),
            jax.ShapeDtypeStruct((e, _P), jnp.float32),
        ],
        mesh=plsc.VectorSubcoreMesh(core_axis_name="c", subcore_axis_name="s"),
        compiler_params=pltpu.CompilerParams(
            needs_layout_passes=False, use_tc_tiling_on_sc=False
        ),
        scratch_types=scratch,
    )
    rr, ww = call(edges4, table, wrow_in)
    return rr.reshape(e, _P, 4), ww

# --- scband reference (transcript-rebuilt; emitter-appended) ---
"""Pipeline reference for scband-quaternion-relative-measure-map-weights-979252543771 (READ-ONLY COPY).

The authoritative reference and input builder live on the scoring server;
editing this copy changes nothing except your own understanding.
"""

import jax, jax.numpy as jnp
import numpy as np

N_NODES = 50000
N_EDGES = 1600000
NUM_PARTICLES = 8


def quaternion_prod(p, q):
    # Hamilton product of quaternions stored as (w, x, y, z) in last dim.
    pw, px, py, pz = p[..., 0], p[..., 1], p[..., 2], p[..., 3]
    qw, qx, qy, qz = q[..., 0], q[..., 1], q[..., 2], q[..., 3]
    w = pw * qw - px * qx - py * qy - pz * qz
    x = pw * qx + px * qw + py * qz - pz * qy
    y = pw * qy - px * qz + py * qw + pz * qx
    z = pw * qz + px * qy - py * qx + pz * qw
    return jnp.stack([w, x, y, z], axis=-1)


def quaternion_inv(q):
    conj = jnp.concatenate([q[..., :1], -q[..., 1:]], axis=-1)
    norm_sq = jnp.sum(q * q, axis=-1, keepdims=True)
    return conj / norm_sq


def quaternion_X_times_Y_inv(xi, xj):
    return quaternion_prod(xi, quaternion_inv(xj))


def setup_inputs(seed: int = 0) -> dict:
    key = jax.random.key(seed)
    k1, k2, k3 = jax.random.split(key, 3)
    particles = jax.random.normal(k1, (N_NODES, NUM_PARTICLES, 4), dtype=jnp.float32)
    weights = jax.random.uniform(k2, (1, NUM_PARTICLES), dtype=jnp.float32)
    edges = jax.random.randint(k3, (2, N_EDGES), 0, N_NODES, dtype=jnp.int32)
    return {"particles": particles, "weights": weights, "edges": edges}


def reference(particles, weights, edges):
    # compute_ratios path (noise_level<=0, unfaithfulness=False)
    i = edges[0, :]
    j = edges[1, :]
    xi = jnp.take(particles, i, axis=0)  # [E, P, 4] gather
    xj = jnp.take(particles, j, axis=0)  # [E, P, 4] gather
    ratios = quaternion_X_times_Y_inv(xi, xj)  # [E, P, 4]
    E = xi.shape[0]
    RM_weights = jnp.broadcast_to(weights[0, :][None, :], (E, weights.shape[1])) + jnp.zeros((E, weights.shape[1]), dtype=weights.dtype)
    return (ratios, RM_weights)

if __name__ == "__main__":
    import jax
    _d = setup_inputs()
    print(jax.jit(kernel)(*tuple(_d.values())))

</pallas_src>

<mosaic_0001>
#map = affine_map<(d0, d1) -> (0, 0, 0, 0)>
#map1 = affine_map<(d0, d1) -> (0, 0)>
module attributes {stable_mosaic.version = 14 : i64} {
  func.func @_sc_body(%arg0: i32, %arg1: i32, %arg2: memref<2x6250x2x128xi32, #tpu.memory_space<hbm>>, %arg3: memref<50000x32xf32, #tpu.memory_space<hbm>>, %arg4: memref<256x8xf32, #tpu.memory_space<hbm>>, %arg5: memref<1600000x32xf32, #tpu.memory_space<hbm>>, %arg6: memref<1600000x8xf32, #tpu.memory_space<hbm>>, %arg7: memref<2x128xi32, #tpu.memory_space<vmem>>, %arg8: memref<2x128xi32, #tpu.memory_space<vmem>>, %arg9: memref<2x128xi32, #tpu.memory_space<vmem>>, %arg10: memref<2x128xi32, #tpu.memory_space<vmem>>, %arg11: memref<2x128xi32, #tpu.memory_space<vmem>>, %arg12: memref<2x128xi32, #tpu.memory_space<vmem>>, %arg13: memref<2x128xi32, #tpu.memory_space<vmem>>, %arg14: memref<2x128xi32, #tpu.memory_space<vmem>>, %arg15: memref<256x32xf32, #tpu.memory_space<vmem>>, %arg16: memref<256x32xf32, #tpu.memory_space<vmem>>, %arg17: memref<256x32xf32, #tpu.memory_space<vmem>>, %arg18: memref<256x32xf32, #tpu.memory_space<vmem>>, %arg19: memref<256x32xf32, #tpu.memory_space<vmem>>, %arg20: memref<256x32xf32, #tpu.memory_space<vmem>>, %arg21: memref<256x32xf32, #tpu.memory_space<vmem>>, %arg22: memref<256x32xf32, #tpu.memory_space<vmem>>, %arg23: memref<256x32xf32, #tpu.memory_space<vmem>>, %arg24: memref<256x32xf32, #tpu.memory_space<vmem>>, %arg25: memref<256x32xf32, #tpu.memory_space<vmem>>, %arg26: memref<256x32xf32, #tpu.memory_space<vmem>>, %arg27: memref<256x8xf32, #tpu.memory_space<vmem>>, %arg28: memref<!tpu.dma_semaphore, #tpu.memory_space<semaphore_mem>>, %arg29: memref<!tpu.dma_semaphore, #tpu.memory_space<semaphore_mem>>, %arg30: memref<!tpu.dma_semaphore, #tpu.memory_space<semaphore_mem>>, %arg31: memref<!tpu.dma_semaphore, #tpu.memory_space<semaphore_mem>>, %arg32: memref<!tpu.dma_semaphore, #tpu.memory_space<semaphore_mem>>, %arg33: memref<!tpu.dma_semaphore, #tpu.memory_space<semaphore_mem>>, %arg34: memref<!tpu.dma_semaphore, #tpu.memory_space<semaphore_mem>>, %arg35: memref<!tpu.dma_semaphore, #tpu.memory_space<semaphore_mem>>, %arg36: memref<!tpu.dma_semaphore, #tpu.memory_space<semaphore_mem>>, %arg37: memref<!tpu.dma_semaphore, #tpu.memory_space<semaphore_mem>>, %arg38: memref<!tpu.dma_semaphore, #tpu.memory_space<semaphore_mem>>, %arg39: memref<!tpu.dma_semaphore, #tpu.memory_space<semaphore_mem>>, %arg40: memref<!tpu.dma_semaphore, #tpu.memory_space<semaphore_mem>>, %arg41: memref<!tpu.dma_semaphore, #tpu.memory_space<semaphore_mem>>, %arg42: memref<!tpu.dma_semaphore, #tpu.memory_space<semaphore_mem>>, %arg43: memref<!tpu.dma_semaphore, #tpu.memory_space<semaphore_mem>>) attributes {dimension_semantics = [#tpu.dimension_semantics<core_parallel>, #tpu.dimension_semantics<subcore_parallel>], iteration_bounds = array<i64: 2, 16>, scalar_prefetch = 0 : i64, scratch_operands = 37 : i64, tpu.core_type = #tpu.core_type<sc_vector_subcore>, window_params = [{transform_indices = #map}, {transform_indices = #map1}, {transform_indices = #map1}, {transform_indices = #map1}, {transform_indices = #map1}]} {
    %mul3A = arith.constant 2 : i32
    %mul3A_0 = arith.muli %arg1, %mul3A : i32
    %add3A = arith.addi %mul3A_0, %arg0 : i32
    "tpu.region"() ({
      %run_scoped3A = tpu.sem_alloc : memref<!tpu.dma_semaphore, #tpu.memory_space<semaphore_mem>>
      tpu.enqueue_dma source(%arg4 : memref<256x8xf32, #tpu.memory_space<hbm>>) target(%arg27 : memref<256x8xf32, #tpu.memory_space<vmem>>) target_semaphore(%run_scoped3A : memref<!tpu.dma_semaphore, #tpu.memory_space<semaphore_mem>>)
      tpu.wait_dma2 semaphore(%run_scoped3A : memref<!tpu.dma_semaphore, #tpu.memory_space<semaphore_mem>>) src(%arg4 : memref<256x8xf32, #tpu.memory_space<hbm>>) dst(%arg27 : memref<256x8xf32, #tpu.memory_space<vmem>>)
      tpu.yield
    }) : () -> ()
    %iota3A = tpu.iota {dimensions = array<i32: 0>} : vector<16xi32>
    %add3A_1 = arith.constant 0 : i32
    %add3A_2 = arith.addi %add3A, %add3A_1 : i32
    %dma_start3A = arith.constant 0 : i32
    %dma_start3A_3 = arith.constant 0 : i32
    %dma_start3A_4 = arith.constant 0 : i32
    %dma_start3A_5 = tpu.memref_slice %arg2[%dma_start3A, %add3A_2, %dma_start3A_3, %dma_start3A_4] : memref<2x6250x2x128xi32, #tpu.memory_space<hbm>> -> memref<1x1x2x128xi32, #tpu.memory_space<hbm>>
    %dma_start3A_6 = tpu.memref_squeeze %dma_start3A_5 : memref<1x1x2x128xi32, #tpu.memory_space<hbm>> -> memref<2x128xi32, #tpu.memory_space<hbm>>
    %dma_start3A_7 = arith.constant 0 : i32
    %dma_start3A_8 = arith.constant 0 : i32
    %dma_start3A_9 = tpu.memref_slice %arg2[%dma_start3A, %add3A_2, %dma_start3A_7, %dma_start3A_8] : memref<2x6250x2x128xi32, #tpu.memory_space<hbm>> -> memref<1x1x2x128xi32, #tpu.memory_space<hbm>>
    %dma_start3A_10 = tpu.memref_squeeze %dma_start3A_9 : memref<1x1x2x128xi32, #tpu.memory_space<hbm>> -> memref<2x128xi32, #tpu.memory_space<hbm>>
    tpu.enqueue_dma source(%dma_start3A_10 : memref<2x128xi32, #tpu.memory_space<hbm>>) target(%arg7 : memref<2x128xi32, #tpu.memory_space<vmem>>) target_semaphore(%arg28 : memref<!tpu.dma_semaphore, #tpu.memory_space<semaphore_mem>>)
    %dma_start3A_11 = arith.constant 1 : i32
    %dma_start3A_12 = arith.constant 0 : i32
    %dma_start3A_13 = arith.constant 0 : i32
    %dma_start3A_14 = tpu.memref_slice %arg2[%dma_start3A_11, %add3A_2, %dma_start3A_12, %dma_start3A_13] : memref<2x6250x2x128xi32, #tpu.memory_space<hbm>> -> memref<1x1x2x128xi32, #tpu.memory_space<hbm>>
    %dma_start3A_15 = tpu.memref_squeeze %dma_start3A_14 : memref<1x1x2x128xi32, #tpu.memory_space<hbm>> -> memref<2x128xi32, #tpu.memory_space<hbm>>
    %dma_start3A_16 = arith.constant 0 : i32
    %dma_start3A_17 = arith.constant 0 : i32
    %dma_start3A_18 = tpu.memref_slice %arg2[%dma_start3A_11, %add3A_2, %dma_start3A_16, %dma_start3A_17] : memref<2x6250x2x128xi32, #tpu.memory_space<hbm>> -> memref<1x1x2x128xi32, #tpu.memory_space<hbm>>
    %dma_start3A_19 = tpu.memref_squeeze %dma_start3A_18 : memref<1x1x2x128xi32, #tpu.memory_space<hbm>> -> memref<2x128xi32, #tpu.memory_space<hbm>>
    tpu.enqueue_dma source(%dma_start3A_19 : memref<2x128xi32, #tpu.memory_space<hbm>>) target(%arg11 : memref<2x128xi32, #tpu.memory_space<vmem>>) target_semaphore(%arg28 : memref<!tpu.dma_semaphore, #tpu.memory_space<semaphore_mem>>)
    %add3A_20 = arith.constant 32 : i32
    %add3A_21 = arith.addi %add3A, %add3A_20 : i32
    %dma_start3A_22 = arith.constant 0 : i32
    %dma_start3A_23 = arith.constant 0 : i32
    %dma_start3A_24 = arith.constant 0 : i32
    %dma_start3A_25 = tpu.memref_slice %arg2[%dma_start3A_22, %add3A_21, %dma_start3A_23, %dma_start3A_24] : memref<2x6250x2x128xi32, #tpu.memory_space<hbm>> -> memref<1x1x2x128xi32, #tpu.memory_space<hbm>>
    %dma_start3A_26 = tpu.memref_squeeze %dma_start3A_25 : memref<1x1x2x128xi32, #tpu.memory_space<hbm>> -> memref<2x128xi32, #tpu.memory_space<hbm>>
    %dma_start3A_27 = arith.constant 0 : i32
    %dma_start3A_28 = arith.constant 0 : i32
    %dma_start3A_29 = tpu.memref_slice %arg2[%dma_start3A_22, %add3A_21, %dma_start3A_27, %dma_start3A_28] : memref<2x6250x2x128xi32, #tpu.memory_space<hbm>> -> memref<1x1x2x128xi32, #tpu.memory_space<hbm>>
    %dma_start3A_30 = tpu.memref_squeeze %dma_start3A_29 : memref<1x1x2x128xi32, #tpu.memory_space<hbm>> -> memref<2x128xi32, #tpu.memory_space<hbm>>
    tpu.enqueue_dma source(%dma_start3A_30 : memref<2x128xi32, #tpu.memory_space<hbm>>) target(%arg8 : memref<2x128xi32, #tpu.memory_space<vmem>>) target_semaphore(%arg29 : memref<!tpu.dma_semaphore, #tpu.memory_space<semaphore_mem>>)
    %dma_start3A_31 = arith.constant 1 : i32
    %dma_start3A_32 = arith.constant 0 : i32
    %dma_start3A_33 = arith.constant 0 : i32
    %dma_start3A_34 = tpu.memref_slice %arg2[%dma_start3A_31, %add3A_21, %dma_start3A_32, %dma_start3A_33] : memref<2x6250x2x128xi32, #tpu.memory_space<hbm>> -> memref<1x1x2x128xi32, #tpu.memory_space<hbm>>
    %dma_start3A_35 = tpu.memref_squeeze %dma_start3A_34 : memref<1x1x2x128xi32, #tpu.memory_space<hbm>> -> memref<2x128xi32, #tpu.memory_space<hbm>>
    %dma_start3A_36 = arith.constant 0 : i32
    %dma_start3A_37 = arith.constant 0 : i32
    %dma_start3A_38 = tpu.memref_slice %arg2[%dma_start3A_31, %add3A_21, %dma_start3A_36, %dma_start3A_37] : memref<2x6250x2x128xi32, #tpu.memory_space<hbm>> -> memref<1x1x2x128xi32, #tpu.memory_space<hbm>>
    %dma_start3A_39 = tpu.memref_squeeze %dma_start3A_38 : memref<1x1x2x128xi32, #tpu.memory_space<hbm>> -> memref<2x128xi32, #tpu.memory_space<hbm>>
    tpu.enqueue_dma source(%dma_start3A_39 : memref<2x128xi32, #tpu.memory_space<hbm>>) target(%arg12 : memref<2x128xi32, #tpu.memory_space<vmem>>) target_semaphore(%arg29 : memref<!tpu.dma_semaphore, #tpu.memory_space<semaphore_mem>>)
    %add3A_40 = arith.constant 64 : i32
    %add3A_41 = arith.addi %add3A, %add3A_40 : i32
    %dma_start3A_42 = arith.constant 0 : i32
    %dma_start3A_43 = arith.constant 0 : i32
    %dma_start3A_44 = arith.constant 0 : i32
    %dma_start3A_45 = tpu.memref_slice %arg2[%dma_start3A_42, %add3A_41, %dma_start3A_43, %dma_start3A_44] : memref<2x6250x2x128xi32, #tpu.memory_space<hbm>> -> memref<1x1x2x128xi32, #tpu.memory_space<hbm>>
    %dma_start3A_46 = tpu.memref_squeeze %dma_start3A_45 : memref<1x1x2x128xi32, #tpu.memory_space<hbm>> -> memref<2x128xi32, #tpu.memory_space<hbm>>
    %dma_start3A_47 = arith.constant 0 : i32
    %dma_start3A_48 = arith.constant 0 : i32
    %dma_start3A_49 = tpu.memref_slice %arg2[%dma_start3A_42, %add3A_41, %dma_start3A_47, %dma_start3A_48] : memref<2x6250x2x128xi32, #tpu.memory_space<hbm>> -> memref<1x1x2x128xi32, #tpu.memory_space<hbm>>
    %dma_start3A_50 = tpu.memref_squeeze %dma_start3A_49 : memref<1x1x2x128xi32, #tpu.memory_space<hbm>> -> memref<2x128xi32, #tpu.memory_space<hbm>>
    tpu.enqueue_dma source(%dma_start3A_50 : memref<2x128xi32, #tpu.memory_space<hbm>>) target(%arg9 : memref<2x128xi32, #tpu.memory_space<vmem>>) target_semaphore(%arg30 : memref<!tpu.dma_semaphore, #tpu.memory_space<semaphore_mem>>)
    %dma_start3A_51 = arith.constant 1 : i32
    %dma_start3A_52 = arith.constant 0 : i32
    %dma_start3A_53 = arith.constant 0 : i32
    %dma_start3A_54 = tpu.memref_slice %arg2[%dma_start3A_51, %add3A_41, %dma_start3A_52, %dma_start3A_53] : memref<2x6250x2x128xi32, #tpu.memory_space<hbm>> -> memref<1x1x2x128xi32, #tpu.memory_space<hbm>>
    %dma_start3A_55 = tpu.memref_squeeze %dma_start3A_54 : memref<1x1x2x128xi32, #tpu.memory_space<hbm>> -> memref<2x128xi32, #tpu.memory_space<hbm>>
    %dma_start3A_56 = arith.constant 0 : i32
    %dma_start3A_57 = arith.constant 0 : i32
    %dma_start3A_58 = tpu.memref_slice %arg2[%dma_start3A_51, %add3A_41, %dma_start3A_56, %dma_start3A_57] : memref<2x6250x2x128xi32, #tpu.memory_space<hbm>> -> memref<1x1x2x128xi32, #tpu.memory_space<hbm>>
    %dma_start3A_59 = tpu.memref_squeeze %dma_start3A_58 : memref<1x1x2x128xi32, #tpu.memory_space<hbm>> -> memref<2x128xi32, #tpu.memory_space<hbm>>
    tpu.enqueue_dma source(%dma_start3A_59 : memref<2x128xi32, #tpu.memory_space<hbm>>) target(%arg13 : memref<2x128xi32, #tpu.memory_space<vmem>>) target_semaphore(%arg30 : memref<!tpu.dma_semaphore, #tpu.memory_space<semaphore_mem>>)
    %add3A_60 = arith.constant 96 : i32
    %add3A_61 = arith.addi %add3A, %add3A_60 : i32
    %dma_start3A_62 = arith.constant 0 : i32
    %dma_start3A_63 = arith.constant 0 : i32
    %dma_start3A_64 = arith.constant 0 : i32
    %dma_start3A_65 = tpu.memref_slice %arg2[%dma_start3A_62, %add3A_61, %dma_start3A_63, %dma_start3A_64] : memref<2x6250x2x128xi32, #tpu.memory_space<hbm>> -> memref<1x1x2x128xi32, #tpu.memory_space<hbm>>
    %dma_start3A_66 = tpu.memref_squeeze %dma_start3A_65 : memref<1x1x2x128xi32, #tpu.memory_space<hbm>> -> memref<2x128xi32, #tpu.memory_space<hbm>>
    %dma_start3A_67 = arith.constant 0 : i32
    %dma_start3A_68 = arith.constant 0 : i32
    %dma_start3A_69 = tpu.memref_slice %arg2[%dma_start3A_62, %add3A_61, %dma_start3A_67, %dma_start3A_68] : memref<2x6250x2x128xi32, #tpu.memory_space<hbm>> -> memref<1x1x2x128xi32, #tpu.memory_space<hbm>>
    %dma_start3A_70 = tpu.memref_squeeze %dma_start3A_69 : memref<1x1x2x128xi32, #tpu.memory_space<hbm>> -> memref<2x128xi32, #tpu.memory_space<hbm>>
    tpu.enqueue_dma source(%dma_start3A_70 : memref<2x128xi32, #tpu.memory_space<hbm>>) target(%arg10 : memref<2x128xi32, #tpu.memory_space<vmem>>) target_semaphore(%arg31 : memref<!tpu.dma_semaphore, #tpu.memory_space<semaphore_mem>>)
    %dma_start3A_71 = arith.constant 1 : i32
    %dma_start3A_72 = arith.constant 0 : i32
    %dma_start3A_73 = arith.constant 0 : i32
    %dma_start3A_74 = tpu.memref_slice %arg2[%dma_start3A_71, %add3A_61, %dma_start3A_72, %dma_start3A_73] : memref<2x6250x2x128xi32, #tpu.memory_space<hbm>> -> memref<1x1x2x128xi32, #tpu.memory_space<hbm>>
    %dma_start3A_75 = tpu.memref_squeeze %dma_start3A_74 : memref<1x1x2x128xi32, #tpu.memory_space<hbm>> -> memref<2x128xi32, #tpu.memory_space<hbm>>
    %dma_start3A_76 = arith.constant 0 : i32
    %dma_start3A_77 = arith.constant 0 : i32
    %dma_start3A_78 = tpu.memref_slice %arg2[%dma_start3A_71, %add3A_61, %dma_start3A_76, %dma_start3A_77] : memref<2x6250x2x128xi32, #tpu.memory_space<hbm>> -> memref<1x1x2x128xi32, #tpu.memory_space<hbm>>
    %dma_start3A_79 = tpu.memref_squeeze %dma_start3A_78 : memref<1x1x2x128xi32, #tpu.memory_space<hbm>> -> memref<2x128xi32, #tpu.memory_space<hbm>>
    tpu.enqueue_dma source(%dma_start3A_79 : memref<2x128xi32, #tpu.memory_space<hbm>>) target(%arg14 : memref<2x128xi32, #tpu.memory_space<vmem>>) target_semaphore(%arg31 : memref<!tpu.dma_semaphore, #tpu.memory_space<semaphore_mem>>)
    %add3A_80 = arith.constant 0 : i32
    %add3A_81 = arith.addi %add3A, %add3A_80 : i32
    %dma_wait3A = arith.constant 0 : i32
    %dma_wait3A_82 = arith.constant 0 : i32
    %dma_wait3A_83 = arith.constant 0 : i32
    %dma_wait3A_84 = tpu.memref_slice %arg2[%dma_wait3A, %add3A_81, %dma_wait3A_82, %dma_wait3A_83] : memref<2x6250x2x128xi32, #tpu.memory_space<hbm>> -> memref<1x1x2x128xi32, #tpu.memory_space<hbm>>
    %dma_wait3A_85 = tpu.memref_squeeze %dma_wait3A_84 : memref<1x1x2x128xi32, #tpu.memory_space<hbm>> -> memref<2x128xi32, #tpu.memory_space<hbm>>
    %dma_wait3A_86 = arith.constant 0 : i32
    %dma_wait3A_87 = arith.constant 0 : i32
    %dma_wait3A_88 = tpu.memref_slice %arg2[%dma_wait3A, %add3A_81, %dma_wait3A_86, %dma_wait3A_87] : memref<2x6250x2x128xi32, #tpu.memory_space<hbm>> -> memref<1x1x2x128xi32, #tpu.memory_space<hbm>>
    %dma_wait3A_89 = tpu.memref_squeeze %dma_wait3A_88 : memref<1x1x2x128xi32, #tpu.memory_space<hbm>> -> memref<2x128xi32, #tpu.memory_space<hbm>>
    tpu.wait_dma2 semaphore(%arg28 : memref<!tpu.dma_semaphore, #tpu.memory_space<semaphore_mem>>) src(%dma_wait3A_89 : memref<2x128xi32, #tpu.memory_space<hbm>>) dst(%arg7 : memref<2x128xi32, #tpu.memory_space<vmem>>)
    %dma_wait3A_90 = arith.constant 1 : i32
    %dma_wait3A_91 = arith.constant 0 : i32
    %dma_wait3A_92 = arith.constant 0 : i32
    %dma_wait3A_93 = tpu.memref_slice %arg2[%dma_wait3A_90, %add3A_81, %dma_wait3A_91, %dma_wait3A_92] : memref<2x6250x2x128xi32, #tpu.memory_space<hbm>> -> memref<1x1x2x128xi32, #tpu.memory_space<hbm>>
    %dma_wait3A_94 = tpu.memref_squeeze %dma_wait3A_93 : memref<1x1x2x128xi32, #tpu.memory_space<hbm>> -> memref<2x128xi32, #tpu.memory_space<hbm>>
    %dma_wait3A_95 = arith.constant 0 : i32
    %dma_wait3A_96 = arith.constant 0 : i32
    %dma_wait3A_97 = tpu.memref_slice %arg2[%dma_wait3A_90, %add3A_81, %dma_wait3A_95, %dma_wait3A_96] : memref<2x6250x2x128xi32, #tpu.memory_space<hbm>> -> memref<1x1x2x128xi32, #tpu.memory_space<hbm>>
    %dma_wait3A_98 = tpu.memref_squeeze %dma_wait3A_97 : memref<1x1x2x128xi32, #tpu.memory_space<hbm>> -> memref<2x128xi32, #tpu.memory_space<hbm>>
    tpu.wait_dma2 semaphore(%arg28 : memref<!tpu.dma_semaphore, #tpu.memory_space<semaphore_mem>>) src(%dma_wait3A_98 : memref<2x128xi32, #tpu.memory_space<hbm>>) dst(%arg11 : memref<2x128xi32, #tpu.memory_space<vmem>>)
    %dma_start3A_99 = arith.constant 0 : i32
    %dma_start3A_100 = arith.constant 0 : i32
    %dma_start3A_101 = arith.constant 0 : i32
    %dma_start3A_102 = tpu.memref_slice %arg15[%dma_start3A_100, %dma_start3A_101] : memref<256x32xf32, #tpu.memory_space<vmem>> -> memref<128x32xf32, #tpu.memory_space<vmem>>
    %dma_start3A_103 = arith.constant 0 : i32
    %dma_start3A_104 = tpu.memref_slice %arg7[%dma_start3A_99, %dma_start3A_103] : memref<2x128xi32, #tpu.memory_space<vmem>> -> memref<1x128xi32, #tpu.memory_space<vmem>>
    %dma_start3A_105 = tpu.memref_squeeze %dma_start3A_104 : memref<1x128xi32, #tpu.memory_space<vmem>> -> memref<128xi32, #tpu.memory_space<vmem>>
    %dma_start3A_106 = arith.constant 0 : i32
    %dma_start3A_107 = arith.constant 0 : i32
    %dma_start3A_108 = tpu.memref_slice %arg3[%dma_start3A_106, %dma_start3A_107] : memref<50000x32xf32, #tpu.memory_space<hbm>> -> memref<50000x32xf32, #tpu.memory_space<hbm>>
    tpu.enqueue_indirect_dma source(%dma_start3A_108 : memref<50000x32xf32, #tpu.memory_space<hbm>>) target(%dma_start3A_102 : memref<128x32xf32, #tpu.memory_space<vmem>>) offsets(%dma_start3A_105 : memref<128xi32, #tpu.memory_space<vmem>>) semaphore(%arg32 : memref<!tpu.dma_semaphore, #tpu.memory_space<semaphore_mem>>)
    %dma_start3A_109 = arith.constant 0 : i32
    %dma_start3A_110 = arith.constant 0 : i32
    %dma_start3A_111 = arith.constant 0 : i32
    %dma_start3A_112 = tpu.memref_slice %arg19[%dma_start3A_110, %dma_start3A_111] : memref<256x32xf32, #tpu.memory_space<vmem>> -> memref<128x32xf32, #tpu.memory_space<vmem>>
    %dma_start3A_113 = arith.constant 0 : i32
    %dma_start3A_114 = tpu.memref_slice %arg11[%dma_start3A_109, %dma_start3A_113] : memref<2x128xi32, #tpu.memory_space<vmem>> -> memref<1x128xi32, #tpu.memory_space<vmem>>
    %dma_start3A_115 = tpu.memref_squeeze %dma_start3A_114 : memref<1x128xi32, #tpu.memory_space<vmem>> -> memref<128xi32, #tpu.memory_space<vmem>>
    %dma_start3A_116 = arith.constant 0 : i32
    %dma_start3A_117 = arith.constant 0 : i32
    %dma_start3A_118 = tpu.memref_slice %arg3[%dma_start3A_116, %dma_start3A_117] : memref<50000x32xf32, #tpu.memory_space<hbm>> -> memref<50000x32xf32, #tpu.memory_space<hbm>>
    tpu.enqueue_indirect_dma source(%dma_start3A_118 : memref<50000x32xf32, #tpu.memory_space<hbm>>) target(%dma_start3A_112 : memref<128x32xf32, #tpu.memory_space<vmem>>) offsets(%dma_start3A_115 : memref<128xi32, #tpu.memory_space<vmem>>) semaphore(%arg32 : memref<!tpu.dma_semaphore, #tpu.memory_space<semaphore_mem>>)
    %dma_start3A_119 = arith.constant 1 : i32
    %dma_start3A_120 = arith.constant 128 : i32
    %dma_start3A_121 = arith.constant 0 : i32
    %dma_start3A_122 = tpu.memref_slice %arg15[%dma_start3A_120, %dma_start3A_121] : memref<256x32xf32, #tpu.memory_space<vmem>> -> memref<128x32xf32, #tpu.memory_space<vmem>>
    %dma_start3A_123 = arith.constant 0 : i32
    %dma_start3A_124 = tpu.memref_slice %arg7[%dma_start3A_119, %dma_start3A_123] : memref<2x128xi32, #tpu.memory_space<vmem>> -> memref<1x128xi32, #tpu.memory_space<vmem>>
    %dma_start3A_125 = tpu.memref_squeeze %dma_start3A_124 : memref<1x128xi32, #tpu.memory_space<vmem>> -> memref<128xi32, #tpu.memory_space<vmem>>
    %dma_start3A_126 = arith.constant 0 : i32
    %dma_start3A_127 = arith.constant 0 : i32
    %dma_start3A_128 = tpu.memref_slice %arg3[%dma_start3A_126, %dma_start3A_127] : memref<50000x32xf32, #tpu.memory_space<hbm>> -> memref<50000x32xf32, #tpu.memory_space<hbm>>
    tpu.enqueue_indirect_dma source(%dma_start3A_128 : memref<50000x32xf32, #tpu.memory_space<hbm>>) target(%dma_start3A_122 : memref<128x32xf32, #tpu.memory_space<vmem>>) offsets(%dma_start3A_125 : memref<128xi32, #tpu.memory_space<vmem>>) semaphore(%arg32 : memref<!tpu.dma_semaphore, #tpu.memory_space<semaphore_mem>>)
    %dma_start3A_129 = arith.constant 1 : i32
    %dma_start3A_130 = arith.constant 128 : i32
    %dma_start3A_131 = arith.constant 0 : i32
    %dma_start3A_132 = tpu.memref_slice %arg19[%dma_start3A_130, %dma_start3A_131] : memref<256x32xf32, #tpu.memory_space<vmem>> -> memref<128x32xf32, #tpu.memory_space<vmem>>
    %dma_start3A_133 = arith.constant 0 : i32
    %dma_start3A_134 = tpu.memref_slice %arg11[%dma_start3A_129, %dma_start3A_133] : memref<2x128xi32, #tpu.memory_space<vmem>> -> memref<1x128xi32, #tpu.memory_space<vmem>>
    %dma_start3A_135 = tpu.memref_squeeze %dma_start3A_134 : memref<1x128xi32, #tpu.memory_space<vmem>> -> memref<128xi32, #tpu.memory_space<vmem>>
    %dma_start3A_136 = arith.constant 0 : i32
    %dma_start3A_137 = arith.constant 0 : i32
    %dma_start3A_138 = tpu.memref_slice %arg3[%dma_start3A_136, %dma_start3A_137] : memref<50000x32xf32, #tpu.memory_space<hbm>> -> memref<50000x32xf32, #tpu.memory_space<hbm>>
    tpu.enqueue_indirect_dma source(%dma_start3A_138 : memref<50000x32xf32, #tpu.memory_space<hbm>>) target(%dma_start3A_132 : memref<128x32xf32, #tpu.memory_space<vmem>>) offsets(%dma_start3A_135 : memref<128xi32, #tpu.memory_space<vmem>>) semaphore(%arg32 : memref<!tpu.dma_semaphore, #tpu.memory_space<semaphore_mem>>)
    %add3A_139 = arith.constant 32 : i32
    %add3A_140 = arith.addi %add3A, %add3A_139 : i32
    %dma_wait3A_141 = arith.constant 0 : i32
    %dma_wait3A_142 = arith.constant 0 : i32
    %dma_wait3A_143 = arith.constant 0 : i32
    %dma_wait3A_144 = tpu.memref_slice %arg2[%dma_wait3A_141, %add3A_140, %dma_wait3A_142, %dma_wait3A_143] : memref<2x6250x2x128xi32, #tpu.memory_space<hbm>> -> memref<1x1x2x128xi32, #tpu.memory_space<hbm>>
    %dma_wait3A_145 = tpu.memref_squeeze %dma_wait3A_144 : memref<1x1x2x128xi32, #tpu.memory_space<hbm>> -> memref<2x128xi32, #tpu.memory_space<hbm>>
    %dma_wait3A_146 = arith.constant 0 : i32
    %dma_wait3A_147 = arith.constant 0 : i32
    %dma_wait3A_148 = tpu.memref_slice %arg2[%dma_wait3A_141, %add3A_140, %dma_wait3A_146, %dma_wait3A_147] : memref<2x6250x2x128xi32, #tpu.memory_space<hbm>> -> memref<1x1x2x128xi32, #tpu.memory_space<hbm>>
    %dma_wait3A_149 = tpu.memref_squeeze %dma_wait3A_148 : memref<1x1x2x128xi32, #tpu.memory_space<hbm>> -> memref<2x128xi32, #tpu.memory_space<hbm>>
    tpu.wait_dma2 semaphore(%arg29 : memref<!tpu.dma_semaphore, #tpu.memory_space<semaphore_mem>>) src(%dma_wait3A_149 : memref<2x128xi32, #tpu.memory_space<hbm>>) dst(%arg8 : memref<2x128xi32, #tpu.memory_space<vmem>>)
    %dma_wait3A_150 = arith.constant 1 : i32
    %dma_wait3A_151 = arith.constant 0 : i32
    %dma_wait3A_152 = arith.constant 0 : i32
    %dma_wait3A_153 = tpu.memref_slice %arg2[%dma_wait3A_150, %add3A_140, %dma_wait3A_151, %dma_wait3A_152] : memref<2x6250x2x128xi32, #tpu.memory_space<hbm>> -> memref<1x1x2x128xi32, #tpu.memory_space<hbm>>
    %dma_wait3A_154 = tpu.memref_squeeze %dma_wait3A_153 : memref<1x1x2x128xi32, #tpu.memory_space<hbm>> -> memref<2x128xi32, #tpu.memory_space<hbm>>
    %dma_wait3A_155 = arith.constant 0 : i32
    %dma_wait3A_156 = arith.constant 0 : i32
    %dma_wait3A_157 = tpu.memref_slice %arg2[%dma_wait3A_150, %add3A_140, %dma_wait3A_155, %dma_wait3A_156] : memref<2x6250x2x128xi32, #tpu.memory_space<hbm>> -> memref<1x1x2x128xi32, #tpu.memory_space<hbm>>
    %dma_wait3A_158 = tpu.memref_squeeze %dma_wait3A_157 : memref<1x1x2x128xi32, #tpu.memory_space<hbm>> -> memref<2x128xi32, #tpu.memory_space<hbm>>
    tpu.wait_dma2 semaphore(%arg29 : memref<!tpu.dma_semaphore, #tpu.memory_space<semaphore_mem>>) src(%dma_wait3A_158 : memref<2x128xi32, #tpu.memory_space<hbm>>) dst(%arg12 : memref<2x128xi32, #tpu.memory_space<vmem>>)
    %dma_start3A_159 = arith.constant 0 : i32
    %dma_start3A_160 = arith.constant 0 : i32
    %dma_start3A_161 = arith.constant 0 : i32
    %dma_start3A_162 = tpu.memref_slice %arg16[%dma_start3A_160, %dma_start3A_161] : memref<256x32xf32, #tpu.memory_space<vmem>> -> memref<128x32xf32, #tpu.memory_space<vmem>>
    %dma_start3A_163 = arith.constant 0 : i32
    %dma_start3A_164 = tpu.memref_slice %arg8[%dma_start3A_159, %dma_start3A_163] : memref<2x128xi32, #tpu.memory_space<vmem>> -> memref<1x128xi32, #tpu.memory_space<vmem>>
    %dma_start3A_165 = tpu.memref_squeeze %dma_start3A_164 : memref<1x128xi32, #tpu.memory_space<vmem>> -> memref<128xi32, #tpu.memory_space<vmem>>
    %dma_start3A_166 = arith.constant 0 : i32
    %dma_start3A_167 = arith.constant 0 : i32
    %dma_start3A_168 = tpu.memref_slice %arg3[%dma_start3A_166, %dma_start3A_167] : memref<50000x32xf32, #tpu.memory_space<hbm>> -> memref<50000x32xf32, #tpu.memory_space<hbm>>
    tpu.enqueue_indirect_dma source(%dma_start3A_168 : memref<50000x32xf32, #tpu.memory_space<hbm>>) target(%dma_start3A_162 : memref<128x32xf32, #tpu.memory_space<vmem>>) offsets(%dma_start3A_165 : memref<128xi32, #tpu.memory_space<vmem>>) semaphore(%arg33 : memref<!tpu.dma_semaphore, #tpu.memory_space<semaphore_mem>>)
    %dma_start3A_169 = arith.constant 0 : i32
    %dma_start3A_170 = arith.constant 0 : i32
    %dma_start3A_171 = arith.constant 0 : i32
    %dma_start3A_172 = tpu.memref_slice %arg20[%dma_start3A_170, %dma_start3A_171] : memref<256x32xf32, #tpu.memory_space<vmem>> -> memref<128x32xf32, #tpu.memory_space<vmem>>
    %dma_start3A_173 = arith.constant 0 : i32
    %dma_start3A_174 = tpu.memref_slice %arg12[%dma_start3A_169, %dma_start3A_173] : memref<2x128xi32, #tpu.memory_space<vmem>> -> memref<1x128xi32, #tpu.memory_space<vmem>>
    %dma_start3A_175 = tpu.memref_squeeze %dma_start3A_174 : memref<1x128xi32, #tpu.memory_space<vmem>> -> memref<128xi32, #tpu.memory_space<vmem>>
    %dma_start3A_176 = arith.constant 0 : i32
    %dma_start3A_177 = arith.constant 0 : i32
    %dma_start3A_178 = tpu.memref_slice %arg3[%dma_start3A_176, %dma_start3A_177] : memref<50000x32xf32, #tpu.memory_space<hbm>> -> memref<50000x32xf32, #tpu.memory_space<hbm>>
    tpu.enqueue_indirect_dma source(%dma_start3A_178 : memref<50000x32xf32, #tpu.memory_space<hbm>>) target(%dma_start3A_172 : memref<128x32xf32, #tpu.memory_space<vmem>>) offsets(%dma_start3A_175 : memref<128xi32, #tpu.memory_space<vmem>>) semaphore(%arg33 : memref<!tpu.dma_semaphore, #tpu.memory_space<semaphore_mem>>)
    %dma_start3A_179 = arith.constant 1 : i32
    %dma_start3A_180 = arith.constant 128 : i32
    %dma_start3A_181 = arith.constant 0 : i32
    %dma_start3A_182 = tpu.memref_slice %arg16[%dma_start3A_180, %dma_start3A_181] : memref<256x32xf32, #tpu.memory_space<vmem>> -> memref<128x32xf32, #tpu.memory_space<vmem>>
    %dma_start3A_183 = arith.constant 0 : i32
    %dma_start3A_184 = tpu.memref_slice %arg8[%dma_start3A_179, %dma_start3A_183] : memref<2x128xi32, #tpu.memory_space<vmem>> -> memref<1x128xi32, #tpu.memory_space<vmem>>
    %dma_start3A_185 = tpu.memref_squeeze %dma_start3A_184 : memref<1x128xi32, #tpu.memory_space<vmem>> -> memref<128xi32, #tpu.memory_space<vmem>>
    %dma_start3A_186 = arith.constant 0 : i32
    %dma_start3A_187 = arith.constant 0 : i32
    %dma_start3A_188 = tpu.memref_slice %arg3[%dma_start3A_186, %dma_start3A_187] : memref<50000x32xf32, #tpu.memory_space<hbm>> -> memref<50000x32xf32, #tpu.memory_space<hbm>>
    tpu.enqueue_indirect_dma source(%dma_start3A_188 : memref<50000x32xf32, #tpu.memory_space<hbm>>) target(%dma_start3A_182 : memref<128x32xf32, #tpu.memory_space<vmem>>) offsets(%dma_start3A_185 : memref<128xi32, #tpu.memory_space<vmem>>) semaphore(%arg33 : memref<!tpu.dma_semaphore, #tpu.memory_space<semaphore_mem>>)
    %dma_start3A_189 = arith.constant 1 : i32
    %dma_start3A_190 = arith.constant 128 : i32
    %dma_start3A_191 = arith.constant 0 : i32
    %dma_start3A_192 = tpu.memref_slice %arg20[%dma_start3A_190, %dma_start3A_191] : memref<256x32xf32, #tpu.memory_space<vmem>> -> memref<128x32xf32, #tpu.memory_space<vmem>>
    %dma_start3A_193 = arith.constant 0 : i32
    %dma_start3A_194 = tpu.memref_slice %arg12[%dma_start3A_189, %dma_start3A_193] : memref<2x128xi32, #tpu.memory_space<vmem>> -> memref<1x128xi32, #tpu.memory_space<vmem>>
    %dma_start3A_195 = tpu.memref_squeeze %dma_start3A_194 : memref<1x128xi32, #tpu.memory_space<vmem>> -> memref<128xi32, #tpu.memory_space<vmem>>
    %dma_start3A_196 = arith.constant 0 : i32
    %dma_start3A_197 = arith.constant 0 : i32
    %dma_start3A_198 = tpu.memref_slice %arg3[%dma_start3A_196, %dma_start3A_197] : memref<50000x32xf32, #tpu.memory_space<hbm>> -> memref<50000x32xf32, #tpu.memory_space<hbm>>
    tpu.enqueue_indirect_dma source(%dma_start3A_198 : memref<50000x32xf32, #tpu.memory_space<hbm>>) target(%dma_start3A_192 : memref<128x32xf32, #tpu.memory_space<vmem>>) offsets(%dma_start3A_195 : memref<128xi32, #tpu.memory_space<vmem>>) semaphore(%arg33 : memref<!tpu.dma_semaphore, #tpu.memory_space<semaphore_mem>>)
    %add3A_199 = arith.constant 64 : i32
    %add3A_200 = arith.addi %add3A, %add3A_199 : i32
    %dma_wait3A_201 = arith.constant 0 : i32
    %dma_wait3A_202 = arith.constant 0 : i32
    %dma_wait3A_203 = arith.constant 0 : i32
    %dma_wait3A_204 = tpu.memref_slice %arg2[%dma_wait3A_201, %add3A_200, %dma_wait3A_202, %dma_wait3A_203] : memref<2x6250x2x128xi32, #tpu.memory_space<hbm>> -> memref<1x1x2x128xi32, #tpu.memory_space<hbm>>
    %dma_wait3A_205 = tpu.memref_squeeze %dma_wait3A_204 : memref<1x1x2x128xi32, #tpu.memory_space<hbm>> -> memref<2x128xi32, #tpu.memory_space<hbm>>
    %dma_wait3A_206 = arith.constant 0 : i32
    %dma_wait3A_207 = arith.constant 0 : i32
    %dma_wait3A_208 = tpu.memref_slice %arg2[%dma_wait3A_201, %add3A_200, %dma_wait3A_206, %dma_wait3A_207] : memref<2x6250x2x128xi32, #tpu.memory_space<hbm>> -> memref<1x1x2x128xi32, #tpu.memory_space<hbm>>
    %dma_wait3A_209 = tpu.memref_squeeze %dma_wait3A_208 : memref<1x1x2x128xi32, #tpu.memory_space<hbm>> -> memref<2x128xi32, #tpu.memory_space<hbm>>
    tpu.wait_dma2 semaphore(%arg30 : memref<!tpu.dma_semaphore, #tpu.memory_space<semaphore_mem>>) src(%dma_wait3A_209 : memref<2x128xi32, #tpu.memory_space<hbm>>) dst(%arg9 : memref<2x128xi32, #tpu.memory_space<vmem>>)
    %dma_wait3A_210 = arith.constant 1 : i32
    %dma_wait3A_211 = arith.constant 0 : i32
    %dma_wait3A_212 = arith.constant 0 : i32
    %dma_wait3A_213 = tpu.memref_slice %arg2[%dma_wait3A_210, %add3A_200, %dma_wait3A_211, %dma_wait3A_212] : memref<2x6250x2x128xi32, #tpu.memory_space<hbm>> -> memref<1x1x2x128xi32, #tpu.memory_space<hbm>>
    %dma_wait3A_214 = tpu.memref_squeeze %dma_wait3A_213 : memref<1x1x2x128xi32, #tpu.memory_space<hbm>> -> memref<2x128xi32, #tpu.memory_space<hbm>>
    %dma_wait3A_215 = arith.constant 0 : i32
    %dma_wait3A_216 = arith.constant 0 : i32
    %dma_wait3A_217 = tpu.memref_slice %arg2[%dma_wait3A_210, %add3A_200, %dma_wait3A_215, %dma_wait3A_216] : memref<2x6250x2x128xi32, #tpu.memory_space<hbm>> -> memref<1x1x2x128xi32, #tpu.memory_space<hbm>>
    %dma_wait3A_218 = tpu.memref_squeeze %dma_wait3A_217 : memref<1x1x2x128xi32, #tpu.memory_space<hbm>> -> memref<2x128xi32, #tpu.memory_space<hbm>>
    tpu.wait_dma2 semaphore(%arg30 : memref<!tpu.dma_semaphore, #tpu.memory_space<semaphore_mem>>) src(%dma_wait3A_218 : memref<2x128xi32, #tpu.memory_space<hbm>>) dst(%arg13 : memref<2x128xi32, #tpu.memory_space<vmem>>)
    %dma_start3A_219 = arith.constant 0 : i32
    %dma_start3A_220 = arith.constant 0 : i32
    %dma_start3A_221 = arith.constant 0 : i32
    %dma_start3A_222 = tpu.memref_slice %arg17[%dma_start3A_220, %dma_start3A_221] : memref<256x32xf32, #tpu.memory_space<vmem>> -> memref<128x32xf32, #tpu.memory_space<vmem>>
    %dma_start3A_223 = arith.constant 0 : i32
    %dma_start3A_224 = tpu.memref_slice %arg9[%dma_start3A_219, %dma_start3A_223] : memref<2x128xi32, #tpu.memory_space<vmem>> -> memref<1x128xi32, #tpu.memory_space<vmem>>
    %dma_start3A_225 = tpu.memref_squeeze %dma_start3A_224 : memref<1x128xi32, #tpu.memory_space<vmem>> -> memref<128xi32, #tpu.memory_space<vmem>>
    %dma_start3A_226 = arith.constant 0 : i32
    %dma_start3A_227 = arith.constant 0 : i32
    %dma_start3A_228 = tpu.memref_slice %arg3[%dma_start3A_226, %dma_start3A_227] : memref<50000x32xf32, #tpu.memory_space<hbm>> -> memref<50000x32xf32, #tpu.memory_space<hbm>>
    tpu.enqueue_indirect_dma source(%dma_start3A_228 : memref<50000x32xf32, #tpu.memory_space<hbm>>) target(%dma_start3A_222 : memref<128x32xf32, #tpu.memory_space<vmem>>) offsets(%dma_start3A_225 : memref<128xi32, #tpu.memory_space<vmem>>) semaphore(%arg34 : memref<!tpu.dma_semaphore, #tpu.memory_space<semaphore_mem>>)
    %dma_start3A_229 = arith.constant 0 : i32
    %dma_start3A_230 = arith.constant 0 : i32
    %dma_start3A_231 = arith.constant 0 : i32
    %dma_start3A_232 = tpu.memref_slice %arg21[%dma_start3A_230, %dma_start3A_231] : memref<256x32xf32, #tpu.memory_space<vmem>> -> memref<128x32xf32, #tpu.memory_space<vmem>>
    %dma_start3A_233 = arith.constant 0 : i32
    %dma_start3A_234 = tpu.memref_slice %arg13[%dma_start3A_229, %dma_start3A_233] : memref<2x128xi32, #tpu.memory_space<vmem>> -> memref<1x128xi32, #tpu.memory_space<vmem>>
    %dma_start3A_235 = tpu.memref_squeeze %dma_start3A_234 : memref<1x128xi32, #tpu.memory_space<vmem>> -> memref<128xi32, #tpu.memory_space<vmem>>
    %dma_start3A_236 = arith.constant 0 : i32
    %dma_start3A_237 = arith.constant 0 : i32
    %dma_start3A_238 = tpu.memref_slice %arg3[%dma_start3A_236, %dma_start3A_237] : memref<50000x32xf32, #tpu.memory_space<hbm>> -> memref<50000x32xf32, #tpu.memory_space<hbm>>
    tpu.enqueue_indirect_dma source(%dma_start3A_238 : memref<50000x32xf32, #tpu.memory_space<hbm>>) target(%dma_start3A_232 : memref<128x32xf32, #tpu.memory_space<vmem>>) offsets(%dma_start3A_235 : memref<128xi32, #tpu.memory_space<vmem>>) semaphore(%arg34 : memref<!tpu.dma_semaphore, #tpu.memory_space<semaphore_mem>>)
    %dma_start3A_239 = arith.constant 1 : i32
    %dma_start3A_240 = arith.constant 128 : i32
    %dma_start3A_241 = arith.constant 0 : i32
    %dma_start3A_242 = tpu.memref_slice %arg17[%dma_start3A_240, %dma_start3A_241] : memref<256x32xf32, #tpu.memory_space<vmem>> -> memref<128x32xf32, #tpu.memory_space<vmem>>
    %dma_start3A_243 = arith.constant 0 : i32
    %dma_start3A_244 = tpu.memref_slice %arg9[%dma_start3A_239, %dma_start3A_243] : memref<2x128xi32, #tpu.memory_space<vmem>> -> memref<1x128xi32, #tpu.memory_space<vmem>>
    %dma_start3A_245 = tpu.memref_squeeze %dma_start3A_244 : memref<1x128xi32, #tpu.memory_space<vmem>> -> memref<128xi32, #tpu.memory_space<vmem>>
    %dma_start3A_246 = arith.constant 0 : i32
    %dma_start3A_247 = arith.constant 0 : i32
    %dma_start3A_248 = tpu.memref_slice %arg3[%dma_start3A_246, %dma_start3A_247] : memref<50000x32xf32, #tpu.memory_space<hbm>> -> memref<50000x32xf32, #tpu.memory_space<hbm>>
    tpu.enqueue_indirect_dma source(%dma_start3A_248 : memref<50000x32xf32, #tpu.memory_space<hbm>>) target(%dma_start3A_242 : memref<128x32xf32, #tpu.memory_space<vmem>>) offsets(%dma_start3A_245 : memref<128xi32, #tpu.memory_space<vmem>>) semaphore(%arg34 : memref<!tpu.dma_semaphore, #tpu.memory_space<semaphore_mem>>)
    %dma_start3A_249 = arith.constant 1 : i32
    %dma_start3A_250 = arith.constant 128 : i32
    %dma_start3A_251 = arith.constant 0 : i32
    %dma_start3A_252 = tpu.memref_slice %arg21[%dma_start3A_250, %dma_start3A_251] : memref<256x32xf32, #tpu.memory_space<vmem>> -> memref<128x32xf32, #tpu.memory_space<vmem>>
    %dma_start3A_253 = arith.constant 0 : i32
    %dma_start3A_254 = tpu.memref_slice %arg13[%dma_start3A_249, %dma_start3A_253] : memref<2x128xi32, #tpu.memory_space<vmem>> -> memref<1x128xi32, #tpu.memory_space<vmem>>
    %dma_start3A_255 = tpu.memref_squeeze %dma_start3A_254 : memref<1x128xi32, #tpu.memory_space<vmem>> -> memref<128xi32, #tpu.memory_space<vmem>>
    %dma_start3A_256 = arith.constant 0 : i32
    %dma_start3A_257 = arith.constant 0 : i32
    %dma_start3A_258 = tpu.memref_slice %arg3[%dma_start3A_256, %dma_start3A_257] : memref<50000x32xf32, #tpu.memory_space<hbm>> -> memref<50000x32xf32, #tpu.memory_space<hbm>>
    tpu.enqueue_indirect_dma source(%dma_start3A_258 : memref<50000x32xf32, #tpu.memory_space<hbm>>) target(%dma_start3A_252 : memref<128x32xf32, #tpu.memory_space<vmem>>) offsets(%dma_start3A_255 : memref<128xi32, #tpu.memory_space<vmem>>) semaphore(%arg34 : memref<!tpu.dma_semaphore, #tpu.memory_space<semaphore_mem>>)
    %add3A_259 = arith.constant 96 : i32
    %add3A_260 = arith.addi %add3A, %add3A_259 : i32
    %dma_wait3A_261 = arith.constant 0 : i32
    %dma_wait3A_262 = arith.constant 0 : i32
    %dma_wait3A_263 = arith.constant 0 : i32
    %dma_wait3A_264 = tpu.memref_slice %arg2[%dma_wait3A_261, %add3A_260, %dma_wait3A_262, %dma_wait3A_263] : memref<2x6250x2x128xi32, #tpu.memory_space<hbm>> -> memref<1x1x2x128xi32, #tpu.memory_space<hbm>>
    %dma_wait3A_265 = tpu.memref_squeeze %dma_wait3A_264 : memref<1x1x2x128xi32, #tpu.memory_space<hbm>> -> memref<2x128xi32, #tpu.memory_space<hbm>>
    %dma_wait3A_266 = arith.constant 0 : i32
    %dma_wait3A_267 = arith.constant 0 : i32
    %dma_wait3A_268 = tpu.memref_slice %arg2[%dma_wait3A_261, %add3A_260, %dma_wait3A_266, %dma_wait3A_267] : memref<2x6250x2x128xi32, #tpu.memory_space<hbm>> -> memref<1x1x2x128xi32, #tpu.memory_space<hbm>>
    %dma_wait3A_269 = tpu.memref_squeeze %dma_wait3A_268 : memref<1x1x2x128xi32, #tpu.memory_space<hbm>> -> memref<2x128xi32, #tpu.memory_space<hbm>>
    tpu.wait_dma2 semaphore(%arg31 : memref<!tpu.dma_semaphore, #tpu.memory_space<semaphore_mem>>) src(%dma_wait3A_269 : memref<2x128xi32, #tpu.memory_space<hbm>>) dst(%arg10 : memref<2x128xi32, #tpu.memory_space<vmem>>)
    %dma_wait3A_270 = arith.constant 1 : i32
    %dma_wait3A_271 = arith.constant 0 : i32
    %dma_wait3A_272 = arith.constant 0 : i32
    %dma_wait3A_273 = tpu.memref_slice %arg2[%dma_wait3A_270, %add3A_260, %dma_wait3A_271, %dma_wait3A_272] : memref<2x6250x2x128xi32, #tpu.memory_space<hbm>> -> memref<1x1x2x128xi32, #tpu.memory_space<hbm>>
    %dma_wait3A_274 = tpu.memref_squeeze %dma_wait3A_273 : memref<1x1x2x128xi32, #tpu.memory_space<hbm>> -> memref<2x128xi32, #tpu.memory_space<hbm>>
    %dma_wait3A_275 = arith.constant 0 : i32
    %dma_wait3A_276 = arith.constant 0 : i32
    %dma_wait3A_277 = tpu.memref_slice %arg2[%dma_wait3A_270, %add3A_260, %dma_wait3A_275, %dma_wait3A_276] : memref<2x6250x2x128xi32, #tpu.memory_space<hbm>> -> memref<1x1x2x128xi32, #tpu.memory_space<hbm>>
    %dma_wait3A_278 = tpu.memref_squeeze %dma_wait3A_277 : memref<1x1x2x128xi32, #tpu.memory_space<hbm>> -> memref<2x128xi32, #tpu.memory_space<hbm>>
    tpu.wait_dma2 semaphore(%arg31 : memref<!tpu.dma_semaphore, #tpu.memory_space<semaphore_mem>>) src(%dma_wait3A_278 : memref<2x128xi32, #tpu.memory_space<hbm>>) dst(%arg14 : memref<2x128xi32, #tpu.memory_space<vmem>>)
    %dma_start3A_279 = arith.constant 0 : i32
    %dma_start3A_280 = arith.constant 0 : i32
    %dma_start3A_281 = arith.constant 0 : i32
    %dma_start3A_282 = tpu.memref_slice %arg18[%dma_start3A_280, %dma_start3A_281] : memref<256x32xf32, #tpu.memory_space<vmem>> -> memref<128x32xf32, #tpu.memory_space<vmem>>
    %dma_start3A_283 = arith.constant 0 : i32
    %dma_start3A_284 = tpu.memref_slice %arg10[%dma_start3A_279, %dma_start3A_283] : memref<2x128xi32, #tpu.memory_space<vmem>> -> memref<1x128xi32, #tpu.memory_space<vmem>>
    %dma_start3A_285 = tpu.memref_squeeze %dma_start3A_284 : memref<1x128xi32, #tpu.memory_space<vmem>> -> memref<128xi32, #tpu.memory_space<vmem>>
    %dma_start3A_286 = arith.constant 0 : i32
    %dma_start3A_287 = arith.constant 0 : i32
    %dma_start3A_288 = tpu.memref_slice %arg3[%dma_start3A_286, %dma_start3A_287] : memref<50000x32xf32, #tpu.memory_space<hbm>> -> memref<50000x32xf32, #tpu.memory_space<hbm>>
    tpu.enqueue_indirect_dma source(%dma_start3A_288 : memref<50000x32xf32, #tpu.memory_space<hbm>>) target(%dma_start3A_282 : memref<128x32xf32, #tpu.memory_space<vmem>>) offsets(%dma_start3A_285 : memref<128xi32, #tpu.memory_space<vmem>>) semaphore(%arg35 : memref<!tpu.dma_semaphore, #tpu.memory_space<semaphore_mem>>)
    %dma_start3A_289 = arith.constant 0 : i32
    %dma_start3A_290 = arith.constant 0 : i32
    %dma_start3A_291 = arith.constant 0 : i32
    %dma_start3A_292 = tpu.memref_slice %arg22[%dma_start3A_290, %dma_start3A_291] : memref<256x32xf32, #tpu.memory_space<vmem>> -> memref<128x32xf32, #tpu.memory_space<vmem>>
    %dma_start3A_293 = arith.constant 0 : i32
    %dma_start3A_294 = tpu.memref_slice %arg14[%dma_start3A_289, %dma_start3A_293] : memref<2x128xi32, #tpu.memory_space<vmem>> -> memref<1x128xi32, #tpu.memory_space<vmem>>
    %dma_start3A_295 = tpu.memref_squeeze %dma_start3A_294 : memref<1x128xi32, #tpu.memory_space<vmem>> -> memref<128xi32, #tpu.memory_space<vmem>>
    %dma_start3A_296 = arith.constant 0 : i32
    %dma_start3A_297 = arith.constant 0 : i32
    %dma_start3A_298 = tpu.memref_slice %arg3[%dma_start3A_296, %dma_start3A_297] : memref<50000x32xf32, #tpu.memory_space<hbm>> -> memref<50000x32xf32, #tpu.memory_space<hbm>>
    tpu.enqueue_indirect_dma source(%dma_start3A_298 : memref<50000x32xf32, #tpu.memory_space<hbm>>) target(%dma_start3A_292 : memref<128x32xf32, #tpu.memory_space<vmem>>) offsets(%dma_start3A_295 : memref<128xi32, #tpu.memory_space<vmem>>) semaphore(%arg35 : memref<!tpu.dma_semaphore, #tpu.memory_space<semaphore_mem>>)
    %dma_start3A_299 = arith.constant 1 : i32
    %dma_start3A_300 = arith.constant 128 : i32
    %dma_start3A_301 = arith.constant 0 : i32
    %dma_start3A_302 = tpu.memref_slice %arg18[%dma_start3A_300, %dma_start3A_301] : memref<256x32xf32, #tpu.memory_space<vmem>> -> memref<128x32xf32, #tpu.memory_space<vmem>>
    %dma_start3A_303 = arith.constant 0 : i32
    %dma_start3A_304 = tpu.memref_slice %arg10[%dma_start3A_299, %dma_start3A_303] : memref<2x128xi32, #tpu.memory_space<vmem>> -> memref<1x128xi32, #tpu.memory_space<vmem>>
    %dma_start3A_305 = tpu.memref_squeeze %dma_start3A_304 : memref<1x128xi32, #tpu.memory_space<vmem>> -> memref<128xi32, #tpu.memory_space<vmem>>
    %dma_start3A_306 = arith.constant 0 : i32
    %dma_start3A_307 = arith.constant 0 : i32
    %dma_start3A_308 = tpu.memref_slice %arg3[%dma_start3A_306, %dma_start3A_307] : memref<50000x32xf32, #tpu.memory_space<hbm>> -> memref<50000x32xf32, #tpu.memory_space<hbm>>
    tpu.enqueue_indirect_dma source(%dma_start3A_308 : memref<50000x32xf32, #tpu.memory_space<hbm>>) target(%dma_start3A_302 : memref<128x32xf32, #tpu.memory_space<vmem>>) offsets(%dma_start3A_305 : memref<128xi32, #tpu.memory_space<vmem>>) semaphore(%arg35 : memref<!tpu.dma_semaphore, #tpu.memory_space<semaphore_mem>>)
    %dma_start3A_309 = arith.constant 1 : i32
    %dma_start3A_310 = arith.constant 128 : i32
    %dma_start3A_311 = arith.constant 0 : i32
    %dma_start3A_312 = tpu.memref_slice %arg22[%dma_start3A_310, %dma_start3A_311] : memref<256x32xf32, #tpu.memory_space<vmem>> -> memref<128x32xf32, #tpu.memory_space<vmem>>
    %dma_start3A_313 = arith.constant 0 : i32
    %dma_start3A_314 = tpu.memref_slice %arg14[%dma_start3A_309, %dma_start3A_313] : memref<2x128xi32, #tpu.memory_space<vmem>> -> memref<1x128xi32, #tpu.memory_space<vmem>>
    %dma_start3A_315 = tpu.memref_squeeze %dma_start3A_314 : memref<1x128xi32, #tpu.memory_space<vmem>> -> memref<128xi32, #tpu.memory_space<vmem>>
    %dma_start3A_316 = arith.constant 0 : i32
    %dma_start3A_317 = arith.constant 0 : i32
    %dma_start3A_318 = tpu.memref_slice %arg3[%dma_start3A_316, %dma_start3A_317] : memref<50000x32xf32, #tpu.memory_space<hbm>> -> memref<50000x32xf32, #tpu.memory_space<hbm>>
    tpu.enqueue_indirect_dma source(%dma_start3A_318 : memref<50000x32xf32, #tpu.memory_space<hbm>>) target(%dma_start3A_312 : memref<128x32xf32, #tpu.memory_space<vmem>>) offsets(%dma_start3A_315 : memref<128xi32, #tpu.memory_space<vmem>>) semaphore(%arg35 : memref<!tpu.dma_semaphore, #tpu.memory_space<semaphore_mem>>)
    %scan3A = arith.constant 0 : i32
    %scan3A_319 = arith.constant 0 : i32
    %scan3A_320 = arith.constant 49 : i32
    %scan3A_321 = arith.addi %scan3A_319, %scan3A_320 : i32
    %scan3A_322 = arith.constant 1 : i32
    scf.for %scan3A_349 = %scan3A_319 to %scan3A_321 step %scan3A_322  : i32 {
      %mul3A_350 = arith.constant 4 : i32
      %mul3A_351 = arith.muli %mul3A_350, %scan3A_349 : i32
      %add3A_352 = arith.constant 0 : i32
      %add3A_353 = arith.addi %mul3A_351, %add3A_352 : i32
      %mul3A_354 = arith.constant 32 : i32
      %mul3A_355 = arith.muli %add3A_353, %mul3A_354 : i32
      %add3A_356 = arith.addi %add3A, %mul3A_355 : i32
      %add3A_357 = arith.constant 128 : i32
      %add3A_358 = arith.addi %add3A_356, %add3A_357 : i32
      %lt3A_359 = arith.constant 6250 : i32
      %lt3A_360 = arith.cmpi slt, %add3A_356, %lt3A_359 : i32
      %convert_element_type3A_361 = arith.extui %lt3A_360 : i1 to i32
      %cond3A_362 = arith.constant 0 : i32
      %cond3A_363 = arith.cmpi ne, %convert_element_type3A_361, %cond3A_362 : i32
      scf.if %cond3A_363 {
        %dma_wait3A_406 = arith.constant 0 : i32
        %dma_wait3A_407 = arith.constant 0 : i32
        %dma_wait3A_408 = arith.constant 0 : i32
        %dma_wait3A_409 = tpu.memref_slice %arg15[%dma_wait3A_407, %dma_wait3A_408] : memref<256x32xf32, #tpu.memory_space<vmem>> -> memref<128x32xf32, #tpu.memory_space<vmem>>
        %dma_wait3A_410 = arith.constant 0 : i32
        %dma_wait3A_411 = tpu.memref_slice %arg7[%dma_wait3A_406, %dma_wait3A_410] : memref<2x128xi32, #tpu.memory_space<vmem>> -> memref<1x128xi32, #tpu.memory_space<vmem>>
        %dma_wait3A_412 = tpu.memref_squeeze %dma_wait3A_411 : memref<1x128xi32, #tpu.memory_space<vmem>> -> memref<128xi32, #tpu.memory_space<vmem>>
        %dma_wait3A_413 = arith.constant 0 : i32
        %dma_wait3A_414 = arith.constant 0 : i32
        %dma_wait3A_415 = tpu.memref_slice %arg3[%dma_wait3A_413, %dma_wait3A_414] : memref<50000x32xf32, #tpu.memory_space<hbm>> -> memref<50000x32xf32, #tpu.memory_space<hbm>>
        tpu.wait_indirect_dma semaphore(%arg32 : memref<!tpu.dma_semaphore, #tpu.memory_space<semaphore_mem>>) src(%dma_wait3A_415 : memref<50000x32xf32, #tpu.memory_space<hbm>>) dst(%dma_wait3A_409 : memref<128x32xf32, #tpu.memory_space<vmem>>)
        %dma_wait3A_416 = arith.constant 0 : i32
        %dma_wait3A_417 = arith.constant 0 : i32
        %dma_wait3A_418 = arith.constant 0 : i32
        %dma_wait3A_419 = tpu.memref_slice %arg19[%dma_wait3A_417, %dma_wait3A_418] : memref<256x32xf32, #tpu.memory_space<vmem>> -> memref<128x32xf32, #tpu.memory_space<vmem>>
        %dma_wait3A_420 = arith.constant 0 : i32
        %dma_wait3A_421 = tpu.memref_slice %arg11[%dma_wait3A_416, %dma_wait3A_420] : memref<2x128xi32, #tpu.memory_space<vmem>> -> memref<1x128xi32, #tpu.memory_space<vmem>>
        %dma_wait3A_422 = tpu.memref_squeeze %dma_wait3A_421 : memref<1x128xi32, #tpu.memory_space<vmem>> -> memref<128xi32, #tpu.memory_space<vmem>>
        %dma_wait3A_423 = arith.constant 0 : i32
        %dma_wait3A_424 = arith.constant 0 : i32
        %dma_wait3A_425 = tpu.memref_slice %arg3[%dma_wait3A_423, %dma_wait3A_424] : memref<50000x32xf32, #tpu.memory_space<hbm>> -> memref<50000x32xf32, #tpu.memory_space<hbm>>
        tpu.wait_indirect_dma semaphore(%arg32 : memref<!tpu.dma_semaphore, #tpu.memory_space<semaphore_mem>>) src(%dma_wait3A_425 : memref<50000x32xf32, #tpu.memory_space<hbm>>) dst(%dma_wait3A_419 : memref<128x32xf32, #tpu.memory_space<vmem>>)
        %dma_wait3A_426 = arith.constant 1 : i32
        %dma_wait3A_427 = arith.constant 128 : i32
        %dma_wait3A_428 = arith.constant 0 : i32
        %dma_wait3A_429 = tpu.memref_slice %arg15[%dma_wait3A_427, %dma_wait3A_428] : memref<256x32xf32, #tpu.memory_space<vmem>> -> memref<128x32xf32, #tpu.memory_space<vmem>>
        %dma_wait3A_430 = arith.constant 0 : i32
        %dma_wait3A_431 = tpu.memref_slice %arg7[%dma_wait3A_426, %dma_wait3A_430] : memref<2x128xi32, #tpu.memory_space<vmem>> -> memref<1x128xi32, #tpu.memory_space<vmem>>
        %dma_wait3A_432 = tpu.memref_squeeze %dma_wait3A_431 : memref<1x128xi32, #tpu.memory_space<vmem>> -> memref<128xi32, #tpu.memory_space<vmem>>
        %dma_wait3A_433 = arith.constant 0 : i32
        %dma_wait3A_434 = arith.constant 0 : i32
        %dma_wait3A_435 = tpu.memref_slice %arg3[%dma_wait3A_433, %dma_wait3A_434] : memref<50000x32xf32, #tpu.memory_space<hbm>> -> memref<50000x32xf32, #tpu.memory_space<hbm>>
        tpu.wait_indirect_dma semaphore(%arg32 : memref<!tpu.dma_semaphore, #tpu.memory_space<semaphore_mem>>) src(%dma_wait3A_435 : memref<50000x32xf32, #tpu.memory_space<hbm>>) dst(%dma_wait3A_429 : memref<128x32xf32, #tpu.memory_space<vmem>>)
        %dma_wait3A_436 = arith.constant 1 : i32
        %dma_wait3A_437 = arith.constant 128 : i32
        %dma_wait3A_438 = arith.constant 0 : i32
        %dma_wait3A_439 = tpu.memref_slice %arg19[%dma_wait3A_437, %dma_wait3A_438] : memref<256x32xf32, #tpu.memory_space<vmem>> -> memref<128x32xf32, #tpu.memory_space<vmem>>
        %dma_wait3A_440 = arith.constant 0 : i32
        %dma_wait3A_441 = tpu.memref_slice %arg11[%dma_wait3A_436, %dma_wait3A_440] : memref<2x128xi32, #tpu.memory_space<vmem>> -> memref<1x128xi32, #tpu.memory_space<vmem>>
        %dma_wait3A_442 = tpu.memref_squeeze %dma_wait3A_441 : memref<1x128xi32, #tpu.memory_space<vmem>> -> memref<128xi32, #tpu.memory_space<vmem>>
        %dma_wait3A_443 = arith.constant 0 : i32
        %dma_wait3A_444 = arith.constant 0 : i32
        %dma_wait3A_445 = tpu.memref_slice %arg3[%dma_wait3A_443, %dma_wait3A_444] : memref<50000x32xf32, #tpu.memory_space<hbm>> -> memref<50000x32xf32, #tpu.memory_space<hbm>>
        tpu.wait_indirect_dma semaphore(%arg32 : memref<!tpu.dma_semaphore, #tpu.memory_space<semaphore_mem>>) src(%dma_wait3A_445 : memref<50000x32xf32, #tpu.memory_space<hbm>>) dst(%dma_wait3A_439 : memref<128x32xf32, #tpu.memory_space<vmem>>)
        %lt3A_446 = arith.constant 6250 : i32
        %lt3A_447 = arith.cmpi slt, %add3A_358, %lt3A_446 : i32
        %convert_element_type3A_448 = arith.extui %lt3A_447 : i1 to i32
        %cond3A_449 = arith.constant 0 : i32
        %cond3A_450 = arith.cmpi ne, %convert_element_type3A_448, %cond3A_449 : i32
        scf.if %cond3A_450 {
          %dma_start3A_478 = arith.constant 0 : i32
          %dma_start3A_479 = arith.constant 0 : i32
          %dma_start3A_480 = arith.constant 0 : i32
          %dma_start3A_481 = tpu.memref_slice %arg2[%dma_start3A_478, %add3A_358, %dma_start3A_479, %dma_start3A_480] : memref<2x6250x2x128xi32, #tpu.memory_space<hbm>> -> memref<1x1x2x128xi32, #tpu.memory_space<hbm>>
          %dma_start3A_482 = tpu.memref_squeeze %dma_start3A_481 : memref<1x1x2x128xi32, #tpu.memory_space<hbm>> -> memref<2x128xi32, #tpu.memory_space<hbm>>
          %dma_start3A_483 = arith.constant 0 : i32
          %dma_start3A_484 = arith.constant 0 : i32
          %dma_start3A_485 = tpu.memref_slice %arg2[%dma_start3A_478, %add3A_358, %dma_start3A_483, %dma_start3A_484] : memref<2x6250x2x128xi32, #tpu.memory_space<hbm>> -> memref<1x1x2x128xi32, #tpu.memory_space<hbm>>
          %dma_start3A_486 = tpu.memref_squeeze %dma_start3A_485 : memref<1x1x2x128xi32, #tpu.memory_space<hbm>> -> memref<2x128xi32, #tpu.memory_space<hbm>>
          tpu.enqueue_dma source(%dma_start3A_486 : memref<2x128xi32, #tpu.memory_space<hbm>>) target(%arg7 : memref<2x128xi32, #tpu.memory_space<vmem>>) target_semaphore(%arg28 : memref<!tpu.dma_semaphore, #tpu.memory_space<semaphore_mem>>)
          %dma_start3A_487 = arith.constant 1 : i32
          %dma_start3A_488 = arith.constant 0 : i32
          %dma_start3A_489 = arith.constant 0 : i32
          %dma_start3A_490 = tpu.memref_slice %arg2[%dma_start3A_487, %add3A_358, %dma_start3A_488, %dma_start3A_489] : memref<2x6250x2x128xi32, #tpu.memory_space<hbm>> -> memref<1x1x2x128xi32, #tpu.memory_space<hbm>>
          %dma_start3A_491 = tpu.memref_squeeze %dma_start3A_490 : memref<1x1x2x128xi32, #tpu.memory_space<hbm>> -> memref<2x128xi32, #tpu.memory_space<hbm>>
          %dma_start3A_492 = arith.constant 0 : i32
          %dma_start3A_493 = arith.constant 0 : i32
          %dma_start3A_494 = tpu.memref_slice %arg2[%dma_start3A_487, %add3A_358, %dma_start3A_492, %dma_start3A_493] : memref<2x6250x2x128xi32, #tpu.memory_space<hbm>> -> memref<1x1x2x128xi32, #tpu.memory_space<hbm>>
          %dma_start3A_495 = tpu.memref_squeeze %dma_start3A_494 : memref<1x1x2x128xi32, #tpu.memory_space<hbm>> -> memref<2x128xi32, #tpu.memory_space<hbm>>
          tpu.enqueue_dma source(%dma_start3A_495 : memref<2x128xi32, #tpu.memory_space<hbm>>) target(%arg11 : memref<2x128xi32, #tpu.memory_space<vmem>>) target_semaphore(%arg28 : memref<!tpu.dma_semaphore, #tpu.memory_space<semaphore_mem>>)
        } else {
        }
        %ge3A = arith.constant 1 : i32
        %ge3A_451 = arith.cmpi sge, %scan3A_349, %ge3A : i32
        %convert_element_type3A_452 = arith.extui %ge3A_451 : i1 to i32
        %cond3A_453 = arith.constant 0 : i32
        %cond3A_454 = arith.cmpi ne, %convert_element_type3A_452, %cond3A_453 : i32
        scf.if %cond3A_454 {
          %sub3A = arith.constant 128 : i32
          %sub3A_478 = arith.subi %add3A_356, %sub3A : i32
          %mul3A_479 = arith.constant 256 : i32
          %mul3A_480 = arith.muli %sub3A_478, %mul3A_479 : i32
          %dma_wait3A_481 = arith.constant 0 : i32
          %dma_wait3A_482 = tpu.memref_slice %arg5[%mul3A_480, %dma_wait3A_481] : memref<1600000x32xf32, #tpu.memory_space<hbm>> -> memref<256x32xf32, #tpu.memory_space<hbm>>
          %dma_wait3A_483 = arith.constant 0 : i32
          %dma_wait3A_484 = tpu.memref_slice %arg5[%mul3A_480, %dma_wait3A_483] : memref<1600000x32xf32, #tpu.memory_space<hbm>> -> memref<256x32xf32, #tpu.memory_space<hbm>>
          tpu.wait_dma2 semaphore(%arg36 : memref<!tpu.dma_semaphore, #tpu.memory_space<semaphore_mem>>) src(%arg23 : memref<256x32xf32, #tpu.memory_space<vmem>>) dst(%dma_wait3A_484 : memref<256x32xf32, #tpu.memory_space<hbm>>)
          %mul3A_485 = arith.constant 256 : i32
          %mul3A_486 = arith.muli %sub3A_478, %mul3A_485 : i32
          %dma_wait3A_487 = arith.constant 0 : i32
          %dma_wait3A_488 = tpu.memref_slice %arg6[%mul3A_486, %dma_wait3A_487] : memref<1600000x8xf32, #tpu.memory_space<hbm>> -> memref<256x8xf32, #tpu.memory_space<hbm>>
          %dma_wait3A_489 = arith.constant 0 : i32
          %dma_wait3A_490 = tpu.memref_slice %arg6[%mul3A_486, %dma_wait3A_489] : memref<1600000x8xf32, #tpu.memory_space<hbm>> -> memref<256x8xf32, #tpu.memory_space<hbm>>
          tpu.wait_dma2 semaphore(%arg40 : memref<!tpu.dma_semaphore, #tpu.memory_space<semaphore_mem>>) src(%arg27 : memref<256x8xf32, #tpu.memory_space<vmem>>) dst(%dma_wait3A_490 : memref<256x8xf32, #tpu.memory_space<hbm>>)
        } else {
        }
        %scan3A_455 = arith.constant 0 : i32
        %scan3A_456 = arith.constant 0 : i32
        %scan3A_457 = arith.constant 16 : i32
        %scan3A_458 = arith.addi %scan3A_456, %scan3A_457 : i32
        %scan3A_459 = arith.constant 1 : i32
        scf.for %scan3A_478 = %scan3A_456 to %scan3A_458 step %scan3A_459  : i32 {
          %mul3A_479 = arith.constant 16 : i32
          %mul3A_480 = arith.muli %scan3A_478, %mul3A_479 : i32
          %add3A_481 = vector.broadcast %mul3A_480 : i32 to vector<16xi32>
          %add3A_482 = arith.addi %add3A_481, %iota3A : vector<16xi32>
          %broadcast_in_dim3A = arith.constant 0 : i32
          %broadcast_in_dim3A_483 = vector.broadcast %broadcast_in_dim3A : i32 to vector<16xi32>
          %add3A_484 = arith.constant 1 : i32
          %add3A_485 = vector.broadcast %add3A_484 : i32 to vector<16xi32>
          %add3A_486 = arith.addi %broadcast_in_dim3A_483, %add3A_485 : vector<16xi32>
          %add3A_487 = arith.constant 2 : i32
          %add3A_488 = vector.broadcast %add3A_487 : i32 to vector<16xi32>
          %add3A_489 = arith.addi %broadcast_in_dim3A_483, %add3A_488 : vector<16xi32>
          %add3A_490 = arith.constant 3 : i32
          %add3A_491 = vector.broadcast %add3A_490 : i32 to vector<16xi32>
          %add3A_492 = arith.addi %broadcast_in_dim3A_483, %add3A_491 : vector<16xi32>
          %gather3A = tpu.vector_load_idx %arg15[%add3A_482, %broadcast_in_dim3A_483] : memref<256x32xf32, #tpu.memory_space<vmem>>[vector<16xi32>, vector<16xi32>], vector<16xf32>,
          %gather3A_493 = tpu.vector_load_idx %arg15[%add3A_482, %add3A_486] : memref<256x32xf32, #tpu.memory_space<vmem>>[vector<16xi32>, vector<16xi32>], vector<16xf32>,
          %gather3A_494 = tpu.vector_load_idx %arg15[%add3A_482, %add3A_489] : memref<256x32xf32, #tpu.memory_space<vmem>>[vector<16xi32>, vector<16xi32>], vector<16xf32>,
          %gather3A_495 = tpu.vector_load_idx %arg15[%add3A_482, %add3A_492] : memref<256x32xf32, #tpu.memory_space<vmem>>[vector<16xi32>, vector<16xi32>], vector<16xf32>,
          %gather3A_496 = tpu.vector_load_idx %arg19[%add3A_482, %broadcast_in_dim3A_483] : memref<256x32xf32, #tpu.memory_space<vmem>>[vector<16xi32>, vector<16xi32>], vector<16xf32>,
          %gather3A_497 = tpu.vector_load_idx %arg19[%add3A_482, %add3A_486] : memref<256x32xf32, #tpu.memory_space<vmem>>[vector<16xi32>, vector<16xi32>], vector<16xf32>,
          %gather3A_498 = tpu.vector_load_idx %arg19[%add3A_482, %add3A_489] : memref<256x32xf32, #tpu.memory_space<vmem>>[vector<16xi32>, vector<16xi32>], vector<16xf32>,
          %gather3A_499 = tpu.vector_load_idx %arg19[%add3A_482, %add3A_492] : memref<256x32xf32, #tpu.memory_space<vmem>>[vector<16xi32>, vector<16xi32>], vector<16xf32>,
          %mul3A_500 = arith.mulf %gather3A_496, %gather3A_496 : vector<16xf32>
          %mul3A_501 = arith.mulf %gather3A_497, %gather3A_497 : vector<16xf32>
          %add3A_502 = arith.addf %mul3A_500, %mul3A_501 : vector<16xf32>
          %mul3A_503 = arith.mulf %gather3A_498, %gather3A_498 : vector<16xf32>
          %add3A_504 = arith.addf %add3A_502, %mul3A_503 : vector<16xf32>
          %mul3A_505 = arith.mulf %gather3A_499, %gather3A_499 : vector<16xf32>
          %add3A_506 = arith.addf %add3A_504, %mul3A_505 : vector<16xf32>
          %div3A = arith.constant 1.000000e+00 : f32
          %div3A_507 = vector.broadcast %div3A : f32 to vector<16xf32>
          %div3A_508 = arith.divf %div3A_507, %add3A_506 : vector<16xf32>
          %mul3A_509 = arith.mulf %gather3A, %gather3A_496 : vector<16xf32>
          %mul3A_510 = arith.mulf %gather3A_493, %gather3A_497 : vector<16xf32>
          %add3A_511 = arith.addf %mul3A_509, %mul3A_510 : vector<16xf32>
          %mul3A_512 = arith.mulf %gather3A_494, %gather3A_498 : vector<16xf32>
          %add3A_513 = arith.addf %add3A_511, %mul3A_512 : vector<16xf32>
          %mul3A_514 = arith.mulf %gather3A_495, %gather3A_499 : vector<16xf32>
          %add3A_515 = arith.addf %add3A_513, %mul3A_514 : vector<16xf32>
          %mul3A_516 = arith.mulf %add3A_515, %div3A_508 : vector<16xf32>
          %mul3A_517 = arith.mulf %gather3A_493, %gather3A_496 : vector<16xf32>
          %mul3A_518 = arith.mulf %gather3A, %gather3A_497 : vector<16xf32>
          %sub3A = arith.subf %mul3A_517, %mul3A_518 : vector<16xf32>
          %mul3A_519 = arith.mulf %gather3A_494, %gather3A_499 : vector<16xf32>
          %sub3A_520 = arith.subf %sub3A, %mul3A_519 : vector<16xf32>
          %mul3A_521 = arith.mulf %gather3A_495, %gather3A_498 : vector<16xf32>
          %add3A_522 = arith.addf %sub3A_520, %mul3A_521 : vector<16xf32>
          %mul3A_523 = arith.mulf %add3A_522, %div3A_508 : vector<16xf32>
          %mul3A_524 = arith.mulf %gather3A_494, %gather3A_496 : vector<16xf32>
          %mul3A_525 = arith.mulf %gather3A, %gather3A_498 : vector<16xf32>
          %sub3A_526 = arith.subf %mul3A_524, %mul3A_525 : vector<16xf32>
          %mul3A_527 = arith.mulf %gather3A_493, %gather3A_499 : vector<16xf32>
          %add3A_528 = arith.addf %sub3A_526, %mul3A_527 : vector<16xf32>
          %mul3A_529 = arith.mulf %gather3A_495, %gather3A_497 : vector<16xf32>
          %sub3A_530 = arith.subf %add3A_528, %mul3A_529 : vector<16xf32>
          %mul3A_531 = arith.mulf %sub3A_530, %div3A_508 : vector<16xf32>
          %mul3A_532 = arith.mulf %gather3A_495, %gather3A_496 : vector<16xf32>
          %mul3A_533 = arith.mulf %gather3A, %gather3A_499 : vector<16xf32>
          %sub3A_534 = arith.subf %mul3A_532, %mul3A_533 : vector<16xf32>
          %mul3A_535 = arith.mulf %gather3A_493, %gather3A_498 : vector<16xf32>
          %sub3A_536 = arith.subf %sub3A_534, %mul3A_535 : vector<16xf32>
          %mul3A_537 = arith.mulf %gather3A_494, %gather3A_497 : vector<16xf32>
          %add3A_538 = arith.addf %sub3A_536, %mul3A_537 : vector<16xf32>
          %mul3A_539 = arith.mulf %add3A_538, %div3A_508 : vector<16xf32>
          tpu.vector_store_idx %arg23[%add3A_482, %broadcast_in_dim3A_483], %mul3A_516 : memref<256x32xf32, #tpu.memory_space<vmem>>[vector<16xi32>, vector<16xi32>], vector<16xf32>,
          tpu.vector_store_idx %arg23[%add3A_482, %add3A_486], %mul3A_523 : memref<256x32xf32, #tpu.memory_space<vmem>>[vector<16xi32>, vector<16xi32>], vector<16xf32>,
          tpu.vector_store_idx %arg23[%add3A_482, %add3A_489], %mul3A_531 : memref<256x32xf32, #tpu.memory_space<vmem>>[vector<16xi32>, vector<16xi32>], vector<16xf32>,
          tpu.vector_store_idx %arg23[%add3A_482, %add3A_492], %mul3A_539 : memref<256x32xf32, #tpu.memory_space<vmem>>[vector<16xi32>, vector<16xi32>], vector<16xf32>,
          %broadcast_in_dim3A_540 = arith.constant 4 : i32
          %broadcast_in_dim3A_541 = vector.broadcast %broadcast_in_dim3A_540 : i32 to vector<16xi32>
          %add3A_542 = arith.constant 1 : i32
          %add3A_543 = vector.broadcast %add3A_542 : i32 to vector<16xi32>
          %add3A_544 = arith.addi %broadcast_in_dim3A_541, %add3A_543 : vector<16xi32>
          %add3A_545 = arith.constant 2 : i32
          %add3A_546 = vector.broadcast %add3A_545 : i32 to vector<16xi32>
          %add3A_547 = arith.addi %broadcast_in_dim3A_541, %add3A_546 : vector<16xi32>
          %add3A_548 = arith.constant 3 : i32
          %add3A_549 = vector.broadcast %add3A_548 : i32 to vector<16xi32>
          %add3A_550 = arith.addi %broadcast_in_dim3A_541, %add3A_549 : vector<16xi32>
          %gather3A_551 = tpu.vector_load_idx %arg15[%add3A_482, %broadcast_in_dim3A_541] : memref<256x32xf32, #tpu.memory_space<vmem>>[vector<16xi32>, vector<16xi32>], vector<16xf32>,
          %gather3A_552 = tpu.vector_load_idx %arg15[%add3A_482, %add3A_544] : memref<256x32xf32, #tpu.memory_space<vmem>>[vector<16xi32>, vector<16xi32>], vector<16xf32>,
          %gather3A_553 = tpu.vector_load_idx %arg15[%add3A_482, %add3A_547] : memref<256x32xf32, #tpu.memory_space<vmem>>[vector<16xi32>, vector<16xi32>], vector<16xf32>,
          %gather3A_554 = tpu.vector_load_idx %arg15[%add3A_482, %add3A_550] : memref<256x32xf32, #tpu.memory_space<vmem>>[vector<16xi32>, vector<16xi32>], vector<16xf32>,
          %gather3A_555 = tpu.vector_load_idx %arg19[%add3A_482, %broadcast_in_dim3A_541] : memref<256x32xf32, #tpu.memory_space<vmem>>[vector<16xi32>, vector<16xi32>], vector<16xf32>,
          %gather3A_556 = tpu.vector_load_idx %arg19[%add3A_482, %add3A_544] : memref<256x32xf32, #tpu.memory_space<vmem>>[vector<16xi32>, vector<16xi32>], vector<16xf32>,
          %gather3A_557 = tpu.vector_load_idx %arg19[%add3A_482, %add3A_547] : memref<256x32xf32, #tpu.memory_space<vmem>>[vector<16xi32>, vector<16xi32>], vector<16xf32>,
          %gather3A_558 = tpu.vector_load_idx %arg19[%add3A_482, %add3A_550] : memref<256x32xf32, #tpu.memory_space<vmem>>[vector<16xi32>, vector<16xi32>], vector<16xf32>,
          %mul3A_559 = arith.mulf %gather3A_555, %gather3A_555 : vector<16xf32>
          %mul3A_560 = arith.mulf %gather3A_556, %gather3A_556 : vector<16xf32>
          %add3A_561 = arith.addf %mul3A_559, %mul3A_560 : vector<16xf32>
          %mul3A_562 = arith.mulf %gather3A_557, %gather3A_557 : vector<16xf32>
          %add3A_563 = arith.addf %add3A_561, %mul3A_562 : vector<16xf32>
          %mul3A_564 = arith.mulf %gather3A_558, %gather3A_558 : vector<16xf32>
          %add3A_565 = arith.addf %add3A_563, %mul3A_564 : vector<16xf32>
          %div3A_566 = arith.constant 1.000000e+00 : f32
          %div3A_567 = vector.broadcast %div3A_566 : f32 to vector<16xf32>
          %div3A_568 = arith.divf %div3A_567, %add3A_565 : vector<16xf32>
          %mul3A_569 = arith.mulf %gather3A_551, %gather3A_555 : vector<16xf32>
          %mul3A_570 = arith.mulf %gather3A_552, %gather3A_556 : vector<16xf32>
          %add3A_571 = arith.addf %mul3A_569, %mul3A_570 : vector<16xf32>
          %mul3A_572 = arith.mulf %gather3A_553, %gather3A_557 : vector<16xf32>
          %add3A_573 = arith.addf %add3A_571, %mul3A_572 : vector<16xf32>
          %mul3A_574 = arith.mulf %gather3A_554, %gather3A_558 : vector<16xf32>
          %add3A_575 = arith.addf %add3A_573, %mul3A_574 : vector<16xf32>
          %mul3A_576 = arith.mulf %add3A_575, %div3A_568 : vector<16xf32>
          %mul3A_577 = arith.mulf %gather3A_552, %gather3A_555 : vector<16xf32>
          %mul3A_578 = arith.mulf %gather3A_551, %gather3A_556 : vector<16xf32>
          %sub3A_579 = arith.subf %mul3A_577, %mul3A_578 : vector<16xf32>
          %mul3A_580 = arith.mulf %gather3A_553, %gather3A_558 : vector<16xf32>
          %sub3A_581 = arith.subf %sub3A_579, %mul3A_580 : vector<16xf32>
          %mul3A_582 = arith.mulf %gather3A_554, %gather3A_557 : vector<16xf32>
          %add3A_583 = arith.addf %sub3A_581, %mul3A_582 : vector<16xf32>
          %mul3A_584 = arith.mulf %add3A_583, %div3A_568 : vector<16xf32>
          %mul3A_585 = arith.mulf %gather3A_553, %gather3A_555 : vector<16xf32>
          %mul3A_586 = arith.mulf %gather3A_551, %gather3A_557 : vector<16xf32>
          %sub3A_587 = arith.subf %mul3A_585, %mul3A_586 : vector<16xf32>
          %mul3A_588 = arith.mulf %gather3A_552, %gather3A_558 : vector<16xf32>
          %add3A_589 = arith.addf %sub3A_587, %mul3A_588 : vector<16xf32>
          %mul3A_590 = arith.mulf %gather3A_554, %gather3A_556 : vector<16xf32>
          %sub3A_591 = arith.subf %add3A_589, %mul3A_590 : vector<16xf32>
          %mul3A_592 = arith.mulf %sub3A_591, %div3A_568 : vector<16xf32>
          %mul3A_593 = arith.mulf %gather3A_554, %gather3A_555 : vector<16xf32>
          %mul3A_594 = arith.mulf %gather3A_551, %gather3A_558 : vector<16xf32>
          %sub3A_595 = arith.subf %mul3A_593, %mul3A_594 : vector<16xf32>
          %mul3A_596 = arith.mulf %gather3A_552, %gather3A_557 : vector<16xf32>
          %sub3A_597 = arith.subf %sub3A_595, %mul3A_596 : vector<16xf32>
          %mul3A_598 = arith.mulf %gather3A_553, %gather3A_556 : vector<16xf32>
          %add3A_599 = arith.addf %sub3A_597, %mul3A_598 : vector<16xf32>
          %mul3A_600 = arith.mulf %add3A_599, %div3A_568 : vector<16xf32>
          tpu.vector_store_idx %arg23[%add3A_482, %broadcast_in_dim3A_541], %mul3A_576 : memref<256x32xf32, #tpu.memory_space<vmem>>[vector<16xi32>, vector<16xi32>], vector<16xf32>,
          tpu.vector_store_idx %arg23[%add3A_482, %add3A_544], %mul3A_584 : memref<256x32xf32, #tpu.memory_space<vmem>>[vector<16xi32>, vector<16xi32>], vector<16xf32>,
          tpu.vector_store_idx %arg23[%add3A_482, %add3A_547], %mul3A_592 : memref<256x32xf32, #tpu.memory_space<vmem>>[vector<16xi32>, vector<16xi32>], vector<16xf32>,
          tpu.vector_store_idx %arg23[%add3A_482, %add3A_550], %mul3A_600 : memref<256x32xf32, #tpu.memory_space<vmem>>[vector<16xi32>, vector<16xi32>], vector<16xf32>,
          %broadcast_in_dim3A_601 = arith.constant 8 : i32
          %broadcast_in_dim3A_602 = vector.broadcast %broadcast_in_dim3A_601 : i32 to vector<16xi32>
          %add3A_603 = arith.constant 1 : i32
          %add3A_604 = vector.broadcast %add3A_603 : i32 to vector<16xi32>
          %add3A_605 = arith.addi %broadcast_in_dim3A_602, %add3A_604 : vector<16xi32>
          %add3A_606 = arith.constant 2 : i32
          %add3A_607 = vector.broadcast %add3A_606 : i32 to vector<16xi32>
          %add3A_608 = arith.addi %broadcast_in_dim3A_602, %add3A_607 : vector<16xi32>
          %add3A_609 = arith.constant 3 : i32
          %add3A_610 = vector.broadcast %add3A_609 : i32 to vector<16xi32>
          %add3A_611 = arith.addi %broadcast_in_dim3A_602, %add3A_610 : vector<16xi32>
          %gather3A_612 = tpu.vector_load_idx %arg15[%add3A_482, %broadcast_in_dim3A_602] : memref<256x32xf32, #tpu.memory_space<vmem>>[vector<16xi32>, vector<16xi32>], vector<16xf32>,
          %gather3A_613 = tpu.vector_load_idx %arg15[%add3A_482, %add3A_605] : memref<256x32xf32, #tpu.memory_space<vmem>>[vector<16xi32>, vector<16xi32>], vector<16xf32>,
          %gather3A_614 = tpu.vector_load_idx %arg15[%add3A_482, %add3A_608] : memref<256x32xf32, #tpu.memory_space<vmem>>[vector<16xi32>, vector<16xi32>], vector<16xf32>,
          %gather3A_615 = tpu.vector_load_idx %arg15[%add3A_482, %add3A_611] : memref<256x32xf32, #tpu.memory_space<vmem>>[vector<16xi32>, vector<16xi32>], vector<16xf32>,
          %gather3A_616 = tpu.vector_load_idx %arg19[%add3A_482, %broadcast_in_dim3A_602] : memref<256x32xf32, #tpu.memory_space<vmem>>[vector<16xi32>, vector<16xi32>], vector<16xf32>,
          %gather3A_617 = tpu.vector_load_idx %arg19[%add3A_482, %add3A_605] : memref<256x32xf32, #tpu.memory_space<vmem>>[vector<16xi32>, vector<16xi32>], vector<16xf32>,
          %gather3A_618 = tpu.vector_load_idx %arg19[%add3A_482, %add3A_608] : memref<256x32xf32, #tpu.memory_space<vmem>>[vector<16xi32>, vector<16xi32>], vector<16xf32>,
          %gather3A_619 = tpu.vector_load_idx %arg19[%add3A_482, %add3A_611] : memref<256x32xf32, #tpu.memory_space<vmem>>[vector<16xi32>, vector<16xi32>], vector<16xf32>,
          %mul3A_620 = arith.mulf %gather3A_616, %gather3A_616 : vector<16xf32>
          %mul3A_621 = arith.mulf %gather3A_617, %gather3A_617 : vector<16xf32>
          %add3A_622 = arith.addf %mul3A_620, %mul3A_621 : vector<16xf32>
          %mul3A_623 = arith.mulf %gather3A_618, %gather3A_618 : vector<16xf32>
          %add3A_624 = arith.addf %add3A_622, %mul3A_623 : vector<16xf32>
          %mul3A_625 = arith.mulf %gather3A_619, %gather3A_619 : vector<16xf32>
          %add3A_626 = arith.addf %add3A_624, %mul3A_625 : vector<16xf32>
          %div3A_627 = arith.constant 1.000000e+00 : f32
          %div3A_628 = vector.broadcast %div3A_627 : f32 to vector<16xf32>
          %div3A_629 = arith.divf %div3A_628, %add3A_626 : vector<16xf32>
          %mul3A_630 = arith.mulf %gather3A_612, %gather3A_616 : vector<16xf32>
          %mul3A_631 = arith.mulf %gather3A_613, %gather3A_617 : vector<16xf32>
          %add3A_632 = arith.addf %mul3A_630, %mul3A_631 : vector<16xf32>
          %mul3A_633 = arith.mulf %gather3A_614, %gather3A_618 : vector<16xf32>
          %add3A_634 = arith.addf %add3A_632, %mul3A_633 : vector<16xf32>
          %mul3A_635 = arith.mulf %gather3A_615, %gather3A_619 : vector<16xf32>
          %add3A_636 = arith.addf %add3A_634, %mul3A_635 : vector<16xf32>
          %mul3A_637 = arith.mulf %add3A_636, %div3A_629 : vector<16xf32>
          %mul3A_638 = arith.mulf %gather3A_613, %gather3A_616 : vector<16xf32>
          %mul3A_639 = arith.mulf %gather3A_612, %gather3A_617 : vector<16xf32>
          %sub3A_640 = arith.subf %mul3A_638, %mul3A_639 : vector<16xf32>
          %mul3A_641 = arith.mulf %gather3A_614, %gather3A_619 : vector<16xf32>
          %sub3A_642 = arith.subf %sub3A_640, %mul3A_641 : vector<16xf32>
          %mul3A_643 = arith.mulf %gather3A_615, %gather3A_618 : vector<16xf32>
          %add3A_644 = arith.addf %sub3A_642, %mul3A_643 : vector<16xf32>
          %mul3A_645 = arith.mulf %add3A_644, %div3A_629 : vector<16xf32>
          %mul3A_646 = arith.mulf %gather3A_614, %gather3A_616 : vector<16xf32>
          %mul3A_647 = arith.mulf %gather3A_612, %gather3A_618 : vector<16xf32>
          %sub3A_648 = arith.subf %mul3A_646, %mul3A_647 : vector<16xf32>
          %mul3A_649 = arith.mulf %gather3A_613, %gather3A_619 : vector<16xf32>
          %add3A_650 = arith.addf %sub3A_648, %mul3A_649 : vector<16xf32>
          %mul3A_651 = arith.mulf %gather3A_615, %gather3A_617 : vector<16xf32>
          %sub3A_652 = arith.subf %add3A_650, %mul3A_651 : vector<16xf32>
          %mul3A_653 = arith.mulf %sub3A_652, %div3A_629 : vector<16xf32>
          %mul3A_654 = arith.mulf %gather3A_615, %gather3A_616 : vector<16xf32>
          %mul3A_655 = arith.mulf %gather3A_612, %gather3A_619 : vector<16xf32>
          %sub3A_656 = arith.subf %mul3A_654, %mul3A_655 : vector<16xf32>
          %mul3A_657 = arith.mulf %gather3A_613, %gather3A_618 : vector<16xf32>
          %sub3A_658 = arith.subf %sub3A_656, %mul3A_657 : vector<16xf32>
          %mul3A_659 = arith.mulf %gather3A_614, %gather3A_617 : vector<16xf32>
          %add3A_660 = arith.addf %sub3A_658, %mul3A_659 : vector<16xf32>
          %mul3A_661 = arith.mulf %add3A_660, %div3A_629 : vector<16xf32>
          tpu.vector_store_idx %arg23[%add3A_482, %broadcast_in_dim3A_602], %mul3A_637 : memref<256x32xf32, #tpu.memory_space<vmem>>[vector<16xi32>, vector<16xi32>], vector<16xf32>,
          tpu.vector_store_idx %arg23[%add3A_482, %add3A_605], %mul3A_645 : memref<256x32xf32, #tpu.memory_space<vmem>>[vector<16xi32>, vector<16xi32>], vector<16xf32>,
          tpu.vector_store_idx %arg23[%add3A_482, %add3A_608], %mul3A_653 : memref<256x32xf32, #tpu.memory_space<vmem>>[vector<16xi32>, vector<16xi32>], vector<16xf32>,
          tpu.vector_store_idx %arg23[%add3A_482, %add3A_611], %mul3A_661 : memref<256x32xf32, #tpu.memory_space<vmem>>[vector<16xi32>, vector<16xi32>], vector<16xf32>,
          %broadcast_in_dim3A_662 = arith.constant 12 : i32
          %broadcast_in_dim3A_663 = vector.broadcast %broadcast_in_dim3A_662 : i32 to vector<16xi32>
          %add3A_664 = arith.constant 1 : i32
          %add3A_665 = vector.broadcast %add3A_664 : i32 to vector<16xi32>
          %add3A_666 = arith.addi %broadcast_in_dim3A_663, %add3A_665 : vector<16xi32>
          %add3A_667 = arith.constant 2 : i32
          %add3A_668 = vector.broadcast %add3A_667 : i32 to vector<16xi32>
          %add3A_669 = arith.addi %broadcast_in_dim3A_663, %add3A_668 : vector<16xi32>
          %add3A_670 = arith.constant 3 : i32
          %add3A_671 = vector.broadcast %add3A_670 : i32 to vector<16xi32>
          %add3A_672 = arith.addi %broadcast_in_dim3A_663, %add3A_671 : vector<16xi32>
          %gather3A_673 = tpu.vector_load_idx %arg15[%add3A_482, %broadcast_in_dim3A_663] : memref<256x32xf32, #tpu.memory_space<vmem>>[vector<16xi32>, vector<16xi32>], vector<16xf32>,
          %gather3A_674 = tpu.vector_load_idx %arg15[%add3A_482, %add3A_666] : memref<256x32xf32, #tpu.memory_space<vmem>>[vector<16xi32>, vector<16xi32>], vector<16xf32>,
          %gather3A_675 = tpu.vector_load_idx %arg15[%add3A_482, %add3A_669] : memref<256x32xf32, #tpu.memory_space<vmem>>[vector<16xi32>, vector<16xi32>], vector<16xf32>,
          %gather3A_676 = tpu.vector_load_idx %arg15[%add3A_482, %add3A_672] : memref<256x32xf32, #tpu.memory_space<vmem>>[vector<16xi32>, vector<16xi32>], vector<16xf32>,
          %gather3A_677 = tpu.vector_load_idx %arg19[%add3A_482, %broadcast_in_dim3A_663] : memref<256x32xf32, #tpu.memory_space<vmem>>[vector<16xi32>, vector<16xi32>], vector<16xf32>,
          %gather3A_678 = tpu.vector_load_idx %arg19[%add3A_482, %add3A_666] : memref<256x32xf32, #tpu.memory_space<vmem>>[vector<16xi32>, vector<16xi32>], vector<16xf32>,
          %gather3A_679 = tpu.vector_load_idx %arg19[%add3A_482, %add3A_669] : memref<256x32xf32, #tpu.memory_space<vmem>>[vector<16xi32>, vector<16xi32>], vector<16xf32>,
          %gather3A_680 = tpu.vector_load_idx %arg19[%add3A_482, %add3A_672] : memref<256x32xf32, #tpu.memory_space<vmem>>[vector<16xi32>, vector<16xi32>], vector<16xf32>,
          %mul3A_681 = arith.mulf %gather3A_677, %gather3A_677 : vector<16xf32>
          %mul3A_682 = arith.mulf %gather3A_678, %gather3A_678 : vector<16xf32>
          %add3A_683 = arith.addf %mul3A_681, %mul3A_682 : vector<16xf32>
          %mul3A_684 = arith.mulf %gather3A_679, %gather3A_679 : vector<16xf32>
          %add3A_685 = arith.addf %add3A_683, %mul3A_684 : vector<16xf32>
          %mul3A_686 = arith.mulf %gather3A_680, %gather3A_680 : vector<16xf32>
          %add3A_687 = arith.addf %add3A_685, %mul3A_686 : vector<16xf32>
          %div3A_688 = arith.constant 1.000000e+00 : f32
          %div3A_689 = vector.broadcast %div3A_688 : f32 to vector<16xf32>
          %div3A_690 = arith.divf %div3A_689, %add3A_687 : vector<16xf32>
          %mul3A_691 = arith.mulf %gather3A_673, %gather3A_677 : vector<16xf32>
          %mul3A_692 = arith.mulf %gather3A_674, %gather3A_678 : vector<16xf32>
          %add3A_693 = arith.addf %mul3A_691, %mul3A_692 : vector<16xf32>
          %mul3A_694 = arith.mulf %gather3A_675, %gather3A_679 : vector<16xf32>
          %add3A_695 = arith.addf %add3A_693, %mul3A_694 : vector<16xf32>
          %mul3A_696 = arith.mulf %gather3A_676, %gather3A_680 : vector<16xf32>
          %add3A_697 = arith.addf %add3A_695, %mul3A_696 : vector<16xf32>
          %mul3A_698 = arith.mulf %add3A_697, %div3A_690 : vector<16xf32>
          %mul3A_699 = arith.mulf %gather3A_674, %gather3A_677 : vector<16xf32>
          %mul3A_700 = arith.mulf %gather3A_673, %gather3A_678 : vector<16xf32>
          %sub3A_701 = arith.subf %mul3A_699, %mul3A_700 : vector<16xf32>
          %mul3A_702 = arith.mulf %gather3A_675, %gather3A_680 : vector<16xf32>
          %sub3A_703 = arith.subf %sub3A_701, %mul3A_702 : vector<16xf32>
          %mul3A_704 = arith.mulf %gather3A_676, %gather3A_679 : vector<16xf32>
          %add3A_705 = arith.addf %sub3A_703, %mul3A_704 : vector<16xf32>
          %mul3A_706 = arith.mulf %add3A_705, %div3A_690 : vector<16xf32>
          %mul3A_707 = arith.mulf %gather3A_675, %gather3A_677 : vector<16xf32>
          %mul3A_708 = arith.mulf %gather3A_673, %gather3A_679 : vector<16xf32>
          %sub3A_709 = arith.subf %mul3A_707, %mul3A_708 : vector<16xf32>
          %mul3A_710 = arith.mulf %gather3A_674, %gather3A_680 : vector<16xf32>
          %add3A_711 = arith.addf %sub3A_709, %mul3A_710 : vector<16xf32>
          %mul3A_712 = arith.mulf %gather3A_676, %gather3A_678 : vector<16xf32>
          %sub3A_713 = arith.subf %add3A_711, %mul3A_712 : vector<16xf32>
          %mul3A_714 = arith.mulf %sub3A_713, %div3A_690 : vector<16xf32>
          %mul3A_715 = arith.mulf %gather3A_676, %gather3A_677 : vector<16xf32>
          %mul3A_716 = arith.mulf %gather3A_673, %gather3A_680 : vector<16xf32>
          %sub3A_717 = arith.subf %mul3A_715, %mul3A_716 : vector<16xf32>
          %mul3A_718 = arith.mulf %gather3A_674, %gather3A_679 : vector<16xf32>
          %sub3A_719 = arith.subf %sub3A_717, %mul3A_718 : vector<16xf32>
          %mul3A_720 = arith.mulf %gather3A_675, %gather3A_678 : vector<16xf32>
          %add3A_721 = arith.addf %sub3A_719, %mul3A_720 : vector<16xf32>
          %mul3A_722 = arith.mulf %add3A_721, %div3A_690 : vector<16xf32>
          tpu.vector_store_idx %arg23[%add3A_482, %broadcast_in_dim3A_663], %mul3A_698 : memref<256x32xf32, #tpu.memory_space<vmem>>[vector<16xi32>, vector<16xi32>], vector<16xf32>,
          tpu.vector_store_idx %arg23[%add3A_482, %add3A_666], %mul3A_706 : memref<256x32xf32, #tpu.memory_space<vmem>>[vector<16xi32>, vector<16xi32>], vector<16xf32>,
          tpu.vector_store_idx %arg23[%add3A_482, %add3A_669], %mul3A_714 : memref<256x32xf32, #tpu.memory_space<vmem>>[vector<16xi32>, vector<16xi32>], vector<16xf32>,
          tpu.vector_store_idx %arg23[%add3A_482, %add3A_672], %mul3A_722 : memref<256x32xf32, #tpu.memory_space<vmem>>[vector<16xi32>, vector<16xi32>], vector<16xf32>,
          %broadcast_in_dim3A_723 = arith.constant 16 : i32
          %broadcast_in_dim3A_724 = vector.broadcast %broadcast_in_dim3A_723 : i32 to vector<16xi32>
          %add3A_725 = arith.constant 1 : i32
          %add3A_726 = vector.broadcast %add3A_725 : i32 to vector<16xi32>
          %add3A_727 = arith.addi %broadcast_in_dim3A_724, %add3A_726 : vector<16xi32>
          %add3A_728 = arith.constant 2 : i32
          %add3A_729 = vector.broadcast %add3A_728 : i32 to vector<16xi32>
          %add3A_730 = arith.addi %broadcast_in_dim3A_724, %add3A_729 : vector<16xi32>
          %add3A_731 = arith.constant 3 : i32
          %add3A_732 = vector.broadcast %add3A_731 : i32 to vector<16xi32>
          %add3A_733 = arith.addi %broadcast_in_dim3A_724, %add3A_732 : vector<16xi32>
          %gather3A_734 = tpu.vector_load_idx %arg15[%add3A_482, %broadcast_in_dim3A_724] : memref<256x32xf32, #tpu.memory_space<vmem>>[vector<16xi32>, vector<16xi32>], vector<16xf32>,
          %gather3A_735 = tpu.vector_load_idx %arg15[%add3A_482, %add3A_727] : memref<256x32xf32, #tpu.memory_space<vmem>>[vector<16xi32>, vector<16xi32>], vector<16xf32>,
          %gather3A_736 = tpu.vector_load_idx %arg15[%add3A_482, %add3A_730] : memref<256x32xf32, #tpu.memory_space<vmem>>[vector<16xi32>, vector<16xi32>], vector<16xf32>,
          %gather3A_737 = tpu.vector_load_idx %arg15[%add3A_482, %add3A_733] : memref<256x32xf32, #tpu.memory_space<vmem>>[vector<16xi32>, vector<16xi32>], vector<16xf32>,
          %gather3A_738 = tpu.vector_load_idx %arg19[%add3A_482, %broadcast_in_dim3A_724] : memref<256x32xf32, #tpu.memory_space<vmem>>[vector<16xi32>, vector<16xi32>], vector<16xf32>,
          %gather3A_739 = tpu.vector_load_idx %arg19[%add3A_482, %add3A_727] : memref<256x32xf32, #tpu.memory_space<vmem>>[vector<16xi32>, vector<16xi32>], vector<16xf32>,
          %gather3A_740 = tpu.vector_load_idx %arg19[%add3A_482, %add3A_730] : memref<256x32xf32, #tpu.memory_space<vmem>>[vector<16xi32>, vector<16xi32>], vector<16xf32>,
          %gather3A_741 = tpu.vector_load_idx %arg19[%add3A_482, %add3A_733] : memref<256x32xf32, #tpu.memory_space<vmem>>[vector<16xi32>, vector<16xi32>], vector<16xf32>,
          %mul3A_742 = arith.mulf %gather3A_738, %gather3A_738 : vector<16xf32>
          %mul3A_743 = arith.mulf %gather3A_739, %gather3A_739 : vector<16xf32>
          %add3A_744 = arith.addf %mul3A_742, %mul3A_743 : vector<16xf32>
          %mul3A_745 = arith.mulf %gather3A_740, %gather3A_740 : vector<16xf32>
          %add3A_746 = arith.addf %add3A_744, %mul3A_745 : vector<16xf32>
          %mul3A_747 = arith.mulf %gather3A_741, %gather3A_741 : vector<16xf32>
          %add3A_748 = arith.addf %add3A_746, %mul3A_747 : vector<16xf32>
          %div3A_749 = arith.constant 1.000000e+00 : f32
          %div3A_750 = vector.broadcast %div3A_749 : f32 to vector<16xf32>
          %div3A_751 = arith.divf %div3A_750, %add3A_748 : vector<16xf32>
          %mul3A_752 = arith.mulf %gather3A_734, %gather3A_738 : vector<16xf32>
          %mul3A_753 = arith.mulf %gather3A_735, %gather3A_739 : vector<16xf32>
          %add3A_754 = arith.addf %mul3A_752, %mul3A_753 : vector<16xf32>
          %mul3A_755 = arith.mulf %gather3A_736, %gather3A_740 : vector<16xf32>
          %add3A_756 = arith.addf %add3A_754, %mul3A_755 : vector<16xf32>
          %mul3A_757 = arith.mulf %gather3A_737, %gather3A_741 : vector<16xf32>
          %add3A_758 = arith.addf %add3A_756, %mul3A_757 : vector<16xf32>
          %mul3A_759 = arith.mulf %add3A_758, %div3A_751 : vector<16xf32>
          %mul3A_760 = arith.mulf %gather3A_735, %gather3A_738 : vector<16xf32>
          %mul3A_761 = arith.mulf %gather3A_734, %gather3A_739 : vector<16xf32>
          %sub3A_762 = arith.subf %mul3A_760, %mul3A_761 : vector<16xf32>
          %mul3A_763 = arith.mulf %gather3A_736, %gather3A_741 : vector<16xf32>
          %sub3A_764 = arith.subf %sub3A_762, %mul3A_763 : vector<16xf32>
          %mul3A_765 = arith.mulf %gather3A_737, %gather3A_740 : vector<16xf32>
          %add3A_766 = arith.addf %sub3A_764, %mul3A_765 : vector<16xf32>
          %mul3A_767 = arith.mulf %add3A_766, %div3A_751 : vector<16xf32>
          %mul3A_768 = arith.mulf %gather3A_736, %gather3A_738 : vector<16xf32>
          %mul3A_769 = arith.mulf %gather3A_734, %gather3A_740 : vector<16xf32>
          %sub3A_770 = arith.subf %mul3A_768, %mul3A_769 : vector<16xf32>
          %mul3A_771 = arith.mulf %gather3A_735, %gather3A_741 : vector<16xf32>
          %add3A_772 = arith.addf %sub3A_770, %mul3A_771 : vector<16xf32>
          %mul3A_773 = arith.mulf %gather3A_737, %gather3A_739 : vector<16xf32>
          %sub3A_774 = arith.subf %add3A_772, %mul3A_773 : vector<16xf32>
          %mul3A_775 = arith.mulf %sub3A_774, %div3A_751 : vector<16xf32>
          %mul3A_776 = arith.mulf %gather3A_737, %gather3A_738 : vector<16xf32>
          %mul3A_777 = arith.mulf %gather3A_734, %gather3A_741 : vector<16xf32>
          %sub3A_778 = arith.subf %mul3A_776, %mul3A_777 : vector<16xf32>
          %mul3A_779 = arith.mulf %gather3A_735, %gather3A_740 : vector<16xf32>
          %sub3A_780 = arith.subf %sub3A_778, %mul3A_779 : vector<16xf32>
          %mul3A_781 = arith.mulf %gather3A_736, %gather3A_739 : vector<16xf32>
          %add3A_782 = arith.addf %sub3A_780, %mul3A_781 : vector<16xf32>
          %mul3A_783 = arith.mulf %add3A_782, %div3A_751 : vector<16xf32>
          tpu.vector_store_idx %arg23[%add3A_482, %broadcast_in_dim3A_724], %mul3A_759 : memref<256x32xf32, #tpu.memory_space<vmem>>[vector<16xi32>, vector<16xi32>], vector<16xf32>,
          tpu.vector_store_idx %arg23[%add3A_482, %add3A_727], %mul3A_767 : memref<256x32xf32, #tpu.memory_space<vmem>>[vector<16xi32>, vector<16xi32>], vector<16xf32>,
          tpu.vector_store_idx %arg23[%add3A_482, %add3A_730], %mul3A_775 : memref<256x32xf32, #tpu.memory_space<vmem>>[vector<16xi32>, vector<16xi32>], vector<16xf32>,
          tpu.vector_store_idx %arg23[%add3A_482, %add3A_733], %mul3A_783 : memref<256x32xf32, #tpu.memory_space<vmem>>[vector<16xi32>, vector<16xi32>], vector<16xf32>,
          %broadcast_in_dim3A_784 = arith.constant 20 : i32
          %broadcast_in_dim3A_785 = vector.broadcast %broadcast_in_dim3A_784 : i32 to vector<16xi32>
          %add3A_786 = arith.constant 1 : i32
          %add3A_787 = vector.broadcast %add3A_786 : i32 to vector<16xi32>
          %add3A_788 = arith.addi %broadcast_in_dim3A_785, %add3A_787 : vector<16xi32>
          %add3A_789 = arith.constant 2 : i32
          %add3A_790 = vector.broadcast %add3A_789 : i32 to vector<16xi32>
          %add3A_791 = arith.addi %broadcast_in_dim3A_785, %add3A_790 : vector<16xi32>
          %add3A_792 = arith.constant 3 : i32
          %add3A_793 = vector.broadcast %add3A_792 : i32 to vector<16xi32>
          %add3A_794 = arith.addi %broadcast_in_dim3A_785, %add3A_793 : vector<16xi32>
          %gather3A_795 = tpu.vector_load_idx %arg15[%add3A_482, %broadcast_in_dim3A_785] : memref<256x32xf32, #tpu.memory_space<vmem>>[vector<16xi32>, vector<16xi32>], vector<16xf32>,
          %gather3A_796 = tpu.vector_load_idx %arg15[%add3A_482, %add3A_788] : memref<256x32xf32, #tpu.memory_space<vmem>>[vector<16xi32>, vector<16xi32>], vector<16xf32>,
          %gather3A_797 = tpu.vector_load_idx %arg15[%add3A_482, %add3A_791] : memref<256x32xf32, #tpu.memory_space<vmem>>[vector<16xi32>, vector<16xi32>], vector<16xf32>,
          %gather3A_798 = tpu.vector_load_idx %arg15[%add3A_482, %add3A_794] : memref<256x32xf32, #tpu.memory_space<vmem>>[vector<16xi32>, vector<16xi32>], vector<16xf32>,
          %gather3A_799 = tpu.vector_load_idx %arg19[%add3A_482, %broadcast_in_dim3A_785] : memref<256x32xf32, #tpu.memory_space<vmem>>[vector<16xi32>, vector<16xi32>], vector<16xf32>,
          %gather3A_800 = tpu.vector_load_idx %arg19[%add3A_482, %add3A_788] : memref<256x32xf32, #tpu.memory_space<vmem>>[vector<16xi32>, vector<16xi32>], vector<16xf32>,
          %gather3A_801 = tpu.vector_load_idx %arg19[%add3A_482, %add3A_791] : memref<256x32xf32, #tpu.memory_space<vmem>>[vector<16xi32>, vector<16xi32>], vector<16xf32>,
          %gather3A_802 = tpu.vector_load_idx %arg19[%add3A_482, %add3A_794] : memref<256x32xf32, #tpu.memory_space<vmem>>[vector<16xi32>, vector<16xi32>], vector<16xf32>,
          %mul3A_803 = arith.mulf %gather3A_799, %gather3A_799 : vector<16xf32>
          %mul3A_804 = arith.mulf %gather3A_800, %gather3A_800 : vector<16xf32>
          %add3A_805 = arith.addf %mul3A_803, %mul3A_804 : vector<16xf32>
          %mul3A_806 = arith.mulf %gather3A_801, %gather3A_801 : vector<16xf32>
          %add3A_807 = arith.addf %add3A_805, %mul3A_806 : vector<16xf32>
          %mul3A_808 = arith.mulf %gather3A_802, %gather3A_802 : vector<16xf32>
          %add3A_809 = arith.addf %add3A_807, %mul3A_808 : vector<16xf32>
          %div3A_810 = arith.constant 1.000000e+00 : f32
          %div3A_811 = vector.broadcast %div3A_810 : f32 to vector<16xf32>
          %div3A_812 = arith.divf %div3A_811, %add3A_809 : vector<16xf32>
          %mul3A_813 = arith.mulf %gather3A_795, %gather3A_799 : vector<16xf32>
          %mul3A_814 = arith.mulf %gather3A_796, %gather3A_800 : vector<16xf32>
          %add3A_815 = arith.addf %mul3A_813, %mul3A_814 : vector<16xf32>
          %mul3A_816 = arith.mulf %gather3A_797, %gather3A_801 : vector<16xf32>
          %add3A_817 = arith.addf %add3A_815, %mul3A_816 : vector<16xf32>
          %mul3A_818 = arith.mulf %gather3A_798, %gather3A_802 : vector<16xf32>
          %add3A_819 = arith.addf %add3A_817, %mul3A_818 : vector<16xf32>
          %mul3A_820 = arith.mulf %add3A_819, %div3A_812 : vector<16xf32>
          %mul3A_821 = arith.mulf %gather3A_796, %gather3A_799 : vector<16xf32>
          %mul3A_822 = arith.mulf %gather3A_795, %gather3A_800 : vector<16xf32>
          %sub3A_823 = arith.subf %mul3A_821, %mul3A_822 : vector<16xf32>
          %mul3A_824 = arith.mulf %gather3A_797, %gather3A_802 : vector<16xf32>
          %sub3A_825 = arith.subf %sub3A_823, %mul3A_824 : vector<16xf32>
          %mul3A_826 = arith.mulf %gather3A_798, %gather3A_801 : vector<16xf32>
          %add3A_827 = arith.addf %sub3A_825, %mul3A_826 : vector<16xf32>
          %mul3A_828 = arith.mulf %add3A_827, %div3A_812 : vector<16xf32>
          %mul3A_829 = arith.mulf %gather3A_797, %gather3A_799 : vector<16xf32>
          %mul3A_830 = arith.mulf %gather3A_795, %gather3A_801 : vector<16xf32>
          %sub3A_831 = arith.subf %mul3A_829, %mul3A_830 : vector<16xf32>
          %mul3A_832 = arith.mulf %gather3A_796, %gather3A_802 : vector<16xf32>
          %add3A_833 = arith.addf %sub3A_831, %mul3A_832 : vector<16xf32>
          %mul3A_834 = arith.mulf %gather3A_798, %gather3A_800 : vector<16xf32>
          %sub3A_835 = arith.subf %add3A_833, %mul3A_834 : vector<16xf32>
          %mul3A_836 = arith.mulf %sub3A_835, %div3A_812 : vector<16xf32>
          %mul3A_837 = arith.mulf %gather3A_798, %gather3A_799 : vector<16xf32>
          %mul3A_838 = arith.mulf %gather3A_795, %gather3A_802 : vector<16xf32>
          %sub3A_839 = arith.subf %mul3A_837, %mul3A_838 : vector<16xf32>
          %mul3A_840 = arith.mulf %gather3A_796, %gather3A_801 : vector<16xf32>
          %sub3A_841 = arith.subf %sub3A_839, %mul3A_840 : vector<16xf32>
          %mul3A_842 = arith.mulf %gather3A_797, %gather3A_800 : vector<16xf32>
          %add3A_843 = arith.addf %sub3A_841, %mul3A_842 : vector<16xf32>
          %mul3A_844 = arith.mulf %add3A_843, %div3A_812 : vector<16xf32>
          tpu.vector_store_idx %arg23[%add3A_482, %broadcast_in_dim3A_785], %mul3A_820 : memref<256x32xf32, #tpu.memory_space<vmem>>[vector<16xi32>, vector<16xi32>], vector<16xf32>,
          tpu.vector_store_idx %arg23[%add3A_482, %add3A_788], %mul3A_828 : memref<256x32xf32, #tpu.memory_space<vmem>>[vector<16xi32>, vector<16xi32>], vector<16xf32>,
          tpu.vector_store_idx %arg23[%add3A_482, %add3A_791], %mul3A_836 : memref<256x32xf32, #tpu.memory_space<vmem>>[vector<16xi32>, vector<16xi32>], vector<16xf32>,
          tpu.vector_store_idx %arg23[%add3A_482, %add3A_794], %mul3A_844 : memref<256x32xf32, #tpu.memory_space<vmem>>[vector<16xi32>, vector<16xi32>], vector<16xf32>,
          %broadcast_in_dim3A_845 = arith.constant 24 : i32
          %broadcast_in_dim3A_846 = vector.broadcast %broadcast_in_dim3A_845 : i32 to vector<16xi32>
          %add3A_847 = arith.constant 1 : i32
          %add3A_848 = vector.broadcast %add3A_847 : i32 to vector<16xi32>
          %add3A_849 = arith.addi %broadcast_in_dim3A_846, %add3A_848 : vector<16xi32>
          %add3A_850 = arith.constant 2 : i32
          %add3A_851 = vector.broadcast %add3A_850 : i32 to vector<16xi32>
          %add3A_852 = arith.addi %broadcast_in_dim3A_846, %add3A_851 : vector<16xi32>
          %add3A_853 = arith.constant 3 : i32
          %add3A_854 = vector.broadcast %add3A_853 : i32 to vector<16xi32>
          %add3A_855 = arith.addi %broadcast_in_dim3A_846, %add3A_854 : vector<16xi32>
          %gather3A_856 = tpu.vector_load_idx %arg15[%add3A_482, %broadcast_in_dim3A_846] : memref<256x32xf32, #tpu.memory_space<vmem>>[vector<16xi32>, vector<16xi32>], vector<16xf32>,
          %gather3A_857 = tpu.vector_load_idx %arg15[%add3A_482, %add3A_849] : memref<256x32xf32, #tpu.memory_space<vmem>>[vector<16xi32>, vector<16xi32>], vector<16xf32>,
          %gather3A_858 = tpu.vector_load_idx %arg15[%add3A_482, %add3A_852] : memref<256x32xf32, #tpu.memory_space<vmem>>[vector<16xi32>, vector<16xi32>], vector<16xf32>,
          %gather3A_859 = tpu.vector_load_idx %arg15[%add3A_482, %add3A_855] : memref<256x32xf32, #tpu.memory_space<vmem>>[vector<16xi32>, vector<16xi32>], vector<16xf32>,
          %gather3A_860 = tpu.vector_load_idx %arg19[%add3A_482, %broadcast_in_dim3A_846] : memref<256x32xf32, #tpu.memory_space<vmem>>[vector<16xi32>, vector<16xi32>], vector<16xf32>,
          %gather3A_861 = tpu.vector_load_idx %arg19[%add3A_482, %add3A_849] : memref<256x32xf32, #tpu.memory_space<vmem>>[vector<16xi32>, vector<16xi32>], vector<16xf32>,
          %gather3A_862 = tpu.vector_load_idx %arg19[%add3A_482, %add3A_852] : memref<256x32xf32, #tpu.memory_space<vmem>>[vector<16xi32>, vector<16xi32>], vector<16xf32>,
          %gather3A_863 = tpu.vector_load_idx %arg19[%add3A_482, %add3A_855] : memref<256x32xf32, #tpu.memory_space<vmem>>[vector<16xi32>, vector<16xi32>], vector<16xf32>,
          %mul3A_864 = arith.mulf %gather3A_860, %gather3A_860 : vector<16xf32>
          %mul3A_865 = arith.mulf %gather3A_861, %gather3A_861 : vector<16xf32>
          %add3A_866 = arith.addf %mul3A_864, %mul3A_865 : vector<16xf32>
          %mul3A_867 = arith.mulf %gather3A_862, %gather3A_862 : vector<16xf32>
          %add3A_868 = arith.addf %add3A_866, %mul3A_867 : vector<16xf32>
          %mul3A_869 = arith.mulf %gather3A_863, %gather3A_863 : vector<16xf32>
          %add3A_870 = arith.addf %add3A_868, %mul3A_869 : vector<16xf32>
          %div3A_871 = arith.constant 1.000000e+00 : f32
          %div3A_872 = vector.broadcast %div3A_871 : f32 to vector<16xf32>
          %div3A_873 = arith.divf %div3A_872, %add3A_870 : vector<16xf32>
          %mul3A_874 = arith.mulf %gather3A_856, %gather3A_860 : vector<16xf32>
          %mul3A_875 = arith.mulf %gather3A_857, %gather3A_861 : vector<16xf32>
          %add3A_876 = arith.addf %mul3A_874, %mul3A_875 : vector<16xf32>
          %mul3A_877 = arith.mulf %gather3A_858, %gather3A_862 : vector<16xf32>
          %add3A_878 = arith.addf %add3A_876, %mul3A_877 : vector<16xf32>
          %mul3A_879 = arith.mulf %gather3A_859, %gather3A_863 : vector<16xf32>
          %add3A_880 = arith.addf %add3A_878, %mul3A_879 : vector<16xf32>
          %mul3A_881 = arith.mulf %add3A_880, %div3A_873 : vector<16xf32>
          %mul3A_882 = arith.mulf %gather3A_857, %gather3A_860 : vector<16xf32>
          %mul3A_883 = arith.mulf %gather3A_856, %gather3A_861 : vector<16xf32>
          %sub3A_884 = arith.subf %mul3A_882, %mul3A_883 : vector<16xf32>
          %mul3A_885 = arith.mulf %gather3A_858, %gather3A_863 : vector<16xf32>
          %sub3A_886 = arith.subf %sub3A_884, %mul3A_885 : vector<16xf32>
          %mul3A_887 = arith.mulf %gather3A_859, %gather3A_862 : vector<16xf32>
          %add3A_888 = arith.addf %sub3A_886, %mul3A_887 : vector<16xf32>
          %mul3A_889 = arith.mulf %add3A_888, %div3A_873 : vector<16xf32>
          %mul3A_890 = arith.mulf %gather3A_858, %gather3A_860 : vector<16xf32>
          %mul3A_891 = arith.mulf %gather3A_856, %gather3A_862 : vector<16xf32>
          %sub3A_892 = arith.subf %mul3A_890, %mul3A_891 : vector<16xf32>
          %mul3A_893 = arith.mulf %gather3A_857, %gather3A_863 : vector<16xf32>
          %add3A_894 = arith.addf %sub3A_892, %mul3A_893 : vector<16xf32>
          %mul3A_895 = arith.mulf %gather3A_859, %gather3A_861 : vector<16xf32>
          %sub3A_896 = arith.subf %add3A_894, %mul3A_895 : vector<16xf32>
          %mul3A_897 = arith.mulf %sub3A_896, %div3A_873 : vector<16xf32>
          %mul3A_898 = arith.mulf %gather3A_859, %gather3A_860 : vector<16xf32>
          %mul3A_899 = arith.mulf %gather3A_856, %gather3A_863 : vector<16xf32>
          %sub3A_900 = arith.subf %mul3A_898, %mul3A_899 : vector<16xf32>
          %mul3A_901 = arith.mulf %gather3A_857, %gather3A_862 : vector<16xf32>
          %sub3A_902 = arith.subf %sub3A_900, %mul3A_901 : vector<16xf32>
          %mul3A_903 = arith.mulf %gather3A_858, %gather3A_861 : vector<16xf32>
          %add3A_904 = arith.addf %sub3A_902, %mul3A_903 : vector<16xf32>
          %mul3A_905 = arith.mulf %add3A_904, %div3A_873 : vector<16xf32>
          tpu.vector_store_idx %arg23[%add3A_482, %broadcast_in_dim3A_846], %mul3A_881 : memref<256x32xf32, #tpu.memory_space<vmem>>[vector<16xi32>, vector<16xi32>], vector<16xf32>,
          tpu.vector_store_idx %arg23[%add3A_482, %add3A_849], %mul3A_889 : memref<256x32xf32, #tpu.memory_space<vmem>>[vector<16xi32>, vector<16xi32>], vector<16xf32>,
          tpu.vector_store_idx %arg23[%add3A_482, %add3A_852], %mul3A_897 : memref<256x32xf32, #tpu.memory_space<vmem>>[vector<16xi32>, vector<16xi32>], vector<16xf32>,
          tpu.vector_store_idx %arg23[%add3A_482, %add3A_855], %mul3A_905 : memref<256x32xf32, #tpu.memory_space<vmem>>[vector<16xi32>, vector<16xi32>], vector<16xf32>,
          %broadcast_in_dim3A_906 = arith.constant 28 : i32
          %broadcast_in_dim3A_907 = vector.broadcast %broadcast_in_dim3A_906 : i32 to vector<16xi32>
          %add3A_908 = arith.constant 1 : i32
          %add3A_909 = vector.broadcast %add3A_908 : i32 to vector<16xi32>
          %add3A_910 = arith.addi %broadcast_in_dim3A_907, %add3A_909 : vector<16xi32>
          %add3A_911 = arith.constant 2 : i32
          %add3A_912 = vector.broadcast %add3A_911 : i32 to vector<16xi32>
          %add3A_913 = arith.addi %broadcast_in_dim3A_907, %add3A_912 : vector<16xi32>
          %add3A_914 = arith.constant 3 : i32
          %add3A_915 = vector.broadcast %add3A_914 : i32 to vector<16xi32>
          %add3A_916 = arith.addi %broadcast_in_dim3A_907, %add3A_915 : vector<16xi32>
          %gather3A_917 = tpu.vector_load_idx %arg15[%add3A_482, %broadcast_in_dim3A_907] : memref<256x32xf32, #tpu.memory_space<vmem>>[vector<16xi32>, vector<16xi32>], vector<16xf32>,
          %gather3A_918 = tpu.vector_load_idx %arg15[%add3A_482, %add3A_910] : memref<256x32xf32, #tpu.memory_space<vmem>>[vector<16xi32>, vector<16xi32>], vector<16xf32>,
          %gather3A_919 = tpu.vector_load_idx %arg15[%add3A_482, %add3A_913] : memref<256x32xf32, #tpu.memory_space<vmem>>[vector<16xi32>, vector<16xi32>], vector<16xf32>,
          %gather3A_920 = tpu.vector_load_idx %arg15[%add3A_482, %add3A_916] : memref<256x32xf32, #tpu.memory_space<vmem>>[vector<16xi32>, vector<16xi32>], vector<16xf32>,
          %gather3A_921 = tpu.vector_load_idx %arg19[%add3A_482, %broadcast_in_dim3A_907] : memref<256x32xf32, #tpu.memory_space<vmem>>[vector<16xi32>, vector<16xi32>], vector<16xf32>,
          %gather3A_922 = tpu.vector_load_idx %arg19[%add3A_482, %add3A_910] : memref<256x32xf32, #tpu.memory_space<vmem>>[vector<16xi32>, vector<16xi32>], vector<16xf32>,
          %gather3A_923 = tpu.vector_load_idx %arg19[%add3A_482, %add3A_913] : memref<256x32xf32, #tpu.memory_space<vmem>>[vector<16xi32>, vector<16xi32>], vector<16xf32>,
          %gather3A_924 = tpu.vector_load_idx %arg19[%add3A_482, %add3A_916] : memref<256x32xf32, #tpu.memory_space<vmem>>[vector<16xi32>, vector<16xi32>], vector<16xf32>,
          %mul3A_925 = arith.mulf %gather3A_921, %gather3A_921 : vector<16xf32>
          %mul3A_926 = arith.mulf %gather3A_922, %gather3A_922 : vector<16xf32>
          %add3A_927 = arith.addf %mul3A_925, %mul3A_926 : vector<16xf32>
          %mul3A_928 = arith.mulf %gather3A_923, %gather3A_923 : vector<16xf32>
          %add3A_929 = arith.addf %add3A_927, %mul3A_928 : vector<16xf32>
          %mul3A_930 = arith.mulf %gather3A_924, %gather3A_924 : vector<16xf32>
          %add3A_931 = arith.addf %add3A_929, %mul3A_930 : vector<16xf32>
          %div3A_932 = arith.constant 1.000000e+00 : f32
          %div3A_933 = vector.broadcast %div3A_932 : f32 to vector<16xf32>
          %div3A_934 = arith.divf %div3A_933, %add3A_931 : vector<16xf32>
          %mul3A_935 = arith.mulf %gather3A_917, %gather3A_921 : vector<16xf32>
          %mul3A_936 = arith.mulf %gather3A_918, %gather3A_922 : vector<16xf32>
          %add3A_937 = arith.addf %mul3A_935, %mul3A_936 : vector<16xf32>
          %mul3A_938 = arith.mulf %gather3A_919, %gather3A_923 : vector<16xf32>
          %add3A_939 = arith.addf %add3A_937, %mul3A_938 : vector<16xf32>
          %mul3A_940 = arith.mulf %gather3A_920, %gather3A_924 : vector<16xf32>
          %add3A_941 = arith.addf %add3A_939, %mul3A_940 : vector<16xf32>
          %mul3A_942 = arith.mulf %add3A_941, %div3A_934 : vector<16xf32>
          %mul3A_943 = arith.mulf %gather3A_918, %gather3A_921 : vector<16xf32>
          %mul3A_944 = arith.mulf %gather3A_917, %gather3A_922 : vector<16xf32>
          %sub3A_945 = arith.subf %mul3A_943, %mul3A_944 : vector<16xf32>
          %mul3A_946 = arith.mulf %gather3A_919, %gather3A_924 : vector<16xf32>
          %sub3A_947 = arith.subf %sub3A_945, %mul3A_946 : vector<16xf32>
          %mul3A_948 = arith.mulf %gather3A_920, %gather3A_923 : vector<16xf32>
          %add3A_949 = arith.addf %sub3A_947, %mul3A_948 : vector<16xf32>
          %mul3A_950 = arith.mulf %add3A_949, %div3A_934 : vector<16xf32>
          %mul3A_951 = arith.mulf %gather3A_919, %gather3A_921 : vector<16xf32>
          %mul3A_952 = arith.mulf %gather3A_917, %gather3A_923 : vector<16xf32>
          %sub3A_953 = arith.subf %mul3A_951, %mul3A_952 : vector<16xf32>
          %mul3A_954 = arith.mulf %gather3A_918, %gather3A_924 : vector<16xf32>
          %add3A_955 = arith.addf %sub3A_953, %mul3A_954 : vector<16xf32>
          %mul3A_956 = arith.mulf %gather3A_920, %gather3A_922 : vector<16xf32>
          %sub3A_957 = arith.subf %add3A_955, %mul3A_956 : vector<16xf32>
          %mul3A_958 = arith.mulf %sub3A_957, %div3A_934 : vector<16xf32>
          %mul3A_959 = arith.mulf %gather3A_920, %gather3A_921 : vector<16xf32>
          %mul3A_960 = arith.mulf %gather3A_917, %gather3A_924 : vector<16xf32>
          %sub3A_961 = arith.subf %mul3A_959, %mul3A_960 : vector<16xf32>
          %mul3A_962 = arith.mulf %gather3A_918, %gather3A_923 : vector<16xf32>
          %sub3A_963 = arith.subf %sub3A_961, %mul3A_962 : vector<16xf32>
          %mul3A_964 = arith.mulf %gather3A_919, %gather3A_922 : vector<16xf32>
          %add3A_965 = arith.addf %sub3A_963, %mul3A_964 : vector<16xf32>
          %mul3A_966 = arith.mulf %add3A_965, %div3A_934 : vector<16xf32>
          tpu.vector_store_idx %arg23[%add3A_482, %broadcast_in_dim3A_907], %mul3A_942 : memref<256x32xf32, #tpu.memory_space<vmem>>[vector<16xi32>, vector<16xi32>], vector<16xf32>,
          tpu.vector_store_idx %arg23[%add3A_482, %add3A_910], %mul3A_950 : memref<256x32xf32, #tpu.memory_space<vmem>>[vector<16xi32>, vector<16xi32>], vector<16xf32>,
          tpu.vector_store_idx %arg23[%add3A_482, %add3A_913], %mul3A_958 : memref<256x32xf32, #tpu.memory_space<vmem>>[vector<16xi32>, vector<16xi32>], vector<16xf32>,
          tpu.vector_store_idx %arg23[%add3A_482, %add3A_916], %mul3A_966 : memref<256x32xf32, #tpu.memory_space<vmem>>[vector<16xi32>, vector<16xi32>], vector<16xf32>,
        }
        %scan3A_460 = arith.constant 16 : i32
        %mul3A_461 = arith.constant 256 : i32
        %mul3A_462 = arith.muli %add3A_356, %mul3A_461 : i32
        %dma_start3A_463 = arith.constant 0 : i32
        %dma_start3A_464 = tpu.memref_slice %arg5[%mul3A_462, %dma_start3A_463] : memref<1600000x32xf32, #tpu.memory_space<hbm>> -> memref<256x32xf32, #tpu.memory_space<hbm>>
        %dma_start3A_465 = arith.constant 0 : i32
        %dma_start3A_466 = tpu.memref_slice %arg5[%mul3A_462, %dma_start3A_465] : memref<1600000x32xf32, #tpu.memory_space<hbm>> -> memref<256x32xf32, #tpu.memory_space<hbm>>
        tpu.enqueue_dma source(%arg23 : memref<256x32xf32, #tpu.memory_space<vmem>>) target(%dma_start3A_466 : memref<256x32xf32, #tpu.memory_space<hbm>>) target_semaphore(%arg36 : memref<!tpu.dma_semaphore, #tpu.memory_space<semaphore_mem>>)
        %mul3A_467 = arith.constant 256 : i32
        %mul3A_468 = arith.muli %add3A_356, %mul3A_467 : i32
        %dma_start3A_469 = arith.constant 0 : i32
        %dma_start3A_470 = tpu.memref_slice %arg6[%mul3A_468, %dma_start3A_469] : memref<1600000x8xf32, #tpu.memory_space<hbm>> -> memref<256x8xf32, #tpu.memory_space<hbm>>
        %dma_start3A_471 = arith.constant 0 : i32
        %dma_start3A_472 = tpu.memref_slice %arg6[%mul3A_468, %dma_start3A_471] : memref<1600000x8xf32, #tpu.memory_space<hbm>> -> memref<256x8xf32, #tpu.memory_space<hbm>>
        tpu.enqueue_dma source(%arg27 : memref<256x8xf32, #tpu.memory_space<vmem>>) target(%dma_start3A_472 : memref<256x8xf32, #tpu.memory_space<hbm>>) target_semaphore(%arg40 : memref<!tpu.dma_semaphore, #tpu.memory_space<semaphore_mem>>)
        %lt3A_473 = arith.constant 6250 : i32
        %lt3A_474 = arith.cmpi slt, %add3A_358, %lt3A_473 : i32
        %convert_element_type3A_475 = arith.extui %lt3A_474 : i1 to i32
        %cond3A_476 = arith.constant 0 : i32
        %cond3A_477 = arith.cmpi ne, %convert_element_type3A_475, %cond3A_476 : i32
        scf.if %cond3A_477 {
          %dma_wait3A_478 = arith.constant 0 : i32
          %dma_wait3A_479 = arith.constant 0 : i32
          %dma_wait3A_480 = arith.constant 0 : i32
          %dma_wait3A_481 = tpu.memref_slice %arg2[%dma_wait3A_478, %add3A_358, %dma_wait3A_479, %dma_wait3A_480] : memref<2x6250x2x128xi32, #tpu.memory_space<hbm>> -> memref<1x1x2x128xi32, #tpu.memory_space<hbm>>
          %dma_wait3A_482 = tpu.memref_squeeze %dma_wait3A_481 : memref<1x1x2x128xi32, #tpu.memory_space<hbm>> -> memref<2x128xi32, #tpu.memory_space<hbm>>
          %dma_wait3A_483 = arith.constant 0 : i32
          %dma_wait3A_484 = arith.constant 0 : i32
          %dma_wait3A_485 = tpu.memref_slice %arg2[%dma_wait3A_478, %add3A_358, %dma_wait3A_483, %dma_wait3A_484] : memref<2x6250x2x128xi32, #tpu.memory_space<hbm>> -> memref<1x1x2x128xi32, #tpu.memory_space<hbm>>
          %dma_wait3A_486 = tpu.memref_squeeze %dma_wait3A_485 : memref<1x1x2x128xi32, #tpu.memory_space<hbm>> -> memref<2x128xi32, #tpu.memory_space<hbm>>
          tpu.wait_dma2 semaphore(%arg28 : memref<!tpu.dma_semaphore, #tpu.memory_space<semaphore_mem>>) src(%dma_wait3A_486 : memref<2x128xi32, #tpu.memory_space<hbm>>) dst(%arg7 : memref<2x128xi32, #tpu.memory_space<vmem>>)
          %dma_wait3A_487 = arith.constant 1 : i32
          %dma_wait3A_488 = arith.constant 0 : i32
          %dma_wait3A_489 = arith.constant 0 : i32
          %dma_wait3A_490 = tpu.memref_slice %arg2[%dma_wait3A_487, %add3A_358, %dma_wait3A_488, %dma_wait3A_489] : memref<2x6250x2x128xi32, #tpu.memory_space<hbm>> -> memref<1x1x2x128xi32, #tpu.memory_space<hbm>>
          %dma_wait3A_491 = tpu.memref_squeeze %dma_wait3A_490 : memref<1x1x2x128xi32, #tpu.memory_space<hbm>> -> memref<2x128xi32, #tpu.memory_space<hbm>>
          %dma_wait3A_492 = arith.constant 0 : i32
          %dma_wait3A_493 = arith.constant 0 : i32
          %dma_wait3A_494 = tpu.memref_slice %arg2[%dma_wait3A_487, %add3A_358, %dma_wait3A_492, %dma_wait3A_493] : memref<2x6250x2x128xi32, #tpu.memory_space<hbm>> -> memref<1x1x2x128xi32, #tpu.memory_space<hbm>>
          %dma_wait3A_495 = tpu.memref_squeeze %dma_wait3A_494 : memref<1x1x2x128xi32, #tpu.memory_space<hbm>> -> memref<2x128xi32, #tpu.memory_space<hbm>>
          tpu.wait_dma2 semaphore(%arg28 : memref<!tpu.dma_semaphore, #tpu.memory_space<semaphore_mem>>) src(%dma_wait3A_495 : memref<2x128xi32, #tpu.memory_space<hbm>>) dst(%arg11 : memref<2x128xi32, #tpu.memory_space<vmem>>)
          %dma_start3A_496 = arith.constant 0 : i32
          %dma_start3A_497 = arith.constant 0 : i32
          %dma_start3A_498 = arith.constant 0 : i32
          %dma_start3A_499 = tpu.memref_slice %arg15[%dma_start3A_497, %dma_start3A_498] : memref<256x32xf32, #tpu.memory_space<vmem>> -> memref<128x32xf32, #tpu.memory_space<vmem>>
          %dma_start3A_500 = arith.constant 0 : i32
          %dma_start3A_501 = tpu.memref_slice %arg7[%dma_start3A_496, %dma_start3A_500] : memref<2x128xi32, #tpu.memory_space<vmem>> -> memref<1x128xi32, #tpu.memory_space<vmem>>
          %dma_start3A_502 = tpu.memref_squeeze %dma_start3A_501 : memref<1x128xi32, #tpu.memory_space<vmem>> -> memref<128xi32, #tpu.memory_space<vmem>>
          %dma_start3A_503 = arith.constant 0 : i32
          %dma_start3A_504 = arith.constant 0 : i32
          %dma_start3A_505 = tpu.memref_slice %arg3[%dma_start3A_503, %dma_start3A_504] : memref<50000x32xf32, #tpu.memory_space<hbm>> -> memref<50000x32xf32, #tpu.memory_space<hbm>>
          tpu.enqueue_indirect_dma source(%dma_start3A_505 : memref<50000x32xf32, #tpu.memory_space<hbm>>) target(%dma_start3A_499 : memref<128x32xf32, #tpu.memory_space<vmem>>) offsets(%dma_start3A_502 : memref<128xi32, #tpu.memory_space<vmem>>) semaphore(%arg32 : memref<!tpu.dma_semaphore, #tpu.memory_space<semaphore_mem>>)
          %dma_start3A_506 = arith.constant 0 : i32
          %dma_start3A_507 = arith.constant 0 : i32
          %dma_start3A_508 = arith.constant 0 : i32
          %dma_start3A_509 = tpu.memref_slice %arg19[%dma_start3A_507, %dma_start3A_508] : memref<256x32xf32, #tpu.memory_space<vmem>> -> memref<128x32xf32, #tpu.memory_space<vmem>>
          %dma_start3A_510 = arith.constant 0 : i32
          %dma_start3A_511 = tpu.memref_slice %arg11[%dma_start3A_506, %dma_start3A_510] : memref<2x128xi32, #tpu.memory_space<vmem>> -> memref<1x128xi32, #tpu.memory_space<vmem>>
          %dma_start3A_512 = tpu.memref_squeeze %dma_start3A_511 : memref<1x128xi32, #tpu.memory_space<vmem>> -> memref<128xi32, #tpu.memory_space<vmem>>
          %dma_start3A_513 = arith.constant 0 : i32
          %dma_start3A_514 = arith.constant 0 : i32
          %dma_start3A_515 = tpu.memref_slice %arg3[%dma_start3A_513, %dma_start3A_514] : memref<50000x32xf32, #tpu.memory_space<hbm>> -> memref<50000x32xf32, #tpu.memory_space<hbm>>
          tpu.enqueue_indirect_dma source(%dma_start3A_515 : memref<50000x32xf32, #tpu.memory_space<hbm>>) target(%dma_start3A_509 : memref<128x32xf32, #tpu.memory_space<vmem>>) offsets(%dma_start3A_512 : memref<128xi32, #tpu.memory_space<vmem>>) semaphore(%arg32 : memref<!tpu.dma_semaphore, #tpu.memory_space<semaphore_mem>>)
          %dma_start3A_516 = arith.constant 1 : i32
          %dma_start3A_517 = arith.constant 128 : i32
          %dma_start3A_518 = arith.constant 0 : i32
          %dma_start3A_519 = tpu.memref_slice %arg15[%dma_start3A_517, %dma_start3A_518] : memref<256x32xf32, #tpu.memory_space<vmem>> -> memref<128x32xf32, #tpu.memory_space<vmem>>
          %dma_start3A_520 = arith.constant 0 : i32
          %dma_start3A_521 = tpu.memref_slice %arg7[%dma_start3A_516, %dma_start3A_520] : memref<2x128xi32, #tpu.memory_space<vmem>> -> memref<1x128xi32, #tpu.memory_space<vmem>>
          %dma_start3A_522 = tpu.memref_squeeze %dma_start3A_521 : memref<1x128xi32, #tpu.memory_space<vmem>> -> memref<128xi32, #tpu.memory_space<vmem>>
          %dma_start3A_523 = arith.constant 0 : i32
          %dma_start3A_524 = arith.constant 0 : i32
          %dma_start3A_525 = tpu.memref_slice %arg3[%dma_start3A_523, %dma_start3A_524] : memref<50000x32xf32, #tpu.memory_space<hbm>> -> memref<50000x32xf32, #tpu.memory_space<hbm>>
          tpu.enqueue_indirect_dma source(%dma_start3A_525 : memref<50000x32xf32, #tpu.memory_space<hbm>>) target(%dma_start3A_519 : memref<128x32xf32, #tpu.memory_space<vmem>>) offsets(%dma_start3A_522 : memref<128xi32, #tpu.memory_space<vmem>>) semaphore(%arg32 : memref<!tpu.dma_semaphore, #tpu.memory_space<semaphore_mem>>)
          %dma_start3A_526 = arith.constant 1 : i32
          %dma_start3A_527 = arith.constant 128 : i32
          %dma_start3A_528 = arith.constant 0 : i32
          %dma_start3A_529 = tpu.memref_slice %arg19[%dma_start3A_527, %dma_start3A_528] : memref<256x32xf32, #tpu.memory_space<vmem>> -> memref<128x32xf32, #tpu.memory_space<vmem>>
          %dma_start3A_530 = arith.constant 0 : i32
          %dma_start3A_531 = tpu.memref_slice %arg11[%dma_start3A_526, %dma_start3A_530] : memref<2x128xi32, #tpu.memory_space<vmem>> -> memref<1x128xi32, #tpu.memory_space<vmem>>
          %dma_start3A_532 = tpu.memref_squeeze %dma_start3A_531 : memref<1x128xi32, #tpu.memory_space<vmem>> -> memref<128xi32, #tpu.memory_space<vmem>>
          %dma_start3A_533 = arith.constant 0 : i32
          %dma_start3A_534 = arith.constant 0 : i32
          %dma_start3A_535 = tpu.memref_slice %arg3[%dma_start3A_533, %dma_start3A_534] : memref<50000x32xf32, #tpu.memory_space<hbm>> -> memref<50000x32xf32, #tpu.memory_space<hbm>>
          tpu.enqueue_indirect_dma source(%dma_start3A_535 : memref<50000x32xf32, #tpu.memory_space<hbm>>) target(%dma_start3A_529 : memref<128x32xf32, #tpu.memory_space<vmem>>) offsets(%dma_start3A_532 : memref<128xi32, #tpu.memory_space<vmem>>) semaphore(%arg32 : memref<!tpu.dma_semaphore, #tpu.memory_space<semaphore_mem>>)
        } else {
        }
      } else {
      }
      %mul3A_364 = arith.constant 4 : i32
      %mul3A_365 = arith.muli %mul3A_364, %scan3A_349 : i32
      %add3A_366 = arith.constant 1 : i32
      %add3A_367 = arith.addi %mul3A_365, %add3A_366 : i32
      %mul3A_368 = arith.constant 32 : i32
      %mul3A_369 = arith.muli %add3A_367, %mul3A_368 : i32
      %add3A_370 = arith.addi %add3A, %mul3A_369 : i32
      %add3A_371 = arith.constant 128 : i32
      %add3A_372 = arith.addi %add3A_370, %add3A_371 : i32
      %lt3A_373 = arith.constant 6250 : i32
      %lt3A_374 = arith.cmpi slt, %add3A_370, %lt3A_373 : i32
      %convert_element_type3A_375 = arith.extui %lt3A_374 : i1 to i32
      %cond3A_376 = arith.constant 0 : i32
      %cond3A_377 = arith.cmpi ne, %convert_element_type3A_375, %cond3A_376 : i32
      scf.if %cond3A_377 {
        %dma_wait3A_406 = arith.constant 0 : i32
        %dma_wait3A_407 = arith.constant 0 : i32
        %dma_wait3A_408 = arith.constant 0 : i32
        %dma_wait3A_409 = tpu.memref_slice %arg16[%dma_wait3A_407, %dma_wait3A_408] : memref<256x32xf32, #tpu.memory_space<vmem>> -> memref<128x32xf32, #tpu.memory_space<vmem>>
        %dma_wait3A_410 = arith.constant 0 : i32
        %dma_wait3A_411 = tpu.memref_slice %arg8[%dma_wait3A_406, %dma_wait3A_410] : memref<2x128xi32, #tpu.memory_space<vmem>> -> memref<1x128xi32, #tpu.memory_space<vmem>>
        %dma_wait3A_412 = tpu.memref_squeeze %dma_wait3A_411 : memref<1x128xi32, #tpu.memory_space<vmem>> -> memref<128xi32, #tpu.memory_space<vmem>>
        %dma_wait3A_413 = arith.constant 0 : i32
        %dma_wait3A_414 = arith.constant 0 : i32
        %dma_wait3A_415 = tpu.memref_slice %arg3[%dma_wait3A_413, %dma_wait3A_414] : memref<50000x32xf32, #tpu.memory_space<hbm>> -> memref<50000x32xf32, #tpu.memory_space<hbm>>
        tpu.wait_indirect_dma semaphore(%arg33 : memref<!tpu.dma_semaphore, #tpu.memory_space<semaphore_mem>>) src(%dma_wait3A_415 : memref<50000x32xf32, #tpu.memory_space<hbm>>) dst(%dma_wait3A_409 : memref<128x32xf32, #tpu.memory_space<vmem>>)
        %dma_wait3A_416 = arith.constant 0 : i32
        %dma_wait3A_417 = arith.constant 0 : i32
        %dma_wait3A_418 = arith.constant 0 : i32
        %dma_wait3A_419 = tpu.memref_slice %arg20[%dma_wait3A_417, %dma_wait3A_418] : memref<256x32xf32, #tpu.memory_space<vmem>> -> memref<128x32xf32, #tpu.memory_space<vmem>>
        %dma_wait3A_420 = arith.constant 0 : i32
        %dma_wait3A_421 = tpu.memref_slice %arg12[%dma_wait3A_416, %dma_wait3A_420] : memref<2x128xi32, #tpu.memory_space<vmem>> -> memref<1x128xi32, #tpu.memory_space<vmem>>
        %dma_wait3A_422 = tpu.memref_squeeze %dma_wait3A_421 : memref<1x128xi32, #tpu.memory_space<vmem>> -> memref<128xi32, #tpu.memory_space<vmem>>
        %dma_wait3A_423 = arith.constant 0 : i32
        %dma_wait3A_424 = arith.constant 0 : i32
        %dma_wait3A_425 = tpu.memref_slice %arg3[%dma_wait3A_423, %dma_wait3A_424] : memref<50000x32xf32, #tpu.memory_space<hbm>> -> memref<50000x32xf32, #tpu.memory_space<hbm>>
        tpu.wait_indirect_dma semaphore(%arg33 : memref<!tpu.dma_semaphore, #tpu.memory_space<semaphore_mem>>) src(%dma_wait3A_425 : memref<50000x32xf32, #tpu.memory_space<hbm>>) dst(%dma_wait3A_419 : memref<128x32xf32, #tpu.memory_space<vmem>>)
        %dma_wait3A_426 = arith.constant 1 : i32
        %dma_wait3A_427 = arith.constant 128 : i32
        %dma_wait3A_428 = arith.constant 0 : i32
        %dma_wait3A_429 = tpu.memref_slice %arg16[%dma_wait3A_427, %dma_wait3A_428] : memref<256x32xf32, #tpu.memory_space<vmem>> -> memref<128x32xf32, #tpu.memory_space<vmem>>
        %dma_wait3A_430 = arith.constant 0 : i32
        %dma_wait3A_431 = tpu.memref_slice %arg8[%dma_wait3A_426, %dma_wait3A_430] : memref<2x128xi32, #tpu.memory_space<vmem>> -> memref<1x128xi32, #tpu.memory_space<vmem>>
        %dma_wait3A_432 = tpu.memref_squeeze %dma_wait3A_431 : memref<1x128xi32, #tpu.memory_space<vmem>> -> memref<128xi32, #tpu.memory_space<vmem>>
        %dma_wait3A_433 = arith.constant 0 : i32
        %dma_wait3A_434 = arith.constant 0 : i32
        %dma_wait3A_435 = tpu.memref_slice %arg3[%dma_wait3A_433, %dma_wait3A_434] : memref<50000x32xf32, #tpu.memory_space<hbm>> -> memref<50000x32xf32, #tpu.memory_space<hbm>>
        tpu.wait_indirect_dma semaphore(%arg33 : memref<!tpu.dma_semaphore, #tpu.memory_space<semaphore_mem>>) src(%dma_wait3A_435 : memref<50000x32xf32, #tpu.memory_space<hbm>>) dst(%dma_wait3A_429 : memref<128x32xf32, #tpu.memory_space<vmem>>)
        %dma_wait3A_436 = arith.constant 1 : i32
        %dma_wait3A_437 = arith.constant 128 : i32
        %dma_wait3A_438 = arith.constant 0 : i32
        %dma_wait3A_439 = tpu.memref_slice %arg20[%dma_wait3A_437, %dma_wait3A_438] : memref<256x32xf32, #tpu.memory_space<vmem>> -> memref<128x32xf32, #tpu.memory_space<vmem>>
        %dma_wait3A_440 = arith.constant 0 : i32
        %dma_wait3A_441 = tpu.memref_slice %arg12[%dma_wait3A_436, %dma_wait3A_440] : memref<2x128xi32, #tpu.memory_space<vmem>> -> memref<1x128xi32, #tpu.memory_space<vmem>>
        %dma_wait3A_442 = tpu.memref_squeeze %dma_wait3A_441 : memref<1x128xi32, #tpu.memory_space<vmem>> -> memref<128xi32, #tpu.memory_space<vmem>>
        %dma_wait3A_443 = arith.constant 0 : i32
        %dma_wait3A_444 = arith.constant 0 : i32
        %dma_wait3A_445 = tpu.memref_slice %arg3[%dma_wait3A_443, %dma_wait3A_444] : memref<50000x32xf32, #tpu.memory_space<hbm>> -> memref<50000x32xf32, #tpu.memory_space<hbm>>
        tpu.wait_indirect_dma semaphore(%arg33 : memref<!tpu.dma_semaphore, #tpu.memory_space<semaphore_mem>>) src(%dma_wait3A_445 : memref<50000x32xf32, #tpu.memory_space<hbm>>) dst(%dma_wait3A_439 : memref<128x32xf32, #tpu.memory_space<vmem>>)
        %lt3A_446 = arith.constant 6250 : i32
        %lt3A_447 = arith.cmpi slt, %add3A_372, %lt3A_446 : i32
        %convert_element_type3A_448 = arith.extui %lt3A_447 : i1 to i32
        %cond3A_449 = arith.constant 0 : i32
        %cond3A_450 = arith.cmpi ne, %convert_element_type3A_448, %cond3A_449 : i32
        scf.if %cond3A_450 {
          %dma_start3A_478 = arith.constant 0 : i32
          %dma_start3A_479 = arith.constant 0 : i32
          %dma_start3A_480 = arith.constant 0 : i32
          %dma_start3A_481 = tpu.memref_slice %arg2[%dma_start3A_478, %add3A_372, %dma_start3A_479, %dma_start3A_480] : memref<2x6250x2x128xi32, #tpu.memory_space<hbm>> -> memref<1x1x2x128xi32, #tpu.memory_space<hbm>>
          %dma_start3A_482 = tpu.memref_squeeze %dma_start3A_481 : memref<1x1x2x128xi32, #tpu.memory_space<hbm>> -> memref<2x128xi32, #tpu.memory_space<hbm>>
          %dma_start3A_483 = arith.constant 0 : i32
          %dma_start3A_484 = arith.constant 0 : i32
          %dma_start3A_485 = tpu.memref_slice %arg2[%dma_start3A_478, %add3A_372, %dma_start3A_483, %dma_start3A_484] : memref<2x6250x2x128xi32, #tpu.memory_space<hbm>> -> memref<1x1x2x128xi32, #tpu.memory_space<hbm>>
          %dma_start3A_486 = tpu.memref_squeeze %dma_start3A_485 : memref<1x1x2x128xi32, #tpu.memory_space<hbm>> -> memref<2x128xi32, #tpu.memory_space<hbm>>
          tpu.enqueue_dma source(%dma_start3A_486 : memref<2x128xi32, #tpu.memory_space<hbm>>) target(%arg8 : memref<2x128xi32, #tpu.memory_space<vmem>>) target_semaphore(%arg29 : memref<!tpu.dma_semaphore, #tpu.memory_space<semaphore_mem>>)
          %dma_start3A_487 = arith.constant 1 : i32
          %dma_start3A_488 = arith.constant 0 : i32
          %dma_start3A_489 = arith.constant 0 : i32
          %dma_start3A_490 = tpu.memref_slice %arg2[%dma_start3A_487, %add3A_372, %dma_start3A_488, %dma_start3A_489] : memref<2x6250x2x128xi32, #tpu.memory_space<hbm>> -> memref<1x1x2x128xi32, #tpu.memory_space<hbm>>
          %dma_start3A_491 = tpu.memref_squeeze %dma_start3A_490 : memref<1x1x2x128xi32, #tpu.memory_space<hbm>> -> memref<2x128xi32, #tpu.memory_space<hbm>>
          %dma_start3A_492 = arith.constant 0 : i32
          %dma_start3A_493 = arith.constant 0 : i32
          %dma_start3A_494 = tpu.memref_slice %arg2[%dma_start3A_487, %add3A_372, %dma_start3A_492, %dma_start3A_493] : memref<2x6250x2x128xi32, #tpu.memory_space<hbm>> -> memref<1x1x2x128xi32, #tpu.memory_space<hbm>>
          %dma_start3A_495 = tpu.memref_squeeze %dma_start3A_494 : memref<1x1x2x128xi32, #tpu.memory_space<hbm>> -> memref<2x128xi32, #tpu.memory_space<hbm>>
          tpu.enqueue_dma source(%dma_start3A_495 : memref<2x128xi32, #tpu.memory_space<hbm>>) target(%arg12 : memref<2x128xi32, #tpu.memory_space<vmem>>) target_semaphore(%arg29 : memref<!tpu.dma_semaphore, #tpu.memory_space<semaphore_mem>>)
        } else {
        }
        %ge3A = arith.constant 1 : i32
        %ge3A_451 = arith.cmpi sge, %scan3A_349, %ge3A : i32
        %convert_element_type3A_452 = arith.extui %ge3A_451 : i1 to i32
        %cond3A_453 = arith.constant 0 : i32
        %cond3A_454 = arith.cmpi ne, %convert_element_type3A_452, %cond3A_453 : i32
        scf.if %cond3A_454 {
          %sub3A = arith.constant 128 : i32
          %sub3A_478 = arith.subi %add3A_370, %sub3A : i32
          %mul3A_479 = arith.constant 256 : i32
          %mul3A_480 = arith.muli %sub3A_478, %mul3A_479 : i32
          %dma_wait3A_481 = arith.constant 0 : i32
          %dma_wait3A_482 = tpu.memref_slice %arg5[%mul3A_480, %dma_wait3A_481] : memref<1600000x32xf32, #tpu.memory_space<hbm>> -> memref<256x32xf32, #tpu.memory_space<hbm>>
          %dma_wait3A_483 = arith.constant 0 : i32
          %dma_wait3A_484 = tpu.memref_slice %arg5[%mul3A_480, %dma_wait3A_483] : memref<1600000x32xf32, #tpu.memory_space<hbm>> -> memref<256x32xf32, #tpu.memory_space<hbm>>
          tpu.wait_dma2 semaphore(%arg37 : memref<!tpu.dma_semaphore, #tpu.memory_space<semaphore_mem>>) src(%arg24 : memref<256x32xf32, #tpu.memory_space<vmem>>) dst(%dma_wait3A_484 : memref<256x32xf32, #tpu.memory_space<hbm>>)
          %mul3A_485 = arith.constant 256 : i32
          %mul3A_486 = arith.muli %sub3A_478, %mul3A_485 : i32
          %dma_wait3A_487 = arith.constant 0 : i32
          %dma_wait3A_488 = tpu.memref_slice %arg6[%mul3A_486, %dma_wait3A_487] : memref<1600000x8xf32, #tpu.memory_space<hbm>> -> memref<256x8xf32, #tpu.memory_space<hbm>>
          %dma_wait3A_489 = arith.constant 0 : i32
          %dma_wait3A_490 = tpu.memref_slice %arg6[%mul3A_486, %dma_wait3A_489] : memref<1600000x8xf32, #tpu.memory_space<hbm>> -> memref<256x8xf32, #tpu.memory_space<hbm>>
          tpu.wait_dma2 semaphore(%arg41 : memref<!tpu.dma_semaphore, #tpu.memory_space<semaphore_mem>>) src(%arg27 : memref<256x8xf32, #tpu.memory_space<vmem>>) dst(%dma_wait3A_490 : memref<256x8xf32, #tpu.memory_space<hbm>>)
        } else {
        }
        %scan3A_455 = arith.constant 0 : i32
        %scan3A_456 = arith.constant 0 : i32
        %scan3A_457 = arith.constant 16 : i32
        %scan3A_458 = arith.addi %scan3A_456, %scan3A_457 : i32
        %scan3A_459 = arith.constant 1 : i32
        scf.for %scan3A_478 = %scan3A_456 to %scan3A_458 step %scan3A_459  : i32 {
          %mul3A_479 = arith.constant 16 : i32
          %mul3A_480 = arith.muli %scan3A_478, %mul3A_479 : i32
          %add3A_481 = vector.broadcast %mul3A_480 : i32 to vector<16xi32>
          %add3A_482 = arith.addi %add3A_481, %iota3A : vector<16xi32>
          %broadcast_in_dim3A = arith.constant 0 : i32
          %broadcast_in_dim3A_483 = vector.broadcast %broadcast_in_dim3A : i32 to vector<16xi32>
          %add3A_484 = arith.constant 1 : i32
          %add3A_485 = vector.broadcast %add3A_484 : i32 to vector<16xi32>
          %add3A_486 = arith.addi %broadcast_in_dim3A_483, %add3A_485 : vector<16xi32>
          %add3A_487 = arith.constant 2 : i32
          %add3A_488 = vector.broadcast %add3A_487 : i32 to vector<16xi32>
          %add3A_489 = arith.addi %broadcast_in_dim3A_483, %add3A_488 : vector<16xi32>
          %add3A_490 = arith.constant 3 : i32
          %add3A_491 = vector.broadcast %add3A_490 : i32 to vector<16xi32>
          %add3A_492 = arith.addi %broadcast_in_dim3A_483, %add3A_491 : vector<16xi32>
          %gather3A = tpu.vector_load_idx %arg16[%add3A_482, %broadcast_in_dim3A_483] : memref<256x32xf32, #tpu.memory_space<vmem>>[vector<16xi32>, vector<16xi32>], vector<16xf32>,
          %gather3A_493 = tpu.vector_load_idx %arg16[%add3A_482, %add3A_486] : memref<256x32xf32, #tpu.memory_space<vmem>>[vector<16xi32>, vector<16xi32>], vector<16xf32>,
          %gather3A_494 = tpu.vector_load_idx %arg16[%add3A_482, %add3A_489] : memref<256x32xf32, #tpu.memory_space<vmem>>[vector<16xi32>, vector<16xi32>], vector<16xf32>,
          %gather3A_495 = tpu.vector_load_idx %arg16[%add3A_482, %add3A_492] : memref<256x32xf32, #tpu.memory_space<vmem>>[vector<16xi32>, vector<16xi32>], vector<16xf32>,
          %gather3A_496 = tpu.vector_load_idx %arg20[%add3A_482, %broadcast_in_dim3A_483] : memref<256x32xf32, #tpu.memory_space<vmem>>[vector<16xi32>, vector<16xi32>], vector<16xf32>,
          %gather3A_497 = tpu.vector_load_idx %arg20[%add3A_482, %add3A_486] : memref<256x32xf32, #tpu.memory_space<vmem>>[vector<16xi32>, vector<16xi32>], vector<16xf32>,
          %gather3A_498 = tpu.vector_load_idx %arg20[%add3A_482, %add3A_489] : memref<256x32xf32, #tpu.memory_space<vmem>>[vector<16xi32>, vector<16xi32>], vector<16xf32>,
          %gather3A_499 = tpu.vector_load_idx %arg20[%add3A_482, %add3A_492] : memref<256x32xf32, #tpu.memory_space<vmem>>[vector<16xi32>, vector<16xi32>], vector<16xf32>,
          %mul3A_500 = arith.mulf %gather3A_496, %gather3A_496 : vector<16xf32>
          %mul3A_501 = arith.mulf %gather3A_497, %gather3A_497 : vector<16xf32>
          %add3A_502 = arith.addf %mul3A_500, %mul3A_501 : vector<16xf32>
          %mul3A_503 = arith.mulf %gather3A_498, %gather3A_498 : vector<16xf32>
          %add3A_504 = arith.addf %add3A_502, %mul3A_503 : vector<16xf32>
          %mul3A_505 = arith.mulf %gather3A_499, %gather3A_499 : vector<16xf32>
          %add3A_506 = arith.addf %add3A_504, %mul3A_505 : vector<16xf32>
          %div3A = arith.constant 1.000000e+00 : f32
          %div3A_507 = vector.broadcast %div3A : f32 to vector<16xf32>
          %div3A_508 = arith.divf %div3A_507, %add3A_506 : vector<16xf32>
          %mul3A_509 = arith.mulf %gather3A, %gather3A_496 : vector<16xf32>
          %mul3A_510 = arith.mulf %gather3A_493, %gather3A_497 : vector<16xf32>
          %add3A_511 = arith.addf %mul3A_509, %mul3A_510 : vector<16xf32>
          %mul3A_512 = arith.mulf %gather3A_494, %gather3A_498 : vector<16xf32>
          %add3A_513 = arith.addf %add3A_511, %mul3A_512 : vector<16xf32>
          %mul3A_514 = arith.mulf %gather3A_495, %gather3A_499 : vector<16xf32>
          %add3A_515 = arith.addf %add3A_513, %mul3A_514 : vector<16xf32>
          %mul3A_516 = arith.mulf %add3A_515, %div3A_508 : vector<16xf32>
          %mul3A_517 = arith.mulf %gather3A_493, %gather3A_496 : vector<16xf32>
          %mul3A_518 = arith.mulf %gather3A, %gather3A_497 : vector<16xf32>
          %sub3A = arith.subf %mul3A_517, %mul3A_518 : vector<16xf32>
          %mul3A_519 = arith.mulf %gather3A_494, %gather3A_499 : vector<16xf32>
          %sub3A_520 = arith.subf %sub3A, %mul3A_519 : vector<16xf32>
          %mul3A_521 = arith.mulf %gather3A_495, %gather3A_498 : vector<16xf32>
          %add3A_522 = arith.addf %sub3A_520, %mul3A_521 : vector<16xf32>
          %mul3A_523 = arith.mulf %add3A_522, %div3A_508 : vector<16xf32>
          %mul3A_524 = arith.mulf %gather3A_494, %gather3A_496 : vector<16xf32>
          %mul3A_525 = arith.mulf %gather3A, %gather3A_498 : vector<16xf32>
          %sub3A_526 = arith.subf %mul3A_524, %mul3A_525 : vector<16xf32>
          %mul3A_527 = arith.mulf %gather3A_493, %gather3A_499 : vector<16xf32>
          %add3A_528 = arith.addf %sub3A_526, %mul3A_527 : vector<16xf32>
          %mul3A_529 = arith.mulf %gather3A_495, %gather3A_497 : vector<16xf32>
          %sub3A_530 = arith.subf %add3A_528, %mul3A_529 : vector<16xf32>
          %mul3A_531 = arith.mulf %sub3A_530, %div3A_508 : vector<16xf32>
          %mul3A_532 = arith.mulf %gather3A_495, %gather3A_496 : vector<16xf32>
          %mul3A_533 = arith.mulf %gather3A, %gather3A_499 : vector<16xf32>
          %sub3A_534 = arith.subf %mul3A_532, %mul3A_533 : vector<16xf32>
          %mul3A_535 = arith.mulf %gather3A_493, %gather3A_498 : vector<16xf32>
          %sub3A_536 = arith.subf %sub3A_534, %mul3A_535 : vector<16xf32>
          %mul3A_537 = arith.mulf %gather3A_494, %gather3A_497 : vector<16xf32>
          %add3A_538 = arith.addf %sub3A_536, %mul3A_537 : vector<16xf32>
          %mul3A_539 = arith.mulf %add3A_538, %div3A_508 : vector<16xf32>
          tpu.vector_store_idx %arg24[%add3A_482, %broadcast_in_dim3A_483], %mul3A_516 : memref<256x32xf32, #tpu.memory_space<vmem>>[vector<16xi32>, vector<16xi32>], vector<16xf32>,
          tpu.vector_store_idx %arg24[%add3A_482, %add3A_486], %mul3A_523 : memref<256x32xf32, #tpu.memory_space<vmem>>[vector<16xi32>, vector<16xi32>], vector<16xf32>,
          tpu.vector_store_idx %arg24[%add3A_482, %add3A_489], %mul3A_531 : memref<256x32xf32, #tpu.memory_space<vmem>>[vector<16xi32>, vector<16xi32>], vector<16xf32>,
          tpu.vector_store_idx %arg24[%add3A_482, %add3A_492], %mul3A_539 : memref<256x32xf32, #tpu.memory_space<vmem>>[vector<16xi32>, vector<16xi32>], vector<16xf32>,
          %broadcast_in_dim3A_540 = arith.constant 4 : i32
          %broadcast_in_dim3A_541 = vector.broadcast %broadcast_in_dim3A_540 : i32 to vector<16xi32>
          %add3A_542 = arith.constant 1 : i32
          %add3A_543 = vector.broadcast %add3A_542 : i32 to vector<16xi32>
          %add3A_544 = arith.addi %broadcast_in_dim3A_541, %add3A_543 : vector<16xi32>
          %add3A_545 = arith.constant 2 : i32
          %add3A_546 = vector.broadcast %add3A_545 : i32 to vector<16xi32>
          %add3A_547 = arith.addi %broadcast_in_dim3A_541, %add3A_546 : vector<16xi32>
          %add3A_548 = arith.constant 3 : i32
          %add3A_549 = vector.broadcast %add3A_548 : i32 to vector<16xi32>
          %add3A_550 = arith.addi %broadcast_in_dim3A_541, %add3A_549 : vector<16xi32>
          %gather3A_551 = tpu.vector_load_idx %arg16[%add3A_482, %broadcast_in_dim3A_541] : memref<256x32xf32, #tpu.memory_space<vmem>>[vector<16xi32>, vector<16xi32>], vector<16xf32>,
          %gather3A_552 = tpu.vector_load_idx %arg16[%add3A_482, %add3A_544] : memref<256x32xf32, #tpu.memory_space<vmem>>[vector<16xi32>, vector<16xi32>], vector<16xf32>,
          %gather3A_553 = tpu.vector_load_idx %arg16[%add3A_482, %add3A_547] : memref<256x32xf32, #tpu.memory_space<vmem>>[vector<16xi32>, vector<16xi32>], vector<16xf32>,
          %gather3A_554 = tpu.vector_load_idx %arg16[%add3A_482, %add3A_550] : memref<256x32xf32, #tpu.memory_space<vmem>>[vector<16xi32>, vector<16xi32>], vector<16xf32>,
          %gather3A_555 = tpu.vector_load_idx %arg20[%add3A_482, %broadcast_in_dim3A_541] : memref<256x32xf32, #tpu.memory_space<vmem>>[vector<16xi32>, vector<16xi32>], vector<16xf32>,
          %gather3A_556 = tpu.vector_load_idx %arg20[%add3A_482, %add3A_544] : memref<256x32xf32, #tpu.memory_space<vmem>>[vector<16xi32>, vector<16xi32>], vector<16xf32>,
          %gather3A_557 = tpu.vector_load_idx %arg20[%add3A_482, %add3A_547] : memref<256x32xf32, #tpu.memory_space<vmem>>[vector<16xi32>, vector<16xi32>], vector<16xf32>,
          %gather3A_558 = tpu.vector_load_idx %arg20[%add3A_482, %add3A_550] : memref<256x32xf32, #tpu.memory_space<vmem>>[vector<16xi32>, vector<16xi32>], vector<16xf32>,
          %mul3A_559 = arith.mulf %gather3A_555, %gather3A_555 : vector<16xf32>
          %mul3A_560 = arith.mulf %gather3A_556, %gather3A_556 : vector<16xf32>
          %add3A_561 = arith.addf %mul3A_559, %mul3A_560 : vector<16xf32>
          %mul3A_562 = arith.mulf %gather3A_557, %gather3A_557 : vector<16xf32>
          %add3A_563 = arith.addf %add3A_561, %mul3A_562 : vector<16xf32>
          %mul3A_564 = arith.mulf %gather3A_558, %gather3A_558 : vector<16xf32>
          %add3A_565 = arith.addf %add3A_563, %mul3A_564 : vector<16xf32>
          %div3A_566 = arith.constant 1.000000e+00 : f32
          %div3A_567 = vector.broadcast %div3A_566 : f32 to vector<16xf32>
          %div3A_568 = arith.divf %div3A_567, %add3A_565 : vector<16xf32>
          %mul3A_569 = arith.mulf %gather3A_551, %gather3A_555 : vector<16xf32>
          %mul3A_570 = arith.mulf %gather3A_552, %gather3A_556 : vector<16xf32>
          %add3A_571 = arith.addf %mul3A_569, %mul3A_570 : vector<16xf32>
          %mul3A_572 = arith.mulf %gather3A_553, %gather3A_557 : vector<16xf32>
          %add3A_573 = arith.addf %add3A_571, %mul3A_572 : vector<16xf32>
          %mul3A_574 = arith.mulf %gather3A_554, %gather3A_558 : vector<16xf32>
          %add3A_575 = arith.addf %add3A_573, %mul3A_574 : vector<16xf32>
          %mul3A_576 = arith.mulf %add3A_575, %div3A_568 : vector<16xf32>
          %mul3A_577 = arith.mulf %gather3A_552, %gather3A_555 : vector<16xf32>
          %mul3A_578 = arith.mulf %gather3A_551, %gather3A_556 : vector<16xf32>
          %sub3A_579 = arith.subf %mul3A_577, %mul3A_578 : vector<16xf32>
          %mul3A_580 = arith.mulf %gather3A_553, %gather3A_558 : vector<16xf32>
          %sub3A_581 = arith.subf %sub3A_579, %mul3A_580 : vector<16xf32>
          %mul3A_582 = arith.mulf %gather3A_554, %gather3A_557 : vector<16xf32>
          %add3A_583 = arith.addf %sub3A_581, %mul3A_582 : vector<16xf32>
          %mul3A_584 = arith.mulf %add3A_583, %div3A_568 : vector<16xf32>
          %mul3A_585 = arith.mulf %gather3A_553, %gather3A_555 : vector<16xf32>
          %mul3A_586 = arith.mulf %gather3A_551, %gather3A_557 : vector<16xf32>
          %sub3A_587 = arith.subf %mul3A_585, %mul3A_586 : vector<16xf32>
          %mul3A_588 = arith.mulf %gather3A_552, %gather3A_558 : vector<16xf32>
          %add3A_589 = arith.addf %sub3A_587, %mul3A_588 : vector<16xf32>
          %mul3A_590 = arith.mulf %gather3A_554, %gather3A_556 : vector<16xf32>
          %sub3A_591 = arith.subf %add3A_589, %mul3A_590 : vector<16xf32>
          %mul3A_592 = arith.mulf %sub3A_591, %div3A_568 : vector<16xf32>
          %mul3A_593 = arith.mulf %gather3A_554, %gather3A_555 : vector<16xf32>
          %mul3A_594 = arith.mulf %gather3A_551, %gather3A_558 : vector<16xf32>
          %sub3A_595 = arith.subf %mul3A_593, %mul3A_594 : vector<16xf32>
          %mul3A_596 = arith.mulf %gather3A_552, %gather3A_557 : vector<16xf32>
          %sub3A_597 = arith.subf %sub3A_595, %mul3A_596 : vector<16xf32>
          %mul3A_598 = arith.mulf %gather3A_553, %gather3A_556 : vector<16xf32>
          %add3A_599 = arith.addf %sub3A_597, %mul3A_598 : vector<16xf32>
          %mul3A_600 = arith.mulf %add3A_599, %div3A_568 : vector<16xf32>
          tpu.vector_store_idx %arg24[%add3A_482, %broadcast_in_dim3A_541], %mul3A_576 : memref<256x32xf32, #tpu.memory_space<vmem>>[vector<16xi32>, vector<16xi32>], vector<16xf32>,
          tpu.vector_store_idx %arg24[%add3A_482, %add3A_544], %mul3A_584 : memref<256x32xf32, #tpu.memory_space<vmem>>[vector<16xi32>, vector<16xi32>], vector<16xf32>,
          tpu.vector_store_idx %arg24[%add3A_482, %add3A_547], %mul3A_592 : memref<256x32xf32, #tpu.memory_space<vmem>>[vector<16xi32>, vector<16xi32>], vector<16xf32>,
          tpu.vector_store_idx %arg24[%add3A_482, %add3A_550], %mul3A_600 : memref<256x32xf32, #tpu.memory_space<vmem>>[vector<16xi32>, vector<16xi32>], vector<16xf32>,
          %broadcast_in_dim3A_601 = arith.constant 8 : i32
          %broadcast_in_dim3A_602 = vector.broadcast %broadcast_in_dim3A_601 : i32 to vector<16xi32>
          %add3A_603 = arith.constant 1 : i32
          %add3A_604 = vector.broadcast %add3A_603 : i32 to vector<16xi32>
          %add3A_605 = arith.addi %broadcast_in_dim3A_602, %add3A_604 : vector<16xi32>
          %add3A_606 = arith.constant 2 : i32
          %add3A_607 = vector.broadcast %add3A_606 : i32 to vector<16xi32>
          %add3A_608 = arith.addi %broadcast_in_dim3A_602, %add3A_607 : vector<16xi32>
          %add3A_609 = arith.constant 3 : i32
          %add3A_610 = vector.broadcast %add3A_609 : i32 to vector<16xi32>
          %add3A_611 = arith.addi %broadcast_in_dim3A_602, %add3A_610 : vector<16xi32>
          %gather3A_612 = tpu.vector_load_idx %arg16[%add3A_482, %broadcast_in_dim3A_602] : memref<256x32xf32, #tpu.memory_space<vmem>>[vector<16xi32>, vector<16xi32>], vector<16xf32>,
          %gather3A_613 = tpu.vector_load_idx %arg16[%add3A_482, %add3A_605] : memref<256x32xf32, #tpu.memory_space<vmem>>[vector<16xi32>, vector<16xi32>], vector<16xf32>,
          %gather3A_614 = tpu.vector_load_idx %arg16[%add3A_482, %add3A_608] : memref<256x32xf32, #tpu.memory_space<vmem>>[vector<16xi32>, vector<16xi32>], vector<16xf32>,
          %gather3A_615 = tpu.vector_load_idx %arg16[%add3A_482, %add3A_611] : memref<256x32xf32, #tpu.memory_space<vmem>>[vector<16xi32>, vector<16xi32>], vector<16xf32>,
          %gather3A_616 = tpu.vector_load_idx %arg20[%add3A_482, %broadcast_in_dim3A_602] : memref<256x32xf32, #tpu.memory_space<vmem>>[vector<16xi32>, vector<16xi32>], vector<16xf32>,
          %gather3A_617 = tpu.vector_load_idx %arg20[%add3A_482, %add3A_605] : memref<256x32xf32, #tpu.memory_space<vmem>>[vector<16xi32>, vector<16xi32>], vector<16xf32>,
          %gather3A_618 = tpu.vector_load_idx %arg20[%add3A_482, %add3A_608] : memref<256x32xf32, #tpu.memory_space<vmem>>[vector<16xi32>, vector<16xi32>], vector<16xf32>,
          %gather3A_619 = tpu.vector_load_idx %arg20[%add3A_482, %add3A_611] : memref<256x32xf32, #tpu.memory_space<vmem>>[vector<16xi32>, vector<16xi32>], vector<16xf32>,
          %mul3A_620 = arith.mulf %gather3A_616, %gather3A_616 : vector<16xf32>
          %mul3A_621 = arith.mulf %gather3A_617, %gather3A_617 : vector<16xf32>
          %add3A_622 = arith.addf %mul3A_620, %mul3A_621 : vector<16xf32>
          %mul3A_623 = arith.mulf %gather3A_618, %gather3A_618 : vector<16xf32>
          %add3A_624 = arith.addf %add3A_622, %mul3A_623 : vector<16xf32>
          %mul3A_625 = arith.mulf %gather3A_619, %gather3A_619 : vector<16xf32>
          %add3A_626 = arith.addf %add3A_624, %mul3A_625 : vector<16xf32>
          %div3A_627 = arith.constant 1.000000e+00 : f32
          %div3A_628 = vector.broadcast %div3A_627 : f32 to vector<16xf32>
          %div3A_629 = arith.divf %div3A_628, %add3A_626 : vector<16xf32>
          %mul3A_630 = arith.mulf %gather3A_612, %gather3A_616 : vector<16xf32>
          %mul3A_631 = arith.mulf %gather3A_613, %gather3A_617 : vector<16xf32>
          %add3A_632 = arith.addf %mul3A_630, %mul3A_631 : vector<16xf32>
          %mul3A_633 = arith.mulf %gather3A_614, %gather3A_618 : vector<16xf32>
          %add3A_634 = arith.addf %add3A_632, %mul3A_633 : vector<16xf32>
          %mul3A_635 = arith.mulf %gather3A_615, %gather3A_619 : vector<16xf32>
          %add3A_636 = arith.addf %add3A_634, %mul3A_635 : vector<16xf32>
          %mul3A_637 = arith.mulf %add3A_636, %div3A_629 : vector<16xf32>
          %mul3A_638 = arith.mulf %gather3A_613, %gather3A_616 : vector<16xf32>
          %mul3A_639 = arith.mulf %gather3A_612, %gather3A_617 : vector<16xf32>
          %sub3A_640 = arith.subf %mul3A_638, %mul3A_639 : vector<16xf32>
          %mul3A_641 = arith.mulf %gather3A_614, %gather3A_619 : vector<16xf32>
          %sub3A_642 = arith.subf %sub3A_640, %mul3A_641 : vector<16xf32>
          %mul3A_643 = arith.mulf %gather3A_615, %gather3A_618 : vector<16xf32>
          %add3A_644 = arith.addf %sub3A_642, %mul3A_643 : vector<16xf32>
          %mul3A_645 = arith.mulf %add3A_644, %div3A_629 : vector<16xf32>
          %mul3A_646 = arith.mulf %gather3A_614, %gather3A_616 : vector<16xf32>
          %mul3A_647 = arith.mulf %gather3A_612, %gather3A_618 : vector<16xf32>
          %sub3A_648 = arith.subf %mul3A_646, %mul3A_647 : vector<16xf32>
          %mul3A_649 = arith.mulf %gather3A_613, %gather3A_619 : vector<16xf32>
          %add3A_650 = arith.addf %sub3A_648, %mul3A_649 : vector<16xf32>
          %mul3A_651 = arith.mulf %gather3A_615, %gather3A_617 : vector<16xf32>
          %sub3A_652 = arith.subf %add3A_650, %mul3A_651 : vector<16xf32>
          %mul3A_653 = arith.mulf %sub3A_652, %div3A_629 : vector<16xf32>
          %mul3A_654 = arith.mulf %gather3A_615, %gather3A_616 : vector<16xf32>
          %mul3A_655 = arith.mulf %gather3A_612, %gather3A_619 : vector<16xf32>
          %sub3A_656 = arith.subf %mul3A_654, %mul3A_655 : vector<16xf32>
          %mul3A_657 = arith.mulf %gather3A_613, %gather3A_618 : vector<16xf32>
          %sub3A_658 = arith.subf %sub3A_656, %mul3A_657 : vector<16xf32>
          %mul3A_659 = arith.mulf %gather3A_614, %gather3A_617 : vector<16xf32>
          %add3A_660 = arith.addf %sub3A_658, %mul3A_659 : vector<16xf32>
          %mul3A_661 = arith.mulf %add3A_660, %div3A_629 : vector<16xf32>
          tpu.vector_store_idx %arg24[%add3A_482, %broadcast_in_dim3A_602], %mul3A_637 : memref<256x32xf32, #tpu.memory_space<vmem>>[vector<16xi32>, vector<16xi32>], vector<16xf32>,
          tpu.vector_store_idx %arg24[%add3A_482, %add3A_605], %mul3A_645 : memref<256x32xf32, #tpu.memory_space<vmem>>[vector<16xi32>, vector<16xi32>], vector<16xf32>,
          tpu.vector_store_idx %arg24[%add3A_482, %add3A_608], %mul3A_653 : memref<256x32xf32, #tpu.memory_space<vmem>>[vector<16xi32>, vector<16xi32>], vector<16xf32>,
          tpu.vector_store_idx %arg24[%add3A_482, %add3A_611], %mul3A_661 : memref<256x32xf32, #tpu.memory_space<vmem>>[vector<16xi32>, vector<16xi32>], vector<16xf32>,
          %broadcast_in_dim3A_662 = arith.constant 12 : i32
          %broadcast_in_dim3A_663 = vector.broadcast %broadcast_in_dim3A_662 : i32 to vector<16xi32>
          %add3A_664 = arith.constant 1 : i32
          %add3A_665 = vector.broadcast %add3A_664 : i32 to vector<16xi32>
          %add3A_666 = arith.addi %broadcast_in_dim3A_663, %add3A_665 : vector<16xi32>
          %add3A_667 = arith.constant 2 : i32
          %add3A_668 = vector.broadcast %add3A_667 : i32 to vector<16xi32>
          %add3A_669 = arith.addi %broadcast_in_dim3A_663, %add3A_668 : vector<16xi32>
          %add3A_670 = arith.constant 3 : i32
          %add3A_671 = vector.broadcast %add3A_670 : i32 to vector<16xi32>
          %add3A_672 = arith.addi %broadcast_in_dim3A_663, %add3A_671 : vector<16xi32>
          %gather3A_673 = tpu.vector_load_idx %arg16[%add3A_482, %broadcast_in_dim3A_663] : memref<256x32xf32, #tpu.memory_space<vmem>>[vector<16xi32>, vector<16xi32>], vector<16xf32>,
          %gather3A_674 = tpu.vector_load_idx %arg16[%add3A_482, %add3A_666] : memref<256x32xf32, #tpu.memory_space<vmem>>[vector<16xi32>, vector<16xi32>], vector<16xf32>,
          %gather3A_675 = tpu.vector_load_idx %arg16[%add3A_482, %add3A_669] : memref<256x32xf32, #tpu.memory_space<vmem>>[vector<16xi32>, vector<16xi32>], vector<16xf32>,
          %gather3A_676 = tpu.vector_load_idx %arg16[%add3A_482, %add3A_672] : memref<256x32xf32, #tpu.memory_space<vmem>>[vector<16xi32>, vector<16xi32>], vector<16xf32>,
          %gather3A_677 = tpu.vector_load_idx %arg20[%add3A_482, %broadcast_in_dim3A_663] : memref<256x32xf32, #tpu.memory_space<vmem>>[vector<16xi32>, vector<16xi32>], vector<16xf32>,
          %gather3A_678 = tpu.vector_load_idx %arg20[%add3A_482, %add3A_666] : memref<256x32xf32, #tpu.memory_space<vmem>>[vector<16xi32>, vector<16xi32>], vector<16xf32>,
          %gather3A_679 = tpu.vector_load_idx %arg20[%add3A_482, %add3A_669] : memref<256x32xf32, #tpu.memory_space<vmem>>[vector<16xi32>, vector<16xi32>], vector<16xf32>,
          %gather3A_680 = tpu.vector_load_idx %arg20[%add3A_482, %add3A_672] : memref<256x32xf32, #tpu.memory_space<vmem>>[vector<16xi32>, vector<16xi32>], vector<16xf32>,
          %mul3A_681 = arith.mulf %gather3A_677, %gather3A_677 : vector<16xf32>
          %mul3A_682 = arith.mulf %gather3A_678, %gather3A_678 : vector<16xf32>
          %add3A_683 = arith.addf %mul3A_681, %mul3A_682 : vector<16xf32>
          %mul3A_684 = arith.mulf %gather3A_679, %gather3A_679 : vector<16xf32>
          %add3A_685 = arith.addf %add3A_683, %mul3A_684 : vector<16xf32>
          %mul3A_686 = arith.mulf %gather3A_680, %gather3A_680 : vector<16xf32>
          %add3A_687 = arith.addf %add3A_685, %mul3A_686 : vector<16xf32>
          %div3A_688 = arith.constant 1.000000e+00 : f32
          %div3A_689 = vector.broadcast %div3A_688 : f32 to vector<16xf32>
          %div3A_690 = arith.divf %div3A_689, %add3A_687 : vector<16xf32>
          %mul3A_691 = arith.mulf %gather3A_673, %gather3A_677 : vector<16xf32>
          %mul3A_692 = arith.mulf %gather3A_674, %gather3A_678 : vector<16xf32>
          %add3A_693 = arith.addf %mul3A_691, %mul3A_692 : vector<16xf32>
          %mul3A_694 = arith.mulf %gather3A_675, %gather3A_679 : vector<16xf32>
          %add3A_695 = arith.addf %add3A_693, %mul3A_694 : vector<16xf32>
          %mul3A_696 = arith.mulf %gather3A_676, %gather3A_680 : vector<16xf32>
          %add3A_697 = arith.addf %add3A_695, %mul3A_696 : vector<16xf32>
          %mul3A_698 = arith.mulf %add3A_697, %div3A_690 : vector<16xf32>
          %mul3A_699 = arith.mulf %gather3A_674, %gather3A_677 : vector<16xf32>
          %mul3A_700 = arith.mulf %gather3A_673, %gather3A_678 : vector<16xf32>
          %sub3A_701 = arith.subf %mul3A_699, %mul3A_700 : vector<16xf32>
          %mul3A_702 = arith.mulf %gather3A_675, %gather3A_680 : vector<16xf32>
          %sub3A_703 = arith.subf %sub3A_701, %mul3A_702 : vector<16xf32>
          %mul3A_704 = arith.mulf %gather3A_676, %gather3A_679 : vector<16xf32>
          %add3A_705 = arith.addf %sub3A_703, %mul3A_704 : vector<16xf32>
          %mul3A_706 = arith.mulf %add3A_705, %div3A_690 : vector<16xf32>
          %mul3A_707 = arith.mulf %gather3A_675, %gather3A_677 : vector<16xf32>
          %mul3A_708 = arith.mulf %gather3A_673, %gather3A_679 : vector<16xf32>
          %sub3A_709 = arith.subf %mul3A_707, %mul3A_708 : vector<16xf32>
          %mul3A_710 = arith.mulf %gather3A_674, %gather3A_680 : vector<16xf32>
          %add3A_711 = arith.addf %sub3A_709, %mul3A_710 : vector<16xf32>
          %mul3A_712 = arith.mulf %gather3A_676, %gather3A_678 : vector<16xf32>
          %sub3A_713 = arith.subf %add3A_711, %mul3A_712 : vector<16xf32>
          %mul3A_714 = arith.mulf %sub3A_713, %div3A_690 : vector<16xf32>
          %mul3A_715 = arith.mulf %gather3A_676, %gather3A_677 : vector<16xf32>
          %mul3A_716 = arith.mulf %gather3A_673, %gather3A_680 : vector<16xf32>
          %sub3A_717 = arith.subf %mul3A_715, %mul3A_716 : vector<16xf32>
          %mul3A_718 = arith.mulf %gather3A_674, %gather3A_679 : vector<16xf32>
          %sub3A_719 = arith.subf %sub3A_717, %mul3A_718 : vector<16xf32>
          %mul3A_720 = arith.mulf %gather3A_675, %gather3A_678 : vector<16xf32>
          %add3A_721 = arith.addf %sub3A_719, %mul3A_720 : vector<16xf32>
          %mul3A_722 = arith.mulf %add3A_721, %div3A_690 : vector<16xf32>
          tpu.vector_store_idx %arg24[%add3A_482, %broadcast_in_dim3A_663], %mul3A_698 : memref<256x32xf32, #tpu.memory_space<vmem>>[vector<16xi32>, vector<16xi32>], vector<16xf32>,
          tpu.vector_store_idx %arg24[%add3A_482, %add3A_666], %mul3A_706 : memref<256x32xf32, #tpu.memory_space<vmem>>[vector<16xi32>, vector<16xi32>], vector<16xf32>,
          tpu.vector_store_idx %arg24[%add3A_482, %add3A_669], %mul3A_714 : memref<256x32xf32, #tpu.memory_space<vmem>>[vector<16xi32>, vector<16xi32>], vector<16xf32>,
          tpu.vector_store_idx %arg24[%add3A_482, %add3A_672], %mul3A_722 : memref<256x32xf32, #tpu.memory_space<vmem>>[vector<16xi32>, vector<16xi32>], vector<16xf32>,
          %broadcast_in_dim3A_723 = arith.constant 16 : i32
          %broadcast_in_dim3A_724 = vector.broadcast %broadcast_in_dim3A_723 : i32 to vector<16xi32>
          %add3A_725 = arith.constant 1 : i32
          %add3A_726 = vector.broadcast %add3A_725 : i32 to vector<16xi32>
          %add3A_727 = arith.addi %broadcast_in_dim3A_724, %add3A_726 : vector<16xi32>
          %add3A_728 = arith.constant 2 : i32
          %add3A_729 = vector.broadcast %add3A_728 : i32 to vector<16xi32>
          %add3A_730 = arith.addi %broadcast_in_dim3A_724, %add3A_729 : vector<16xi32>
          %add3A_731 = arith.constant 3 : i32
          %add3A_732 = vector.broadcast %add3A_731 : i32 to vector<16xi32>
          %add3A_733 = arith.addi %broadcast_in_dim3A_724, %add3A_732 : vector<16xi32>
          %gather3A_734 = tpu.vector_load_idx %arg16[%add3A_482, %broadcast_in_dim3A_724] : memref<256x32xf32, #tpu.memory_space<vmem>>[vector<16xi32>, vector<16xi32>], vector<16xf32>,
          %gather3A_735 = tpu.vector_load_idx %arg16[%add3A_482, %add3A_727] : memref<256x32xf32, #tpu.memory_space<vmem>>[vector<16xi32>, vector<16xi32>], vector<16xf32>,
          %gather3A_736 = tpu.vector_load_idx %arg16[%add3A_482, %add3A_730] : memref<256x32xf32, #tpu.memory_space<vmem>>[vector<16xi32>, vector<16xi32>], vector<16xf32>,
          %gather3A_737 = tpu.vector_load_idx %arg16[%add3A_482, %add3A_733] : memref<256x32xf32, #tpu.memory_space<vmem>>[vector<16xi32>, vector<16xi32>], vector<16xf32>,
          %gather3A_738 = tpu.vector_load_idx %arg20[%add3A_482, %broadcast_in_dim3A_724] : memref<256x32xf32, #tpu.memory_space<vmem>>[vector<16xi32>, vector<16xi32>], vector<16xf32>,
          %gather3A_739 = tpu.vector_load_idx %arg20[%add3A_482, %add3A_727] : memref<256x32xf32, #tpu.memory_space<vmem>>[vector<16xi32>, vector<16xi32>], vector<16xf32>,
          %gather3A_740 = tpu.vector_load_idx %arg20[%add3A_482, %add3A_730] : memref<256x32xf32, #tpu.memory_space<vmem>>[vector<16xi32>, vector<16xi32>], vector<16xf32>,
          %gather3A_741 = tpu.vector_load_idx %arg20[%add3A_482, %add3A_733] : memref<256x32xf32, #tpu.memory_space<vmem>>[vector<16xi32>, vector<16xi32>], vector<16xf32>,
          %mul3A_742 = arith.mulf %gather3A_738, %gather3A_738 : vector<16xf32>
          %mul3A_743 = arith.mulf %gather3A_739, %gather3A_739 : vector<16xf32>
          %add3A_744 = arith.addf %mul3A_742, %mul3A_743 : vector<16xf32>
          %mul3A_745 = arith.mulf %gather3A_740, %gather3A_740 : vector<16xf32>
          %add3A_746 = arith.addf %add3A_744, %mul3A_745 : vector<16xf32>
          %mul3A_747 = arith.mulf %gather3A_741, %gather3A_741 : vector<16xf32>
          %add3A_748 = arith.addf %add3A_746, %mul3A_747 : vector<16xf32>
          %div3A_749 = arith.constant 1.000000e+00 : f32
          %div3A_750 = vector.broadcast %div3A_749 : f32 to vector<16xf32>
          %div3A_751 = arith.divf %div3A_750, %add3A_748 : vector<16xf32>
          %mul3A_752 = arith.mulf %gather3A_734, %gather3A_738 : vector<16xf32>
          %mul3A_753 = arith.mulf %gather3A_735, %gather3A_739 : vector<16xf32>
          %add3A_754 = arith.addf %mul3A_752, %mul3A_753 : vector<16xf32>
          %mul3A_755 = arith.mulf %gather3A_736, %gather3A_740 : vector<16xf32>
          %add3A_756 = arith.addf %add3A_754, %mul3A_755 : vector<16xf32>
          %mul3A_757 = arith.mulf %gather3A_737, %gather3A_741 : vector<16xf32>
          %add3A_758 = arith.addf %add3A_756, %mul3A_757 : vector<16xf32>
          %mul3A_759 = arith.mulf %add3A_758, %div3A_751 : vector<16xf32>
          %mul3A_760 = arith.mulf %gather3A_735, %gather3A_738 : vector<16xf32>
          %mul3A_761 = arith.mulf %gather3A_734, %gather3A_739 : vector<16xf32>
          %sub3A_762 = arith.subf %mul3A_760, %mul3A_761 : vector<16xf32>
          %mul3A_763 = arith.mulf %gather3A_736, %gather3A_741 : vector<16xf32>
          %sub3A_764 = arith.subf %sub3A_762, %mul3A_763 : vector<16xf32>
          %mul3A_765 = arith.mulf %gather3A_737, %gather3A_740 : vector<16xf32>
          %add3A_766 = arith.addf %sub3A_764, %mul3A_765 : vector<16xf32>
          %mul3A_767 = arith.mulf %add3A_766, %div3A_751 : vector<16xf32>
          %mul3A_768 = arith.mulf %gather3A_736, %gather3A_738 : vector<16xf32>
          %mul3A_769 = arith.mulf %gather3A_734, %gather3A_740 : vector<16xf32>
          %sub3A_770 = arith.subf %mul3A_768, %mul3A_769 : vector<16xf32>
          %mul3A_771 = arith.mulf %gather3A_735, %gather3A_741 : vector<16xf32>
          %add3A_772 = arith.addf %sub3A_770, %mul3A_771 : vector<16xf32>
          %mul3A_773 = arith.mulf %gather3A_737, %gather3A_739 : vector<16xf32>
          %sub3A_774 = arith.subf %add3A_772, %mul3A_773 : vector<16xf32>
          %mul3A_775 = arith.mulf %sub3A_774, %div3A_751 : vector<16xf32>
          %mul3A_776 = arith.mulf %gather3A_737, %gather3A_738 : vector<16xf32>
          %mul3A_777 = arith.mulf %gather3A_734, %gather3A_741 : vector<16xf32>
          %sub3A_778 = arith.subf %mul3A_776, %mul3A_777 : vector<16xf32>
          %mul3A_779 = arith.mulf %gather3A_735, %gather3A_740 : vector<16xf32>
          %sub3A_780 = arith.subf %sub3A_778, %mul3A_779 : vector<16xf32>
          %mul3A_781 = arith.mulf %gather3A_736, %gather3A_739 : vector<16xf32>
          %add3A_782 = arith.addf %sub3A_780, %mul3A_781 : vector<16xf32>
          %mul3A_783 = arith.mulf %add3A_782, %div3A_751 : vector<16xf32>
          tpu.vector_store_idx %arg24[%add3A_482, %broadcast_in_dim3A_724], %mul3A_759 : memref<256x32xf32, #tpu.memory_space<vmem>>[vector<16xi32>, vector<16xi32>], vector<16xf32>,
          tpu.vector_store_idx %arg24[%add3A_482, %add3A_727], %mul3A_767 : memref<256x32xf32, #tpu.memory_space<vmem>>[vector<16xi32>, vector<16xi32>], vector<16xf32>,
          tpu.vector_store_idx %arg24[%add3A_482, %add3A_730], %mul3A_775 : memref<256x32xf32, #tpu.memory_space<vmem>>[vector<16xi32>, vector<16xi32>], vector<16xf32>,
          tpu.vector_store_idx %arg24[%add3A_482, %add3A_733], %mul3A_783 : memref<256x32xf32, #tpu.memory_space<vmem>>[vector<16xi32>, vector<16xi32>], vector<16xf32>,
          %broadcast_in_dim3A_784 = arith.constant 20 : i32
          %broadcast_in_dim3A_785 = vector.broadcast %broadcast_in_dim3A_784 : i32 to vector<16xi32>
          %add3A_786 = arith.constant 1 : i32
          %add3A_787 = vector.broadcast %add3A_786 : i32 to vector<16xi32>
          %add3A_788 = arith.addi %broadcast_in_dim3A_785, %add3A_787 : vector<16xi32>
          %add3A_789 = arith.constant 2 : i32
          %add3A_790 = vector.broadcast %add3A_789 : i32 to vector<16xi32>
          %add3A_791 = arith.addi %broadcast_in_dim3A_785, %add3A_790 : vector<16xi32>
          %add3A_792 = arith.constant 3 : i32
          %add3A_793 = vector.broadcast %add3A_792 : i32 to vector<16xi32>
          %add3A_794 = arith.addi %broadcast_in_dim3A_785, %add3A_793 : vector<16xi32>
          %gather3A_795 = tpu.vector_load_idx %arg16[%add3A_482, %broadcast_in_dim3A_785] : memref<256x32xf32, #tpu.memory_space<vmem>>[vector<16xi32>, vector<16xi32>], vector<16xf32>,
          %gather3A_796 = tpu.vector_load_idx %arg16[%add3A_482, %add3A_788] : memref<256x32xf32, #tpu.memory_space<vmem>>[vector<16xi32>, vector<16xi32>], vector<16xf32>,
          %gather3A_797 = tpu.vector_load_idx %arg16[%add3A_482, %add3A_791] : memref<256x32xf32, #tpu.memory_space<vmem>>[vector<16xi32>, vector<16xi32>], vector<16xf32>,
          %gather3A_798 = tpu.vector_load_idx %arg16[%add3A_482, %add3A_794] : memref<256x32xf32, #tpu.memory_space<vmem>>[vector<16xi32>, vector<16xi32>], vector<16xf32>,
          %gather3A_799 = tpu.vector_load_idx %arg20[%add3A_482, %broadcast_in_dim3A_785] : memref<256x32xf32, #tpu.memory_space<vmem>>[vector<16xi32>, vector<16xi32>], vector<16xf32>,
          %gather3A_800 = tpu.vector_load_idx %arg20[%add3A_482, %add3A_788] : memref<256x32xf32, #tpu.memory_space<vmem>>[vector<16xi32>, vector<16xi32>], vector<16xf32>,
          %gather3A_801 = tpu.vector_load_idx %arg20[%add3A_482, %add3A_791] : memref<256x32xf32, #tpu.memory_space<vmem>>[vector<16xi32>, vector<16xi32>], vector<16xf32>,
          %gather3A_802 = tpu.vector_load_idx %arg20[%add3A_482, %add3A_794] : memref<256x32xf32, #tpu.memory_space<vmem>>[vector<16xi32>, vector<16xi32>], vector<16xf32>,
          %mul3A_803 = arith.mulf %gather3A_799, %gather3A_799 : vector<16xf32>
          %mul3A_804 = arith.mulf %gather3A_800, %gather3A_800 : vector<16xf32>
          %add3A_805 = arith.addf %mul3A_803, %mul3A_804 : vector<16xf32>
          %mul3A_806 = arith.mulf %gather3A_801, %gather3A_801 : vector<16xf32>
          %add3A_807 = arith.addf %add3A_805, %mul3A_806 : vector<16xf32>
          %mul3A_808 = arith.mulf %gather3A_802, %gather3A_802 : vector<16xf32>
          %add3A_809 = arith.addf %add3A_807, %mul3A_808 : vector<16xf32>
          %div3A_810 = arith.constant 1.000000e+00 : f32
          %div3A_811 = vector.broadcast %div3A_810 : f32 to vector<16xf32>
          %div3A_812 = arith.divf %div3A_811, %add3A_809 : vector<16xf32>
          %mul3A_813 = arith.mulf %gather3A_795, %gather3A_799 : vector<16xf32>
          %mul3A_814 = arith.mulf %gather3A_796, %gather3A_800 : vector<16xf32>
          %add3A_815 = arith.addf %mul3A_813, %mul3A_814 : vector<16xf32>
          %mul3A_816 = arith.mulf %gather3A_797, %gather3A_801 : vector<16xf32>
          %add3A_817 = arith.addf %add3A_815, %mul3A_816 : vector<16xf32>
          %mul3A_818 = arith.mulf %gather3A_798, %gather3A_802 : vector<16xf32>
          %add3A_819 = arith.addf %add3A_817, %mul3A_818 : vector<16xf32>
          %mul3A_820 = arith.mulf %add3A_819, %div3A_812 : vector<16xf32>
          %mul3A_821 = arith.mulf %gather3A_796, %gather3A_799 : vector<16xf32>
          %mul3A_822 = arith.mulf %gather3A_795, %gather3A_800 : vector<16xf32>
          %sub3A_823 = arith.subf %mul3A_821, %mul3A_822 : vector<16xf32>
          %mul3A_824 = arith.mulf %gather3A_797, %gather3A_802 : vector<16xf32>
          %sub3A_825 = arith.subf %sub3A_823, %mul3A_824 : vector<16xf32>
          %mul3A_826 = arith.mulf %gather3A_798, %gather3A_801 : vector<16xf32>
          %add3A_827 = arith.addf %sub3A_825, %mul3A_826 : vector<16xf32>
          %mul3A_828 = arith.mulf %add3A_827, %div3A_812 : vector<16xf32>
          %mul3A_829 = arith.mulf %gather3A_797, %gather3A_799 : vector<16xf32>
          %mul3A_830 = arith.mulf %gather3A_795, %gather3A_801 : vector<16xf32>
          %sub3A_831 = arith.subf %mul3A_829, %mul3A_830 : vector<16xf32>
          %mul3A_832 = arith.mulf %gather3A_796, %gather3A_802 : vector<16xf32>
          %add3A_833 = arith.addf %sub3A_831, %mul3A_832 : vector<16xf32>
          %mul3A_834 = arith.mulf %gather3A_798, %gather3A_800 : vector<16xf32>
          %sub3A_835 = arith.subf %add3A_833, %mul3A_834 : vector<16xf32>
          %mul3A_836 = arith.mulf %sub3A_835, %div3A_812 : vector<16xf32>
          %mul3A_837 = arith.mulf %gather3A_798, %gather3A_799 : vector<16xf32>
          %mul3A_838 = arith.mulf %gather3A_795, %gather3A_802 : vector<16xf32>
          %sub3A_839 = arith.subf %mul3A_837, %mul3A_838 : vector<16xf32>
          %mul3A_840 = arith.mulf %gather3A_796, %gather3A_801 : vector<16xf32>
          %sub3A_841 = arith.subf %sub3A_839, %mul3A_840 : vector<16xf32>
          %mul3A_842 = arith.mulf %gather3A_797, %gather3A_800 : vector<16xf32>
          %add3A_843 = arith.addf %sub3A_841, %mul3A_842 : vector<16xf32>
          %mul3A_844 = arith.mulf %add3A_843, %div3A_812 : vector<16xf32>
          tpu.vector_store_idx %arg24[%add3A_482, %broadcast_in_dim3A_785], %mul3A_820 : memref<256x32xf32, #tpu.memory_space<vmem>>[vector<16xi32>, vector<16xi32>], vector<16xf32>,
          tpu.vector_store_idx %arg24[%add3A_482, %add3A_788], %mul3A_828 : memref<256x32xf32, #tpu.memory_space<vmem>>[vector<16xi32>, vector<16xi32>], vector<16xf32>,
          tpu.vector_store_idx %arg24[%add3A_482, %add3A_791], %mul3A_836 : memref<256x32xf32, #tpu.memory_space<vmem>>[vector<16xi32>, vector<16xi32>], vector<16xf32>,
          tpu.vector_store_idx %arg24[%add3A_482, %add3A_794], %mul3A_844 : memref<256x32xf32, #tpu.memory_space<vmem>>[vector<16xi32>, vector<16xi32>], vector<16xf32>,
          %broadcast_in_dim3A_845 = arith.constant 24 : i32
          %broadcast_in_dim3A_846 = vector.broadcast %broadcast_in_dim3A_845 : i32 to vector<16xi32>
          %add3A_847 = arith.constant 1 : i32
          %add3A_848 = vector.broadcast %add3A_847 : i32 to vector<16xi32>
          %add3A_849 = arith.addi %broadcast_in_dim3A_846, %add3A_848 : vector<16xi32>
          %add3A_850 = arith.constant 2 : i32
          %add3A_851 = vector.broadcast %add3A_850 : i32 to vector<16xi32>
          %add3A_852 = arith.addi %broadcast_in_dim3A_846, %add3A_851 : vector<16xi32>
          %add3A_853 = arith.constant 3 : i32
          %add3A_854 = vector.broadcast %add3A_853 : i32 to vector<16xi32>
          %add3A_855 = arith.addi %broadcast_in_dim3A_846, %add3A_854 : vector<16xi32>
          %gather3A_856 = tpu.vector_load_idx %arg16[%add3A_482, %broadcast_in_dim3A_846] : memref<256x32xf32, #tpu.memory_space<vmem>>[vector<16xi32>, vector<16xi32>], vector<16xf32>,
          %gather3A_857 = tpu.vector_load_idx %arg16[%add3A_482, %add3A_849] : memref<256x32xf32, #tpu.memory_space<vmem>>[vector<16xi32>, vector<16xi32>], vector<16xf32>,
          %gather3A_858 = tpu.vector_load_idx %arg16[%add3A_482, %add3A_852] : memref<256x32xf32, #tpu.memory_space<vmem>>[vector<16xi32>, vector<16xi32>], vector<16xf32>,
          %gather3A_859 = tpu.vector_load_idx %arg16[%add3A_482, %add3A_855] : memref<256x32xf32, #tpu.memory_space<vmem>>[vector<16xi32>, vector<16xi32>], vector<16xf32>,
          %gather3A_860 = tpu.vector_load_idx %arg20[%add3A_482, %broadcast_in_dim3A_846] : memref<256x32xf32, #tpu.memory_space<vmem>>[vector<16xi32>, vector<16xi32>], vector<16xf32>,
          %gather3A_861 = tpu.vector_load_idx %arg20[%add3A_482, %add3A_849] : memref<256x32xf32, #tpu.memory_space<vmem>>[vector<16xi32>, vector<16xi32>], vector<16xf32>,
          %gather3A_862 = tpu.vector_load_idx %arg20[%add3A_482, %add3A_852] : memref<256x32xf32, #tpu.memory_space<vmem>>[vector<16xi32>, vector<16xi32>], vector<16xf32>,
          %gather3A_863 = tpu.vector_load_idx %arg20[%add3A_482, %add3A_855] : memref<256x32xf32, #tpu.memory_space<vmem>>[vector<16xi32>, vector<16xi32>], vector<16xf32>,
          %mul3A_864 = arith.mulf %gather3A_860, %gather3A_860 : vector<16xf32>
          %mul3A_865 = arith.mulf %gather3A_861, %gather3A_861 : vector<16xf32>
          %add3A_866 = arith.addf %mul3A_864, %mul3A_865 : vector<16xf32>
          %mul3A_867 = arith.mulf %gather3A_862, %gather3A_862 : vector<16xf32>
          %add3A_868 = arith.addf %add3A_866, %mul3A_867 : vector<16xf32>
          %mul3A_869 = arith.mulf %gather3A_863, %gather3A_863 : vector<16xf32>
          %add3A_870 = arith.addf %add3A_868, %mul3A_869 : vector<16xf32>
          %div3A_871 = arith.constant 1.000000e+00 : f32
          %div3A_872 = vector.broadcast %div3A_871 : f32 to vector<16xf32>
          %div3A_873 = arith.divf %div3A_872, %add3A_870 : vector<16xf32>
          %mul3A_874 = arith.mulf %gather3A_856, %gather3A_860 : vector<16xf32>
          %mul3A_875 = arith.mulf %gather3A_857, %gather3A_861 : vector<16xf32>
          %add3A_876 = arith.addf %mul3A_874, %mul3A_875 : vector<16xf32>
          %mul3A_877 = arith.mulf %gather3A_858, %gather3A_862 : vector<16xf32>
          %add3A_878 = arith.addf %add3A_876, %mul3A_877 : vector<16xf32>
          %mul3A_879 = arith.mulf %gather3A_859, %gather3A_863 : vector<16xf32>
          %add3A_880 = arith.addf %add3A_878, %mul3A_879 : vector<16xf32>
          %mul3A_881 = arith.mulf %add3A_880, %div3A_873 : vector<16xf32>
          %mul3A_882 = arith.mulf %gather3A_857, %gather3A_860 : vector<16xf32>
          %mul3A_883 = arith.mulf %gather3A_856, %gather3A_861 : vector<16xf32>
          %sub3A_884 = arith.subf %mul3A_882, %mul3A_883 : vector<16xf32>
          %mul3A_885 = arith.mulf %gather3A_858, %gather3A_863 : vector<16xf32>
          %sub3A_886 = arith.subf %sub3A_884, %mul3A_885 : vector<16xf32>
          %mul3A_887 = arith.mulf %gather3A_859, %gather3A_862 : vector<16xf32>
          %add3A_888 = arith.addf %sub3A_886, %mul3A_887 : vector<16xf32>
          %mul3A_889 = arith.mulf %add3A_888, %div3A_873 : vector<16xf32>
          %mul3A_890 = arith.mulf %gather3A_858, %gather3A_860 : vector<16xf32>
          %mul3A_891 = arith.mulf %gather3A_856, %gather3A_862 : vector<16xf32>
          %sub3A_892 = arith.subf %mul3A_890, %mul3A_891 : vector<16xf32>
          %mul3A_893 = arith.mulf %gather3A_857, %gather3A_863 : vector<16xf32>
          %add3A_894 = arith.addf %sub3A_892, %mul3A_893 : vector<16xf32>
          %mul3A_895 = arith.mulf %gather3A_859, %gather3A_861 : vector<16xf32>
          %sub3A_896 = arith.subf %add3A_894, %mul3A_895 : vector<16xf32>
          %mul3A_897 = arith.mulf %sub3A_896, %div3A_873 : vector<16xf32>
          %mul3A_898 = arith.mulf %gather3A_859, %gather3A_860 : vector<16xf32>
          %mul3A_899 = arith.mulf %gather3A_856, %gather3A_863 : vector<16xf32>
          %sub3A_900 = arith.subf %mul3A_898, %mul3A_899 : vector<16xf32>
          %mul3A_901 = arith.mulf %gather3A_857, %gather3A_862 : vector<16xf32>
          %sub3A_902 = arith.subf %sub3A_900, %mul3A_901 : vector<16xf32>
          %mul3A_903 = arith.mulf %gather3A_858, %gather3A_861 : vector<16xf32>
          %add3A_904 = arith.addf %sub3A_902, %mul3A_903 : vector<16xf32>
          %mul3A_905 = arith.mulf %add3A_904, %div3A_873 : vector<16xf32>
          tpu.vector_store_idx %arg24[%add3A_482, %broadcast_in_dim3A_846], %mul3A_881 : memref<256x32xf32, #tpu.memory_space<vmem>>[vector<16xi32>, vector<16xi32>], vector<16xf32>,
          tpu.vector_store_idx %arg24[%add3A_482, %add3A_849], %mul3A_889 : memref<256x32xf32, #tpu.memory_space<vmem>>[vector<16xi32>, vector<16xi32>], vector<16xf32>,
          tpu.vector_store_idx %arg24[%add3A_482, %add3A_852], %mul3A_897 : memref<256x32xf32, #tpu.memory_space<vmem>>[vector<16xi32>, vector<16xi32>], vector<16xf32>,
          tpu.vector_store_idx %arg24[%add3A_482, %add3A_855], %mul3A_905 : memref<256x32xf32, #tpu.memory_space<vmem>>[vector<16xi32>, vector<16xi32>], vector<16xf32>,
          %broadcast_in_dim3A_906 = arith.constant 28 : i32
          %broadcast_in_dim3A_907 = vector.broadcast %broadcast_in_dim3A_906 : i32 to vector<16xi32>
          %add3A_908 = arith.constant 1 : i32
          %add3A_909 = vector.broadcast %add3A_908 : i32 to vector<16xi32>
          %add3A_910 = arith.addi %broadcast_in_dim3A_907, %add3A_909 : vector<16xi32>
          %add3A_911 = arith.constant 2 : i32
          %add3A_912 = vector.broadcast %add3A_911 : i32 to vector<16xi32>
          %add3A_913 = arith.addi %broadcast_in_dim3A_907, %add3A_912 : vector<16xi32>
          %add3A_914 = arith.constant 3 : i32
          %add3A_915 = vector.broadcast %add3A_914 : i32 to vector<16xi32>
          %add3A_916 = arith.addi %broadcast_in_dim3A_907, %add3A_915 : vector<16xi32>
          %gather3A_917 = tpu.vector_load_idx %arg16[%add3A_482, %broadcast_in_dim3A_907] : memref<256x32xf32, #tpu.memory_space<vmem>>[vector<16xi32>, vector<16xi32>], vector<16xf32>,
          %gather3A_918 = tpu.vector_load_idx %arg16[%add3A_482, %add3A_910] : memref<256x32xf32, #tpu.memory_space<vmem>>[vector<16xi32>, vector<16xi32>], vector<16xf32>,
          %gather3A_919 = tpu.vector_load_idx %arg16[%add3A_482, %add3A_913] : memref<256x32xf32, #tpu.memory_space<vmem>>[vector<16xi32>, vector<16xi32>], vector<16xf32>,
          %gather3A_920 = tpu.vector_load_idx %arg16[%add3A_482, %add3A_916] : memref<256x32xf32, #tpu.memory_space<vmem>>[vector<16xi32>, vector<16xi32>], vector<16xf32>,
          %gather3A_921 = tpu.vector_load_idx %arg20[%add3A_482, %broadcast_in_dim3A_907] : memref<256x32xf32, #tpu.memory_space<vmem>>[vector<16xi32>, vector<16xi32>], vector<16xf32>,
          %gather3A_922 = tpu.vector_load_idx %arg20[%add3A_482, %add3A_910] : memref<256x32xf32, #tpu.memory_space<vmem>>[vector<16xi32>, vector<16xi32>], vector<16xf32>,
          %gather3A_923 = tpu.vector_load_idx %arg20[%add3A_482, %add3A_913] : memref<256x32xf32, #tpu.memory_space<vmem>>[vector<16xi32>, vector<16xi32>], vector<16xf32>,
          %gather3A_924 = tpu.vector_load_idx %arg20[%add3A_482, %add3A_916] : memref<256x32xf32, #tpu.memory_space<vmem>>[vector<16xi32>, vector<16xi32>], vector<16xf32>,
          %mul3A_925 = arith.mulf %gather3A_921, %gather3A_921 : vector<16xf32>
          %mul3A_926 = arith.mulf %gather3A_922, %gather3A_922 : vector<16xf32>
          %add3A_927 = arith.addf %mul3A_925, %mul3A_926 : vector<16xf32>
          %mul3A_928 = arith.mulf %gather3A_923, %gather3A_923 : vector<16xf32>
          %add3A_929 = arith.addf %add3A_927, %mul3A_928 : vector<16xf32>
          %mul3A_930 = arith.mulf %gather3A_924, %gather3A_924 : vector<16xf32>
          %add3A_931 = arith.addf %add3A_929, %mul3A_930 : vector<16xf32>
          %div3A_932 = arith.constant 1.000000e+00 : f32
          %div3A_933 = vector.broadcast %div3A_932 : f32 to vector<16xf32>
          %div3A_934 = arith.divf %div3A_933, %add3A_931 : vector<16xf32>
          %mul3A_935 = arith.mulf %gather3A_917, %gather3A_921 : vector<16xf32>
          %mul3A_936 = arith.mulf %gather3A_918, %gather3A_922 : vector<16xf32>
          %add3A_937 = arith.addf %mul3A_935, %mul3A_936 : vector<16xf32>
          %mul3A_938 = arith.mulf %gather3A_919, %gather3A_923 : vector<16xf32>
          %add3A_939 = arith.addf %add3A_937, %mul3A_938 : vector<16xf32>
          %mul3A_940 = arith.mulf %gather3A_920, %gather3A_924 : vector<16xf32>
          %add3A_941 = arith.addf %add3A_939, %mul3A_940 : vector<16xf32>
          %mul3A_942 = arith.mulf %add3A_941, %div3A_934 : vector<16xf32>
          %mul3A_943 = arith.mulf %gather3A_918, %gather3A_921 : vector<16xf32>
          %mul3A_944 = arith.mulf %gather3A_917, %gather3A_922 : vector<16xf32>
          %sub3A_945 = arith.subf %mul3A_943, %mul3A_944 : vector<16xf32>
          %mul3A_946 = arith.mulf %gather3A_919, %gather3A_924 : vector<16xf32>
          %sub3A_947 = arith.subf %sub3A_945, %mul3A_946 : vector<16xf32>
          %mul3A_948 = arith.mulf %gather3A_920, %gather3A_923 : vector<16xf32>
          %add3A_949 = arith.addf %sub3A_947, %mul3A_948 : vector<16xf32>
          %mul3A_950 = arith.mulf %add3A_949, %div3A_934 : vector<16xf32>
          %mul3A_951 = arith.mulf %gather3A_919, %gather3A_921 : vector<16xf32>
          %mul3A_952 = arith.mulf %gather3A_917, %gather3A_923 : vector<16xf32>
          %sub3A_953 = arith.subf %mul3A_951, %mul3A_952 : vector<16xf32>
          %mul3A_954 = arith.mulf %gather3A_918, %gather3A_924 : vector<16xf32>
          %add3A_955 = arith.addf %sub3A_953, %mul3A_954 : vector<16xf32>
          %mul3A_956 = arith.mulf %gather3A_920, %gather3A_922 : vector<16xf32>
          %sub3A_957 = arith.subf %add3A_955, %mul3A_956 : vector<16xf32>
          %mul3A_958 = arith.mulf %sub3A_957, %div3A_934 : vector<16xf32>
          %mul3A_959 = arith.mulf %gather3A_920, %gather3A_921 : vector<16xf32>
          %mul3A_960 = arith.mulf %gather3A_917, %gather3A_924 : vector<16xf32>
          %sub3A_961 = arith.subf %mul3A_959, %mul3A_960 : vector<16xf32>
          %mul3A_962 = arith.mulf %gather3A_918, %gather3A_923 : vector<16xf32>
          %sub3A_963 = arith.subf %sub3A_961, %mul3A_962 : vector<16xf32>
          %mul3A_964 = arith.mulf %gather3A_919, %gather3A_922 : vector<16xf32>
          %add3A_965 = arith.addf %sub3A_963, %mul3A_964 : vector<16xf32>
          %mul3A_966 = arith.mulf %add3A_965, %div3A_934 : vector<16xf32>
          tpu.vector_store_idx %arg24[%add3A_482, %broadcast_in_dim3A_907], %mul3A_942 : memref<256x32xf32, #tpu.memory_space<vmem>>[vector<16xi32>, vector<16xi32>], vector<16xf32>,
          tpu.vector_store_idx %arg24[%add3A_482, %add3A_910], %mul3A_950 : memref<256x32xf32, #tpu.memory_space<vmem>>[vector<16xi32>, vector<16xi32>], vector<16xf32>,
          tpu.vector_store_idx %arg24[%add3A_482, %add3A_913], %mul3A_958 : memref<256x32xf32, #tpu.memory_space<vmem>>[vector<16xi32>, vector<16xi32>], vector<16xf32>,
          tpu.vector_store_idx %arg24[%add3A_482, %add3A_916], %mul3A_966 : memref<256x32xf32, #tpu.memory_space<vmem>>[vector<16xi32>, vector<16xi32>], vector<16xf32>,
        }
        %scan3A_460 = arith.constant 16 : i32
        %mul3A_461 = arith.constant 256 : i32
        %mul3A_462 = arith.muli %add3A_370, %mul3A_461 : i32
        %dma_start3A_463 = arith.constant 0 : i32
        %dma_start3A_464 = tpu.memref_slice %arg5[%mul3A_462, %dma_start3A_463] : memref<1600000x32xf32, #tpu.memory_space<hbm>> -> memref<256x32xf32, #tpu.memory_space<hbm>>
        %dma_start3A_465 = arith.constant 0 : i32
        %dma_start3A_466 = tpu.memref_slice %arg5[%mul3A_462, %dma_start3A_465] : memref<1600000x32xf32, #tpu.memory_space<hbm>> -> memref<256x32xf32, #tpu.memory_space<hbm>>
        tpu.enqueue_dma source(%arg24 : memref<256x32xf32, #tpu.memory_space<vmem>>) target(%dma_start3A_466 : memref<256x32xf32, #tpu.memory_space<hbm>>) target_semaphore(%arg37 : memref<!tpu.dma_semaphore, #tpu.memory_space<semaphore_mem>>)
        %mul3A_467 = arith.constant 256 : i32
        %mul3A_468 = arith.muli %add3A_370, %mul3A_467 : i32
        %dma_start3A_469 = arith.constant 0 : i32
        %dma_start3A_470 = tpu.memref_slice %arg6[%mul3A_468, %dma_start3A_469] : memref<1600000x8xf32, #tpu.memory_space<hbm>> -> memref<256x8xf32, #tpu.memory_space<hbm>>
        %dma_start3A_471 = arith.constant 0 : i32
        %dma_start3A_472 = tpu.memref_slice %arg6[%mul3A_468, %dma_start3A_471] : memref<1600000x8xf32, #tpu.memory_space<hbm>> -> memref<256x8xf32, #tpu.memory_space<hbm>>
        tpu.enqueue_dma source(%arg27 : memref<256x8xf32, #tpu.memory_space<vmem>>) target(%dma_start3A_472 : memref<256x8xf32, #tpu.memory_space<hbm>>) target_semaphore(%arg41 : memref<!tpu.dma_semaphore, #tpu.memory_space<semaphore_mem>>)
        %lt3A_473 = arith.constant 6250 : i32
        %lt3A_474 = arith.cmpi slt, %add3A_372, %lt3A_473 : i32
        %convert_element_type3A_475 = arith.extui %lt3A_474 : i1 to i32
        %cond3A_476 = arith.constant 0 : i32
        %cond3A_477 = arith.cmpi ne, %convert_element_type3A_475, %cond3A_476 : i32
        scf.if %cond3A_477 {
          %dma_wait3A_478 = arith.constant 0 : i32
          %dma_wait3A_479 = arith.constant 0 : i32
          %dma_wait3A_480 = arith.constant 0 : i32
          %dma_wait3A_481 = tpu.memref_slice %arg2[%dma_wait3A_478, %add3A_372, %dma_wait3A_479, %dma_wait3A_480] : memref<2x6250x2x128xi32, #tpu.memory_space<hbm>> -> memref<1x1x2x128xi32, #tpu.memory_space<hbm>>
          %dma_wait3A_482 = tpu.memref_squeeze %dma_wait3A_481 : memref<1x1x2x128xi32, #tpu.memory_space<hbm>> -> memref<2x128xi32, #tpu.memory_space<hbm>>
          %dma_wait3A_483 = arith.constant 0 : i32
          %dma_wait3A_484 = arith.constant 0 : i32
          %dma_wait3A_485 = tpu.memref_slice %arg2[%dma_wait3A_478, %add3A_372, %dma_wait3A_483, %dma_wait3A_484] : memref<2x6250x2x128xi32, #tpu.memory_space<hbm>> -> memref<1x1x2x128xi32, #tpu.memory_space<hbm>>
          %dma_wait3A_486 = tpu.memref_squeeze %dma_wait3A_485 : memref<1x1x2x128xi32, #tpu.memory_space<hbm>> -> memref<2x128xi32, #tpu.memory_space<hbm>>
          tpu.wait_dma2 semaphore(%arg29 : memref<!tpu.dma_semaphore, #tpu.memory_space<semaphore_mem>>) src(%dma_wait3A_486 : memref<2x128xi32, #tpu.memory_space<hbm>>) dst(%arg8 : memref<2x128xi32, #tpu.memory_space<vmem>>)
          %dma_wait3A_487 = arith.constant 1 : i32
          %dma_wait3A_488 = arith.constant 0 : i32
          %dma_wait3A_489 = arith.constant 0 : i32
          %dma_wait3A_490 = tpu.memref_slice %arg2[%dma_wait3A_487, %add3A_372, %dma_wait3A_488, %dma_wait3A_489] : memref<2x6250x2x128xi32, #tpu.memory_space<hbm>> -> memref<1x1x2x128xi32, #tpu.memory_space<hbm>>
          %dma_wait3A_491 = tpu.memref_squeeze %dma_wait3A_490 : memref<1x1x2x128xi32, #tpu.memory_space<hbm>> -> memref<2x128xi32, #tpu.memory_space<hbm>>
          %dma_wait3A_492 = arith.constant 0 : i32
          %dma_wait3A_493 = arith.constant 0 : i32
          %dma_wait3A_494 = tpu.memref_slice %arg2[%dma_wait3A_487, %add3A_372, %dma_wait3A_492, %dma_wait3A_493] : memref<2x6250x2x128xi32, #tpu.memory_space<hbm>> -> memref<1x1x2x128xi32, #tpu.memory_space<hbm>>
          %dma_wait3A_495 = tpu.memref_squeeze %dma_wait3A_494 : memref<1x1x2x128xi32, #tpu.memory_space<hbm>> -> memref<2x128xi32, #tpu.memory_space<hbm>>
          tpu.wait_dma2 semaphore(%arg29 : memref<!tpu.dma_semaphore, #tpu.memory_space<semaphore_mem>>) src(%dma_wait3A_495 : memref<2x128xi32, #tpu.memory_space<hbm>>) dst(%arg12 : memref<2x128xi32, #tpu.memory_space<vmem>>)
          %dma_start3A_496 = arith.constant 0 : i32
          %dma_start3A_497 = arith.constant 0 : i32
          %dma_start3A_498 = arith.constant 0 : i32
          %dma_start3A_499 = tpu.memref_slice %arg16[%dma_start3A_497, %dma_start3A_498] : memref<256x32xf32, #tpu.memory_space<vmem>> -> memref<128x32xf32, #tpu.memory_space<vmem>>
          %dma_start3A_500 = arith.constant 0 : i32
          %dma_start3A_501 = tpu.memref_slice %arg8[%dma_start3A_496, %dma_start3A_500] : memref<2x128xi32, #tpu.memory_space<vmem>> -> memref<1x128xi32, #tpu.memory_space<vmem>>
          %dma_start3A_502 = tpu.memref_squeeze %dma_start3A_501 : memref<1x128xi32, #tpu.memory_space<vmem>> -> memref<128xi32, #tpu.memory_space<vmem>>
          %dma_start3A_503 = arith.constant 0 : i32
          %dma_start3A_504 = arith.constant 0 : i32
          %dma_start3A_505 = tpu.memref_slice %arg3[%dma_start3A_503, %dma_start3A_504] : memref<50000x32xf32, #tpu.memory_space<hbm>> -> memref<50000x32xf32, #tpu.memory_space<hbm>>
          tpu.enqueue_indirect_dma source(%dma_start3A_505 : memref<50000x32xf32, #tpu.memory_space<hbm>>) target(%dma_start3A_499 : memref<128x32xf32, #tpu.memory_space<vmem>>) offsets(%dma_start3A_502 : memref<128xi32, #tpu.memory_space<vmem>>) semaphore(%arg33 : memref<!tpu.dma_semaphore, #tpu.memory_space<semaphore_mem>>)
          %dma_start3A_506 = arith.constant 0 : i32
          %dma_start3A_507 = arith.constant 0 : i32
          %dma_start3A_508 = arith.constant 0 : i32
          %dma_start3A_509 = tpu.memref_slice %arg20[%dma_start3A_507, %dma_start3A_508] : memref<256x32xf32, #tpu.memory_space<vmem>> -> memref<128x32xf32, #tpu.memory_space<vmem>>
          %dma_start3A_510 = arith.constant 0 : i32
          %dma_start3A_511 = tpu.memref_slice %arg12[%dma_start3A_506, %dma_start3A_510] : memref<2x128xi32, #tpu.memory_space<vmem>> -> memref<1x128xi32, #tpu.memory_space<vmem>>
          %dma_start3A_512 = tpu.memref_squeeze %dma_start3A_511 : memref<1x128xi32, #tpu.memory_space<vmem>> -> memref<128xi32, #tpu.memory_space<vmem>>
          %dma_start3A_513 = arith.constant 0 : i32
          %dma_start3A_514 = arith.constant 0 : i32
          %dma_start3A_515 = tpu.memref_slice %arg3[%dma_start3A_513, %dma_start3A_514] : memref<50000x32xf32, #tpu.memory_space<hbm>> -> memref<50000x32xf32, #tpu.memory_space<hbm>>
          tpu.enqueue_indirect_dma source(%dma_start3A_515 : memref<50000x32xf32, #tpu.memory_space<hbm>>) target(%dma_start3A_509 : memref<128x32xf32, #tpu.memory_space<vmem>>) offsets(%dma_start3A_512 : memref<128xi32, #tpu.memory_space<vmem>>) semaphore(%arg33 : memref<!tpu.dma_semaphore, #tpu.memory_space<semaphore_mem>>)
          %dma_start3A_516 = arith.constant 1 : i32
          %dma_start3A_517 = arith.constant 128 : i32
          %dma_start3A_518 = arith.constant 0 : i32
          %dma_start3A_519 = tpu.memref_slice %arg16[%dma_start3A_517, %dma_start3A_518] : memref<256x32xf32, #tpu.memory_space<vmem>> -> memref<128x32xf32, #tpu.memory_space<vmem>>
          %dma_start3A_520 = arith.constant 0 : i32
          %dma_start3A_521 = tpu.memref_slice %arg8[%dma_start3A_516, %dma_start3A_520] : memref<2x128xi32, #tpu.memory_space<vmem>> -> memref<1x128xi32, #tpu.memory_space<vmem>>
          %dma_start3A_522 = tpu.memref_squeeze %dma_start3A_521 : memref<1x128xi32, #tpu.memory_space<vmem>> -> memref<128xi32, #tpu.memory_space<vmem>>
          %dma_start3A_523 = arith.constant 0 : i32
          %dma_start3A_524 = arith.constant 0 : i32
          %dma_start3A_525 = tpu.memref_slice %arg3[%dma_start3A_523, %dma_start3A_524] : memref<50000x32xf32, #tpu.memory_space<hbm>> -> memref<50000x32xf32, #tpu.memory_space<hbm>>
          tpu.enqueue_indirect_dma source(%dma_start3A_525 : memref<50000x32xf32, #tpu.memory_space<hbm>>) target(%dma_start3A_519 : memref<128x32xf32, #tpu.memory_space<vmem>>) offsets(%dma_start3A_522 : memref<128xi32, #tpu.memory_space<vmem>>) semaphore(%arg33 : memref<!tpu.dma_semaphore, #tpu.memory_space<semaphore_mem>>)
          %dma_start3A_526 = arith.constant 1 : i32
          %dma_start3A_527 = arith.constant 128 : i32
          %dma_start3A_528 = arith.constant 0 : i32
          %dma_start3A_529 = tpu.memref_slice %arg20[%dma_start3A_527, %dma_start3A_528] : memref<256x32xf32, #tpu.memory_space<vmem>> -> memref<128x32xf32, #tpu.memory_space<vmem>>
          %dma_start3A_530 = arith.constant 0 : i32
          %dma_start3A_531 = tpu.memref_slice %arg12[%dma_start3A_526, %dma_start3A_530] : memref<2x128xi32, #tpu.memory_space<vmem>> -> memref<1x128xi32, #tpu.memory_space<vmem>>
          %dma_start3A_532 = tpu.memref_squeeze %dma_start3A_531 : memref<1x128xi32, #tpu.memory_space<vmem>> -> memref<128xi32, #tpu.memory_space<vmem>>
          %dma_start3A_533 = arith.constant 0 : i32
          %dma_start3A_534 = arith.constant 0 : i32
          %dma_start3A_535 = tpu.memref_slice %arg3[%dma_start3A_533, %dma_start3A_534] : memref<50000x32xf32, #tpu.memory_space<hbm>> -> memref<50000x32xf32, #tpu.memory_space<hbm>>
          tpu.enqueue_indirect_dma source(%dma_start3A_535 : memref<50000x32xf32, #tpu.memory_space<hbm>>) target(%dma_start3A_529 : memref<128x32xf32, #tpu.memory_space<vmem>>) offsets(%dma_start3A_532 : memref<128xi32, #tpu.memory_space<vmem>>) semaphore(%arg33 : memref<!tpu.dma_semaphore, #tpu.memory_space<semaphore_mem>>)
        } else {
        }
      } else {
      }
      %mul3A_378 = arith.constant 4 : i32
      %mul3A_379 = arith.muli %mul3A_378, %scan3A_349 : i32
      %add3A_380 = arith.constant 2 : i32
      %add3A_381 = arith.addi %mul3A_379, %add3A_380 : i32
      %mul3A_382 = arith.constant 32 : i32
      %mul3A_383 = arith.muli %add3A_381, %mul3A_382 : i32
      %add3A_384 = arith.addi %add3A, %mul3A_383 : i32
      %add3A_385 = arith.constant 128 : i32
      %add3A_386 = arith.addi %add3A_384, %add3A_385 : i32
      %lt3A_387 = arith.constant 6250 : i32
      %lt3A_388 = arith.cmpi slt, %add3A_384, %lt3A_387 : i32
      %convert_element_type3A_389 = arith.extui %lt3A_388 : i1 to i32
      %cond3A_390 = arith.constant 0 : i32
      %cond3A_391 = arith.cmpi ne, %convert_element_type3A_389, %cond3A_390 : i32
      scf.if %cond3A_391 {
        %dma_wait3A_406 = arith.constant 0 : i32
        %dma_wait3A_407 = arith.constant 0 : i32
        %dma_wait3A_408 = arith.constant 0 : i32
        %dma_wait3A_409 = tpu.memref_slice %arg17[%dma_wait3A_407, %dma_wait3A_408] : memref<256x32xf32, #tpu.memory_space<vmem>> -> memref<128x32xf32, #tpu.memory_space<vmem>>
        %dma_wait3A_410 = arith.constant 0 : i32
        %dma_wait3A_411 = tpu.memref_slice %arg9[%dma_wait3A_406, %dma_wait3A_410] : memref<2x128xi32, #tpu.memory_space<vmem>> -> memref<1x128xi32, #tpu.memory_space<vmem>>
        %dma_wait3A_412 = tpu.memref_squeeze %dma_wait3A_411 : memref<1x128xi32, #tpu.memory_space<vmem>> -> memref<128xi32, #tpu.memory_space<vmem>>
        %dma_wait3A_413 = arith.constant 0 : i32
        %dma_wait3A_414 = arith.constant 0 : i32
        %dma_wait3A_415 = tpu.memref_slice %arg3[%dma_wait3A_413, %dma_wait3A_414] : memref<50000x32xf32, #tpu.memory_space<hbm>> -> memref<50000x32xf32, #tpu.memory_space<hbm>>
        tpu.wait_indirect_dma semaphore(%arg34 : memref<!tpu.dma_semaphore, #tpu.memory_space<semaphore_mem>>) src(%dma_wait3A_415 : memref<50000x32xf32, #tpu.memory_space<hbm>>) dst(%dma_wait3A_409 : memref<128x32xf32, #tpu.memory_space<vmem>>)
        %dma_wait3A_416 = arith.constant 0 : i32
        %dma_wait3A_417 = arith.constant 0 : i32
        %dma_wait3A_418 = arith.constant 0 : i32
        %dma_wait3A_419 = tpu.memref_slice %arg21[%dma_wait3A_417, %dma_wait3A_418] : memref<256x32xf32, #tpu.memory_space<vmem>> -> memref<128x32xf32, #tpu.memory_space<vmem>>
        %dma_wait3A_420 = arith.constant 0 : i32
        %dma_wait3A_421 = tpu.memref_slice %arg13[%dma_wait3A_416, %dma_wait3A_420] : memref<2x128xi32, #tpu.memory_space<vmem>> -> memref<1x128xi32, #tpu.memory_space<vmem>>
        %dma_wait3A_422 = tpu.memref_squeeze %dma_wait3A_421 : memref<1x128xi32, #tpu.memory_space<vmem>> -> memref<128xi32, #tpu.memory_space<vmem>>
        %dma_wait3A_423 = arith.constant 0 : i32
        %dma_wait3A_424 = arith.constant 0 : i32
        %dma_wait3A_425 = tpu.memref_slice %arg3[%dma_wait3A_423, %dma_wait3A_424] : memref<50000x32xf32, #tpu.memory_space<hbm>> -> memref<50000x32xf32, #tpu.memory_space<hbm>>
        tpu.wait_indirect_dma semaphore(%arg34 : memref<!tpu.dma_semaphore, #tpu.memory_space<semaphore_mem>>) src(%dma_wait3A_425 : memref<50000x32xf32, #tpu.memory_space<hbm>>) dst(%dma_wait3A_419 : memref<128x32xf32, #tpu.memory_space<vmem>>)
        %dma_wait3A_426 = arith.constant 1 : i32
        %dma_wait3A_427 = arith.constant 128 : i32
        %dma_wait3A_428 = arith.constant 0 : i32
        %dma_wait3A_429 = tpu.memref_slice %arg17[%dma_wait3A_427, %dma_wait3A_428] : memref<256x32xf32, #tpu.memory_space<vmem>> -> memref<128x32xf32, #tpu.memory_space<vmem>>
        %dma_wait3A_430 = arith.constant 0 : i32
        %dma_wait3A_431 = tpu.memref_slice %arg9[%dma_wait3A_426, %dma_wait3A_430] : memref<2x128xi32, #tpu.memory_space<vmem>> -> memref<1x128xi32, #tpu.memory_space<vmem>>
        %dma_wait3A_432 = tpu.memref_squeeze %dma_wait3A_431 : memref<1x128xi32, #tpu.memory_space<vmem>> -> memref<128xi32, #tpu.memory_space<vmem>>
        %dma_wait3A_433 = arith.constant 0 : i32
        %dma_wait3A_434 = arith.constant 0 : i32
        %dma_wait3A_435 = tpu.memref_slice %arg3[%dma_wait3A_433, %dma_wait3A_434] : memref<50000x32xf32, #tpu.memory_space<hbm>> -> memref<50000x32xf32, #tpu.memory_space<hbm>>
        tpu.wait_indirect_dma semaphore(%arg34 : memref<!tpu.dma_semaphore, #tpu.memory_space<semaphore_mem>>) src(%dma_wait3A_435 : memref<50000x32xf32, #tpu.memory_space<hbm>>) dst(%dma_wait3A_429 : memref<128x32xf32, #tpu.memory_space<vmem>>)
        %dma_wait3A_436 = arith.constant 1 : i32
        %dma_wait3A_437 = arith.constant 128 : i32
        %dma_wait3A_438 = arith.constant 0 : i32
        %dma_wait3A_439 = tpu.memref_slice %arg21[%dma_wait3A_437, %dma_wait3A_438] : memref<256x32xf32, #tpu.memory_space<vmem>> -> memref<128x32xf32, #tpu.memory_space<vmem>>
        %dma_wait3A_440 = arith.constant 0 : i32
        %dma_wait3A_441 = tpu.memref_slice %arg13[%dma_wait3A_436, %dma_wait3A_440] : memref<2x128xi32, #tpu.memory_space<vmem>> -> memref<1x128xi32, #tpu.memory_space<vmem>>
        %dma_wait3A_442 = tpu.memref_squeeze %dma_wait3A_441 : memref<1x128xi32, #tpu.memory_space<vmem>> -> memref<128xi32, #tpu.memory_space<vmem>>
        %dma_wait3A_443 = arith.constant 0 : i32
        %dma_wait3A_444 = arith.constant 0 : i32
        %dma_wait3A_445 = tpu.memref_slice %arg3[%dma_wait3A_443, %dma_wait3A_444] : memref<50000x32xf32, #tpu.memory_space<hbm>> -> memref<50000x32xf32, #tpu.memory_space<hbm>>
        tpu.wait_indirect_dma semaphore(%arg34 : memref<!tpu.dma_semaphore, #tpu.memory_space<semaphore_mem>>) src(%dma_wait3A_445 : memref<50000x32xf32, #tpu.memory_space<hbm>>) dst(%dma_wait3A_439 : memref<128x32xf32, #tpu.memory_space<vmem>>)
        %lt3A_446 = arith.constant 6250 : i32
        %lt3A_447 = arith.cmpi slt, %add3A_386, %lt3A_446 : i32
        %convert_element_type3A_448 = arith.extui %lt3A_447 : i1 to i32
        %cond3A_449 = arith.constant 0 : i32
        %cond3A_450 = arith.cmpi ne, %convert_element_type3A_448, %cond3A_449 : i32
        scf.if %cond3A_450 {
          %dma_start3A_478 = arith.constant 0 : i32
          %dma_start3A_479 = arith.constant 0 : i32
          %dma_start3A_480 = arith.constant 0 : i32
          %dma_start3A_481 = tpu.memref_slice %arg2[%dma_start3A_478, %add3A_386, %dma_start3A_479, %dma_start3A_480] : memref<2x6250x2x128xi32, #tpu.memory_space<hbm>> -> memref<1x1x2x128xi32, #tpu.memory_space<hbm>>
          %dma_start3A_482 = tpu.memref_squeeze %dma_start3A_481 : memref<1x1x2x128xi32, #tpu.memory_space<hbm>> -> memref<2x128xi32, #tpu.memory_space<hbm>>
          %dma_start3A_483 = arith.constant 0 : i32
          %dma_start3A_484 = arith.constant 0 : i32
          %dma_start3A_485 = tpu.memref_slice %arg2[%dma_start3A_478, %add3A_386, %dma_start3A_483, %dma_start3A_484] : memref<2x6250x2x128xi32, #tpu.memory_space<hbm>> -> memref<1x1x2x128xi32, #tpu.memory_space<hbm>>
          %dma_start3A_486 = tpu.memref_squeeze %dma_start3A_485 : memref<1x1x2x128xi32, #tpu.memory_space<hbm>> -> memref<2x128xi32, #tpu.memory_space<hbm>>
          tpu.enqueue_dma source(%dma_start3A_486 : memref<2x128xi32, #tpu.memory_space<hbm>>) target(%arg9 : memref<2x128xi32, #tpu.memory_space<vmem>>) target_semaphore(%arg30 : memref<!tpu.dma_semaphore, #tpu.memory_space<semaphore_mem>>)
          %dma_start3A_487 = arith.constant 1 : i32
          %dma_start3A_488 = arith.constant 0 : i32
          %dma_start3A_489 = arith.constant 0 : i32
          %dma_start3A_490 = tpu.memref_slice %arg2[%dma_start3A_487, %add3A_386, %dma_start3A_488, %dma_start3A_489] : memref<2x6250x2x128xi32, #tpu.memory_space<hbm>> -> memref<1x1x2x128xi32, #tpu.memory_space<hbm>>
          %dma_start3A_491 = tpu.memref_squeeze %dma_start3A_490 : memref<1x1x2x128xi32, #tpu.memory_space<hbm>> -> memref<2x128xi32, #tpu.memory_space<hbm>>
          %dma_start3A_492 = arith.constant 0 : i32
          %dma_start3A_493 = arith.constant 0 : i32
          %dma_start3A_494 = tpu.memref_slice %arg2[%dma_start3A_487, %add3A_386, %dma_start3A_492, %dma_start3A_493] : memref<2x6250x2x128xi32, #tpu.memory_space<hbm>> -> memref<1x1x2x128xi32, #tpu.memory_space<hbm>>
          %dma_start3A_495 = tpu.memref_squeeze %dma_start3A_494 : memref<1x1x2x128xi32, #tpu.memory_space<hbm>> -> memref<2x128xi32, #tpu.memory_space<hbm>>
          tpu.enqueue_dma source(%dma_start3A_495 : memref<2x128xi32, #tpu.memory_space<hbm>>) target(%arg13 : memref<2x128xi32, #tpu.memory_space<vmem>>) target_semaphore(%arg30 : memref<!tpu.dma_semaphore, #tpu.memory_space<semaphore_mem>>)
        } else {
        }
        %ge3A = arith.constant 1 : i32
        %ge3A_451 = arith.cmpi sge, %scan3A_349, %ge3A : i32
        %convert_element_type3A_452 = arith.extui %ge3A_451 : i1 to i32
        %cond3A_453 = arith.constant 0 : i32
        %cond3A_454 = arith.cmpi ne, %convert_element_type3A_452, %cond3A_453 : i32
        scf.if %cond3A_454 {
          %sub3A = arith.constant 128 : i32
          %sub3A_478 = arith.subi %add3A_384, %sub3A : i32
          %mul3A_479 = arith.constant 256 : i32
          %mul3A_480 = arith.muli %sub3A_478, %mul3A_479 : i32
          %dma_wait3A_481 = arith.constant 0 : i32
          %dma_wait3A_482 = tpu.memref_slice %arg5[%mul3A_480, %dma_wait3A_481] : memref<1600000x32xf32, #tpu.memory_space<hbm>> -> memref<256x32xf32, #tpu.memory_space<hbm>>
          %dma_wait3A_483 = arith.constant 0 : i32
          %dma_wait3A_484 = tpu.memref_slice %arg5[%mul3A_480, %dma_wait3A_483] : memref<1600000x32xf32, #tpu.memory_space<hbm>> -> memref<256x32xf32, #tpu.memory_space<hbm>>
          tpu.wait_dma2 semaphore(%arg38 : memref<!tpu.dma_semaphore, #tpu.memory_space<semaphore_mem>>) src(%arg25 : memref<256x32xf32, #tpu.memory_space<vmem>>) dst(%dma_wait3A_484 : memref<256x32xf32, #tpu.memory_space<hbm>>)
          %mul3A_485 = arith.constant 256 : i32
          %mul3A_486 = arith.muli %sub3A_478, %mul3A_485 : i32
          %dma_wait3A_487 = arith.constant 0 : i32
          %dma_wait3A_488 = tpu.memref_slice %arg6[%mul3A_486, %dma_wait3A_487] : memref<1600000x8xf32, #tpu.memory_space<hbm>> -> memref<256x8xf32, #tpu.memory_space<hbm>>
          %dma_wait3A_489 = arith.constant 0 : i32
          %dma_wait3A_490 = tpu.memref_slice %arg6[%mul3A_486, %dma_wait3A_489] : memref<1600000x8xf32, #tpu.memory_space<hbm>> -> memref<256x8xf32, #tpu.memory_space<hbm>>
          tpu.wait_dma2 semaphore(%arg42 : memref<!tpu.dma_semaphore, #tpu.memory_space<semaphore_mem>>) src(%arg27 : memref<256x8xf32, #tpu.memory_space<vmem>>) dst(%dma_wait3A_490 : memref<256x8xf32, #tpu.memory_space<hbm>>)
        } else {
        }
        %scan3A_455 = arith.constant 0 : i32
        %scan3A_456 = arith.constant 0 : i32
        %scan3A_457 = arith.constant 16 : i32
        %scan3A_458 = arith.addi %scan3A_456, %scan3A_457 : i32
        %scan3A_459 = arith.constant 1 : i32
        scf.for %scan3A_478 = %scan3A_456 to %scan3A_458 step %scan3A_459  : i32 {
          %mul3A_479 = arith.constant 16 : i32
          %mul3A_480 = arith.muli %scan3A_478, %mul3A_479 : i32
          %add3A_481 = vector.broadcast %mul3A_480 : i32 to vector<16xi32>
          %add3A_482 = arith.addi %add3A_481, %iota3A : vector<16xi32>
          %broadcast_in_dim3A = arith.constant 0 : i32
          %broadcast_in_dim3A_483 = vector.broadcast %broadcast_in_dim3A : i32 to vector<16xi32>
          %add3A_484 = arith.constant 1 : i32
          %add3A_485 = vector.broadcast %add3A_484 : i32 to vector<16xi32>
          %add3A_486 = arith.addi %broadcast_in_dim3A_483, %add3A_485 : vector<16xi32>
          %add3A_487 = arith.constant 2 : i32
          %add3A_488 = vector.broadcast %add3A_487 : i32 to vector<16xi32>
          %add3A_489 = arith.addi %broadcast_in_dim3A_483, %add3A_488 : vector<16xi32>
          %add3A_490 = arith.constant 3 : i32
          %add3A_491 = vector.broadcast %add3A_490 : i32 to vector<16xi32>
          %add3A_492 = arith.addi %broadcast_in_dim3A_483, %add3A_491 : vector<16xi32>
          %gather3A = tpu.vector_load_idx %arg17[%add3A_482, %broadcast_in_dim3A_483] : memref<256x32xf32, #tpu.memory_space<vmem>>[vector<16xi32>, vector<16xi32>], vector<16xf32>,
          %gather3A_493 = tpu.vector_load_idx %arg17[%add3A_482, %add3A_486] : memref<256x32xf32, #tpu.memory_space<vmem>>[vector<16xi32>, vector<16xi32>], vector<16xf32>,
          %gather3A_494 = tpu.vector_load_idx %arg17[%add3A_482, %add3A_489] : memref<256x32xf32, #tpu.memory_space<vmem>>[vector<16xi32>, vector<16xi32>], vector<16xf32>,
          %gather3A_495 = tpu.vector_load_idx %arg17[%add3A_482, %add3A_492] : memref<256x32xf32, #tpu.memory_space<vmem>>[vector<16xi32>, vector<16xi32>], vector<16xf32>,
          %gather3A_496 = tpu.vector_load_idx %arg21[%add3A_482, %broadcast_in_dim3A_483] : memref<256x32xf32, #tpu.memory_space<vmem>>[vector<16xi32>, vector<16xi32>], vector<16xf32>,
          %gather3A_497 = tpu.vector_load_idx %arg21[%add3A_482, %add3A_486] : memref<256x32xf32, #tpu.memory_space<vmem>>[vector<16xi32>, vector<16xi32>], vector<16xf32>,
          %gather3A_498 = tpu.vector_load_idx %arg21[%add3A_482, %add3A_489] : memref<256x32xf32, #tpu.memory_space<vmem>>[vector<16xi32>, vector<16xi32>], vector<16xf32>,
          %gather3A_499 = tpu.vector_load_idx %arg21[%add3A_482, %add3A_492] : memref<256x32xf32, #tpu.memory_space<vmem>>[vector<16xi32>, vector<16xi32>], vector<16xf32>,
          %mul3A_500 = arith.mulf %gather3A_496, %gather3A_496 : vector<16xf32>
          %mul3A_501 = arith.mulf %gather3A_497, %gather3A_497 : vector<16xf32>
          %add3A_502 = arith.addf %mul3A_500, %mul3A_501 : vector<16xf32>
          %mul3A_503 = arith.mulf %gather3A_498, %gather3A_498 : vector<16xf32>
          %add3A_504 = arith.addf %add3A_502, %mul3A_503 : vector<16xf32>
          %mul3A_505 = arith.mulf %gather3A_499, %gather3A_499 : vector<16xf32>
          %add3A_506 = arith.addf %add3A_504, %mul3A_505 : vector<16xf32>
          %div3A = arith.constant 1.000000e+00 : f32
          %div3A_507 = vector.broadcast %div3A : f32 to vector<16xf32>
          %div3A_508 = arith.divf %div3A_507, %add3A_506 : vector<16xf32>
          %mul3A_509 = arith.mulf %gather3A, %gather3A_496 : vector<16xf32>
          %mul3A_510 = arith.mulf %gather3A_493, %gather3A_497 : vector<16xf32>
          %add3A_511 = arith.addf %mul3A_509, %mul3A_510 : vector<16xf32>
          %mul3A_512 = arith.mulf %gather3A_494, %gather3A_498 : vector<16xf32>
          %add3A_513 = arith.addf %add3A_511, %mul3A_512 : vector<16xf32>
          %mul3A_514 = arith.mulf %gather3A_495, %gather3A_499 : vector<16xf32>
          %add3A_515 = arith.addf %add3A_513, %mul3A_514 : vector<16xf32>
          %mul3A_516 = arith.mulf %add3A_515, %div3A_508 : vector<16xf32>
          %mul3A_517 = arith.mulf %gather3A_493, %gather3A_496 : vector<16xf32>
          %mul3A_518 = arith.mulf %gather3A, %gather3A_497 : vector<16xf32>
          %sub3A = arith.subf %mul3A_517, %mul3A_518 : vector<16xf32>
          %mul3A_519 = arith.mulf %gather3A_494, %gather3A_499 : vector<16xf32>
          %sub3A_520 = arith.subf %sub3A, %mul3A_519 : vector<16xf32>
          %mul3A_521 = arith.mulf %gather3A_495, %gather3A_498 : vector<16xf32>
          %add3A_522 = arith.addf %sub3A_520, %mul3A_521 : vector<16xf32>
          %mul3A_523 = arith.mulf %add3A_522, %div3A_508 : vector<16xf32>
          %mul3A_524 = arith.mulf %gather3A_494, %gather3A_496 : vector<16xf32>
          %mul3A_525 = arith.mulf %gather3A, %gather3A_498 : vector<16xf32>
          %sub3A_526 = arith.subf %mul3A_524, %mul3A_525 : vector<16xf32>
          %mul3A_527 = arith.mulf %gather3A_493, %gather3A_499 : vector<16xf32>
          %add3A_528 = arith.addf %sub3A_526, %mul3A_527 : vector<16xf32>
          %mul3A_529 = arith.mulf %gather3A_495, %gather3A_497 : vector<16xf32>
          %sub3A_530 = arith.subf %add3A_528, %mul3A_529 : vector<16xf32>
          %mul3A_531 = arith.mulf %sub3A_530, %div3A_508 : vector<16xf32>
          %mul3A_532 = arith.mulf %gather3A_495, %gather3A_496 : vector<16xf32>
          %mul3A_533 = arith.mulf %gather3A, %gather3A_499 : vector<16xf32>
          %sub3A_534 = arith.subf %mul3A_532, %mul3A_533 : vector<16xf32>
          %mul3A_535 = arith.mulf %gather3A_493, %gather3A_498 : vector<16xf32>
          %sub3A_536 = arith.subf %sub3A_534, %mul3A_535 : vector<16xf32>
          %mul3A_537 = arith.mulf %gather3A_494, %gather3A_497 : vector<16xf32>
          %add3A_538 = arith.addf %sub3A_536, %mul3A_537 : vector<16xf32>
          %mul3A_539 = arith.mulf %add3A_538, %div3A_508 : vector<16xf32>
          tpu.vector_store_idx %arg25[%add3A_482, %broadcast_in_dim3A_483], %mul3A_516 : memref<256x32xf32, #tpu.memory_space<vmem>>[vector<16xi32>, vector<16xi32>], vector<16xf32>,
          tpu.vector_store_idx %arg25[%add3A_482, %add3A_486], %mul3A_523 : memref<256x32xf32, #tpu.memory_space<vmem>>[vector<16xi32>, vector<16xi32>], vector<16xf32>,
          tpu.vector_store_idx %arg25[%add3A_482, %add3A_489], %mul3A_531 : memref<256x32xf32, #tpu.memory_space<vmem>>[vector<16xi32>, vector<16xi32>], vector<16xf32>,
          tpu.vector_store_idx %arg25[%add3A_482, %add3A_492], %mul3A_539 : memref<256x32xf32, #tpu.memory_space<vmem>>[vector<16xi32>, vector<16xi32>], vector<16xf32>,
          %broadcast_in_dim3A_540 = arith.constant 4 : i32
          %broadcast_in_dim3A_541 = vector.broadcast %broadcast_in_dim3A_540 : i32 to vector<16xi32>
          %add3A_542 = arith.constant 1 : i32
          %add3A_543 = vector.broadcast %add3A_542 : i32 to vector<16xi32>
          %add3A_544 = arith.addi %broadcast_in_dim3A_541, %add3A_543 : vector<16xi32>
          %add3A_545 = arith.constant 2 : i32
          %add3A_546 = vector.broadcast %add3A_545 : i32 to vector<16xi32>
          %add3A_547 = arith.addi %broadcast_in_dim3A_541, %add3A_546 : vector<16xi32>
          %add3A_548 = arith.constant 3 : i32
          %add3A_549 = vector.broadcast %add3A_548 : i32 to vector<16xi32>
          %add3A_550 = arith.addi %broadcast_in_dim3A_541, %add3A_549 : vector<16xi32>
          %gather3A_551 = tpu.vector_load_idx %arg17[%add3A_482, %broadcast_in_dim3A_541] : memref<256x32xf32, #tpu.memory_space<vmem>>[vector<16xi32>, vector<16xi32>], vector<16xf32>,
          %gather3A_552 = tpu.vector_load_idx %arg17[%add3A_482, %add3A_544] : memref<256x32xf32, #tpu.memory_space<vmem>>[vector<16xi32>, vector<16xi32>], vector<16xf32>,
          %gather3A_553 = tpu.vector_load_idx %arg17[%add3A_482, %add3A_547] : memref<256x32xf32, #tpu.memory_space<vmem>>[vector<16xi32>, vector<16xi32>], vector<16xf32>,
          %gather3A_554 = tpu.vector_load_idx %arg17[%add3A_482, %add3A_550] : memref<256x32xf32, #tpu.memory_space<vmem>>[vector<16xi32>, vector<16xi32>], vector<16xf32>,
          %gather3A_555 = tpu.vector_load_idx %arg21[%add3A_482, %broadcast_in_dim3A_541] : memref<256x32xf32, #tpu.memory_space<vmem>>[vector<16xi32>, vector<16xi32>], vector<16xf32>,
          %gather3A_556 = tpu.vector_load_idx %arg21[%add3A_482, %add3A_544] : memref<256x32xf32, #tpu.memory_space<vmem>>[vector<16xi32>, vector<16xi32>], vector<16xf32>,
          %gather3A_557 = tpu.vector_load_idx %arg21[%add3A_482, %add3A_547] : memref<256x32xf32, #tpu.memory_space<vmem>>[vector<16xi32>, vector<16xi32>], vector<16xf32>,
          %gather3A_558 = tpu.vector_load_idx %arg21[%add3A_482, %add3A_550] : memref<256x32xf32, #tpu.memory_space<vmem>>[vector<16xi32>, vector<16xi32>], vector<16xf32>,
          %mul3A_559 = arith.mulf %gather3A_555, %gather3A_555 : vector<16xf32>
          %mul3A_560 = arith.mulf %gather3A_556, %gather3A_556 : vector<16xf32>
          %add3A_561 = arith.addf %mul3A_559, %mul3A_560 : vector<16xf32>
          %mul3A_562 = arith.mulf %gather3A_557, %gather3A_557 : vector<16xf32>
          %add3A_563 = arith.addf %add3A_561, %mul3A_562 : vector<16xf32>
          %mul3A_564 = arith.mulf %gather3A_558, %gather3A_558 : vector<16xf32>
          %add3A_565 = arith.addf %add3A_563, %mul3A_564 : vector<16xf32>
          %div3A_566 = arith.constant 1.000000e+00 : f32
          %div3A_567 = vector.broadcast %div3A_566 : f32 to vector<16xf32>
          %div3A_568 = arith.divf %div3A_567, %add3A_565 : vector<16xf32>
          %mul3A_569 = arith.mulf %gather3A_551, %gather3A_555 : vector<16xf32>
          %mul3A_570 = arith.mulf %gather3A_552, %gather3A_556 : vector<16xf32>
          %add3A_571 = arith.addf %mul3A_569, %mul3A_570 : vector<16xf32>
          %mul3A_572 = arith.mulf %gather3A_553, %gather3A_557 : vector<16xf32>
          %add3A_573 = arith.addf %add3A_571, %mul3A_572 : vector<16xf32>
          %mul3A_574 = arith.mulf %gather3A_554, %gather3A_558 : vector<16xf32>
          %add3A_575 = arith.addf %add3A_573, %mul3A_574 : vector<16xf32>
          %mul3A_576 = arith.mulf %add3A_575, %div3A_568 : vector<16xf32>
          %mul3A_577 = arith.mulf %gather3A_552, %gather3A_555 : vector<16xf32>
          %mul3A_578 = arith.mulf %gather3A_551, %gather3A_556 : vector<16xf32>
          %sub3A_579 = arith.subf %mul3A_577, %mul3A_578 : vector<16xf32>
          %mul3A_580 = arith.mulf %gather3A_553, %gather3A_558 : vector<16xf32>
          %sub3A_581 = arith.subf %sub3A_579, %mul3A_580 : vector<16xf32>
          %mul3A_582 = arith.mulf %gather3A_554, %gather3A_557 : vector<16xf32>
          %add3A_583 = arith.addf %sub3A_581, %mul3A_582 : vector<16xf32>
          %mul3A_584 = arith.mulf %add3A_583, %div3A_568 : vector<16xf32>
          %mul3A_585 = arith.mulf %gather3A_553, %gather3A_555 : vector<16xf32>
          %mul3A_586 = arith.mulf %gather3A_551, %gather3A_557 : vector<16xf32>
          %sub3A_587 = arith.subf %mul3A_585, %mul3A_586 : vector<16xf32>
          %mul3A_588 = arith.mulf %gather3A_552, %gather3A_558 : vector<16xf32>
          %add3A_589 = arith.addf %sub3A_587, %mul3A_588 : vector<16xf32>
          %mul3A_590 = arith.mulf %gather3A_554, %gather3A_556 : vector<16xf32>
          %sub3A_591 = arith.subf %add3A_589, %mul3A_590 : vector<16xf32>
          %mul3A_592 = arith.mulf %sub3A_591, %div3A_568 : vector<16xf32>
          %mul3A_593 = arith.mulf %gather3A_554, %gather3A_555 : vector<16xf32>
          %mul3A_594 = arith.mulf %gather3A_551, %gather3A_558 : vector<16xf32>
          %sub3A_595 = arith.subf %mul3A_593, %mul3A_594 : vector<16xf32>
          %mul3A_596 = arith.mulf %gather3A_552, %gather3A_557 : vector<16xf32>
          %sub3A_597 = arith.subf %sub3A_595, %mul3A_596 : vector<16xf32>
          %mul3A_598 = arith.mulf %gather3A_553, %gather3A_556 : vector<16xf32>
          %add3A_599 = arith.addf %sub3A_597, %mul3A_598 : vector<16xf32>
          %mul3A_600 = arith.mulf %add3A_599, %div3A_568 : vector<16xf32>
          tpu.vector_store_idx %arg25[%add3A_482, %broadcast_in_dim3A_541], %mul3A_576 : memref<256x32xf32, #tpu.memory_space<vmem>>[vector<16xi32>, vector<16xi32>], vector<16xf32>,
          tpu.vector_store_idx %arg25[%add3A_482, %add3A_544], %mul3A_584 : memref<256x32xf32, #tpu.memory_space<vmem>>[vector<16xi32>, vector<16xi32>], vector<16xf32>,
          tpu.vector_store_idx %arg25[%add3A_482, %add3A_547], %mul3A_592 : memref<256x32xf32, #tpu.memory_space<vmem>>[vector<16xi32>, vector<16xi32>], vector<16xf32>,
          tpu.vector_store_idx %arg25[%add3A_482, %add3A_550], %mul3A_600 : memref<256x32xf32, #tpu.memory_space<vmem>>[vector<16xi32>, vector<16xi32>], vector<16xf32>,
          %broadcast_in_dim3A_601 = arith.constant 8 : i32
          %broadcast_in_dim3A_602 = vector.broadcast %broadcast_in_dim3A_601 : i32 to vector<16xi32>
          %add3A_603 = arith.constant 1 : i32
          %add3A_604 = vector.broadcast %add3A_603 : i32 to vector<16xi32>
          %add3A_605 = arith.addi %broadcast_in_dim3A_602, %add3A_604 : vector<16xi32>
          %add3A_606 = arith.constant 2 : i32
          %add3A_607 = vector.broadcast %add3A_606 : i32 to vector<16xi32>
          %add3A_608 = arith.addi %broadcast_in_dim3A_602, %add3A_607 : vector<16xi32>
          %add3A_609 = arith.constant 3 : i32
          %add3A_610 = vector.broadcast %add3A_609 : i32 to vector<16xi32>
          %add3A_611 = arith.addi %broadcast_in_dim3A_602, %add3A_610 : vector<16xi32>
          %gather3A_612 = tpu.vector_load_idx %arg17[%add3A_482, %broadcast_in_dim3A_602] : memref<256x32xf32, #tpu.memory_space<vmem>>[vector<16xi32>, vector<16xi32>], vector<16xf32>,
          %gather3A_613 = tpu.vector_load_idx %arg17[%add3A_482, %add3A_605] : memref<256x32xf32, #tpu.memory_space<vmem>>[vector<16xi32>, vector<16xi32>], vector<16xf32>,
          %gather3A_614 = tpu.vector_load_idx %arg17[%add3A_482, %add3A_608] : memref<256x32xf32, #tpu.memory_space<vmem>>[vector<16xi32>, vector<16xi32>], vector<16xf32>,
          %gather3A_615 = tpu.vector_load_idx %arg17[%add3A_482, %add3A_611] : memref<256x32xf32, #tpu.memory_space<vmem>>[vector<16xi32>, vector<16xi32>], vector<16xf32>,
          %gather3A_616 = tpu.vector_load_idx %arg21[%add3A_482, %broadcast_in_dim3A_602] : memref<256x32xf32, #tpu.memory_space<vmem>>[vector<16xi32>, vector<16xi32>], vector<16xf32>,
          %gather3A_617 = tpu.vector_load_idx %arg21[%add3A_482, %add3A_605] : memref<256x32xf32, #tpu.memory_space<vmem>>[vector<16xi32>, vector<16xi32>], vector<16xf32>,
          %gather3A_618 = tpu.vector_load_idx %arg21[%add3A_482, %add3A_608] : memref<256x32xf32, #tpu.memory_space<vmem>>[vector<16xi32>, vector<16xi32>], vector<16xf32>,
          %gather3A_619 = tpu.vector_load_idx %arg21[%add3A_482, %add3A_611] : memref<256x32xf32, #tpu.memory_space<vmem>>[vector<16xi32>, vector<16xi32>], vector<16xf32>,
          %mul3A_620 = arith.mulf %gather3A_616, %gather3A_616 : vector<16xf32>
          %mul3A_621 = arith.mulf %gather3A_617, %gather3A_617 : vector<16xf32>
          %add3A_622 = arith.addf %mul3A_620, %mul3A_621 : vector<16xf32>
          %mul3A_623 = arith.mulf %gather3A_618, %gather3A_618 : vector<16xf32>
          %add3A_624 = arith.addf %add3A_622, %mul3A_623 : vector<16xf32>
          %mul3A_625 = arith.mulf %gather3A_619, %gather3A_619 : vector<16xf32>
          %add3A_626 = arith.addf %add3A_624, %mul3A_625 : vector<16xf32>
          %div3A_627 = arith.constant 1.000000e+00 : f32
          %div3A_628 = vector.broadcast %div3A_627 : f32 to vector<16xf32>
          %div3A_629 = arith.divf %div3A_628, %add3A_626 : vector<16xf32>
          %mul3A_630 = arith.mulf %gather3A_612, %gather3A_616 : vector<16xf32>
          %mul3A_631 = arith.mulf %gather3A_613, %gather3A_617 : vector<16xf32>
          %add3A_632 = arith.addf %mul3A_630, %mul3A_631 : vector<16xf32>
          %mul3A_633 = arith.mulf %gather3A_614, %gather3A_618 : vector<16xf32>
          %add3A_634 = arith.addf %add3A_632, %mul3A_633 : vector<16xf32>
          %mul3A_635 = arith.mulf %gather3A_615, %gather3A_619 : vector<16xf32>
          %add3A_636 = arith.addf %add3A_634, %mul3A_635 : vector<16xf32>
          %mul3A_637 = arith.mulf %add3A_636, %div3A_629 : vector<16xf32>
          %mul3A_638 = arith.mulf %gather3A_613, %gather3A_616 : vector<16xf32>
          %mul3A_639 = arith.mulf %gather3A_612, %gather3A_617 : vector<16xf32>
          %sub3A_640 = arith.subf %mul3A_638, %mul3A_639 : vector<16xf32>
          %mul3A_641 = arith.mulf %gather3A_614, %gather3A_619 : vector<16xf32>
          %sub3A_642 = arith.subf %sub3A_640, %mul3A_641 : vector<16xf32>
          %mul3A_643 = arith.mulf %gather3A_615, %gather3A_618 : vector<16xf32>
          %add3A_644 = arith.addf %sub3A_642, %mul3A_643 : vector<16xf32>
          %mul3A_645 = arith.mulf %add3A_644, %div3A_629 : vector<16xf32>
          %mul3A_646 = arith.mulf %gather3A_614, %gather3A_616 : vector<16xf32>
          %mul3A_647 = arith.mulf %gather3A_612, %gather3A_618 : vector<16xf32>
          %sub3A_648 = arith.subf %mul3A_646, %mul3A_647 : vector<16xf32>
          %mul3A_649 = arith.mulf %gather3A_613, %gather3A_619 : vector<16xf32>
          %add3A_650 = arith.addf %sub3A_648, %mul3A_649 : vector<16xf32>
          %mul3A_651 = arith.mulf %gather3A_615, %gather3A_617 : vector<16xf32>
          %sub3A_652 = arith.subf %add3A_650, %mul3A_651 : vector<16xf32>
          %mul3A_653 = arith.mulf %sub3A_652, %div3A_629 : vector<16xf32>
          %mul3A_654 = arith.mulf %gather3A_615, %gather3A_616 : vector<16xf32>
          %mul3A_655 = arith.mulf %gather3A_612, %gather3A_619 : vector<16xf32>
          %sub3A_656 = arith.subf %mul3A_654, %mul3A_655 : vector<16xf32>
          %mul3A_657 = arith.mulf %gather3A_613, %gather3A_618 : vector<16xf32>
          %sub3A_658 = arith.subf %sub3A_656, %mul3A_657 : vector<16xf32>
          %mul3A_659 = arith.mulf %gather3A_614, %gather3A_617 : vector<16xf32>
          %add3A_660 = arith.addf %sub3A_658, %mul3A_659 : vector<16xf32>
          %mul3A_661 = arith.mulf %add3A_660, %div3A_629 : vector<16xf32>
          tpu.vector_store_idx %arg25[%add3A_482, %broadcast_in_dim3A_602], %mul3A_637 : memref<256x32xf32, #tpu.memory_space<vmem>>[vector<16xi32>, vector<16xi32>], vector<16xf32>,
          tpu.vector_store_idx %arg25[%add3A_482, %add3A_605], %mul3A_645 : memref<256x32xf32, #tpu.memory_space<vmem>>[vector<16xi32>, vector<16xi32>], vector<16xf32>,
          tpu.vector_store_idx %arg25[%add3A_482, %add3A_608], %mul3A_653 : memref<256x32xf32, #tpu.memory_space<vmem>>[vector<16xi32>, vector<16xi32>], vector<16xf32>,
          tpu.vector_store_idx %arg25[%add3A_482, %add3A_611], %mul3A_661 : memref<256x32xf32, #tpu.memory_space<vmem>>[vector<16xi32>, vector<16xi32>], vector<16xf32>,
          %broadcast_in_dim3A_662 = arith.constant 12 : i32
          %broadcast_in_dim3A_663 = vector.broadcast %broadcast_in_dim3A_662 : i32 to vector<16xi32>
          %add3A_664 = arith.constant 1 : i32
          %add3A_665 = vector.broadcast %add3A_664 : i32 to vector<16xi32>
          %add3A_666 = arith.addi %broadcast_in_dim3A_663, %add3A_665 : vector<16xi32>
          %add3A_667 = arith.constant 2 : i32
          %add3A_668 = vector.broadcast %add3A_667 : i32 to vector<16xi32>
          %add3A_669 = arith.addi %broadcast_in_dim3A_663, %add3A_668 : vector<16xi32>
          %add3A_670 = arith.constant 3 : i32
          %add3A_671 = vector.broadcast %add3A_670 : i32 to vector<16xi32>
          %add3A_672 = arith.addi %broadcast_in_dim3A_663, %add3A_671 : vector<16xi32>
          %gather3A_673 = tpu.vector_load_idx %arg17[%add3A_482, %broadcast_in_dim3A_663] : memref<256x32xf32, #tpu.memory_space<vmem>>[vector<16xi32>, vector<16xi32>], vector<16xf32>,
          %gather3A_674 = tpu.vector_load_idx %arg17[%add3A_482, %add3A_666] : memref<256x32xf32, #tpu.memory_space<vmem>>[vector<16xi32>, vector<16xi32>], vector<16xf32>,
          %gather3A_675 = tpu.vector_load_idx %arg17[%add3A_482, %add3A_669] : memref<256x32xf32, #tpu.memory_space<vmem>>[vector<16xi32>, vector<16xi32>], vector<16xf32>,
          %gather3A_676 = tpu.vector_load_idx %arg17[%add3A_482, %add3A_672] : memref<256x32xf32, #tpu.memory_space<vmem>>[vector<16xi32>, vector<16xi32>], vector<16xf32>,
          %gather3A_677 = tpu.vector_load_idx %arg21[%add3A_482, %broadcast_in_dim3A_663] : memref<256x32xf32, #tpu.memory_space<vmem>>[vector<16xi32>, vector<16xi32>], vector<16xf32>,
          %gather3A_678 = tpu.vector_load_idx %arg21[%add3A_482, %add3A_666] : memref<256x32xf32, #tpu.memory_space<vmem>>[vector<16xi32>, vector<16xi32>], vector<16xf32>,
          %gather3A_679 = tpu.vector_load_idx %arg21[%add3A_482, %add3A_669] : memref<256x32xf32, #tpu.memory_space<vmem>>[vector<16xi32>, vector<16xi32>], vector<16xf32>,
          %gather3A_680 = tpu.vector_load_idx %arg21[%add3A_482, %add3A_672] : memref<256x32xf32, #tpu.memory_space<vmem>>[vector<16xi32>, vector<16xi32>], vector<16xf32>,
          %mul3A_681 = arith.mulf %gather3A_677, %gather3A_677 : vector<16xf32>
          %mul3A_682 = arith.mulf %gather3A_678, %gather3A_678 : vector<16xf32>
          %add3A_683 = arith.addf %mul3A_681, %mul3A_682 : vector<16xf32>
          %mul3A_684 = arith.mulf %gather3A_679, %gather3A_679 : vector<16xf32>
          %add3A_685 = arith.addf %add3A_683, %mul3A_684 : vector<16xf32>
          %mul3A_686 = arith.mulf %gather3A_680, %gather3A_680 : vector<16xf32>
          %add3A_687 = arith.addf %add3A_685, %mul3A_686 : vector<16xf32>
          %div3A_688 = arith.constant 1.000000e+00 : f32
          %div3A_689 = vector.broadcast %div3A_688 : f32 to vector<16xf32>
          %div3A_690 = arith.divf %div3A_689, %add3A_687 : vector<16xf32>
          %mul3A_691 = arith.mulf %gather3A_673, %gather3A_677 : vector<16xf32>
          %mul3A_692 = arith.mulf %gather3A_674, %gather3A_678 : vector<16xf32>
          %add3A_693 = arith.addf %mul3A_691, %mul3A_692 : vector<16xf32>
          %mul3A_694 = arith.mulf %gather3A_675, %gather3A_679 : vector<16xf32>
          %add3A_695 = arith.addf %add3A_693, %mul3A_694 : vector<16xf32>
          %mul3A_696 = arith.mulf %gather3A_676, %gather3A_680 : vector<16xf32>
          %add3A_697 = arith.addf %add3A_695, %mul3A_696 : vector<16xf32>
          %mul3A_698 = arith.mulf %add3A_697, %div3A_690 : vector<16xf32>
          %mul3A_699 = arith.mulf %gather3A_674, %gather3A_677 : vector<16xf32>
          %mul3A_700 = arith.mulf %gather3A_673, %gather3A_678 : vector<16xf32>
          %sub3A_701 = arith.subf %mul3A_699, %mul3A_700 : vector<16xf32>
          %mul3A_702 = arith.mulf %gather3A_675, %gather3A_680 : vector<16xf32>
          %sub3A_703 = arith.subf %sub3A_701, %mul3A_702 : vector<16xf32>
          %mul3A_704 = arith.mulf %gather3A_676, %gather3A_679 : vector<16xf32>
          %add3A_705 = arith.addf %sub3A_703, %mul3A_704 : vector<16xf32>
          %mul3A_706 = arith.mulf %add3A_705, %div3A_690 : vector<16xf32>
          %mul3A_707 = arith.mulf %gather3A_675, %gather3A_677 : vector<16xf32>
          %mul3A_708 = arith.mulf %gather3A_673, %gather3A_679 : vector<16xf32>
          %sub3A_709 = arith.subf %mul3A_707, %mul3A_708 : vector<16xf32>
          %mul3A_710 = arith.mulf %gather3A_674, %gather3A_680 : vector<16xf32>
          %add3A_711 = arith.addf %sub3A_709, %mul3A_710 : vector<16xf32>
          %mul3A_712 = arith.mulf %gather3A_676, %gather3A_678 : vector<16xf32>
          %sub3A_713 = arith.subf %add3A_711, %mul3A_712 : vector<16xf32>
          %mul3A_714 = arith.mulf %sub3A_713, %div3A_690 : vector<16xf32>
          %mul3A_715 = arith.mulf %gather3A_676, %gather3A_677 : vector<16xf32>
          %mul3A_716 = arith.mulf %gather3A_673, %gather3A_680 : vector<16xf32>
          %sub3A_717 = arith.subf %mul3A_715, %mul3A_716 : vector<16xf32>
          %mul3A_718 = arith.mulf %gather3A_674, %gather3A_679 : vector<16xf32>
          %sub3A_719 = arith.subf %sub3A_717, %mul3A_718 : vector<16xf32>
          %mul3A_720 = arith.mulf %gather3A_675, %gather3A_678 : vector<16xf32>
          %add3A_721 = arith.addf %sub3A_719, %mul3A_720 : vector<16xf32>
          %mul3A_722 = arith.mulf %add3A_721, %div3A_690 : vector<16xf32>
          tpu.vector_store_idx %arg25[%add3A_482, %broadcast_in_dim3A_663], %mul3A_698 : memref<256x32xf32, #tpu.memory_space<vmem>>[vector<16xi32>, vector<16xi32>], vector<16xf32>,
          tpu.vector_store_idx %arg25[%add3A_482, %add3A_666], %mul3A_706 : memref<256x32xf32, #tpu.memory_space<vmem>>[vector<16xi32>, vector<16xi32>], vector<16xf32>,
          tpu.vector_store_idx %arg25[%add3A_482, %add3A_669], %mul3A_714 : memref<256x32xf32, #tpu.memory_space<vmem>>[vector<16xi32>, vector<16xi32>], vector<16xf32>,
          tpu.vector_store_idx %arg25[%add3A_482, %add3A_672], %mul3A_722 : memref<256x32xf32, #tpu.memory_space<vmem>>[vector<16xi32>, vector<16xi32>], vector<16xf32>,
          %broadcast_in_dim3A_723 = arith.constant 16 : i32
          %broadcast_in_dim3A_724 = vector.broadcast %broadcast_in_dim3A_723 : i32 to vector<16xi32>
          %add3A_725 = arith.constant 1 : i32
          %add3A_726 = vector.broadcast %add3A_725 : i32 to vector<16xi32>
          %add3A_727 = arith.addi %broadcast_in_dim3A_724, %add3A_726 : vector<16xi32>
          %add3A_728 = arith.constant 2 : i32
          %add3A_729 = vector.broadcast %add3A_728 : i32 to vector<16xi32>
          %add3A_730 = arith.addi %broadcast_in_dim3A_724, %add3A_729 : vector<16xi32>
          %add3A_731 = arith.constant 3 : i32
          %add3A_732 = vector.broadcast %add3A_731 : i32 to vector<16xi32>
          %add3A_733 = arith.addi %broadcast_in_dim3A_724, %add3A_732 : vector<16xi32>
          %gather3A_734 = tpu.vector_load_idx %arg17[%add3A_482, %broadcast_in_dim3A_724] : memref<256x32xf32, #tpu.memory_space<vmem>>[vector<16xi32>, vector<16xi32>], vector<16xf32>,
          %gather3A_735 = tpu.vector_load_idx %arg17[%add3A_482, %add3A_727] : memref<256x32xf32, #tpu.memory_space<vmem>>[vector<16xi32>, vector<16xi32>], vector<16xf32>,
          %gather3A_736 = tpu.vector_load_idx %arg17[%add3A_482, %add3A_730] : memref<256x32xf32, #tpu.memory_space<vmem>>[vector<16xi32>, vector<16xi32>], vector<16xf32>,
          %gather3A_737 = tpu.vector_load_idx %arg17[%add3A_482, %add3A_733] : memref<256x32xf32, #tpu.memory_space<vmem>>[vector<16xi32>, vector<16xi32>], vector<16xf32>,
          %gather3A_738 = tpu.vector_load_idx %arg21[%add3A_482, %broadcast_in_dim3A_724] : memref<256x32xf32, #tpu.memory_space<vmem>>[vector<16xi32>, vector<16xi32>], vector<16xf32>,
          %gather3A_739 = tpu.vector_load_idx %arg21[%add3A_482, %add3A_727] : memref<256x32xf32, #tpu.memory_space<vmem>>[vector<16xi32>, vector<16xi32>], vector<16xf32>,
          %gather3A_740 = tpu.vector_load_idx %arg21[%add3A_482, %add3A_730] : memref<256x32xf32, #tpu.memory_space<vmem>>[vector<16xi32>, vector<16xi32>], vector<16xf32>,
          %gather3A_741 = tpu.vector_load_idx %arg21[%add3A_482, %add3A_733] : memref<256x32xf32, #tpu.memory_space<vmem>>[vector<16xi32>, vector<16xi32>], vector<16xf32>,
          %mul3A_742 = arith.mulf %gather3A_738, %gather3A_738 : vector<16xf32>
          %mul3A_743 = arith.mulf %gather3A_739, %gather3A_739 : vector<16xf32>
          %add3A_744 = arith.addf %mul3A_742, %mul3A_743 : vector<16xf32>
          %mul3A_745 = arith.mulf %gather3A_740, %gather3A_740 : vector<16xf32>
          %add3A_746 = arith.addf %add3A_744, %mul3A_745 : vector<16xf32>
          %mul3A_747 = arith.mulf %gather3A_741, %gather3A_741 : vector<16xf32>
          %add3A_748 = arith.addf %add3A_746, %mul3A_747 : vector<16xf32>
          %div3A_749 = arith.constant 1.000000e+00 : f32
          %div3A_750 = vector.broadcast %div3A_749 : f32 to vector<16xf32>
          %div3A_751 = arith.divf %div3A_750, %add3A_748 : vector<16xf32>
          %mul3A_752 = arith.mulf %gather3A_734, %gather3A_738 : vector<16xf32>
          %mul3A_753 = arith.mulf %gather3A_735, %gather3A_739 : vector<16xf32>
          %add3A_754 = arith.addf %mul3A_752, %mul3A_753 : vector<16xf32>
          %mul3A_755 = arith.mulf %gather3A_736, %gather3A_740 : vector<16xf32>
          %add3A_756 = arith.addf %add3A_754, %mul3A_755 : vector<16xf32>
          %mul3A_757 = arith.mulf %gather3A_737, %gather3A_741 : vector<16xf32>
          %add3A_758 = arith.addf %add3A_756, %mul3A_757 : vector<16xf32>
          %mul3A_759 = arith.mulf %add3A_758, %div3A_751 : vector<16xf32>
          %mul3A_760 = arith.mulf %gather3A_735, %gather3A_738 : vector<16xf32>
          %mul3A_761 = arith.mulf %gather3A_734, %gather3A_739 : vector<16xf32>
          %sub3A_762 = arith.subf %mul3A_760, %mul3A_761 : vector<16xf32>
          %mul3A_763 = arith.mulf %gather3A_736, %gather3A_741 : vector<16xf32>
          %sub3A_764 = arith.subf %sub3A_762, %mul3A_763 : vector<16xf32>
          %mul3A_765 = arith.mulf %gather3A_737, %gather3A_740 : vector<16xf32>
          %add3A_766 = arith.addf %sub3A_764, %mul3A_765 : vector<16xf32>
          %mul3A_767 = arith.mulf %add3A_766, %div3A_751 : vector<16xf32>
          %mul3A_768 = arith.mulf %gather3A_736, %gather3A_738 : vector<16xf32>
          %mul3A_769 = arith.mulf %gather3A_734, %gather3A_740 : vector<16xf32>
          %sub3A_770 = arith.subf %mul3A_768, %mul3A_769 : vector<16xf32>
          %mul3A_771 = arith.mulf %gather3A_735, %gather3A_741 : vector<16xf32>
          %add3A_772 = arith.addf %sub3A_770, %mul3A_771 : vector<16xf32>
          %mul3A_773 = arith.mulf %gather3A_737, %gather3A_739 : vector<16xf32>
          %sub3A_774 = arith.subf %add3A_772, %mul3A_773 : vector<16xf32>
          %mul3A_775 = arith.mulf %sub3A_774, %div3A_751 : vector<16xf32>
          %mul3A_776 = arith.mulf %gather3A_737, %gather3A_738 : vector<16xf32>
          %mul3A_777 = arith.mulf %gather3A_734, %gather3A_741 : vector<16xf32>
          %sub3A_778 = arith.subf %mul3A_776, %mul3A_777 : vector<16xf32>
          %mul3A_779 = arith.mulf %gather3A_735, %gather3A_740 : vector<16xf32>
          %sub3A_780 = arith.subf %sub3A_778, %mul3A_779 : vector<16xf32>
          %mul3A_781 = arith.mulf %gather3A_736, %gather3A_739 : vector<16xf32>
          %add3A_782 = arith.addf %sub3A_780, %mul3A_781 : vector<16xf32>
          %mul3A_783 = arith.mulf %add3A_782, %div3A_751 : vector<16xf32>
          tpu.vector_store_idx %arg25[%add3A_482, %broadcast_in_dim3A_724], %mul3A_759 : memref<256x32xf32, #tpu.memory_space<vmem>>[vector<16xi32>, vector<16xi32>], vector<16xf32>,
          tpu.vector_store_idx %arg25[%add3A_482, %add3A_727], %mul3A_767 : memref<256x32xf32, #tpu.memory_space<vmem>>[vector<16xi32>, vector<16xi32>], vector<16xf32>,
          tpu.vector_store_idx %arg25[%add3A_482, %add3A_730], %mul3A_775 : memref<256x32xf32, #tpu.memory_space<vmem>>[vector<16xi32>, vector<16xi32>], vector<16xf32>,
          tpu.vector_store_idx %arg25[%add3A_482, %add3A_733], %mul3A_783 : memref<256x32xf32, #tpu.memory_space<vmem>>[vector<16xi32>, vector<16xi32>], vector<16xf32>,
          %broadcast_in_dim3A_784 = arith.constant 20 : i32
          %broadcast_in_dim3A_785 = vector.broadcast %broadcast_in_dim3A_784 : i32 to vector<16xi32>
          %add3A_786 = arith.constant 1 : i32
          %add3A_787 = vector.broadcast %add3A_786 : i32 to vector<16xi32>
          %add3A_788 = arith.addi %broadcast_in_dim3A_785, %add3A_787 : vector<16xi32>
          %add3A_789 = arith.constant 2 : i32
          %add3A_790 = vector.broadcast %add3A_789 : i32 to vector<16xi32>
          %add3A_791 = arith.addi %broadcast_in_dim3A_785, %add3A_790 : vector<16xi32>
          %add3A_792 = arith.constant 3 : i32
          %add3A_793 = vector.broadcast %add3A_792 : i32 to vector<16xi32>
          %add3A_794 = arith.addi %broadcast_in_dim3A_785, %add3A_793 : vector<16xi32>
          %gather3A_795 = tpu.vector_load_idx %arg17[%add3A_482, %broadcast_in_dim3A_785] : memref<256x32xf32, #tpu.memory_space<vmem>>[vector<16xi32>, vector<16xi32>], vector<16xf32>,
          %gather3A_796 = tpu.vector_load_idx %arg17[%add3A_482, %add3A_788] : memref<256x32xf32, #tpu.memory_space<vmem>>[vector<16xi32>, vector<16xi32>], vector<16xf32>,
          %gather3A_797 = tpu.vector_load_idx %arg17[%add3A_482, %add3A_791] : memref<256x32xf32, #tpu.memory_space<vmem>>[vector<16xi32>, vector<16xi32>], vector<16xf32>,
          %gather3A_798 = tpu.vector_load_idx %arg17[%add3A_482, %add3A_794] : memref<256x32xf32, #tpu.memory_space<vmem>>[vector<16xi32>, vector<16xi32>], vector<16xf32>,
          %gather3A_799 = tpu.vector_load_idx %arg21[%add3A_482, %broadcast_in_dim3A_785] : memref<256x32xf32, #tpu.memory_space<vmem>>[vector<16xi32>, vector<16xi32>], vector<16xf32>,
          %gather3A_800 = tpu.vector_load_idx %arg21[%add3A_482, %add3A_788] : memref<256x32xf32, #tpu.memory_space<vmem>>[vector<16xi32>, vector<16xi32>], vector<16xf32>,
          %gather3A_801 = tpu.vector_load_idx %arg21[%add3A_482, %add3A_791] : memref<256x32xf32, #tpu.memory_space<vmem>>[vector<16xi32>, vector<16xi32>], vector<16xf32>,
          %gather3A_802 = tpu.vector_load_idx %arg21[%add3A_482, %add3A_794] : memref<256x32xf32, #tpu.memory_space<vmem>>[vector<16xi32>, vector<16xi32>], vector<16xf32>,
          %mul3A_803 = arith.mulf %gather3A_799, %gather3A_799 : vector<16xf32>
          %mul3A_804 = arith.mulf %gather3A_800, %gather3A_800 : vector<16xf32>
          %add3A_805 = arith.addf %mul3A_803, %mul3A_804 : vector<16xf32>
          %mul3A_806 = arith.mulf %gather3A_801, %gather3A_801 : vector<16xf32>
          %add3A_807 = arith.addf %add3A_805, %mul3A_806 : vector<16xf32>
          %mul3A_808 = arith.mulf %gather3A_802, %gather3A_802 : vector<16xf32>
          %add3A_809 = arith.addf %add3A_807, %mul3A_808 : vector<16xf32>
          %div3A_810 = arith.constant 1.000000e+00 : f32
          %div3A_811 = vector.broadcast %div3A_810 : f32 to vector<16xf32>
          %div3A_812 = arith.divf %div3A_811, %add3A_809 : vector<16xf32>
          %mul3A_813 = arith.mulf %gather3A_795, %gather3A_799 : vector<16xf32>
          %mul3A_814 = arith.mulf %gather3A_796, %gather3A_800 : vector<16xf32>
          %add3A_815 = arith.addf %mul3A_813, %mul3A_814 : vector<16xf32>
          %mul3A_816 = arith.mulf %gather3A_797, %gather3A_801 : vector<16xf32>
          %add3A_817 = arith.addf %add3A_815, %mul3A_816 : vector<16xf32>
          %mul3A_818 = arith.mulf %gather3A_798, %gather3A_802 : vector<16xf32>
          %add3A_819 = arith.addf %add3A_817, %mul3A_818 : vector<16xf32>
          %mul3A_820 = arith.mulf %add3A_819, %div3A_812 : vector<16xf32>
          %mul3A_821 = arith.mulf %gather3A_796, %gather3A_799 : vector<16xf32>
          %mul3A_822 = arith.mulf %gather3A_795, %gather3A_800 : vector<16xf32>
          %sub3A_823 = arith.subf %mul3A_821, %mul3A_822 : vector<16xf32>
          %mul3A_824 = arith.mulf %gather3A_797, %gather3A_802 : vector<16xf32>
          %sub3A_825 = arith.subf %sub3A_823, %mul3A_824 : vector<16xf32>
          %mul3A_826 = arith.mulf %gather3A_798, %gather3A_801 : vector<16xf32>
          %add3A_827 = arith.addf %sub3A_825, %mul3A_826 : vector<16xf32>
          %mul3A_828 = arith.mulf %add3A_827, %div3A_812 : vector<16xf32>
          %mul3A_829 = arith.mulf %gather3A_797, %gather3A_799 : vector<16xf32>
          %mul3A_830 = arith.mulf %gather3A_795, %gather3A_801 : vector<16xf32>
          %sub3A_831 = arith.subf %mul3A_829, %mul3A_830 : vector<16xf32>
          %mul3A_832 = arith.mulf %gather3A_796, %gather3A_802 : vector<16xf32>
          %add3A_833 = arith.addf %sub3A_831, %mul3A_832 : vector<16xf32>
          %mul3A_834 = arith.mulf %gather3A_798, %gather3A_800 : vector<16xf32>
          %sub3A_835 = arith.subf %add3A_833, %mul3A_834 : vector<16xf32>
          %mul3A_836 = arith.mulf %sub3A_835, %div3A_812 : vector<16xf32>
          %mul3A_837 = arith.mulf %gather3A_798, %gather3A_799 : vector<16xf32>
          %mul3A_838 = arith.mulf %gather3A_795, %gather3A_802 : vector<16xf32>
          %sub3A_839 = arith.subf %mul3A_837, %mul3A_838 : vector<16xf32>
          %mul3A_840 = arith.mulf %gather3A_796, %gather3A_801 : vector<16xf32>
          %sub3A_841 = arith.subf %sub3A_839, %mul3A_840 : vector<16xf32>
          %mul3A_842 = arith.mulf %gather3A_797, %gather3A_800 : vector<16xf32>
          %add3A_843 = arith.addf %sub3A_841, %mul3A_842 : vector<16xf32>
          %mul3A_844 = arith.mulf %add3A_843, %div3A_812 : vector<16xf32>
          tpu.vector_store_idx %arg25[%add3A_482, %broadcast_in_dim3A_785], %mul3A_820 : memref<256x32xf32, #tpu.memory_space<vmem>>[vector<16xi32>, vector<16xi32>], vector<16xf32>,
          tpu.vector_store_idx %arg25[%add3A_482, %add3A_788], %mul3A_828 : memref<256x32xf32, #tpu.memory_space<vmem>>[vector<16xi32>, vector<16xi32>], vector<16xf32>,
          tpu.vector_store_idx %arg25[%add3A_482, %add3A_791], %mul3A_836 : memref<256x32xf32, #tpu.memory_space<vmem>>[vector<16xi32>, vector<16xi32>], vector<16xf32>,
          tpu.vector_store_idx %arg25[%add3A_482, %add3A_794], %mul3A_844 : memref<256x32xf32, #tpu.memory_space<vmem>>[vector<16xi32>, vector<16xi32>], vector<16xf32>,
          %broadcast_in_dim3A_845 = arith.constant 24 : i32
          %broadcast_in_dim3A_846 = vector.broadcast %broadcast_in_dim3A_845 : i32 to vector<16xi32>
          %add3A_847 = arith.constant 1 : i32
          %add3A_848 = vector.broadcast %add3A_847 : i32 to vector<16xi32>
          %add3A_849 = arith.addi %broadcast_in_dim3A_846, %add3A_848 : vector<16xi32>
          %add3A_850 = arith.constant 2 : i32
          %add3A_851 = vector.broadcast %add3A_850 : i32 to vector<16xi32>
          %add3A_852 = arith.addi %broadcast_in_dim3A_846, %add3A_851 : vector<16xi32>
          %add3A_853 = arith.constant 3 : i32
          %add3A_854 = vector.broadcast %add3A_853 : i32 to vector<16xi32>
          %add3A_855 = arith.addi %broadcast_in_dim3A_846, %add3A_854 : vector<16xi32>
          %gather3A_856 = tpu.vector_load_idx %arg17[%add3A_482, %broadcast_in_dim3A_846] : memref<256x32xf32, #tpu.memory_space<vmem>>[vector<16xi32>, vector<16xi32>], vector<16xf32>,
          %gather3A_857 = tpu.vector_load_idx %arg17[%add3A_482, %add3A_849] : memref<256x32xf32, #tpu.memory_space<vmem>>[vector<16xi32>, vector<16xi32>], vector<16xf32>,
          %gather3A_858 = tpu.vector_load_idx %arg17[%add3A_482, %add3A_852] : memref<256x32xf32, #tpu.memory_space<vmem>>[vector<16xi32>, vector<16xi32>], vector<16xf32>,
          %gather3A_859 = tpu.vector_load_idx %arg17[%add3A_482, %add3A_855] : memref<256x32xf32, #tpu.memory_space<vmem>>[vector<16xi32>, vector<16xi32>], vector<16xf32>,
          %gather3A_860 = tpu.vector_load_idx %arg21[%add3A_482, %broadcast_in_dim3A_846] : memref<256x32xf32, #tpu.memory_space<vmem>>[vector<16xi32>, vector<16xi32>], vector<16xf32>,
          %gather3A_861 = tpu.vector_load_idx %arg21[%add3A_482, %add3A_849] : memref<256x32xf32, #tpu.memory_space<vmem>>[vector<16xi32>, vector<16xi32>], vector<16xf32>,
          %gather3A_862 = tpu.vector_load_idx %arg21[%add3A_482, %add3A_852] : memref<256x32xf32, #tpu.memory_space<vmem>>[vector<16xi32>, vector<16xi32>], vector<16xf32>,
          %gather3A_863 = tpu.vector_load_idx %arg21[%add3A_482, %add3A_855] : memref<256x32xf32, #tpu.memory_space<vmem>>[vector<16xi32>, vector<16xi32>], vector<16xf32>,
          %mul3A_864 = arith.mulf %gather3A_860, %gather3A_860 : vector<16xf32>
          %mul3A_865 = arith.mulf %gather3A_861, %gather3A_861 : vector<16xf32>
          %add3A_866 = arith.addf %mul3A_864, %mul3A_865 : vector<16xf32>
          %mul3A_867 = arith.mulf %gather3A_862, %gather3A_862 : vector<16xf32>
          %add3A_868 = arith.addf %add3A_866, %mul3A_867 : vector<16xf32>
          %mul3A_869 = arith.mulf %gather3A_863, %gather3A_863 : vector<16xf32>
          %add3A_870 = arith.addf %add3A_868, %mul3A_869 : vector<16xf32>
          %div3A_871 = arith.constant 1.000000e+00 : f32
          %div3A_872 = vector.broadcast %div3A_871 : f32 to vector<16xf32>
          %div3A_873 = arith.divf %div3A_872, %add3A_870 : vector<16xf32>
          %mul3A_874 = arith.mulf %gather3A_856, %gather3A_860 : vector<16xf32>
          %mul3A_875 = arith.mulf %gather3A_857, %gather3A_861 : vector<16xf32>
          %add3A_876 = arith.addf %mul3A_874, %mul3A_875 : vector<16xf32>
          %mul3A_877 = arith.mulf %gather3A_858, %gather3A_862 : vector<16xf32>
          %add3A_878 = arith.addf %add3A_876, %mul3A_877 : vector<16xf32>
          %mul3A_879 = arith.mulf %gather3A_859, %gather3A_863 : vector<16xf32>
          %add3A_880 = arith.addf %add3A_878, %mul3A_879 : vector<16xf32>
          %mul3A_881 = arith.mulf %add3A_880, %div3A_873 : vector<16xf32>
          %mul3A_882 = arith.mulf %gather3A_857, %gather3A_860 : vector<16xf32>
          %mul3A_883 = arith.mulf %gather3A_856, %gather3A_861 : vector<16xf32>
          %sub3A_884 = arith.subf %mul3A_882, %mul3A_883 : vector<16xf32>
          %mul3A_885 = arith.mulf %gather3A_858, %gather3A_863 : vector<16xf32>
          %sub3A_886 = arith.subf %sub3A_884, %mul3A_885 : vector<16xf32>
          %mul3A_887 = arith.mulf %gather3A_859, %gather3A_862 : vector<16xf32>
          %add3A_888 = arith.addf %sub3A_886, %mul3A_887 : vector<16xf32>
          %mul3A_889 = arith.mulf %add3A_888, %div3A_873 : vector<16xf32>
          %mul3A_890 = arith.mulf %gather3A_858, %gather3A_860 : vector<16xf32>
          %mul3A_891 = arith.mulf %gather3A_856, %gather3A_862 : vector<16xf32>
          %sub3A_892 = arith.subf %mul3A_890, %mul3A_891 : vector<16xf32>
          %mul3A_893 = arith.mulf %gather3A_857, %gather3A_863 : vector<16xf32>
          %add3A_894 = arith.addf %sub3A_892, %mul3A_893 : vector<16xf32>
          %mul3A_895 = arith.mulf %gather3A_859, %gather3A_861 : vector<16xf32>
          %sub3A_896 = arith.subf %add3A_894, %mul3A_895 : vector<16xf32>
          %mul3A_897 = arith.mulf %sub3A_896, %div3A_873 : vector<16xf32>
          %mul3A_898 = arith.mulf %gather3A_859, %gather3A_860 : vector<16xf32>
          %mul3A_899 = arith.mulf %gather3A_856, %gather3A_863 : vector<16xf32>
          %sub3A_900 = arith.subf %mul3A_898, %mul3A_899 : vector<16xf32>
          %mul3A_901 = arith.mulf %gather3A_857, %gather3A_862 : vector<16xf32>
          %sub3A_902 = arith.subf %sub3A_900, %mul3A_901 : vector<16xf32>
          %mul3A_903 = arith.mulf %gather3A_858, %gather3A_861 : vector<16xf32>
          %add3A_904 = arith.addf %sub3A_902, %mul3A_903 : vector<16xf32>
          %mul3A_905 = arith.mulf %add3A_904, %div3A_873 : vector<16xf32>
          tpu.vector_store_idx %arg25[%add3A_482, %broadcast_in_dim3A_846], %mul3A_881 : memref<256x32xf32, #tpu.memory_space<vmem>>[vector<16xi32>, vector<16xi32>], vector<16xf32>,
          tpu.vector_store_idx %arg25[%add3A_482, %add3A_849], %mul3A_889 : memref<256x32xf32, #tpu.memory_space<vmem>>[vector<16xi32>, vector<16xi32>], vector<16xf32>,
          tpu.vector_store_idx %arg25[%add3A_482, %add3A_852], %mul3A_897 : memref<256x32xf32, #tpu.memory_space<vmem>>[vector<16xi32>, vector<16xi32>], vector<16xf32>,
          tpu.vector_store_idx %arg25[%add3A_482, %add3A_855], %mul3A_905 : memref<256x32xf32, #tpu.memory_space<vmem>>[vector<16xi32>, vector<16xi32>], vector<16xf32>,
          %broadcast_in_dim3A_906 = arith.constant 28 : i32
          %broadcast_in_dim3A_907 = vector.broadcast %broadcast_in_dim3A_906 : i32 to vector<16xi32>
          %add3A_908 = arith.constant 1 : i32
          %add3A_909 = vector.broadcast %add3A_908 : i32 to vector<16xi32>
          %add3A_910 = arith.addi %broadcast_in_dim3A_907, %add3A_909 : vector<16xi32>
          %add3A_911 = arith.constant 2 : i32
          %add3A_912 = vector.broadcast %add3A_911 : i32 to vector<16xi32>
          %add3A_913 = arith.addi %broadcast_in_dim3A_907, %add3A_912 : vector<16xi32>
          %add3A_914 = arith.constant 3 : i32
          %add3A_915 = vector.broadcast %add3A_914 : i32 to vector<16xi32>
          %add3A_916 = arith.addi %broadcast_in_dim3A_907, %add3A_915 : vector<16xi32>
          %gather3A_917 = tpu.vector_load_idx %arg17[%add3A_482, %broadcast_in_dim3A_907] : memref<256x32xf32, #tpu.memory_space<vmem>>[vector<16xi32>, vector<16xi32>], vector<16xf32>,
          %gather3A_918 = tpu.vector_load_idx %arg17[%add3A_482, %add3A_910] : memref<256x32xf32, #tpu.memory_space<vmem>>[vector<16xi32>, vector<16xi32>], vector<16xf32>,
          %gather3A_919 = tpu.vector_load_idx %arg17[%add3A_482, %add3A_913] : memref<256x32xf32, #tpu.memory_space<vmem>>[vector<16xi32>, vector<16xi32>], vector<16xf32>,
          %gather3A_920 = tpu.vector_load_idx %arg17[%add3A_482, %add3A_916] : memref<256x32xf32, #tpu.memory_space<vmem>>[vector<16xi32>, vector<16xi32>], vector<16xf32>,
          %gather3A_921 = tpu.vector_load_idx %arg21[%add3A_482, %broadcast_in_dim3A_907] : memref<256x32xf32, #tpu.memory_space<vmem>>[vector<16xi32>, vector<16xi32>], vector<16xf32>,
          %gather3A_922 = tpu.vector_load_idx %arg21[%add3A_482, %add3A_910] : memref<256x32xf32, #tpu.memory_space<vmem>>[vector<16xi32>, vector<16xi32>], vector<16xf32>,
          %gather3A_923 = tpu.vector_load_idx %arg21[%add3A_482, %add3A_913] : memref<256x32xf32, #tpu.memory_space<vmem>>[vector<16xi32>, vector<16xi32>], vector<16xf32>,
          %gather3A_924 = tpu.vector_load_idx %arg21[%add3A_482, %add3A_916] : memref<256x32xf32, #tpu.memory_space<vmem>>[vector<16xi32>, vector<16xi32>], vector<16xf32>,
          %mul3A_925 = arith.mulf %gather3A_921, %gather3A_921 : vector<16xf32>
          %mul3A_926 = arith.mulf %gather3A_922, %gather3A_922 : vector<16xf32>
          %add3A_927 = arith.addf %mul3A_925, %mul3A_926 : vector<16xf32>
          %mul3A_928 = arith.mulf %gather3A_923, %gather3A_923 : vector<16xf32>
          %add3A_929 = arith.addf %add3A_927, %mul3A_928 : vector<16xf32>
          %mul3A_930 = arith.mulf %gather3A_924, %gather3A_924 : vector<16xf32>
          %add3A_931 = arith.addf %add3A_929, %mul3A_930 : vector<16xf32>
          %div3A_932 = arith.constant 1.000000e+00 : f32
          %div3A_933 = vector.broadcast %div3A_932 : f32 to vector<16xf32>
          %div3A_934 = arith.divf %div3A_933, %add3A_931 : vector<16xf32>
          %mul3A_935 = arith.mulf %gather3A_917, %gather3A_921 : vector<16xf32>
          %mul3A_936 = arith.mulf %gather3A_918, %gather3A_922 : vector<16xf32>
          %add3A_937 = arith.addf %mul3A_935, %mul3A_936 : vector<16xf32>
          %mul3A_938 = arith.mulf %gather3A_919, %gather3A_923 : vector<16xf32>
          %add3A_939 = arith.addf %add3A_937, %mul3A_938 : vector<16xf32>
          %mul3A_940 = arith.mulf %gather3A_920, %gather3A_924 : vector<16xf32>
          %add3A_941 = arith.addf %add3A_939, %mul3A_940 : vector<16xf32>
          %mul3A_942 = arith.mulf %add3A_941, %div3A_934 : vector<16xf32>
          %mul3A_943 = arith.mulf %gather3A_918, %gather3A_921 : vector<16xf32>
          %mul3A_944 = arith.mulf %gather3A_917, %gather3A_922 : vector<16xf32>
          %sub3A_945 = arith.subf %mul3A_943, %mul3A_944 : vector<16xf32>
          %mul3A_946 = arith.mulf %gather3A_919, %gather3A_924 : vector<16xf32>
          %sub3A_947 = arith.subf %sub3A_945, %mul3A_946 : vector<16xf32>
          %mul3A_948 = arith.mulf %gather3A_920, %gather3A_923 : vector<16xf32>
          %add3A_949 = arith.addf %sub3A_947, %mul3A_948 : vector<16xf32>
          %mul3A_950 = arith.mulf %add3A_949, %div3A_934 : vector<16xf32>
          %mul3A_951 = arith.mulf %gather3A_919, %gather3A_921 : vector<16xf32>
          %mul3A_952 = arith.mulf %gather3A_917, %gather3A_923 : vector<16xf32>
          %sub3A_953 = arith.subf %mul3A_951, %mul3A_952 : vector<16xf32>
          %mul3A_954 = arith.mulf %gather3A_918, %gather3A_924 : vector<16xf32>
          %add3A_955 = arith.addf %sub3A_953, %mul3A_954 : vector<16xf32>
          %mul3A_956 = arith.mulf %gather3A_920, %gather3A_922 : vector<16xf32>
          %sub3A_957 = arith.subf %add3A_955, %mul3A_956 : vector<16xf32>
          %mul3A_958 = arith.mulf %sub3A_957, %div3A_934 : vector<16xf32>
          %mul3A_959 = arith.mulf %gather3A_920, %gather3A_921 : vector<16xf32>
          %mul3A_960 = arith.mulf %gather3A_917, %gather3A_924 : vector<16xf32>
          %sub3A_961 = arith.subf %mul3A_959, %mul3A_960 : vector<16xf32>
          %mul3A_962 = arith.mulf %gather3A_918, %gather3A_923 : vector<16xf32>
          %sub3A_963 = arith.subf %sub3A_961, %mul3A_962 : vector<16xf32>
          %mul3A_964 = arith.mulf %gather3A_919, %gather3A_922 : vector<16xf32>
          %add3A_965 = arith.addf %sub3A_963, %mul3A_964 : vector<16xf32>
          %mul3A_966 = arith.mulf %add3A_965, %div3A_934 : vector<16xf32>
          tpu.vector_store_idx %arg25[%add3A_482, %broadcast_in_dim3A_907], %mul3A_942 : memref<256x32xf32, #tpu.memory_space<vmem>>[vector<16xi32>, vector<16xi32>], vector<16xf32>,
          tpu.vector_store_idx %arg25[%add3A_482, %add3A_910], %mul3A_950 : memref<256x32xf32, #tpu.memory_space<vmem>>[vector<16xi32>, vector<16xi32>], vector<16xf32>,
          tpu.vector_store_idx %arg25[%add3A_482, %add3A_913], %mul3A_958 : memref<256x32xf32, #tpu.memory_space<vmem>>[vector<16xi32>, vector<16xi32>], vector<16xf32>,
          tpu.vector_store_idx %arg25[%add3A_482, %add3A_916], %mul3A_966 : memref<256x32xf32, #tpu.memory_space<vmem>>[vector<16xi32>, vector<16xi32>], vector<16xf32>,
        }
        %scan3A_460 = arith.constant 16 : i32
        %mul3A_461 = arith.constant 256 : i32
        %mul3A_462 = arith.muli %add3A_384, %mul3A_461 : i32
        %dma_start3A_463 = arith.constant 0 : i32
        %dma_start3A_464 = tpu.memref_slice %arg5[%mul3A_462, %dma_start3A_463] : memref<1600000x32xf32, #tpu.memory_space<hbm>> -> memref<256x32xf32, #tpu.memory_space<hbm>>
        %dma_start3A_465 = arith.constant 0 : i32
        %dma_start3A_466 = tpu.memref_slice %arg5[%mul3A_462, %dma_start3A_465] : memref<1600000x32xf32, #tpu.memory_space<hbm>> -> memref<256x32xf32, #tpu.memory_space<hbm>>
        tpu.enqueue_dma source(%arg25 : memref<256x32xf32, #tpu.memory_space<vmem>>) target(%dma_start3A_466 : memref<256x32xf32, #tpu.memory_space<hbm>>) target_semaphore(%arg38 : memref<!tpu.dma_semaphore, #tpu.memory_space<semaphore_mem>>)
        %mul3A_467 = arith.constant 256 : i32
        %mul3A_468 = arith.muli %add3A_384, %mul3A_467 : i32
        %dma_start3A_469 = arith.constant 0 : i32
        %dma_start3A_470 = tpu.memref_slice %arg6[%mul3A_468, %dma_start3A_469] : memref<1600000x8xf32, #tpu.memory_space<hbm>> -> memref<256x8xf32, #tpu.memory_space<hbm>>
        %dma_start3A_471 = arith.constant 0 : i32
        %dma_start3A_472 = tpu.memref_slice %arg6[%mul3A_468, %dma_start3A_471] : memref<1600000x8xf32, #tpu.memory_space<hbm>> -> memref<256x8xf32, #tpu.memory_space<hbm>>
        tpu.enqueue_dma source(%arg27 : memref<256x8xf32, #tpu.memory_space<vmem>>) target(%dma_start3A_472 : memref<256x8xf32, #tpu.memory_space<hbm>>) target_semaphore(%arg42 : memref<!tpu.dma_semaphore, #tpu.memory_space<semaphore_mem>>)
        %lt3A_473 = arith.constant 6250 : i32
        %lt3A_474 = arith.cmpi slt, %add3A_386, %lt3A_473 : i32
        %convert_element_type3A_475 = arith.extui %lt3A_474 : i1 to i32
        %cond3A_476 = arith.constant 0 : i32
        %cond3A_477 = arith.cmpi ne, %convert_element_type3A_475, %cond3A_476 : i32
        scf.if %cond3A_477 {
          %dma_wait3A_478 = arith.constant 0 : i32
          %dma_wait3A_479 = arith.constant 0 : i32
          %dma_wait3A_480 = arith.constant 0 : i32
          %dma_wait3A_481 = tpu.memref_slice %arg2[%dma_wait3A_478, %add3A_386, %dma_wait3A_479, %dma_wait3A_480] : memref<2x6250x2x128xi32, #tpu.memory_space<hbm>> -> memref<1x1x2x128xi32, #tpu.memory_space<hbm>>
          %dma_wait3A_482 = tpu.memref_squeeze %dma_wait3A_481 : memref<1x1x2x128xi32, #tpu.memory_space<hbm>> -> memref<2x128xi32, #tpu.memory_space<hbm>>
          %dma_wait3A_483 = arith.constant 0 : i32
          %dma_wait3A_484 = arith.constant 0 : i32
          %dma_wait3A_485 = tpu.memref_slice %arg2[%dma_wait3A_478, %add3A_386, %dma_wait3A_483, %dma_wait3A_484] : memref<2x6250x2x128xi32, #tpu.memory_space<hbm>> -> memref<1x1x2x128xi32, #tpu.memory_space<hbm>>
          %dma_wait3A_486 = tpu.memref_squeeze %dma_wait3A_485 : memref<1x1x2x128xi32, #tpu.memory_space<hbm>> -> memref<2x128xi32, #tpu.memory_space<hbm>>
          tpu.wait_dma2 semaphore(%arg30 : memref<!tpu.dma_semaphore, #tpu.memory_space<semaphore_mem>>) src(%dma_wait3A_486 : memref<2x128xi32, #tpu.memory_space<hbm>>) dst(%arg9 : memref<2x128xi32, #tpu.memory_space<vmem>>)
          %dma_wait3A_487 = arith.constant 1 : i32
          %dma_wait3A_488 = arith.constant 0 : i32
          %dma_wait3A_489 = arith.constant 0 : i32
          %dma_wait3A_490 = tpu.memref_slice %arg2[%dma_wait3A_487, %add3A_386, %dma_wait3A_488, %dma_wait3A_489] : memref<2x6250x2x128xi32, #tpu.memory_space<hbm>> -> memref<1x1x2x128xi32, #tpu.memory_space<hbm>>
          %dma_wait3A_491 = tpu.memref_squeeze %dma_wait3A_490 : memref<1x1x2x128xi32, #tpu.memory_space<hbm>> -> memref<2x128xi32, #tpu.memory_space<hbm>>
          %dma_wait3A_492 = arith.constant 0 : i32
          %dma_wait3A_493 = arith.constant 0 : i32
          %dma_wait3A_494 = tpu.memref_slice %arg2[%dma_wait3A_487, %add3A_386, %dma_wait3A_492, %dma_wait3A_493] : memref<2x6250x2x128xi32, #tpu.memory_space<hbm>> -> memref<1x1x2x128xi32, #tpu.memory_space<hbm>>
          %dma_wait3A_495 = tpu.memref_squeeze %dma_wait3A_494 : memref<1x1x2x128xi32, #tpu.memory_space<hbm>> -> memref<2x128xi32, #tpu.memory_space<hbm>>
          tpu.wait_dma2 semaphore(%arg30 : memref<!tpu.dma_semaphore, #tpu.memory_space<semaphore_mem>>) src(%dma_wait3A_495 : memref<2x128xi32, #tpu.memory_space<hbm>>) dst(%arg13 : memref<2x128xi32, #tpu.memory_space<vmem>>)
          %dma_start3A_496 = arith.constant 0 : i32
          %dma_start3A_497 = arith.constant 0 : i32
          %dma_start3A_498 = arith.constant 0 : i32
          %dma_start3A_499 = tpu.memref_slice %arg17[%dma_start3A_497, %dma_start3A_498] : memref<256x32xf32, #tpu.memory_space<vmem>> -> memref<128x32xf32, #tpu.memory_space<vmem>>
          %dma_start3A_500 = arith.constant 0 : i32
          %dma_start3A_501 = tpu.memref_slice %arg9[%dma_start3A_496, %dma_start3A_500] : memref<2x128xi32, #tpu.memory_space<vmem>> -> memref<1x128xi32, #tpu.memory_space<vmem>>
          %dma_start3A_502 = tpu.memref_squeeze %dma_start3A_501 : memref<1x128xi32, #tpu.memory_space<vmem>> -> memref<128xi32, #tpu.memory_space<vmem>>
          %dma_start3A_503 = arith.constant 0 : i32
          %dma_start3A_504 = arith.constant 0 : i32
          %dma_start3A_505 = tpu.memref_slice %arg3[%dma_start3A_503, %dma_start3A_504] : memref<50000x32xf32, #tpu.memory_space<hbm>> -> memref<50000x32xf32, #tpu.memory_space<hbm>>
          tpu.enqueue_indirect_dma source(%dma_start3A_505 : memref<50000x32xf32, #tpu.memory_space<hbm>>) target(%dma_start3A_499 : memref<128x32xf32, #tpu.memory_space<vmem>>) offsets(%dma_start3A_502 : memref<128xi32, #tpu.memory_space<vmem>>) semaphore(%arg34 : memref<!tpu.dma_semaphore, #tpu.memory_space<semaphore_mem>>)
          %dma_start3A_506 = arith.constant 0 : i32
          %dma_start3A_507 = arith.constant 0 : i32
          %dma_start3A_508 = arith.constant 0 : i32
          %dma_start3A_509 = tpu.memref_slice %arg21[%dma_start3A_507, %dma_start3A_508] : memref<256x32xf32, #tpu.memory_space<vmem>> -> memref<128x32xf32, #tpu.memory_space<vmem>>
          %dma_start3A_510 = arith.constant 0 : i32
          %dma_start3A_511 = tpu.memref_slice %arg13[%dma_start3A_506, %dma_start3A_510] : memref<2x128xi32, #tpu.memory_space<vmem>> -> memref<1x128xi32, #tpu.memory_space<vmem>>
          %dma_start3A_512 = tpu.memref_squeeze %dma_start3A_511 : memref<1x128xi32, #tpu.memory_space<vmem>> -> memref<128xi32, #tpu.memory_space<vmem>>
          %dma_start3A_513 = arith.constant 0 : i32
          %dma_start3A_514 = arith.constant 0 : i32
          %dma_start3A_515 = tpu.memref_slice %arg3[%dma_start3A_513, %dma_start3A_514] : memref<50000x32xf32, #tpu.memory_space<hbm>> -> memref<50000x32xf32, #tpu.memory_space<hbm>>
          tpu.enqueue_indirect_dma source(%dma_start3A_515 : memref<50000x32xf32, #tpu.memory_space<hbm>>) target(%dma_start3A_509 : memref<128x32xf32, #tpu.memory_space<vmem>>) offsets(%dma_start3A_512 : memref<128xi32, #tpu.memory_space<vmem>>) semaphore(%arg34 : memref<!tpu.dma_semaphore, #tpu.memory_space<semaphore_mem>>)
          %dma_start3A_516 = arith.constant 1 : i32
          %dma_start3A_517 = arith.constant 128 : i32
          %dma_start3A_518 = arith.constant 0 : i32
          %dma_start3A_519 = tpu.memref_slice %arg17[%dma_start3A_517, %dma_start3A_518] : memref<256x32xf32, #tpu.memory_space<vmem>> -> memref<128x32xf32, #tpu.memory_space<vmem>>
          %dma_start3A_520 = arith.constant 0 : i32
          %dma_start3A_521 = tpu.memref_slice %arg9[%dma_start3A_516, %dma_start3A_520] : memref<2x128xi32, #tpu.memory_space<vmem>> -> memref<1x128xi32, #tpu.memory_space<vmem>>
          %dma_start3A_522 = tpu.memref_squeeze %dma_start3A_521 : memref<1x128xi32, #tpu.memory_space<vmem>> -> memref<128xi32, #tpu.memory_space<vmem>>
          %dma_start3A_523 = arith.constant 0 : i32
          %dma_start3A_524 = arith.constant 0 : i32
          %dma_start3A_525 = tpu.memref_slice %arg3[%dma_start3A_523, %dma_start3A_524] : memref<50000x32xf32, #tpu.memory_space<hbm>> -> memref<50000x32xf32, #tpu.memory_space<hbm>>
          tpu.enqueue_indirect_dma source(%dma_start3A_525 : memref<50000x32xf32, #tpu.memory_space<hbm>>) target(%dma_start3A_519 : memref<128x32xf32, #tpu.memory_space<vmem>>) offsets(%dma_start3A_522 : memref<128xi32, #tpu.memory_space<vmem>>) semaphore(%arg34 : memref<!tpu.dma_semaphore, #tpu.memory_space<semaphore_mem>>)
          %dma_start3A_526 = arith.constant 1 : i32
          %dma_start3A_527 = arith.constant 128 : i32
          %dma_start3A_528 = arith.constant 0 : i32
          %dma_start3A_529 = tpu.memref_slice %arg21[%dma_start3A_527, %dma_start3A_528] : memref<256x32xf32, #tpu.memory_space<vmem>> -> memref<128x32xf32, #tpu.memory_space<vmem>>
          %dma_start3A_530 = arith.constant 0 : i32
          %dma_start3A_531 = tpu.memref_slice %arg13[%dma_start3A_526, %dma_start3A_530] : memref<2x128xi32, #tpu.memory_space<vmem>> -> memref<1x128xi32, #tpu.memory_space<vmem>>
          %dma_start3A_532 = tpu.memref_squeeze %dma_start3A_531 : memref<1x128xi32, #tpu.memory_space<vmem>> -> memref<128xi32, #tpu.memory_space<vmem>>
          %dma_start3A_533 = arith.constant 0 : i32
          %dma_start3A_534 = arith.constant 0 : i32
          %dma_start3A_535 = tpu.memref_slice %arg3[%dma_start3A_533, %dma_start3A_534] : memref<50000x32xf32, #tpu.memory_space<hbm>> -> memref<50000x32xf32, #tpu.memory_space<hbm>>
          tpu.enqueue_indirect_dma source(%dma_start3A_535 : memref<50000x32xf32, #tpu.memory_space<hbm>>) target(%dma_start3A_529 : memref<128x32xf32, #tpu.memory_space<vmem>>) offsets(%dma_start3A_532 : memref<128xi32, #tpu.memory_space<vmem>>) semaphore(%arg34 : memref<!tpu.dma_semaphore, #tpu.memory_space<semaphore_mem>>)
        } else {
        }
      } else {
      }
      %mul3A_392 = arith.constant 4 : i32
      %mul3A_393 = arith.muli %mul3A_392, %scan3A_349 : i32
      %add3A_394 = arith.constant 3 : i32
      %add3A_395 = arith.addi %mul3A_393, %add3A_394 : i32
      %mul3A_396 = arith.constant 32 : i32
      %mul3A_397 = arith.muli %add3A_395, %mul3A_396 : i32
      %add3A_398 = arith.addi %add3A, %mul3A_397 : i32
      %add3A_399 = arith.constant 128 : i32
      %add3A_400 = arith.addi %add3A_398, %add3A_399 : i32
      %lt3A_401 = arith.constant 6250 : i32
      %lt3A_402 = arith.cmpi slt, %add3A_398, %lt3A_401 : i32
      %convert_element_type3A_403 = arith.extui %lt3A_402 : i1 to i32
      %cond3A_404 = arith.constant 0 : i32
      %cond3A_405 = arith.cmpi ne, %convert_element_type3A_403, %cond3A_404 : i32
      scf.if %cond3A_405 {
        %dma_wait3A_406 = arith.constant 0 : i32
        %dma_wait3A_407 = arith.constant 0 : i32
        %dma_wait3A_408 = arith.constant 0 : i32
        %dma_wait3A_409 = tpu.memref_slice %arg18[%dma_wait3A_407, %dma_wait3A_408] : memref<256x32xf32, #tpu.memory_space<vmem>> -> memref<128x32xf32, #tpu.memory_space<vmem>>
        %dma_wait3A_410 = arith.constant 0 : i32
        %dma_wait3A_411 = tpu.memref_slice %arg10[%dma_wait3A_406, %dma_wait3A_410] : memref<2x128xi32, #tpu.memory_space<vmem>> -> memref<1x128xi32, #tpu.memory_space<vmem>>
        %dma_wait3A_412 = tpu.memref_squeeze %dma_wait3A_411 : memref<1x128xi32, #tpu.memory_space<vmem>> -> memref<128xi32, #tpu.memory_space<vmem>>
        %dma_wait3A_413 = arith.constant 0 : i32
        %dma_wait3A_414 = arith.constant 0 : i32
        %dma_wait3A_415 = tpu.memref_slice %arg3[%dma_wait3A_413, %dma_wait3A_414] : memref<50000x32xf32, #tpu.memory_space<hbm>> -> memref<50000x32xf32, #tpu.memory_space<hbm>>
        tpu.wait_indirect_dma semaphore(%arg35 : memref<!tpu.dma_semaphore, #tpu.memory_space<semaphore_mem>>) src(%dma_wait3A_415 : memref<50000x32xf32, #tpu.memory_space<hbm>>) dst(%dma_wait3A_409 : memref<128x32xf32, #tpu.memory_space<vmem>>)
        %dma_wait3A_416 = arith.constant 0 : i32
        %dma_wait3A_417 = arith.constant 0 : i32
        %dma_wait3A_418 = arith.constant 0 : i32
        %dma_wait3A_419 = tpu.memref_slice %arg22[%dma_wait3A_417, %dma_wait3A_418] : memref<256x32xf32, #tpu.memory_space<vmem>> -> memref<128x32xf32, #tpu.memory_space<vmem>>
        %dma_wait3A_420 = arith.constant 0 : i32
        %dma_wait3A_421 = tpu.memref_slice %arg14[%dma_wait3A_416, %dma_wait3A_420] : memref<2x128xi32, #tpu.memory_space<vmem>> -> memref<1x128xi32, #tpu.memory_space<vmem>>
        %dma_wait3A_422 = tpu.memref_squeeze %dma_wait3A_421 : memref<1x128xi32, #tpu.memory_space<vmem>> -> memref<128xi32, #tpu.memory_space<vmem>>
        %dma_wait3A_423 = arith.constant 0 : i32
        %dma_wait3A_424 = arith.constant 0 : i32
        %dma_wait3A_425 = tpu.memref_slice %arg3[%dma_wait3A_423, %dma_wait3A_424] : memref<50000x32xf32, #tpu.memory_space<hbm>> -> memref<50000x32xf32, #tpu.memory_space<hbm>>
        tpu.wait_indirect_dma semaphore(%arg35 : memref<!tpu.dma_semaphore, #tpu.memory_space<semaphore_mem>>) src(%dma_wait3A_425 : memref<50000x32xf32, #tpu.memory_space<hbm>>) dst(%dma_wait3A_419 : memref<128x32xf32, #tpu.memory_space<vmem>>)
        %dma_wait3A_426 = arith.constant 1 : i32
        %dma_wait3A_427 = arith.constant 128 : i32
        %dma_wait3A_428 = arith.constant 0 : i32
        %dma_wait3A_429 = tpu.memref_slice %arg18[%dma_wait3A_427, %dma_wait3A_428] : memref<256x32xf32, #tpu.memory_space<vmem>> -> memref<128x32xf32, #tpu.memory_space<vmem>>
        %dma_wait3A_430 = arith.constant 0 : i32
        %dma_wait3A_431 = tpu.memref_slice %arg10[%dma_wait3A_426, %dma_wait3A_430] : memref<2x128xi32, #tpu.memory_space<vmem>> -> memref<1x128xi32, #tpu.memory_space<vmem>>
        %dma_wait3A_432 = tpu.memref_squeeze %dma_wait3A_431 : memref<1x128xi32, #tpu.memory_space<vmem>> -> memref<128xi32, #tpu.memory_space<vmem>>
        %dma_wait3A_433 = arith.constant 0 : i32
        %dma_wait3A_434 = arith.constant 0 : i32
        %dma_wait3A_435 = tpu.memref_slice %arg3[%dma_wait3A_433, %dma_wait3A_434] : memref<50000x32xf32, #tpu.memory_space<hbm>> -> memref<50000x32xf32, #tpu.memory_space<hbm>>
        tpu.wait_indirect_dma semaphore(%arg35 : memref<!tpu.dma_semaphore, #tpu.memory_space<semaphore_mem>>) src(%dma_wait3A_435 : memref<50000x32xf32, #tpu.memory_space<hbm>>) dst(%dma_wait3A_429 : memref<128x32xf32, #tpu.memory_space<vmem>>)
        %dma_wait3A_436 = arith.constant 1 : i32
        %dma_wait3A_437 = arith.constant 128 : i32
        %dma_wait3A_438 = arith.constant 0 : i32
        %dma_wait3A_439 = tpu.memref_slice %arg22[%dma_wait3A_437, %dma_wait3A_438] : memref<256x32xf32, #tpu.memory_space<vmem>> -> memref<128x32xf32, #tpu.memory_space<vmem>>
        %dma_wait3A_440 = arith.constant 0 : i32
        %dma_wait3A_441 = tpu.memref_slice %arg14[%dma_wait3A_436, %dma_wait3A_440] : memref<2x128xi32, #tpu.memory_space<vmem>> -> memref<1x128xi32, #tpu.memory_space<vmem>>
        %dma_wait3A_442 = tpu.memref_squeeze %dma_wait3A_441 : memref<1x128xi32, #tpu.memory_space<vmem>> -> memref<128xi32, #tpu.memory_space<vmem>>
        %dma_wait3A_443 = arith.constant 0 : i32
        %dma_wait3A_444 = arith.constant 0 : i32
        %dma_wait3A_445 = tpu.memref_slice %arg3[%dma_wait3A_443, %dma_wait3A_444] : memref<50000x32xf32, #tpu.memory_space<hbm>> -> memref<50000x32xf32, #tpu.memory_space<hbm>>
        tpu.wait_indirect_dma semaphore(%arg35 : memref<!tpu.dma_semaphore, #tpu.memory_space<semaphore_mem>>) src(%dma_wait3A_445 : memref<50000x32xf32, #tpu.memory_space<hbm>>) dst(%dma_wait3A_439 : memref<128x32xf32, #tpu.memory_space<vmem>>)
        %lt3A_446 = arith.constant 6250 : i32
        %lt3A_447 = arith.cmpi slt, %add3A_400, %lt3A_446 : i32
        %convert_element_type3A_448 = arith.extui %lt3A_447 : i1 to i32
        %cond3A_449 = arith.constant 0 : i32
        %cond3A_450 = arith.cmpi ne, %convert_element_type3A_448, %cond3A_449 : i32
        scf.if %cond3A_450 {
          %dma_start3A_478 = arith.constant 0 : i32
          %dma_start3A_479 = arith.constant 0 : i32
          %dma_start3A_480 = arith.constant 0 : i32
          %dma_start3A_481 = tpu.memref_slice %arg2[%dma_start3A_478, %add3A_400, %dma_start3A_479, %dma_start3A_480] : memref<2x6250x2x128xi32, #tpu.memory_space<hbm>> -> memref<1x1x2x128xi32, #tpu.memory_space<hbm>>
          %dma_start3A_482 = tpu.memref_squeeze %dma_start3A_481 : memref<1x1x2x128xi32, #tpu.memory_space<hbm>> -> memref<2x128xi32, #tpu.memory_space<hbm>>
          %dma_start3A_483 = arith.constant 0 : i32
          %dma_start3A_484 = arith.constant 0 : i32
          %dma_start3A_485 = tpu.memref_slice %arg2[%dma_start3A_478, %add3A_400, %dma_start3A_483, %dma_start3A_484] : memref<2x6250x2x128xi32, #tpu.memory_space<hbm>> -> memref<1x1x2x128xi32, #tpu.memory_space<hbm>>
          %dma_start3A_486 = tpu.memref_squeeze %dma_start3A_485 : memref<1x1x2x128xi32, #tpu.memory_space<hbm>> -> memref<2x128xi32, #tpu.memory_space<hbm>>
          tpu.enqueue_dma source(%dma_start3A_486 : memref<2x128xi32, #tpu.memory_space<hbm>>) target(%arg10 : memref<2x128xi32, #tpu.memory_space<vmem>>) target_semaphore(%arg31 : memref<!tpu.dma_semaphore, #tpu.memory_space<semaphore_mem>>)
          %dma_start3A_487 = arith.constant 1 : i32
          %dma_start3A_488 = arith.constant 0 : i32
          %dma_start3A_489 = arith.constant 0 : i32
          %dma_start3A_490 = tpu.memref_slice %arg2[%dma_start3A_487, %add3A_400, %dma_start3A_488, %dma_start3A_489] : memref<2x6250x2x128xi32, #tpu.memory_space<hbm>> -> memref<1x1x2x128xi32, #tpu.memory_space<hbm>>
          %dma_start3A_491 = tpu.memref_squeeze %dma_start3A_490 : memref<1x1x2x128xi32, #tpu.memory_space<hbm>> -> memref<2x128xi32, #tpu.memory_space<hbm>>
          %dma_start3A_492 = arith.constant 0 : i32
          %dma_start3A_493 = arith.constant 0 : i32
          %dma_start3A_494 = tpu.memref_slice %arg2[%dma_start3A_487, %add3A_400, %dma_start3A_492, %dma_start3A_493] : memref<2x6250x2x128xi32, #tpu.memory_space<hbm>> -> memref<1x1x2x128xi32, #tpu.memory_space<hbm>>
          %dma_start3A_495 = tpu.memref_squeeze %dma_start3A_494 : memref<1x1x2x128xi32, #tpu.memory_space<hbm>> -> memref<2x128xi32, #tpu.memory_space<hbm>>
          tpu.enqueue_dma source(%dma_start3A_495 : memref<2x128xi32, #tpu.memory_space<hbm>>) target(%arg14 : memref<2x128xi32, #tpu.memory_space<vmem>>) target_semaphore(%arg31 : memref<!tpu.dma_semaphore, #tpu.memory_space<semaphore_mem>>)
        } else {
        }
        %ge3A = arith.constant 1 : i32
        %ge3A_451 = arith.cmpi sge, %scan3A_349, %ge3A : i32
        %convert_element_type3A_452 = arith.extui %ge3A_451 : i1 to i32
        %cond3A_453 = arith.constant 0 : i32
        %cond3A_454 = arith.cmpi ne, %convert_element_type3A_452, %cond3A_453 : i32
        scf.if %cond3A_454 {
          %sub3A = arith.constant 128 : i32
          %sub3A_478 = arith.subi %add3A_398, %sub3A : i32
          %mul3A_479 = arith.constant 256 : i32
          %mul3A_480 = arith.muli %sub3A_478, %mul3A_479 : i32
          %dma_wait3A_481 = arith.constant 0 : i32
          %dma_wait3A_482 = tpu.memref_slice %arg5[%mul3A_480, %dma_wait3A_481] : memref<1600000x32xf32, #tpu.memory_space<hbm>> -> memref<256x32xf32, #tpu.memory_space<hbm>>
          %dma_wait3A_483 = arith.constant 0 : i32
          %dma_wait3A_484 = tpu.memref_slice %arg5[%mul3A_480, %dma_wait3A_483] : memref<1600000x32xf32, #tpu.memory_space<hbm>> -> memref<256x32xf32, #tpu.memory_space<hbm>>
          tpu.wait_dma2 semaphore(%arg39 : memref<!tpu.dma_semaphore, #tpu.memory_space<semaphore_mem>>) src(%arg26 : memref<256x32xf32, #tpu.memory_space<vmem>>) dst(%dma_wait3A_484 : memref<256x32xf32, #tpu.memory_space<hbm>>)
          %mul3A_485 = arith.constant 256 : i32
          %mul3A_486 = arith.muli %sub3A_478, %mul3A_485 : i32
          %dma_wait3A_487 = arith.constant 0 : i32
          %dma_wait3A_488 = tpu.memref_slice %arg6[%mul3A_486, %dma_wait3A_487] : memref<1600000x8xf32, #tpu.memory_space<hbm>> -> memref<256x8xf32, #tpu.memory_space<hbm>>
          %dma_wait3A_489 = arith.constant 0 : i32
          %dma_wait3A_490 = tpu.memref_slice %arg6[%mul3A_486, %dma_wait3A_489] : memref<1600000x8xf32, #tpu.memory_space<hbm>> -> memref<256x8xf32, #tpu.memory_space<hbm>>
          tpu.wait_dma2 semaphore(%arg43 : memref<!tpu.dma_semaphore, #tpu.memory_space<semaphore_mem>>) src(%arg27 : memref<256x8xf32, #tpu.memory_space<vmem>>) dst(%dma_wait3A_490 : memref<256x8xf32, #tpu.memory_space<hbm>>)
        } else {
        }
        %scan3A_455 = arith.constant 0 : i32
        %scan3A_456 = arith.constant 0 : i32
        %scan3A_457 = arith.constant 16 : i32
        %scan3A_458 = arith.addi %scan3A_456, %scan3A_457 : i32
        %scan3A_459 = arith.constant 1 : i32
        scf.for %scan3A_478 = %scan3A_456 to %scan3A_458 step %scan3A_459  : i32 {
          %mul3A_479 = arith.constant 16 : i32
          %mul3A_480 = arith.muli %scan3A_478, %mul3A_479 : i32
          %add3A_481 = vector.broadcast %mul3A_480 : i32 to vector<16xi32>
          %add3A_482 = arith.addi %add3A_481, %iota3A : vector<16xi32>
          %broadcast_in_dim3A = arith.constant 0 : i32
          %broadcast_in_dim3A_483 = vector.broadcast %broadcast_in_dim3A : i32 to vector<16xi32>
          %add3A_484 = arith.constant 1 : i32
          %add3A_485 = vector.broadcast %add3A_484 : i32 to vector<16xi32>
          %add3A_486 = arith.addi %broadcast_in_dim3A_483, %add3A_485 : vector<16xi32>
          %add3A_487 = arith.constant 2 : i32
          %add3A_488 = vector.broadcast %add3A_487 : i32 to vector<16xi32>
          %add3A_489 = arith.addi %broadcast_in_dim3A_483, %add3A_488 : vector<16xi32>
          %add3A_490 = arith.constant 3 : i32
          %add3A_491 = vector.broadcast %add3A_490 : i32 to vector<16xi32>
          %add3A_492 = arith.addi %broadcast_in_dim3A_483, %add3A_491 : vector<16xi32>
          %gather3A = tpu.vector_load_idx %arg18[%add3A_482, %broadcast_in_dim3A_483] : memref<256x32xf32, #tpu.memory_space<vmem>>[vector<16xi32>, vector<16xi32>], vector<16xf32>,
          %gather3A_493 = tpu.vector_load_idx %arg18[%add3A_482, %add3A_486] : memref<256x32xf32, #tpu.memory_space<vmem>>[vector<16xi32>, vector<16xi32>], vector<16xf32>,
          %gather3A_494 = tpu.vector_load_idx %arg18[%add3A_482, %add3A_489] : memref<256x32xf32, #tpu.memory_space<vmem>>[vector<16xi32>, vector<16xi32>], vector<16xf32>,
          %gather3A_495 = tpu.vector_load_idx %arg18[%add3A_482, %add3A_492] : memref<256x32xf32, #tpu.memory_space<vmem>>[vector<16xi32>, vector<16xi32>], vector<16xf32>,
          %gather3A_496 = tpu.vector_load_idx %arg22[%add3A_482, %broadcast_in_dim3A_483] : memref<256x32xf32, #tpu.memory_space<vmem>>[vector<16xi32>, vector<16xi32>], vector<16xf32>,
          %gather3A_497 = tpu.vector_load_idx %arg22[%add3A_482, %add3A_486] : memref<256x32xf32, #tpu.memory_space<vmem>>[vector<16xi32>, vector<16xi32>], vector<16xf32>,
          %gather3A_498 = tpu.vector_load_idx %arg22[%add3A_482, %add3A_489] : memref<256x32xf32, #tpu.memory_space<vmem>>[vector<16xi32>, vector<16xi32>], vector<16xf32>,
          %gather3A_499 = tpu.vector_load_idx %arg22[%add3A_482, %add3A_492] : memref<256x32xf32, #tpu.memory_space<vmem>>[vector<16xi32>, vector<16xi32>], vector<16xf32>,
          %mul3A_500 = arith.mulf %gather3A_496, %gather3A_496 : vector<16xf32>
          %mul3A_501 = arith.mulf %gather3A_497, %gather3A_497 : vector<16xf32>
          %add3A_502 = arith.addf %mul3A_500, %mul3A_501 : vector<16xf32>
          %mul3A_503 = arith.mulf %gather3A_498, %gather3A_498 : vector<16xf32>
          %add3A_504 = arith.addf %add3A_502, %mul3A_503 : vector<16xf32>
          %mul3A_505 = arith.mulf %gather3A_499, %gather3A_499 : vector<16xf32>
          %add3A_506 = arith.addf %add3A_504, %mul3A_505 : vector<16xf32>
          %div3A = arith.constant 1.000000e+00 : f32
          %div3A_507 = vector.broadcast %div3A : f32 to vector<16xf32>
          %div3A_508 = arith.divf %div3A_507, %add3A_506 : vector<16xf32>
          %mul3A_509 = arith.mulf %gather3A, %gather3A_496 : vector<16xf32>
          %mul3A_510 = arith.mulf %gather3A_493, %gather3A_497 : vector<16xf32>
          %add3A_511 = arith.addf %mul3A_509, %mul3A_510 : vector<16xf32>
          %mul3A_512 = arith.mulf %gather3A_494, %gather3A_498 : vector<16xf32>
          %add3A_513 = arith.addf %add3A_511, %mul3A_512 : vector<16xf32>
          %mul3A_514 = arith.mulf %gather3A_495, %gather3A_499 : vector<16xf32>
          %add3A_515 = arith.addf %add3A_513, %mul3A_514 : vector<16xf32>
          %mul3A_516 = arith.mulf %add3A_515, %div3A_508 : vector<16xf32>
          %mul3A_517 = arith.mulf %gather3A_493, %gather3A_496 : vector<16xf32>
          %mul3A_518 = arith.mulf %gather3A, %gather3A_497 : vector<16xf32>
          %sub3A = arith.subf %mul3A_517, %mul3A_518 : vector<16xf32>
          %mul3A_519 = arith.mulf %gather3A_494, %gather3A_499 : vector<16xf32>
          %sub3A_520 = arith.subf %sub3A, %mul3A_519 : vector<16xf32>
          %mul3A_521 = arith.mulf %gather3A_495, %gather3A_498 : vector<16xf32>
          %add3A_522 = arith.addf %sub3A_520, %mul3A_521 : vector<16xf32>
          %mul3A_523 = arith.mulf %add3A_522, %div3A_508 : vector<16xf32>
          %mul3A_524 = arith.mulf %gather3A_494, %gather3A_496 : vector<16xf32>
          %mul3A_525 = arith.mulf %gather3A, %gather3A_498 : vector<16xf32>
          %sub3A_526 = arith.subf %mul3A_524, %mul3A_525 : vector<16xf32>
          %mul3A_527 = arith.mulf %gather3A_493, %gather3A_499 : vector<16xf32>
          %add3A_528 = arith.addf %sub3A_526, %mul3A_527 : vector<16xf32>
          %mul3A_529 = arith.mulf %gather3A_495, %gather3A_497 : vector<16xf32>
          %sub3A_530 = arith.subf %add3A_528, %mul3A_529 : vector<16xf32>
          %mul3A_531 = arith.mulf %sub3A_530, %div3A_508 : vector<16xf32>
          %mul3A_532 = arith.mulf %gather3A_495, %gather3A_496 : vector<16xf32>
          %mul3A_533 = arith.mulf %gather3A, %gather3A_499 : vector<16xf32>
          %sub3A_534 = arith.subf %mul3A_532, %mul3A_533 : vector<16xf32>
          %mul3A_535 = arith.mulf %gather3A_493, %gather3A_498 : vector<16xf32>
          %sub3A_536 = arith.subf %sub3A_534, %mul3A_535 : vector<16xf32>
          %mul3A_537 = arith.mulf %gather3A_494, %gather3A_497 : vector<16xf32>
          %add3A_538 = arith.addf %sub3A_536, %mul3A_537 : vector<16xf32>
          %mul3A_539 = arith.mulf %add3A_538, %div3A_508 : vector<16xf32>
          tpu.vector_store_idx %arg26[%add3A_482, %broadcast_in_dim3A_483], %mul3A_516 : memref<256x32xf32, #tpu.memory_space<vmem>>[vector<16xi32>, vector<16xi32>], vector<16xf32>,
          tpu.vector_store_idx %arg26[%add3A_482, %add3A_486], %mul3A_523 : memref<256x32xf32, #tpu.memory_space<vmem>>[vector<16xi32>, vector<16xi32>], vector<16xf32>,
          tpu.vector_store_idx %arg26[%add3A_482, %add3A_489], %mul3A_531 : memref<256x32xf32, #tpu.memory_space<vmem>>[vector<16xi32>, vector<16xi32>], vector<16xf32>,
          tpu.vector_store_idx %arg26[%add3A_482, %add3A_492], %mul3A_539 : memref<256x32xf32, #tpu.memory_space<vmem>>[vector<16xi32>, vector<16xi32>], vector<16xf32>,
          %broadcast_in_dim3A_540 = arith.constant 4 : i32
          %broadcast_in_dim3A_541 = vector.broadcast %broadcast_in_dim3A_540 : i32 to vector<16xi32>
          %add3A_542 = arith.constant 1 : i32
          %add3A_543 = vector.broadcast %add3A_542 : i32 to vector<16xi32>
          %add3A_544 = arith.addi %broadcast_in_dim3A_541, %add3A_543 : vector<16xi32>
          %add3A_545 = arith.constant 2 : i32
          %add3A_546 = vector.broadcast %add3A_545 : i32 to vector<16xi32>
          %add3A_547 = arith.addi %broadcast_in_dim3A_541, %add3A_546 : vector<16xi32>
          %add3A_548 = arith.constant 3 : i32
          %add3A_549 = vector.broadcast %add3A_548 : i32 to vector<16xi32>
          %add3A_550 = arith.addi %broadcast_in_dim3A_541, %add3A_549 : vector<16xi32>
          %gather3A_551 = tpu.vector_load_idx %arg18[%add3A_482, %broadcast_in_dim3A_541] : memref<256x32xf32, #tpu.memory_space<vmem>>[vector<16xi32>, vector<16xi32>], vector<16xf32>,
          %gather3A_552 = tpu.vector_load_idx %arg18[%add3A_482, %add3A_544] : memref<256x32xf32, #tpu.memory_space<vmem>>[vector<16xi32>, vector<16xi32>], vector<16xf32>,
          %gather3A_553 = tpu.vector_load_idx %arg18[%add3A_482, %add3A_547] : memref<256x32xf32, #tpu.memory_space<vmem>>[vector<16xi32>, vector<16xi32>], vector<16xf32>,
          %gather3A_554 = tpu.vector_load_idx %arg18[%add3A_482, %add3A_550] : memref<256x32xf32, #tpu.memory_space<vmem>>[vector<16xi32>, vector<16xi32>], vector<16xf32>,
          %gather3A_555 = tpu.vector_load_idx %arg22[%add3A_482, %broadcast_in_dim3A_541] : memref<256x32xf32, #tpu.memory_space<vmem>>[vector<16xi32>, vector<16xi32>], vector<16xf32>,
          %gather3A_556 = tpu.vector_load_idx %arg22[%add3A_482, %add3A_544] : memref<256x32xf32, #tpu.memory_space<vmem>>[vector<16xi32>, vector<16xi32>], vector<16xf32>,
          %gather3A_557 = tpu.vector_load_idx %arg22[%add3A_482, %add3A_547] : memref<256x32xf32, #tpu.memory_space<vmem>>[vector<16xi32>, vector<16xi32>], vector<16xf32>,
          %gather3A_558 = tpu.vector_load_idx %arg22[%add3A_482, %add3A_550] : memref<256x32xf32, #tpu.memory_space<vmem>>[vector<16xi32>, vector<16xi32>], vector<16xf32>,
          %mul3A_559 = arith.mulf %gather3A_555, %gather3A_555 : vector<16xf32>
          %mul3A_560 = arith.mulf %gather3A_556, %gather3A_556 : vector<16xf32>
          %add3A_561 = arith.addf %mul3A_559, %mul3A_560 : vector<16xf32>
          %mul3A_562 = arith.mulf %gather3A_557, %gather3A_557 : vector<16xf32>
          %add3A_563 = arith.addf %add3A_561, %mul3A_562 : vector<16xf32>
          %mul3A_564 = arith.mulf %gather3A_558, %gather3A_558 : vector<16xf32>
          %add3A_565 = arith.addf %add3A_563, %mul3A_564 : vector<16xf32>
          %div3A_566 = arith.constant 1.000000e+00 : f32
          %div3A_567 = vector.broadcast %div3A_566 : f32 to vector<16xf32>
          %div3A_568 = arith.divf %div3A_567, %add3A_565 : vector<16xf32>
          %mul3A_569 = arith.mulf %gather3A_551, %gather3A_555 : vector<16xf32>
          %mul3A_570 = arith.mulf %gather3A_552, %gather3A_556 : vector<16xf32>
          %add3A_571 = arith.addf %mul3A_569, %mul3A_570 : vector<16xf32>
          %mul3A_572 = arith.mulf %gather3A_553, %gather3A_557 : vector<16xf32>
          %add3A_573 = arith.addf %add3A_571, %mul3A_572 : vector<16xf32>
          %mul3A_574 = arith.mulf %gather3A_554, %gather3A_558 : vector<16xf32>
          %add3A_575 = arith.addf %add3A_573, %mul3A_574 : vector<16xf32>
          %mul3A_576 = arith.mulf %add3A_575, %div3A_568 : vector<16xf32>
          %mul3A_577 = arith.mulf %gather3A_552, %gather3A_555 : vector<16xf32>
          %mul3A_578 = arith.mulf %gather3A_551, %gather3A_556 : vector<16xf32>
          %sub3A_579 = arith.subf %mul3A_577, %mul3A_578 : vector<16xf32>
          %mul3A_580 = arith.mulf %gather3A_553, %gather3A_558 : vector<16xf32>
          %sub3A_581 = arith.subf %sub3A_579, %mul3A_580 : vector<16xf32>
          %mul3A_582 = arith.mulf %gather3A_554, %gather3A_557 : vector<16xf32>
          %add3A_583 = arith.addf %sub3A_581, %mul3A_582 : vector<16xf32>
          %mul3A_584 = arith.mulf %add3A_583, %div3A_568 : vector<16xf32>
          %mul3A_585 = arith.mulf %gather3A_553, %gather3A_555 : vector<16xf32>
          %mul3A_586 = arith.mulf %gather3A_551, %gather3A_557 : vector<16xf32>
          %sub3A_587 = arith.subf %mul3A_585, %mul3A_586 : vector<16xf32>
          %mul3A_588 = arith.mulf %gather3A_552, %gather3A_558 : vector<16xf32>
          %add3A_589 = arith.addf %sub3A_587, %mul3A_588 : vector<16xf32>
          %mul3A_590 = arith.mulf %gather3A_554, %gather3A_556 : vector<16xf32>
          %sub3A_591 = arith.subf %add3A_589, %mul3A_590 : vector<16xf32>
          %mul3A_592 = arith.mulf %sub3A_591, %div3A_568 : vector<16xf32>
          %mul3A_593 = arith.mulf %gather3A_554, %gather3A_555 : vector<16xf32>
          %mul3A_594 = arith.mulf %gather3A_551, %gather3A_558 : vector<16xf32>
          %sub3A_595 = arith.subf %mul3A_593, %mul3A_594 : vector<16xf32>
          %mul3A_596 = arith.mulf %gather3A_552, %gather3A_557 : vector<16xf32>
          %sub3A_597 = arith.subf %sub3A_595, %mul3A_596 : vector<16xf32>
          %mul3A_598 = arith.mulf %gather3A_553, %gather3A_556 : vector<16xf32>
          %add3A_599 = arith.addf %sub3A_597, %mul3A_598 : vector<16xf32>
          %mul3A_600 = arith.mulf %add3A_599, %div3A_568 : vector<16xf32>
          tpu.vector_store_idx %arg26[%add3A_482, %broadcast_in_dim3A_541], %mul3A_576 : memref<256x32xf32, #tpu.memory_space<vmem>>[vector<16xi32>, vector<16xi32>], vector<16xf32>,
          tpu.vector_store_idx %arg26[%add3A_482, %add3A_544], %mul3A_584 : memref<256x32xf32, #tpu.memory_space<vmem>>[vector<16xi32>, vector<16xi32>], vector<16xf32>,
          tpu.vector_store_idx %arg26[%add3A_482, %add3A_547], %mul3A_592 : memref<256x32xf32, #tpu.memory_space<vmem>>[vector<16xi32>, vector<16xi32>], vector<16xf32>,
          tpu.vector_store_idx %arg26[%add3A_482, %add3A_550], %mul3A_600 : memref<256x32xf32, #tpu.memory_space<vmem>>[vector<16xi32>, vector<16xi32>], vector<16xf32>,
          %broadcast_in_dim3A_601 = arith.constant 8 : i32
          %broadcast_in_dim3A_602 = vector.broadcast %broadcast_in_dim3A_601 : i32 to vector<16xi32>
          %add3A_603 = arith.constant 1 : i32
          %add3A_604 = vector.broadcast %add3A_603 : i32 to vector<16xi32>
          %add3A_605 = arith.addi %broadcast_in_dim3A_602, %add3A_604 : vector<16xi32>
          %add3A_606 = arith.constant 2 : i32
          %add3A_607 = vector.broadcast %add3A_606 : i32 to vector<16xi32>
          %add3A_608 = arith.addi %broadcast_in_dim3A_602, %add3A_607 : vector<16xi32>
          %add3A_609 = arith.constant 3 : i32
          %add3A_610 = vector.broadcast %add3A_609 : i32 to vector<16xi32>
          %add3A_611 = arith.addi %broadcast_in_dim3A_602, %add3A_610 : vector<16xi32>
          %gather3A_612 = tpu.vector_load_idx %arg18[%add3A_482, %broadcast_in_dim3A_602] : memref<256x32xf32, #tpu.memory_space<vmem>>[vector<16xi32>, vector<16xi32>], vector<16xf32>,
          %gather3A_613 = tpu.vector_load_idx %arg18[%add3A_482, %add3A_605] : memref<256x32xf32, #tpu.memory_space<vmem>>[vector<16xi32>, vector<16xi32>], vector<16xf32>,
          %gather3A_614 = tpu.vector_load_idx %arg18[%add3A_482, %add3A_608] : memref<256x32xf32, #tpu.memory_space<vmem>>[vector<16xi32>, vector<16xi32>], vector<16xf32>,
          %gather3A_615 = tpu.vector_load_idx %arg18[%add3A_482, %add3A_611] : memref<256x32xf32, #tpu.memory_space<vmem>>[vector<16xi32>, vector<16xi32>], vector<16xf32>,
          %gather3A_616 = tpu.vector_load_idx %arg22[%add3A_482, %broadcast_in_dim3A_602] : memref<256x32xf32, #tpu.memory_space<vmem>>[vector<16xi32>, vector<16xi32>], vector<16xf32>,
          %gather3A_617 = tpu.vector_load_idx %arg22[%add3A_482, %add3A_605] : memref<256x32xf32, #tpu.memory_space<vmem>>[vector<16xi32>, vector<16xi32>], vector<16xf32>,
          %gather3A_618 = tpu.vector_load_idx %arg22[%add3A_482, %add3A_608] : memref<256x32xf32, #tpu.memory_space<vmem>>[vector<16xi32>, vector<16xi32>], vector<16xf32>,
          %gather3A_619 = tpu.vector_load_idx %arg22[%add3A_482, %add3A_611] : memref<256x32xf32, #tpu.memory_space<vmem>>[vector<16xi32>, vector<16xi32>], vector<16xf32>,
          %mul3A_620 = arith.mulf %gather3A_616, %gather3A_616 : vector<16xf32>
          %mul3A_621 = arith.mulf %gather3A_617, %gather3A_617 : vector<16xf32>
          %add3A_622 = arith.addf %mul3A_620, %mul3A_621 : vector<16xf32>
          %mul3A_623 = arith.mulf %gather3A_618, %gather3A_618 : vector<16xf32>
          %add3A_624 = arith.addf %add3A_622, %mul3A_623 : vector<16xf32>
          %mul3A_625 = arith.mulf %gather3A_619, %gather3A_619 : vector<16xf32>
          %add3A_626 = arith.addf %add3A_624, %mul3A_625 : vector<16xf32>
          %div3A_627 = arith.constant 1.000000e+00 : f32
          %div3A_628 = vector.broadcast %div3A_627 : f32 to vector<16xf32>
          %div3A_629 = arith.divf %div3A_628, %add3A_626 : vector<16xf32>
          %mul3A_630 = arith.mulf %gather3A_612, %gather3A_616 : vector<16xf32>
          %mul3A_631 = arith.mulf %gather3A_613, %gather3A_617 : vector<16xf32>
          %add3A_632 = arith.addf %mul3A_630, %mul3A_631 : vector<16xf32>
          %mul3A_633 = arith.mulf %gather3A_614, %gather3A_618 : vector<16xf32>
          %add3A_634 = arith.addf %add3A_632, %mul3A_633 : vector<16xf32>
          %mul3A_635 = arith.mulf %gather3A_615, %gather3A_619 : vector<16xf32>
          %add3A_636 = arith.addf %add3A_634, %mul3A_635 : vector<16xf32>
          %mul3A_637 = arith.mulf %add3A_636, %div3A_629 : vector<16xf32>
          %mul3A_638 = arith.mulf %gather3A_613, %gather3A_616 : vector<16xf32>
          %mul3A_639 = arith.mulf %gather3A_612, %gather3A_617 : vector<16xf32>
          %sub3A_640 = arith.subf %mul3A_638, %mul3A_639 : vector<16xf32>
          %mul3A_641 = arith.mulf %gather3A_614, %gather3A_619 : vector<16xf32>
          %sub3A_642 = arith.subf %sub3A_640, %mul3A_641 : vector<16xf32>
          %mul3A_643 = arith.mulf %gather3A_615, %gather3A_618 : vector<16xf32>
          %add3A_644 = arith.addf %sub3A_642, %mul3A_643 : vector<16xf32>
          %mul3A_645 = arith.mulf %add3A_644, %div3A_629 : vector<16xf32>
          %mul3A_646 = arith.mulf %gather3A_614, %gather3A_616 : vector<16xf32>
          %mul3A_647 = arith.mulf %gather3A_612, %gather3A_618 : vector<16xf32>
          %sub3A_648 = arith.subf %mul3A_646, %mul3A_647 : vector<16xf32>
          %mul3A_649 = arith.mulf %gather3A_613, %gather3A_619 : vector<16xf32>
          %add3A_650 = arith.addf %sub3A_648, %mul3A_649 : vector<16xf32>
          %mul3A_651 = arith.mulf %gather3A_615, %gather3A_617 : vector<16xf32>
          %sub3A_652 = arith.subf %add3A_650, %mul3A_651 : vector<16xf32>
          %mul3A_653 = arith.mulf %sub3A_652, %div3A_629 : vector<16xf32>
          %mul3A_654 = arith.mulf %gather3A_615, %gather3A_616 : vector<16xf32>
          %mul3A_655 = arith.mulf %gather3A_612, %gather3A_619 : vector<16xf32>
          %sub3A_656 = arith.subf %mul3A_654, %mul3A_655 : vector<16xf32>
          %mul3A_657 = arith.mulf %gather3A_613, %gather3A_618 : vector<16xf32>
          %sub3A_658 = arith.subf %sub3A_656, %mul3A_657 : vector<16xf32>
          %mul3A_659 = arith.mulf %gather3A_614, %gather3A_617 : vector<16xf32>
          %add3A_660 = arith.addf %sub3A_658, %mul3A_659 : vector<16xf32>
          %mul3A_661 = arith.mulf %add3A_660, %div3A_629 : vector<16xf32>
          tpu.vector_store_idx %arg26[%add3A_482, %broadcast_in_dim3A_602], %mul3A_637 : memref<256x32xf32, #tpu.memory_space<vmem>>[vector<16xi32>, vector<16xi32>], vector<16xf32>,
          tpu.vector_store_idx %arg26[%add3A_482, %add3A_605], %mul3A_645 : memref<256x32xf32, #tpu.memory_space<vmem>>[vector<16xi32>, vector<16xi32>], vector<16xf32>,
          tpu.vector_store_idx %arg26[%add3A_482, %add3A_608], %mul3A_653 : memref<256x32xf32, #tpu.memory_space<vmem>>[vector<16xi32>, vector<16xi32>], vector<16xf32>,
          tpu.vector_store_idx %arg26[%add3A_482, %add3A_611], %mul3A_661 : memref<256x32xf32, #tpu.memory_space<vmem>>[vector<16xi32>, vector<16xi32>], vector<16xf32>,
          %broadcast_in_dim3A_662 = arith.constant 12 : i32
          %broadcast_in_dim3A_663 = vector.broadcast %broadcast_in_dim3A_662 : i32 to vector<16xi32>
          %add3A_664 = arith.constant 1 : i32
          %add3A_665 = vector.broadcast %add3A_664 : i32 to vector<16xi32>
          %add3A_666 = arith.addi %broadcast_in_dim3A_663, %add3A_665 : vector<16xi32>
          %add3A_667 = arith.constant 2 : i32
          %add3A_668 = vector.broadcast %add3A_667 : i32 to vector<16xi32>
          %add3A_669 = arith.addi %broadcast_in_dim3A_663, %add3A_668 : vector<16xi32>
          %add3A_670 = arith.constant 3 : i32
          %add3A_671 = vector.broadcast %add3A_670 : i32 to vector<16xi32>
          %add3A_672 = arith.addi %broadcast_in_dim3A_663, %add3A_671 : vector<16xi32>
          %gather3A_673 = tpu.vector_load_idx %arg18[%add3A_482, %broadcast_in_dim3A_663] : memref<256x32xf32, #tpu.memory_space<vmem>>[vector<16xi32>, vector<16xi32>], vector<16xf32>,
          %gather3A_674 = tpu.vector_load_idx %arg18[%add3A_482, %add3A_666] : memref<256x32xf32, #tpu.memory_space<vmem>>[vector<16xi32>, vector<16xi32>], vector<16xf32>,
          %gather3A_675 = tpu.vector_load_idx %arg18[%add3A_482, %add3A_669] : memref<256x32xf32, #tpu.memory_space<vmem>>[vector<16xi32>, vector<16xi32>], vector<16xf32>,
          %gather3A_676 = tpu.vector_load_idx %arg18[%add3A_482, %add3A_672] : memref<256x32xf32, #tpu.memory_space<vmem>>[vector<16xi32>, vector<16xi32>], vector<16xf32>,
          %gather3A_677 = tpu.vector_load_idx %arg22[%add3A_482, %broadcast_in_dim3A_663] : memref<256x32xf32, #tpu.memory_space<vmem>>[vector<16xi32>, vector<16xi32>], vector<16xf32>,
          %gather3A_678 = tpu.vector_load_idx %arg22[%add3A_482, %add3A_666] : memref<256x32xf32, #tpu.memory_space<vmem>>[vector<16xi32>, vector<16xi32>], vector<16xf32>,
          %gather3A_679 = tpu.vector_load_idx %arg22[%add3A_482, %add3A_669] : memref<256x32xf32, #tpu.memory_space<vmem>>[vector<16xi32>, vector<16xi32>], vector<16xf32>,
          %gather3A_680 = tpu.vector_load_idx %arg22[%add3A_482, %add3A_672] : memref<256x32xf32, #tpu.memory_space<vmem>>[vector<16xi32>, vector<16xi32>], vector<16xf32>,
          %mul3A_681 = arith.mulf %gather3A_677, %gather3A_677 : vector<16xf32>
          %mul3A_682 = arith.mulf %gather3A_678, %gather3A_678 : vector<16xf32>
          %add3A_683 = arith.addf %mul3A_681, %mul3A_682 : vector<16xf32>
          %mul3A_684 = arith.mulf %gather3A_679, %gather3A_679 : vector<16xf32>
          %add3A_685 = arith.addf %add3A_683, %mul3A_684 : vector<16xf32>
          %mul3A_686 = arith.mulf %gather3A_680, %gather3A_680 : vector<16xf32>
          %add3A_687 = arith.addf %add3A_685, %mul3A_686 : vector<16xf32>
          %div3A_688 = arith.constant 1.000000e+00 : f32
          %div3A_689 = vector.broadcast %div3A_688 : f32 to vector<16xf32>
          %div3A_690 = arith.divf %div3A_689, %add3A_687 : vector<16xf32>
          %mul3A_691 = arith.mulf %gather3A_673, %gather3A_677 : vector<16xf32>
          %mul3A_692 = arith.mulf %gather3A_674, %gather3A_678 : vector<16xf32>
          %add3A_693 = arith.addf %mul3A_691, %mul3A_692 : vector<16xf32>
          %mul3A_694 = arith.mulf %gather3A_675, %gather3A_679 : vector<16xf32>
          %add3A_695 = arith.addf %add3A_693, %mul3A_694 : vector<16xf32>
          %mul3A_696 = arith.mulf %gather3A_676, %gather3A_680 : vector<16xf32>
          %add3A_697 = arith.addf %add3A_695, %mul3A_696 : vector<16xf32>
          %mul3A_698 = arith.mulf %add3A_697, %div3A_690 : vector<16xf32>
          %mul3A_699 = arith.mulf %gather3A_674, %gather3A_677 : vector<16xf32>
          %mul3A_700 = arith.mulf %gather3A_673, %gather3A_678 : vector<16xf32>
          %sub3A_701 = arith.subf %mul3A_699, %mul3A_700 : vector<16xf32>
          %mul3A_702 = arith.mulf %gather3A_675, %gather3A_680 : vector<16xf32>
          %sub3A_703 = arith.subf %sub3A_701, %mul3A_702 : vector<16xf32>
          %mul3A_704 = arith.mulf %gather3A_676, %gather3A_679 : vector<16xf32>
          %add3A_705 = arith.addf %sub3A_703, %mul3A_704 : vector<16xf32>
          %mul3A_706 = arith.mulf %add3A_705, %div3A_690 : vector<16xf32>
          %mul3A_707 = arith.mulf %gather3A_675, %gather3A_677 : vector<16xf32>
          %mul3A_708 = arith.mulf %gather3A_673, %gather3A_679 : vector<16xf32>
          %sub3A_709 = arith.subf %mul3A_707, %mul3A_708 : vector<16xf32>
          %mul3A_710 = arith.mulf %gather3A_674, %gather3A_680 : vector<16xf32>
          %add3A_711 = arith.addf %sub3A_709, %mul3A_710 : vector<16xf32>
          %mul3A_712 = arith.mulf %gather3A_676, %gather3A_678 : vector<16xf32>
          %sub3A_713 = arith.subf %add3A_711, %mul3A_712 : vector<16xf32>
          %mul3A_714 = arith.mulf %sub3A_713, %div3A_690 : vector<16xf32>
          %mul3A_715 = arith.mulf %gather3A_676, %gather3A_677 : vector<16xf32>
          %mul3A_716 = arith.mulf %gather3A_673, %gather3A_680 : vector<16xf32>
          %sub3A_717 = arith.subf %mul3A_715, %mul3A_716 : vector<16xf32>
          %mul3A_718 = arith.mulf %gather3A_674, %gather3A_679 : vector<16xf32>
          %sub3A_719 = arith.subf %sub3A_717, %mul3A_718 : vector<16xf32>
          %mul3A_720 = arith.mulf %gather3A_675, %gather3A_678 : vector<16xf32>
          %add3A_721 = arith.addf %sub3A_719, %mul3A_720 : vector<16xf32>
          %mul3A_722 = arith.mulf %add3A_721, %div3A_690 : vector<16xf32>
          tpu.vector_store_idx %arg26[%add3A_482, %broadcast_in_dim3A_663], %mul3A_698 : memref<256x32xf32, #tpu.memory_space<vmem>>[vector<16xi32>, vector<16xi32>], vector<16xf32>,
          tpu.vector_store_idx %arg26[%add3A_482, %add3A_666], %mul3A_706 : memref<256x32xf32, #tpu.memory_space<vmem>>[vector<16xi32>, vector<16xi32>], vector<16xf32>,
          tpu.vector_store_idx %arg26[%add3A_482, %add3A_669], %mul3A_714 : memref<256x32xf32, #tpu.memory_space<vmem>>[vector<16xi32>, vector<16xi32>], vector<16xf32>,
          tpu.vector_store_idx %arg26[%add3A_482, %add3A_672], %mul3A_722 : memref<256x32xf32, #tpu.memory_space<vmem>>[vector<16xi32>, vector<16xi32>], vector<16xf32>,
          %broadcast_in_dim3A_723 = arith.constant 16 : i32
          %broadcast_in_dim3A_724 = vector.broadcast %broadcast_in_dim3A_723 : i32 to vector<16xi32>
          %add3A_725 = arith.constant 1 : i32
          %add3A_726 = vector.broadcast %add3A_725 : i32 to vector<16xi32>
          %add3A_727 = arith.addi %broadcast_in_dim3A_724, %add3A_726 : vector<16xi32>
          %add3A_728 = arith.constant 2 : i32
          %add3A_729 = vector.broadcast %add3A_728 : i32 to vector<16xi32>
          %add3A_730 = arith.addi %broadcast_in_dim3A_724, %add3A_729 : vector<16xi32>
          %add3A_731 = arith.constant 3 : i32
          %add3A_732 = vector.broadcast %add3A_731 : i32 to vector<16xi32>
          %add3A_733 = arith.addi %broadcast_in_dim3A_724, %add3A_732 : vector<16xi32>
          %gather3A_734 = tpu.vector_load_idx %arg18[%add3A_482, %broadcast_in_dim3A_724] : memref<256x32xf32, #tpu.memory_space<vmem>>[vector<16xi32>, vector<16xi32>], vector<16xf32>,
          %gather3A_735 = tpu.vector_load_idx %arg18[%add3A_482, %add3A_727] : memref<256x32xf32, #tpu.memory_space<vmem>>[vector<16xi32>, vector<16xi32>], vector<16xf32>,
          %gather3A_736 = tpu.vector_load_idx %arg18[%add3A_482, %add3A_730] : memref<256x32xf32, #tpu.memory_space<vmem>>[vector<16xi32>, vector<16xi32>], vector<16xf32>,
          %gather3A_737 = tpu.vector_load_idx %arg18[%add3A_482, %add3A_733] : memref<256x32xf32, #tpu.memory_space<vmem>>[vector<16xi32>, vector<16xi32>], vector<16xf32>,
          %gather3A_738 = tpu.vector_load_idx %arg22[%add3A_482, %broadcast_in_dim3A_724] : memref<256x32xf32, #tpu.memory_space<vmem>>[vector<16xi32>, vector<16xi32>], vector<16xf32>,
          %gather3A_739 = tpu.vector_load_idx %arg22[%add3A_482, %add3A_727] : memref<256x32xf32, #tpu.memory_space<vmem>>[vector<16xi32>, vector<16xi32>], vector<16xf32>,
          %gather3A_740 = tpu.vector_load_idx %arg22[%add3A_482, %add3A_730] : memref<256x32xf32, #tpu.memory_space<vmem>>[vector<16xi32>, vector<16xi32>], vector<16xf32>,
          %gather3A_741 = tpu.vector_load_idx %arg22[%add3A_482, %add3A_733] : memref<256x32xf32, #tpu.memory_space<vmem>>[vector<16xi32>, vector<16xi32>], vector<16xf32>,
          %mul3A_742 = arith.mulf %gather3A_738, %gather3A_738 : vector<16xf32>
          %mul3A_743 = arith.mulf %gather3A_739, %gather3A_739 : vector<16xf32>
          %add3A_744 = arith.addf %mul3A_742, %mul3A_743 : vector<16xf32>
          %mul3A_745 = arith.mulf %gather3A_740, %gather3A_740 : vector<16xf32>
          %add3A_746 = arith.addf %add3A_744, %mul3A_745 : vector<16xf32>
          %mul3A_747 = arith.mulf %gather3A_741, %gather3A_741 : vector<16xf32>
          %add3A_748 = arith.addf %add3A_746, %mul3A_747 : vector<16xf32>
          %div3A_749 = arith.constant 1.000000e+00 : f32
          %div3A_750 = vector.broadcast %div3A_749 : f32 to vector<16xf32>
          %div3A_751 = arith.divf %div3A_750, %add3A_748 : vector<16xf32>
          %mul3A_752 = arith.mulf %gather3A_734, %gather3A_738 : vector<16xf32>
          %mul3A_753 = arith.mulf %gather3A_735, %gather3A_739 : vector<16xf32>
          %add3A_754 = arith.addf %mul3A_752, %mul3A_753 : vector<16xf32>
          %mul3A_755 = arith.mulf %gather3A_736, %gather3A_740 : vector<16xf32>
          %add3A_756 = arith.addf %add3A_754, %mul3A_755 : vector<16xf32>
          %mul3A_757 = arith.mulf %gather3A_737, %gather3A_741 : vector<16xf32>
          %add3A_758 = arith.addf %add3A_756, %mul3A_757 : vector<16xf32>
          %mul3A_759 = arith.mulf %add3A_758, %div3A_751 : vector<16xf32>
          %mul3A_760 = arith.mulf %gather3A_735, %gather3A_738 : vector<16xf32>
          %mul3A_761 = arith.mulf %gather3A_734, %gather3A_739 : vector<16xf32>
          %sub3A_762 = arith.subf %mul3A_760, %mul3A_761 : vector<16xf32>
          %mul3A_763 = arith.mulf %gather3A_736, %gather3A_741 : vector<16xf32>
          %sub3A_764 = arith.subf %sub3A_762, %mul3A_763 : vector<16xf32>
          %mul3A_765 = arith.mulf %gather3A_737, %gather3A_740 : vector<16xf32>
          %add3A_766 = arith.addf %sub3A_764, %mul3A_765 : vector<16xf32>
          %mul3A_767 = arith.mulf %add3A_766, %div3A_751 : vector<16xf32>
          %mul3A_768 = arith.mulf %gather3A_736, %gather3A_738 : vector<16xf32>
          %mul3A_769 = arith.mulf %gather3A_734, %gather3A_740 : vector<16xf32>
          %sub3A_770 = arith.subf %mul3A_768, %mul3A_769 : vector<16xf32>
          %mul3A_771 = arith.mulf %gather3A_735, %gather3A_741 : vector<16xf32>
          %add3A_772 = arith.addf %sub3A_770, %mul3A_771 : vector<16xf32>
          %mul3A_773 = arith.mulf %gather3A_737, %gather3A_739 : vector<16xf32>
          %sub3A_774 = arith.subf %add3A_772, %mul3A_773 : vector<16xf32>
          %mul3A_775 = arith.mulf %sub3A_774, %div3A_751 : vector<16xf32>
          %mul3A_776 = arith.mulf %gather3A_737, %gather3A_738 : vector<16xf32>
          %mul3A_777 = arith.mulf %gather3A_734, %gather3A_741 : vector<16xf32>
          %sub3A_778 = arith.subf %mul3A_776, %mul3A_777 : vector<16xf32>
          %mul3A_779 = arith.mulf %gather3A_735, %gather3A_740 : vector<16xf32>
          %sub3A_780 = arith.subf %sub3A_778, %mul3A_779 : vector<16xf32>
          %mul3A_781 = arith.mulf %gather3A_736, %gather3A_739 : vector<16xf32>
          %add3A_782 = arith.addf %sub3A_780, %mul3A_781 : vector<16xf32>
          %mul3A_783 = arith.mulf %add3A_782, %div3A_751 : vector<16xf32>
          tpu.vector_store_idx %arg26[%add3A_482, %broadcast_in_dim3A_724], %mul3A_759 : memref<256x32xf32, #tpu.memory_space<vmem>>[vector<16xi32>, vector<16xi32>], vector<16xf32>,
          tpu.vector_store_idx %arg26[%add3A_482, %add3A_727], %mul3A_767 : memref<256x32xf32, #tpu.memory_space<vmem>>[vector<16xi32>, vector<16xi32>], vector<16xf32>,
          tpu.vector_store_idx %arg26[%add3A_482, %add3A_730], %mul3A_775 : memref<256x32xf32, #tpu.memory_space<vmem>>[vector<16xi32>, vector<16xi32>], vector<16xf32>,
          tpu.vector_store_idx %arg26[%add3A_482, %add3A_733], %mul3A_783 : memref<256x32xf32, #tpu.memory_space<vmem>>[vector<16xi32>, vector<16xi32>], vector<16xf32>,
          %broadcast_in_dim3A_784 = arith.constant 20 : i32
          %broadcast_in_dim3A_785 = vector.broadcast %broadcast_in_dim3A_784 : i32 to vector<16xi32>
          %add3A_786 = arith.constant 1 : i32
          %add3A_787 = vector.broadcast %add3A_786 : i32 to vector<16xi32>
          %add3A_788 = arith.addi %broadcast_in_dim3A_785, %add3A_787 : vector<16xi32>
          %add3A_789 = arith.constant 2 : i32
          %add3A_790 = vector.broadcast %add3A_789 : i32 to vector<16xi32>
          %add3A_791 = arith.addi %broadcast_in_dim3A_785, %add3A_790 : vector<16xi32>
          %add3A_792 = arith.constant 3 : i32
          %add3A_793 = vector.broadcast %add3A_792 : i32 to vector<16xi32>
          %add3A_794 = arith.addi %broadcast_in_dim3A_785, %add3A_793 : vector<16xi32>
          %gather3A_795 = tpu.vector_load_idx %arg18[%add3A_482, %broadcast_in_dim3A_785] : memref<256x32xf32, #tpu.memory_space<vmem>>[vector<16xi32>, vector<16xi32>], vector<16xf32>,
          %gather3A_796 = tpu.vector_load_idx %arg18[%add3A_482, %add3A_788] : memref<256x32xf32, #tpu.memory_space<vmem>>[vector<16xi32>, vector<16xi32>], vector<16xf32>,
          %gather3A_797 = tpu.vector_load_idx %arg18[%add3A_482, %add3A_791] : memref<256x32xf32, #tpu.memory_space<vmem>>[vector<16xi32>, vector<16xi32>], vector<16xf32>,
          %gather3A_798 = tpu.vector_load_idx %arg18[%add3A_482, %add3A_794] : memref<256x32xf32, #tpu.memory_space<vmem>>[vector<16xi32>, vector<16xi32>], vector<16xf32>,
          %gather3A_799 = tpu.vector_load_idx %arg22[%add3A_482, %broadcast_in_dim3A_785] : memref<256x32xf32, #tpu.memory_space<vmem>>[vector<16xi32>, vector<16xi32>], vector<16xf32>,
          %gather3A_800 = tpu.vector_load_idx %arg22[%add3A_482, %add3A_788] : memref<256x32xf32, #tpu.memory_space<vmem>>[vector<16xi32>, vector<16xi32>], vector<16xf32>,
          %gather3A_801 = tpu.vector_load_idx %arg22[%add3A_482, %add3A_791] : memref<256x32xf32, #tpu.memory_space<vmem>>[vector<16xi32>, vector<16xi32>], vector<16xf32>,
          %gather3A_802 = tpu.vector_load_idx %arg22[%add3A_482, %add3A_794] : memref<256x32xf32, #tpu.memory_space<vmem>>[vector<16xi32>, vector<16xi32>], vector<16xf32>,
          %mul3A_803 = arith.mulf %gather3A_799, %gather3A_799 : vector<16xf32>
          %mul3A_804 = arith.mulf %gather3A_800, %gather3A_800 : vector<16xf32>
          %add3A_805 = arith.addf %mul3A_803, %mul3A_804 : vector<16xf32>
          %mul3A_806 = arith.mulf %gather3A_801, %gather3A_801 : vector<16xf32>
          %add3A_807 = arith.addf %add3A_805, %mul3A_806 : vector<16xf32>
          %mul3A_808 = arith.mulf %gather3A_802, %gather3A_802 : vector<16xf32>
          %add3A_809 = arith.addf %add3A_807, %mul3A_808 : vector<16xf32>
          %div3A_810 = arith.constant 1.000000e+00 : f32
          %div3A_811 = vector.broadcast %div3A_810 : f32 to vector<16xf32>
          %div3A_812 = arith.divf %div3A_811, %add3A_809 : vector<16xf32>
          %mul3A_813 = arith.mulf %gather3A_795, %gather3A_799 : vector<16xf32>
          %mul3A_814 = arith.mulf %gather3A_796, %gather3A_800 : vector<16xf32>
          %add3A_815 = arith.addf %mul3A_813, %mul3A_814 : vector<16xf32>
          %mul3A_816 = arith.mulf %gather3A_797, %gather3A_801 : vector<16xf32>
          %add3A_817 = arith.addf %add3A_815, %mul3A_816 : vector<16xf32>
          %mul3A_818 = arith.mulf %gather3A_798, %gather3A_802 : vector<16xf32>
          %add3A_819 = arith.addf %add3A_817, %mul3A_818 : vector<16xf32>
          %mul3A_820 = arith.mulf %add3A_819, %div3A_812 : vector<16xf32>
          %mul3A_821 = arith.mulf %gather3A_796, %gather3A_799 : vector<16xf32>
          %mul3A_822 = arith.mulf %gather3A_795, %gather3A_800 : vector<16xf32>
          %sub3A_823 = arith.subf %mul3A_821, %mul3A_822 : vector<16xf32>
          %mul3A_824 = arith.mulf %gather3A_797, %gather3A_802 : vector<16xf32>
          %sub3A_825 = arith.subf %sub3A_823, %mul3A_824 : vector<16xf32>
          %mul3A_826 = arith.mulf %gather3A_798, %gather3A_801 : vector<16xf32>
          %add3A_827 = arith.addf %sub3A_825, %mul3A_826 : vector<16xf32>
          %mul3A_828 = arith.mulf %add3A_827, %div3A_812 : vector<16xf32>
          %mul3A_829 = arith.mulf %gather3A_797, %gather3A_799 : vector<16xf32>
          %mul3A_830 = arith.mulf %gather3A_795, %gather3A_801 : vector<16xf32>
          %sub3A_831 = arith.subf %mul3A_829, %mul3A_830 : vector<16xf32>
          %mul3A_832 = arith.mulf %gather3A_796, %gather3A_802 : vector<16xf32>
          %add3A_833 = arith.addf %sub3A_831, %mul3A_832 : vector<16xf32>
          %mul3A_834 = arith.mulf %gather3A_798, %gather3A_800 : vector<16xf32>
          %sub3A_835 = arith.subf %add3A_833, %mul3A_834 : vector<16xf32>
          %mul3A_836 = arith.mulf %sub3A_835, %div3A_812 : vector<16xf32>
          %mul3A_837 = arith.mulf %gather3A_798, %gather3A_799 : vector<16xf32>
          %mul3A_838 = arith.mulf %gather3A_795, %gather3A_802 : vector<16xf32>
          %sub3A_839 = arith.subf %mul3A_837, %mul3A_838 : vector<16xf32>
          %mul3A_840 = arith.mulf %gather3A_796, %gather3A_801 : vector<16xf32>
          %sub3A_841 = arith.subf %sub3A_839, %mul3A_840 : vector<16xf32>
          %mul3A_842 = arith.mulf %gather3A_797, %gather3A_800 : vector<16xf32>
          %add3A_843 = arith.addf %sub3A_841, %mul3A_842 : vector<16xf32>
          %mul3A_844 = arith.mulf %add3A_843, %div3A_812 : vector<16xf32>
          tpu.vector_store_idx %arg26[%add3A_482, %broadcast_in_dim3A_785], %mul3A_820 : memref<256x32xf32, #tpu.memory_space<vmem>>[vector<16xi32>, vector<16xi32>], vector<16xf32>,
          tpu.vector_store_idx %arg26[%add3A_482, %add3A_788], %mul3A_828 : memref<256x32xf32, #tpu.memory_space<vmem>>[vector<16xi32>, vector<16xi32>], vector<16xf32>,
          tpu.vector_store_idx %arg26[%add3A_482, %add3A_791], %mul3A_836 : memref<256x32xf32, #tpu.memory_space<vmem>>[vector<16xi32>, vector<16xi32>], vector<16xf32>,
          tpu.vector_store_idx %arg26[%add3A_482, %add3A_794], %mul3A_844 : memref<256x32xf32, #tpu.memory_space<vmem>>[vector<16xi32>, vector<16xi32>], vector<16xf32>,
          %broadcast_in_dim3A_845 = arith.constant 24 : i32
          %broadcast_in_dim3A_846 = vector.broadcast %broadcast_in_dim3A_845 : i32 to vector<16xi32>
          %add3A_847 = arith.constant 1 : i32
          %add3A_848 = vector.broadcast %add3A_847 : i32 to vector<16xi32>
          %add3A_849 = arith.addi %broadcast_in_dim3A_846, %add3A_848 : vector<16xi32>
          %add3A_850 = arith.constant 2 : i32
          %add3A_851 = vector.broadcast %add3A_850 : i32 to vector<16xi32>
          %add3A_852 = arith.addi %broadcast_in_dim3A_846, %add3A_851 : vector<16xi32>
          %add3A_853 = arith.constant 3 : i32
          %add3A_854 = vector.broadcast %add3A_853 : i32 to vector<16xi32>
          %add3A_855 = arith.addi %broadcast_in_dim3A_846, %add3A_854 : vector<16xi32>
          %gather3A_856 = tpu.vector_load_idx %arg18[%add3A_482, %broadcast_in_dim3A_846] : memref<256x32xf32, #tpu.memory_space<vmem>>[vector<16xi32>, vector<16xi32>], vector<16xf32>,
          %gather3A_857 = tpu.vector_load_idx %arg18[%add3A_482, %add3A_849] : memref<256x32xf32, #tpu.memory_space<vmem>>[vector<16xi32>, vector<16xi32>], vector<16xf32>,
          %gather3A_858 = tpu.vector_load_idx %arg18[%add3A_482, %add3A_852] : memref<256x32xf32, #tpu.memory_space<vmem>>[vector<16xi32>, vector<16xi32>], vector<16xf32>,
          %gather3A_859 = tpu.vector_load_idx %arg18[%add3A_482, %add3A_855] : memref<256x32xf32, #tpu.memory_space<vmem>>[vector<16xi32>, vector<16xi32>], vector<16xf32>,
          %gather3A_860 = tpu.vector_load_idx %arg22[%add3A_482, %broadcast_in_dim3A_846] : memref<256x32xf32, #tpu.memory_space<vmem>>[vector<16xi32>, vector<16xi32>], vector<16xf32>,
          %gather3A_861 = tpu.vector_load_idx %arg22[%add3A_482, %add3A_849] : memref<256x32xf32, #tpu.memory_space<vmem>>[vector<16xi32>, vector<16xi32>], vector<16xf32>,
          %gather3A_862 = tpu.vector_load_idx %arg22[%add3A_482, %add3A_852] : memref<256x32xf32, #tpu.memory_space<vmem>>[vector<16xi32>, vector<16xi32>], vector<16xf32>,
          %gather3A_863 = tpu.vector_load_idx %arg22[%add3A_482, %add3A_855] : memref<256x32xf32, #tpu.memory_space<vmem>>[vector<16xi32>, vector<16xi32>], vector<16xf32>,
          %mul3A_864 = arith.mulf %gather3A_860, %gather3A_860 : vector<16xf32>
          %mul3A_865 = arith.mulf %gather3A_861, %gather3A_861 : vector<16xf32>
          %add3A_866 = arith.addf %mul3A_864, %mul3A_865 : vector<16xf32>
          %mul3A_867 = arith.mulf %gather3A_862, %gather3A_862 : vector<16xf32>
          %add3A_868 = arith.addf %add3A_866, %mul3A_867 : vector<16xf32>
          %mul3A_869 = arith.mulf %gather3A_863, %gather3A_863 : vector<16xf32>
          %add3A_870 = arith.addf %add3A_868, %mul3A_869 : vector<16xf32>
          %div3A_871 = arith.constant 1.000000e+00 : f32
          %div3A_872 = vector.broadcast %div3A_871 : f32 to vector<16xf32>
          %div3A_873 = arith.divf %div3A_872, %add3A_870 : vector<16xf32>
          %mul3A_874 = arith.mulf %gather3A_856, %gather3A_860 : vector<16xf32>
          %mul3A_875 = arith.mulf %gather3A_857, %gather3A_861 : vector<16xf32>
          %add3A_876 = arith.addf %mul3A_874, %mul3A_875 : vector<16xf32>
          %mul3A_877 = arith.mulf %gather3A_858, %gather3A_862 : vector<16xf32>
          %add3A_878 = arith.addf %add3A_876, %mul3A_877 : vector<16xf32>
          %mul3A_879 = arith.mulf %gather3A_859, %gather3A_863 : vector<16xf32>
          %add3A_880 = arith.addf %add3A_878, %mul3A_879 : vector<16xf32>
          %mul3A_881 = arith.mulf %add3A_880, %div3A_873 : vector<16xf32>
          %mul3A_882 = arith.mulf %gather3A_857, %gather3A_860 : vector<16xf32>
          %mul3A_883 = arith.mulf %gather3A_856, %gather3A_861 : vector<16xf32>
          %sub3A_884 = arith.subf %mul3A_882, %mul3A_883 : vector<16xf32>
          %mul3A_885 = arith.mulf %gather3A_858, %gather3A_863 : vector<16xf32>
          %sub3A_886 = arith.subf %sub3A_884, %mul3A_885 : vector<16xf32>
          %mul3A_887 = arith.mulf %gather3A_859, %gather3A_862 : vector<16xf32>
          %add3A_888 = arith.addf %sub3A_886, %mul3A_887 : vector<16xf32>
          %mul3A_889 = arith.mulf %add3A_888, %div3A_873 : vector<16xf32>
          %mul3A_890 = arith.mulf %gather3A_858, %gather3A_860 : vector<16xf32>
          %mul3A_891 = arith.mulf %gather3A_856, %gather3A_862 : vector<16xf32>
          %sub3A_892 = arith.subf %mul3A_890, %mul3A_891 : vector<16xf32>
          %mul3A_893 = arith.mulf %gather3A_857, %gather3A_863 : vector<16xf32>
          %add3A_894 = arith.addf %sub3A_892, %mul3A_893 : vector<16xf32>
          %mul3A_895 = arith.mulf %gather3A_859, %gather3A_861 : vector<16xf32>
          %sub3A_896 = arith.subf %add3A_894, %mul3A_895 : vector<16xf32>
          %mul3A_897 = arith.mulf %sub3A_896, %div3A_873 : vector<16xf32>
          %mul3A_898 = arith.mulf %gather3A_859, %gather3A_860 : vector<16xf32>
          %mul3A_899 = arith.mulf %gather3A_856, %gather3A_863 : vector<16xf32>
          %sub3A_900 = arith.subf %mul3A_898, %mul3A_899 : vector<16xf32>
          %mul3A_901 = arith.mulf %gather3A_857, %gather3A_862 : vector<16xf32>
          %sub3A_902 = arith.subf %sub3A_900, %mul3A_901 : vector<16xf32>
          %mul3A_903 = arith.mulf %gather3A_858, %gather3A_861 : vector<16xf32>
          %add3A_904 = arith.addf %sub3A_902, %mul3A_903 : vector<16xf32>
          %mul3A_905 = arith.mulf %add3A_904, %div3A_873 : vector<16xf32>
          tpu.vector_store_idx %arg26[%add3A_482, %broadcast_in_dim3A_846], %mul3A_881 : memref<256x32xf32, #tpu.memory_space<vmem>>[vector<16xi32>, vector<16xi32>], vector<16xf32>,
          tpu.vector_store_idx %arg26[%add3A_482, %add3A_849], %mul3A_889 : memref<256x32xf32, #tpu.memory_space<vmem>>[vector<16xi32>, vector<16xi32>], vector<16xf32>,
          tpu.vector_store_idx %arg26[%add3A_482, %add3A_852], %mul3A_897 : memref<256x32xf32, #tpu.memory_space<vmem>>[vector<16xi32>, vector<16xi32>], vector<16xf32>,
          tpu.vector_store_idx %arg26[%add3A_482, %add3A_855], %mul3A_905 : memref<256x32xf32, #tpu.memory_space<vmem>>[vector<16xi32>, vector<16xi32>], vector<16xf32>,
          %broadcast_in_dim3A_906 = arith.constant 28 : i32
          %broadcast_in_dim3A_907 = vector.broadcast %broadcast_in_dim3A_906 : i32 to vector<16xi32>
          %add3A_908 = arith.constant 1 : i32
          %add3A_909 = vector.broadcast %add3A_908 : i32 to vector<16xi32>
          %add3A_910 = arith.addi %broadcast_in_dim3A_907, %add3A_909 : vector<16xi32>
          %add3A_911 = arith.constant 2 : i32
          %add3A_912 = vector.broadcast %add3A_911 : i32 to vector<16xi32>
          %add3A_913 = arith.addi %broadcast_in_dim3A_907, %add3A_912 : vector<16xi32>
          %add3A_914 = arith.constant 3 : i32
          %add3A_915 = vector.broadcast %add3A_914 : i32 to vector<16xi32>
          %add3A_916 = arith.addi %broadcast_in_dim3A_907, %add3A_915 : vector<16xi32>
          %gather3A_917 = tpu.vector_load_idx %arg18[%add3A_482, %broadcast_in_dim3A_907] : memref<256x32xf32, #tpu.memory_space<vmem>>[vector<16xi32>, vector<16xi32>], vector<16xf32>,
          %gather3A_918 = tpu.vector_load_idx %arg18[%add3A_482, %add3A_910] : memref<256x32xf32, #tpu.memory_space<vmem>>[vector<16xi32>, vector<16xi32>], vector<16xf32>,
          %gather3A_919 = tpu.vector_load_idx %arg18[%add3A_482, %add3A_913] : memref<256x32xf32, #tpu.memory_space<vmem>>[vector<16xi32>, vector<16xi32>], vector<16xf32>,
          %gather3A_920 = tpu.vector_load_idx %arg18[%add3A_482, %add3A_916] : memref<256x32xf32, #tpu.memory_space<vmem>>[vector<16xi32>, vector<16xi32>], vector<16xf32>,
          %gather3A_921 = tpu.vector_load_idx %arg22[%add3A_482, %broadcast_in_dim3A_907] : memref<256x32xf32, #tpu.memory_space<vmem>>[vector<16xi32>, vector<16xi32>], vector<16xf32>,
          %gather3A_922 = tpu.vector_load_idx %arg22[%add3A_482, %add3A_910] : memref<256x32xf32, #tpu.memory_space<vmem>>[vector<16xi32>, vector<16xi32>], vector<16xf32>,
          %gather3A_923 = tpu.vector_load_idx %arg22[%add3A_482, %add3A_913] : memref<256x32xf32, #tpu.memory_space<vmem>>[vector<16xi32>, vector<16xi32>], vector<16xf32>,
          %gather3A_924 = tpu.vector_load_idx %arg22[%add3A_482, %add3A_916] : memref<256x32xf32, #tpu.memory_space<vmem>>[vector<16xi32>, vector<16xi32>], vector<16xf32>,
          %mul3A_925 = arith.mulf %gather3A_921, %gather3A_921 : vector<16xf32>
          %mul3A_926 = arith.mulf %gather3A_922, %gather3A_922 : vector<16xf32>
          %add3A_927 = arith.addf %mul3A_925, %mul3A_926 : vector<16xf32>
          %mul3A_928 = arith.mulf %gather3A_923, %gather3A_923 : vector<16xf32>
          %add3A_929 = arith.addf %add3A_927, %mul3A_928 : vector<16xf32>
          %mul3A_930 = arith.mulf %gather3A_924, %gather3A_924 : vector<16xf32>
          %add3A_931 = arith.addf %add3A_929, %mul3A_930 : vector<16xf32>
          %div3A_932 = arith.constant 1.000000e+00 : f32
          %div3A_933 = vector.broadcast %div3A_932 : f32 to vector<16xf32>
          %div3A_934 = arith.divf %div3A_933, %add3A_931 : vector<16xf32>
          %mul3A_935 = arith.mulf %gather3A_917, %gather3A_921 : vector<16xf32>
          %mul3A_936 = arith.mulf %gather3A_918, %gather3A_922 : vector<16xf32>
          %add3A_937 = arith.addf %mul3A_935, %mul3A_936 : vector<16xf32>
          %mul3A_938 = arith.mulf %gather3A_919, %gather3A_923 : vector<16xf32>
          %add3A_939 = arith.addf %add3A_937, %mul3A_938 : vector<16xf32>
          %mul3A_940 = arith.mulf %gather3A_920, %gather3A_924 : vector<16xf32>
          %add3A_941 = arith.addf %add3A_939, %mul3A_940 : vector<16xf32>
          %mul3A_942 = arith.mulf %add3A_941, %div3A_934 : vector<16xf32>
          %mul3A_943 = arith.mulf %gather3A_918, %gather3A_921 : vector<16xf32>
          %mul3A_944 = arith.mulf %gather3A_917, %gather3A_922 : vector<16xf32>
          %sub3A_945 = arith.subf %mul3A_943, %mul3A_944 : vector<16xf32>
          %mul3A_946 = arith.mulf %gather3A_919, %gather3A_924 : vector<16xf32>
          %sub3A_947 = arith.subf %sub3A_945, %mul3A_946 : vector<16xf32>
          %mul3A_948 = arith.mulf %gather3A_920, %gather3A_923 : vector<16xf32>
          %add3A_949 = arith.addf %sub3A_947, %mul3A_948 : vector<16xf32>
          %mul3A_950 = arith.mulf %add3A_949, %div3A_934 : vector<16xf32>
          %mul3A_951 = arith.mulf %gather3A_919, %gather3A_921 : vector<16xf32>
          %mul3A_952 = arith.mulf %gather3A_917, %gather3A_923 : vector<16xf32>
          %sub3A_953 = arith.subf %mul3A_951, %mul3A_952 : vector<16xf32>
          %mul3A_954 = arith.mulf %gather3A_918, %gather3A_924 : vector<16xf32>
          %add3A_955 = arith.addf %sub3A_953, %mul3A_954 : vector<16xf32>
          %mul3A_956 = arith.mulf %gather3A_920, %gather3A_922 : vector<16xf32>
          %sub3A_957 = arith.subf %add3A_955, %mul3A_956 : vector<16xf32>
          %mul3A_958 = arith.mulf %sub3A_957, %div3A_934 : vector<16xf32>
          %mul3A_959 = arith.mulf %gather3A_920, %gather3A_921 : vector<16xf32>
          %mul3A_960 = arith.mulf %gather3A_917, %gather3A_924 : vector<16xf32>
          %sub3A_961 = arith.subf %mul3A_959, %mul3A_960 : vector<16xf32>
          %mul3A_962 = arith.mulf %gather3A_918, %gather3A_923 : vector<16xf32>
          %sub3A_963 = arith.subf %sub3A_961, %mul3A_962 : vector<16xf32>
          %mul3A_964 = arith.mulf %gather3A_919, %gather3A_922 : vector<16xf32>
          %add3A_965 = arith.addf %sub3A_963, %mul3A_964 : vector<16xf32>
          %mul3A_966 = arith.mulf %add3A_965, %div3A_934 : vector<16xf32>
          tpu.vector_store_idx %arg26[%add3A_482, %broadcast_in_dim3A_907], %mul3A_942 : memref<256x32xf32, #tpu.memory_space<vmem>>[vector<16xi32>, vector<16xi32>], vector<16xf32>,
          tpu.vector_store_idx %arg26[%add3A_482, %add3A_910], %mul3A_950 : memref<256x32xf32, #tpu.memory_space<vmem>>[vector<16xi32>, vector<16xi32>], vector<16xf32>,
          tpu.vector_store_idx %arg26[%add3A_482, %add3A_913], %mul3A_958 : memref<256x32xf32, #tpu.memory_space<vmem>>[vector<16xi32>, vector<16xi32>], vector<16xf32>,
          tpu.vector_store_idx %arg26[%add3A_482, %add3A_916], %mul3A_966 : memref<256x32xf32, #tpu.memory_space<vmem>>[vector<16xi32>, vector<16xi32>], vector<16xf32>,
        }
        %scan3A_460 = arith.constant 16 : i32
        %mul3A_461 = arith.constant 256 : i32
        %mul3A_462 = arith.muli %add3A_398, %mul3A_461 : i32
        %dma_start3A_463 = arith.constant 0 : i32
        %dma_start3A_464 = tpu.memref_slice %arg5[%mul3A_462, %dma_start3A_463] : memref<1600000x32xf32, #tpu.memory_space<hbm>> -> memref<256x32xf32, #tpu.memory_space<hbm>>
        %dma_start3A_465 = arith.constant 0 : i32
        %dma_start3A_466 = tpu.memref_slice %arg5[%mul3A_462, %dma_start3A_465] : memref<1600000x32xf32, #tpu.memory_space<hbm>> -> memref<256x32xf32, #tpu.memory_space<hbm>>
        tpu.enqueue_dma source(%arg26 : memref<256x32xf32, #tpu.memory_space<vmem>>) target(%dma_start3A_466 : memref<256x32xf32, #tpu.memory_space<hbm>>) target_semaphore(%arg39 : memref<!tpu.dma_semaphore, #tpu.memory_space<semaphore_mem>>)
        %mul3A_467 = arith.constant 256 : i32
        %mul3A_468 = arith.muli %add3A_398, %mul3A_467 : i32
        %dma_start3A_469 = arith.constant 0 : i32
        %dma_start3A_470 = tpu.memref_slice %arg6[%mul3A_468, %dma_start3A_469] : memref<1600000x8xf32, #tpu.memory_space<hbm>> -> memref<256x8xf32, #tpu.memory_space<hbm>>
        %dma_start3A_471 = arith.constant 0 : i32
        %dma_start3A_472 = tpu.memref_slice %arg6[%mul3A_468, %dma_start3A_471] : memref<1600000x8xf32, #tpu.memory_space<hbm>> -> memref<256x8xf32, #tpu.memory_space<hbm>>
        tpu.enqueue_dma source(%arg27 : memref<256x8xf32, #tpu.memory_space<vmem>>) target(%dma_start3A_472 : memref<256x8xf32, #tpu.memory_space<hbm>>) target_semaphore(%arg43 : memref<!tpu.dma_semaphore, #tpu.memory_space<semaphore_mem>>)
        %lt3A_473 = arith.constant 6250 : i32
        %lt3A_474 = arith.cmpi slt, %add3A_400, %lt3A_473 : i32
        %convert_element_type3A_475 = arith.extui %lt3A_474 : i1 to i32
        %cond3A_476 = arith.constant 0 : i32
        %cond3A_477 = arith.cmpi ne, %convert_element_type3A_475, %cond3A_476 : i32
        scf.if %cond3A_477 {
          %dma_wait3A_478 = arith.constant 0 : i32
          %dma_wait3A_479 = arith.constant 0 : i32
          %dma_wait3A_480 = arith.constant 0 : i32
          %dma_wait3A_481 = tpu.memref_slice %arg2[%dma_wait3A_478, %add3A_400, %dma_wait3A_479, %dma_wait3A_480] : memref<2x6250x2x128xi32, #tpu.memory_space<hbm>> -> memref<1x1x2x128xi32, #tpu.memory_space<hbm>>
          %dma_wait3A_482 = tpu.memref_squeeze %dma_wait3A_481 : memref<1x1x2x128xi32, #tpu.memory_space<hbm>> -> memref<2x128xi32, #tpu.memory_space<hbm>>
          %dma_wait3A_483 = arith.constant 0 : i32
          %dma_wait3A_484 = arith.constant 0 : i32
          %dma_wait3A_485 = tpu.memref_slice %arg2[%dma_wait3A_478, %add3A_400, %dma_wait3A_483, %dma_wait3A_484] : memref<2x6250x2x128xi32, #tpu.memory_space<hbm>> -> memref<1x1x2x128xi32, #tpu.memory_space<hbm>>
          %dma_wait3A_486 = tpu.memref_squeeze %dma_wait3A_485 : memref<1x1x2x128xi32, #tpu.memory_space<hbm>> -> memref<2x128xi32, #tpu.memory_space<hbm>>
          tpu.wait_dma2 semaphore(%arg31 : memref<!tpu.dma_semaphore, #tpu.memory_space<semaphore_mem>>) src(%dma_wait3A_486 : memref<2x128xi32, #tpu.memory_space<hbm>>) dst(%arg10 : memref<2x128xi32, #tpu.memory_space<vmem>>)
          %dma_wait3A_487 = arith.constant 1 : i32
          %dma_wait3A_488 = arith.constant 0 : i32
          %dma_wait3A_489 = arith.constant 0 : i32
          %dma_wait3A_490 = tpu.memref_slice %arg2[%dma_wait3A_487, %add3A_400, %dma_wait3A_488, %dma_wait3A_489] : memref<2x6250x2x128xi32, #tpu.memory_space<hbm>> -> memref<1x1x2x128xi32, #tpu.memory_space<hbm>>
          %dma_wait3A_491 = tpu.memref_squeeze %dma_wait3A_490 : memref<1x1x2x128xi32, #tpu.memory_space<hbm>> -> memref<2x128xi32, #tpu.memory_space<hbm>>
          %dma_wait3A_492 = arith.constant 0 : i32
          %dma_wait3A_493 = arith.constant 0 : i32
          %dma_wait3A_494 = tpu.memref_slice %arg2[%dma_wait3A_487, %add3A_400, %dma_wait3A_492, %dma_wait3A_493] : memref<2x6250x2x128xi32, #tpu.memory_space<hbm>> -> memref<1x1x2x128xi32, #tpu.memory_space<hbm>>
          %dma_wait3A_495 = tpu.memref_squeeze %dma_wait3A_494 : memref<1x1x2x128xi32, #tpu.memory_space<hbm>> -> memref<2x128xi32, #tpu.memory_space<hbm>>
          tpu.wait_dma2 semaphore(%arg31 : memref<!tpu.dma_semaphore, #tpu.memory_space<semaphore_mem>>) src(%dma_wait3A_495 : memref<2x128xi32, #tpu.memory_space<hbm>>) dst(%arg14 : memref<2x128xi32, #tpu.memory_space<vmem>>)
          %dma_start3A_496 = arith.constant 0 : i32
          %dma_start3A_497 = arith.constant 0 : i32
          %dma_start3A_498 = arith.constant 0 : i32
          %dma_start3A_499 = tpu.memref_slice %arg18[%dma_start3A_497, %dma_start3A_498] : memref<256x32xf32, #tpu.memory_space<vmem>> -> memref<128x32xf32, #tpu.memory_space<vmem>>
          %dma_start3A_500 = arith.constant 0 : i32
          %dma_start3A_501 = tpu.memref_slice %arg10[%dma_start3A_496, %dma_start3A_500] : memref<2x128xi32, #tpu.memory_space<vmem>> -> memref<1x128xi32, #tpu.memory_space<vmem>>
          %dma_start3A_502 = tpu.memref_squeeze %dma_start3A_501 : memref<1x128xi32, #tpu.memory_space<vmem>> -> memref<128xi32, #tpu.memory_space<vmem>>
          %dma_start3A_503 = arith.constant 0 : i32
          %dma_start3A_504 = arith.constant 0 : i32
          %dma_start3A_505 = tpu.memref_slice %arg3[%dma_start3A_503, %dma_start3A_504] : memref<50000x32xf32, #tpu.memory_space<hbm>> -> memref<50000x32xf32, #tpu.memory_space<hbm>>
          tpu.enqueue_indirect_dma source(%dma_start3A_505 : memref<50000x32xf32, #tpu.memory_space<hbm>>) target(%dma_start3A_499 : memref<128x32xf32, #tpu.memory_space<vmem>>) offsets(%dma_start3A_502 : memref<128xi32, #tpu.memory_space<vmem>>) semaphore(%arg35 : memref<!tpu.dma_semaphore, #tpu.memory_space<semaphore_mem>>)
          %dma_start3A_506 = arith.constant 0 : i32
          %dma_start3A_507 = arith.constant 0 : i32
          %dma_start3A_508 = arith.constant 0 : i32
          %dma_start3A_509 = tpu.memref_slice %arg22[%dma_start3A_507, %dma_start3A_508] : memref<256x32xf32, #tpu.memory_space<vmem>> -> memref<128x32xf32, #tpu.memory_space<vmem>>
          %dma_start3A_510 = arith.constant 0 : i32
          %dma_start3A_511 = tpu.memref_slice %arg14[%dma_start3A_506, %dma_start3A_510] : memref<2x128xi32, #tpu.memory_space<vmem>> -> memref<1x128xi32, #tpu.memory_space<vmem>>
          %dma_start3A_512 = tpu.memref_squeeze %dma_start3A_511 : memref<1x128xi32, #tpu.memory_space<vmem>> -> memref<128xi32, #tpu.memory_space<vmem>>
          %dma_start3A_513 = arith.constant 0 : i32
          %dma_start3A_514 = arith.constant 0 : i32
          %dma_start3A_515 = tpu.memref_slice %arg3[%dma_start3A_513, %dma_start3A_514] : memref<50000x32xf32, #tpu.memory_space<hbm>> -> memref<50000x32xf32, #tpu.memory_space<hbm>>
          tpu.enqueue_indirect_dma source(%dma_start3A_515 : memref<50000x32xf32, #tpu.memory_space<hbm>>) target(%dma_start3A_509 : memref<128x32xf32, #tpu.memory_space<vmem>>) offsets(%dma_start3A_512 : memref<128xi32, #tpu.memory_space<vmem>>) semaphore(%arg35 : memref<!tpu.dma_semaphore, #tpu.memory_space<semaphore_mem>>)
          %dma_start3A_516 = arith.constant 1 : i32
          %dma_start3A_517 = arith.constant 128 : i32
          %dma_start3A_518 = arith.constant 0 : i32
          %dma_start3A_519 = tpu.memref_slice %arg18[%dma_start3A_517, %dma_start3A_518] : memref<256x32xf32, #tpu.memory_space<vmem>> -> memref<128x32xf32, #tpu.memory_space<vmem>>
          %dma_start3A_520 = arith.constant 0 : i32
          %dma_start3A_521 = tpu.memref_slice %arg10[%dma_start3A_516, %dma_start3A_520] : memref<2x128xi32, #tpu.memory_space<vmem>> -> memref<1x128xi32, #tpu.memory_space<vmem>>
          %dma_start3A_522 = tpu.memref_squeeze %dma_start3A_521 : memref<1x128xi32, #tpu.memory_space<vmem>> -> memref<128xi32, #tpu.memory_space<vmem>>
          %dma_start3A_523 = arith.constant 0 : i32
          %dma_start3A_524 = arith.constant 0 : i32
          %dma_start3A_525 = tpu.memref_slice %arg3[%dma_start3A_523, %dma_start3A_524] : memref<50000x32xf32, #tpu.memory_space<hbm>> -> memref<50000x32xf32, #tpu.memory_space<hbm>>
          tpu.enqueue_indirect_dma source(%dma_start3A_525 : memref<50000x32xf32, #tpu.memory_space<hbm>>) target(%dma_start3A_519 : memref<128x32xf32, #tpu.memory_space<vmem>>) offsets(%dma_start3A_522 : memref<128xi32, #tpu.memory_space<vmem>>) semaphore(%arg35 : memref<!tpu.dma_semaphore, #tpu.memory_space<semaphore_mem>>)
          %dma_start3A_526 = arith.constant 1 : i32
          %dma_start3A_527 = arith.constant 128 : i32
          %dma_start3A_528 = arith.constant 0 : i32
          %dma_start3A_529 = tpu.memref_slice %arg22[%dma_start3A_527, %dma_start3A_528] : memref<256x32xf32, #tpu.memory_space<vmem>> -> memref<128x32xf32, #tpu.memory_space<vmem>>
          %dma_start3A_530 = arith.constant 0 : i32
          %dma_start3A_531 = tpu.memref_slice %arg14[%dma_start3A_526, %dma_start3A_530] : memref<2x128xi32, #tpu.memory_space<vmem>> -> memref<1x128xi32, #tpu.memory_space<vmem>>
          %dma_start3A_532 = tpu.memref_squeeze %dma_start3A_531 : memref<1x128xi32, #tpu.memory_space<vmem>> -> memref<128xi32, #tpu.memory_space<vmem>>
          %dma_start3A_533 = arith.constant 0 : i32
          %dma_start3A_534 = arith.constant 0 : i32
          %dma_start3A_535 = tpu.memref_slice %arg3[%dma_start3A_533, %dma_start3A_534] : memref<50000x32xf32, #tpu.memory_space<hbm>> -> memref<50000x32xf32, #tpu.memory_space<hbm>>
          tpu.enqueue_indirect_dma source(%dma_start3A_535 : memref<50000x32xf32, #tpu.memory_space<hbm>>) target(%dma_start3A_529 : memref<128x32xf32, #tpu.memory_space<vmem>>) offsets(%dma_start3A_532 : memref<128xi32, #tpu.memory_space<vmem>>) semaphore(%arg35 : memref<!tpu.dma_semaphore, #tpu.memory_space<semaphore_mem>>)
        } else {
        }
      } else {
      }
    }
    %scan3A_323 = arith.constant 49 : i32
    %add3A_324 = arith.constant 6144 : i32
    %add3A_325 = arith.addi %add3A, %add3A_324 : i32
    %lt3A = arith.constant 6250 : i32
    %lt3A_326 = arith.cmpi slt, %add3A_325, %lt3A : i32
    %convert_element_type3A = arith.extui %lt3A_326 : i1 to i32
    %cond3A = arith.constant 0 : i32
    %cond3A_327 = arith.cmpi ne, %convert_element_type3A, %cond3A : i32
    scf.if %cond3A_327 {
      %mul3A_349 = arith.constant 256 : i32
      %mul3A_350 = arith.muli %add3A_325, %mul3A_349 : i32
      %dma_wait3A_351 = arith.constant 0 : i32
      %dma_wait3A_352 = tpu.memref_slice %arg5[%mul3A_350, %dma_wait3A_351] : memref<1600000x32xf32, #tpu.memory_space<hbm>> -> memref<256x32xf32, #tpu.memory_space<hbm>>
      %dma_wait3A_353 = arith.constant 0 : i32
      %dma_wait3A_354 = tpu.memref_slice %arg5[%mul3A_350, %dma_wait3A_353] : memref<1600000x32xf32, #tpu.memory_space<hbm>> -> memref<256x32xf32, #tpu.memory_space<hbm>>
      tpu.wait_dma2 semaphore(%arg36 : memref<!tpu.dma_semaphore, #tpu.memory_space<semaphore_mem>>) src(%arg23 : memref<256x32xf32, #tpu.memory_space<vmem>>) dst(%dma_wait3A_354 : memref<256x32xf32, #tpu.memory_space<hbm>>)
      %mul3A_355 = arith.constant 256 : i32
      %mul3A_356 = arith.muli %add3A_325, %mul3A_355 : i32
      %dma_wait3A_357 = arith.constant 0 : i32
      %dma_wait3A_358 = tpu.memref_slice %arg6[%mul3A_356, %dma_wait3A_357] : memref<1600000x8xf32, #tpu.memory_space<hbm>> -> memref<256x8xf32, #tpu.memory_space<hbm>>
      %dma_wait3A_359 = arith.constant 0 : i32
      %dma_wait3A_360 = tpu.memref_slice %arg6[%mul3A_356, %dma_wait3A_359] : memref<1600000x8xf32, #tpu.memory_space<hbm>> -> memref<256x8xf32, #tpu.memory_space<hbm>>
      tpu.wait_dma2 semaphore(%arg40 : memref<!tpu.dma_semaphore, #tpu.memory_space<semaphore_mem>>) src(%arg27 : memref<256x8xf32, #tpu.memory_space<vmem>>) dst(%dma_wait3A_360 : memref<256x8xf32, #tpu.memory_space<hbm>>)
    } else {
    }
    %add3A_328 = arith.constant 6176 : i32
    %add3A_329 = arith.addi %add3A, %add3A_328 : i32
    %lt3A_330 = arith.constant 6250 : i32
    %lt3A_331 = arith.cmpi slt, %add3A_329, %lt3A_330 : i32
    %convert_element_type3A_332 = arith.extui %lt3A_331 : i1 to i32
    %cond3A_333 = arith.constant 0 : i32
    %cond3A_334 = arith.cmpi ne, %convert_element_type3A_332, %cond3A_333 : i32
    scf.if %cond3A_334 {
      %mul3A_349 = arith.constant 256 : i32
      %mul3A_350 = arith.muli %add3A_329, %mul3A_349 : i32
      %dma_wait3A_351 = arith.constant 0 : i32
      %dma_wait3A_352 = tpu.memref_slice %arg5[%mul3A_350, %dma_wait3A_351] : memref<1600000x32xf32, #tpu.memory_space<hbm>> -> memref<256x32xf32, #tpu.memory_space<hbm>>
      %dma_wait3A_353 = arith.constant 0 : i32
      %dma_wait3A_354 = tpu.memref_slice %arg5[%mul3A_350, %dma_wait3A_353] : memref<1600000x32xf32, #tpu.memory_space<hbm>> -> memref<256x32xf32, #tpu.memory_space<hbm>>
      tpu.wait_dma2 semaphore(%arg37 : memref<!tpu.dma_semaphore, #tpu.memory_space<semaphore_mem>>) src(%arg24 : memref<256x32xf32, #tpu.memory_space<vmem>>) dst(%dma_wait3A_354 : memref<256x32xf32, #tpu.memory_space<hbm>>)
      %mul3A_355 = arith.constant 256 : i32
      %mul3A_356 = arith.muli %add3A_329, %mul3A_355 : i32
      %dma_wait3A_357 = arith.constant 0 : i32
      %dma_wait3A_358 = tpu.memref_slice %arg6[%mul3A_356, %dma_wait3A_357] : memref<1600000x8xf32, #tpu.memory_space<hbm>> -> memref<256x8xf32, #tpu.memory_space<hbm>>
      %dma_wait3A_359 = arith.constant 0 : i32
      %dma_wait3A_360 = tpu.memref_slice %arg6[%mul3A_356, %dma_wait3A_359] : memref<1600000x8xf32, #tpu.memory_space<hbm>> -> memref<256x8xf32, #tpu.memory_space<hbm>>
      tpu.wait_dma2 semaphore(%arg41 : memref<!tpu.dma_semaphore, #tpu.memory_space<semaphore_mem>>) src(%arg27 : memref<256x8xf32, #tpu.memory_space<vmem>>) dst(%dma_wait3A_360 : memref<256x8xf32, #tpu.memory_space<hbm>>)
    } else {
    }
    %add3A_335 = arith.constant 6208 : i32
    %add3A_336 = arith.addi %add3A, %add3A_335 : i32
    %lt3A_337 = arith.constant 6250 : i32
    %lt3A_338 = arith.cmpi slt, %add3A_336, %lt3A_337 : i32
    %convert_element_type3A_339 = arith.extui %lt3A_338 : i1 to i32
    %cond3A_340 = arith.constant 0 : i32
    %cond3A_341 = arith.cmpi ne, %convert_element_type3A_339, %cond3A_340 : i32
    scf.if %cond3A_341 {
      %mul3A_349 = arith.constant 256 : i32
      %mul3A_350 = arith.muli %add3A_336, %mul3A_349 : i32
      %dma_wait3A_351 = arith.constant 0 : i32
      %dma_wait3A_352 = tpu.memref_slice %arg5[%mul3A_350, %dma_wait3A_351] : memref<1600000x32xf32, #tpu.memory_space<hbm>> -> memref<256x32xf32, #tpu.memory_space<hbm>>
      %dma_wait3A_353 = arith.constant 0 : i32
      %dma_wait3A_354 = tpu.memref_slice %arg5[%mul3A_350, %dma_wait3A_353] : memref<1600000x32xf32, #tpu.memory_space<hbm>> -> memref<256x32xf32, #tpu.memory_space<hbm>>
      tpu.wait_dma2 semaphore(%arg38 : memref<!tpu.dma_semaphore, #tpu.memory_space<semaphore_mem>>) src(%arg25 : memref<256x32xf32, #tpu.memory_space<vmem>>) dst(%dma_wait3A_354 : memref<256x32xf32, #tpu.memory_space<hbm>>)
      %mul3A_355 = arith.constant 256 : i32
      %mul3A_356 = arith.muli %add3A_336, %mul3A_355 : i32
      %dma_wait3A_357 = arith.constant 0 : i32
      %dma_wait3A_358 = tpu.memref_slice %arg6[%mul3A_356, %dma_wait3A_357] : memref<1600000x8xf32, #tpu.memory_space<hbm>> -> memref<256x8xf32, #tpu.memory_space<hbm>>
      %dma_wait3A_359 = arith.constant 0 : i32
      %dma_wait3A_360 = tpu.memref_slice %arg6[%mul3A_356, %dma_wait3A_359] : memref<1600000x8xf32, #tpu.memory_space<hbm>> -> memref<256x8xf32, #tpu.memory_space<hbm>>
      tpu.wait_dma2 semaphore(%arg42 : memref<!tpu.dma_semaphore, #tpu.memory_space<semaphore_mem>>) src(%arg27 : memref<256x8xf32, #tpu.memory_space<vmem>>) dst(%dma_wait3A_360 : memref<256x8xf32, #tpu.memory_space<hbm>>)
    } else {
    }
    %add3A_342 = arith.constant 6240 : i32
    %add3A_343 = arith.addi %add3A, %add3A_342 : i32
    %lt3A_344 = arith.constant 6250 : i32
    %lt3A_345 = arith.cmpi slt, %add3A_343, %lt3A_344 : i32
    %convert_element_type3A_346 = arith.extui %lt3A_345 : i1 to i32
    %cond3A_347 = arith.constant 0 : i32
    %cond3A_348 = arith.cmpi ne, %convert_element_type3A_346, %cond3A_347 : i32
    scf.if %cond3A_348 {
      %mul3A_349 = arith.constant 256 : i32
      %mul3A_350 = arith.muli %add3A_343, %mul3A_349 : i32
      %dma_wait3A_351 = arith.constant 0 : i32
      %dma_wait3A_352 = tpu.memref_slice %arg5[%mul3A_350, %dma_wait3A_351] : memref<1600000x32xf32, #tpu.memory_space<hbm>> -> memref<256x32xf32, #tpu.memory_space<hbm>>
      %dma_wait3A_353 = arith.constant 0 : i32
      %dma_wait3A_354 = tpu.memref_slice %arg5[%mul3A_350, %dma_wait3A_353] : memref<1600000x32xf32, #tpu.memory_space<hbm>> -> memref<256x32xf32, #tpu.memory_space<hbm>>
      tpu.wait_dma2 semaphore(%arg39 : memref<!tpu.dma_semaphore, #tpu.memory_space<semaphore_mem>>) src(%arg26 : memref<256x32xf32, #tpu.memory_space<vmem>>) dst(%dma_wait3A_354 : memref<256x32xf32, #tpu.memory_space<hbm>>)
      %mul3A_355 = arith.constant 256 : i32
      %mul3A_356 = arith.muli %add3A_343, %mul3A_355 : i32
      %dma_wait3A_357 = arith.constant 0 : i32
      %dma_wait3A_358 = tpu.memref_slice %arg6[%mul3A_356, %dma_wait3A_357] : memref<1600000x8xf32, #tpu.memory_space<hbm>> -> memref<256x8xf32, #tpu.memory_space<hbm>>
      %dma_wait3A_359 = arith.constant 0 : i32
      %dma_wait3A_360 = tpu.memref_slice %arg6[%mul3A_356, %dma_wait3A_359] : memref<1600000x8xf32, #tpu.memory_space<hbm>> -> memref<256x8xf32, #tpu.memory_space<hbm>>
      tpu.wait_dma2 semaphore(%arg43 : memref<!tpu.dma_semaphore, #tpu.memory_space<semaphore_mem>>) src(%arg27 : memref<256x8xf32, #tpu.memory_space<vmem>>) dst(%dma_wait3A_360 : memref<256x8xf32, #tpu.memory_space<hbm>>)
    } else {
    }
    return
  }
}

</mosaic_0001>

<sc_bundles>
// kernel: kernel.3.cloned.1.call-start
scs
__scs_entry_jumppad:
0x0: {  	(pc) =	sbr.rel $0x88, $3  }
0x1: {  	(tag) =	ssettag $0x0;
	lr =	simm.s32 $0x1  }
0x2: {  	[smem:$0x3F9E] =	sst lr;
	_ =	strace $0xD0000000  }
0x3: {  	_ = 	snop  }
0x4: {  	_ = 	snop  }
0x5: {  	_ = 	snop  }
0x6: {  	_ = 	snop  }
0x7: {  	_ = 	snop  }
__scs_overlays_trampoline_lowered:
0x8: {  	[smem:$0x3FAD] =	sst s0  }
0x9: {  	[smem:$0x3FAE] =	sst s1  }
0xa: {  	[smem:$0x3FAF] =	sst s2  }
0xb: {  	[smem:$0x3FB0] =	sst s3  }
0xc: {  	[smem:$0x3FB1] =	sst s4  }
0xd: {  	[smem:$0x3FB2] =	sst s5  }
0xe: {  	[smem:$0x3FB3] =	sst s6  }
0xf: {  	[smem:$0x3FB4] =	sst s7  }
0x10: {  	[smem:$0x3FB5] =	sst s8  }
0x11: {  	[smem:$0x3FB6] =	sst s9;
	s0 =	simm.s32 @!p0 $0x0  }
0x12: {  	s1 =	sld [smem:$0x3F9C];
	s0 =	simm.s32 @p0 $0x1  }
0x13: {  	[smem:$0x3FB7] =	sst s0;
	s0 =	simm.s32 @!p1 $0x0  }
0x14: {  	s2 =	sld [smem:$0x3F9B];
	s0 =	simm.s32 @p1 $0x1  }
0x15: {  	[smem:$0x3FB8] =	sst s0;
	s0 =	simm.s32 @!p2 $0x0  }
0x16: {  	s3 =	sld [smem:$0x3FDB];
	s0 =	simm.s32 @p2 $0x1  }
0x17: {  	s4 =	simm.s32 $0x1BF5;
	[smem:$0x3FBA] =	sst s0  }
0x18: {  	s0 =	sld [smem:$0x3F9D];
	_ =	swait.ge [sflag:s4], $0x0  }
0x19: {  	s7 =	sld [smem:$0x3F9E]  }
0x1a: {  	s8 =	sadd.s32 $0xFFFFE003, lr  }
0x1b: {  	s9 =	sadd.s32 $0xFFFFFEF7, lr;
	s5 =	simm.s32 $0xFFFFFFFF;
	p2 =	slt.u32 s8, $0xFFFFF086  }
0x1c: {  	p1 =	slt.u32 s9, $0xF7A;
	s5 =	simm.s32 @!p2 $0x0  }
0x1d: {  	s5 =	simm.s32 @p1 $0x1;
	p0 =	seq.s32 s7, s2  }
0x1e: {  	s7 =	smul.u32 @!p0 $0xF7A, s2;
	p2 =	seq.s32 @!p0 s5, $0x0  }
0x1f: {  	s9 =	smul.u32 $0xF7A, s1;
	s8 =	simm.s32 @!p0 $0x1BF5;
	p2 =	por !p2, p0  }
0x20: {  	[sflag:s8] =	ssyncset.s32 @!p0 $0xFFFFF086;
	s6 =	sadd.s32 @!p0 s3, s7;
	s7 =	simm.s32 @!p0 $0x108  }
0x21: {  	s3 =	sadd.s32 s3, s9;
	s6 =	sadd.s32 @!p0 $0x88, s6;
	s7 =	simm.s32 @p2 $0x1082  }
0x22: {  	[simem:s7], [sflag:s8] =	dma.local @!p0 [hbm:s6], $0xF7A  }
0x23: {  	s9 =	sor.u32 $0xD0000000, s2;
	s6 =	simm.s32 $0x108;
	_ =	swait.ge @!p0 [sflag:s8], $0x0  }
0x24: {  	s3 =	sadd.s32 $0x88, s3;
	s6 =	simm.s32 @!p1 $0x1082;
	[sflag:s4] =	ssyncset.s32 $0xFFFFF086  }
0x25: {  	[simem:s6], [sflag:s4] =	dma.local [hbm:s3], $0xF7A  }
0x26: {  	[smem:$0x3F9E] =	sst s1;
	(tag) =	ssettag s2;
	_ =	strace s9  }
0x27: {  	s1 =	sld [smem:$0x3FAE]  }
0x28: {  	s2 =	sld [smem:$0x3FAF]  }
0x29: {  	s4 =	sld [smem:$0x3FB1]  }
0x2a: {  	p0 =	seq.s32 s5, $0x0;
	s5 =	sld [smem:$0x3FB2]  }
0x2b: {  	s6 =	sld [smem:$0x3FB3]  }
0x2c: {  	s7 =	sld [smem:$0x3FB4]  }
0x2d: {  	s3 =	simm.s32 $0x108;
	s8 =	sld [smem:$0x3FB5]  }
0x2e: {  	s3 =	simm.s32 @!p0 $0x1082;
	s9 =	sld [smem:$0x3FB6]  }
0x2f: {  	lr =	sadd.s32 s0, s3;
	s0 =	sld [smem:$0x3FAD]  }
0x30: {  	s3 =	sld [smem:$0x3FB0]  }
0x31: {  	[smem:$0x3FB9] =	sst s10  }
0x32: {  	s10 =	sld [smem:$0x3FB7];
	_ =	sdelay $0x3  }
0x33: {  	p0 =	seq.s32 s10, $0x1;
	s10 =	sld [smem:$0x3FB9];
	_ =	sdelay $0x3  }
0x34: {  	[smem:$0x3FB9] =	sst s10  }
0x35: {  	s10 =	sld [smem:$0x3FB8];
	_ =	sdelay $0x3  }
0x36: {  	p1 =	seq.s32 s10, $0x1;
	s10 =	sld [smem:$0x3FB9];
	_ =	sdelay $0x3  }
0x37: {  	[smem:$0x3FB9] =	sst s10  }
0x38: {  	s10 =	sld [smem:$0x3FBA]  }
0x39: {  	_ = 	snop;
	(pc) =	sbr.ind lr, $3  }
0x3a: {  	_ = 	snop  }
0x3b: {  	_ = 	snop  }
0x3c: {  	p2 =	seq.s32 s10, $0x1;
	s10 =	sld [smem:$0x3FB9]  }
0x3d: {  	_ =	shalt  }
0x3e: {  	_ =	shalt  }
0x3f: {  	_ =	shalt  }
0x40: {  	_ =	shalt  }
0x41: {  	_ =	shalt  }
0x42: {  	_ =	shalt  }
0x43: {  	_ =	shalt  }
0x44: {  	_ =	shalt  }
0x45: {  	_ =	shalt  }
0x46: {  	_ =	shalt  }
0x47: {  	_ =	shalt  }
0x48: {  	_ =	shalt  }
0x49: {  	_ =	shalt  }
0x4a: {  	_ =	shalt  }
0x4b: {  	_ =	shalt  }
0x4c: {  	_ =	shalt  }
0x4d: {  	_ =	shalt  }
0x4e: {  	_ =	shalt  }
0x4f: {  	_ =	shalt  }
0x50: {  	_ =	shalt  }
0x51: {  	_ =	shalt  }
0x52: {  	_ =	shalt  }
0x53: {  	_ =	shalt  }
0x54: {  	_ =	shalt  }
0x55: {  	_ =	shalt  }
0x56: {  	_ =	shalt  }
0x57: {  	_ =	shalt  }
0x58: {  	_ =	shalt  }
0x59: {  	_ =	shalt  }
0x5a: {  	_ =	shalt  }
0x5b: {  	_ =	shalt  }
0x5c: {  	_ =	shalt  }
0x5d: {  	_ =	shalt  }
0x5e: {  	_ =	shalt  }
0x5f: {  	_ =	shalt  }
0x60: {  	_ =	shalt  }
0x61: {  	_ =	shalt  }
0x62: {  	_ =	shalt  }
0x63: {  	_ =	shalt  }
0x64: {  	_ =	shalt  }
0x65: {  	_ =	shalt  }
0x66: {  	_ =	shalt  }
0x67: {  	_ =	shalt  }
0x68: {  	_ =	shalt  }
0x69: {  	_ =	shalt  }
0x6a: {  	_ =	shalt  }
0x6b: {  	_ =	shalt  }
0x6c: {  	_ =	shalt  }
0x6d: {  	_ =	shalt  }
0x6e: {  	_ =	shalt  }
0x6f: {  	_ =	shalt  }
0x70: {  	_ =	shalt  }
0x71: {  	_ =	shalt  }
0x72: {  	_ =	shalt  }
0x73: {  	_ =	shalt  }
0x74: {  	_ =	shalt  }
0x75: {  	_ =	shalt  }
0x76: {  	_ =	shalt  }
0x77: {  	_ =	shalt  }
0x78: {  	_ =	shalt  }
0x79: {  	_ =	shalt  }
0x7a: {  	_ =	shalt  }
0x7b: {  	_ =	shalt  }
0x7c: {  	_ =	shalt  }
0x7d: {  	_ =	shalt  }
0x7e: {  	_ =	shalt  }
0x7f: {  	_ =	shalt  }
0x80: {  	_ =	shalt  }
0x81: {  	_ =	shalt  }
0x82: {  	_ =	shalt  }
0x83: {  	_ =	shalt  }
0x84: {  	_ =	shalt  }
0x85: {  	_ =	shalt  }
0x86: {  	_ =	shalt  }
0x87: {  	_ =	shalt  }
.Lfunc_end0:
.L_simem_size_0:
called_computation.2_lowered:
.L_overlay_start_0:
0x88: {  	s2 =	sld [smem:$0x3FD9]  }
0x89: {  	s3 =	sld [smem:$0x3FFE];
	_ =	sdelay $0x1  }
0x8a: {  	s1 =	srdreg.scid  }
0x8b: {  	s0 =	sand.u32 $0x1, s1  }
0x8c: {  	s14 =	sshll.u32 s0, $0xA;
	s2 =	sadd.s32 s3, s2  }
0x8d: {  	s2 =	sadd.s32 s2, s14  }
0x8e: {  	[smem:$0x3FC5] =	sst s2  }
0x8f: {  	_ = 	snop  }
0x90: {  	s2 =	sld [smem:$0x3FD0];
	_ =	sdelay $0x2  }
0x91: {  	s15 =	simm.s32 $0xB;
	s4 =	simm.s32 $0x10  }
0x92: {  	[smem:s4], [sflag:s15] =	dma.local [hbm:s2], $0x1  }
0x93: {  	_ =	swait.eq [sflag:s15], $0x1  }
0x94: {  	[sflag:s15] =	ssyncset.done $0x0  }
0x95: {  	s16 =	sld [smem:$0x10];
	[sflag:s15] =	ssyncadd.s32 $0xFFFFFFFF  }
0x96: {  	s17 =	sld [smem:$0x11];
	(tm) =	ssettm $0x1  }
0x97: {  	s18 =	sld [smem:$0x3FFB];
	_ =	sdelay $0x3  }
0x98: {  	_ =	strace s18  }
0x99: {  	s4 =	sld [smem:$0x3FFC];
	_ =	sdelay $0x3  }
0x9a: {  	_ =	strace s4  }
0x9b: {  	s4 =	sld [smem:$0x3FFD];
	_ =	sdelay $0x3  }
0x9c: {  	_ =	strace s4  }
0x9d: {  	_ =	strace $0x8FFFFFFF  }
0x9e: {  	s19 =	sld [smem:$0x3FDB];
	_ =	sdelay $0x1  }
0x9f: {  	s5 =	simm.s32 $_scs_section_size  }
0xa0: {  	s6 =	simm.s32 $_size__tile_overlayer_lowered;
	s7 =	simm.s32 $_tile_overlayer_lowered  }
0xa1: {  	s22 =	simm.s32 $0x1BFF;
	s21 =	sshll.u32 s7, $0x1;
	s4 =	sadd.s32 s5, s19  }
0xa2: {  	s8 =	simm.s32 $0x0;
	s20 =	sshll.u32 s6, $0x1;
	s6 =	sadd.s32 s21, s4  }
0xa3: {  	[timem:s8], [sflag:s22] =	dma.local [hbm:s6], s20  }
0xa4: {  	_ =	swait.ge [sflag:s22], s20  }
0xa5: {  	s5 =	ssub.s32 $0x0, s20;
	[sflag:s22] =	ssyncset.done $0x0  }
0xa6: {  	[sflag:s22] =	ssyncadd.s32 s5;
	_ =	sdelay $0x1  }
0xa7: {  	s23 =	simm.s32 $0x1B8B  }
0xa8: {  	_ =	swait.ge [sflag:s23], $0x1  }
0xa9: {  	[sflag:s23] =	ssyncset.done $0x0  }
0xaa: {  	s25 =	simm.s32 $0x1B8E;
	s24 =	sld [smem:$0x3FFE];
	[sflag:s23] =	ssyncadd.s32 $0xFFFFFFFF  }
0xab: {  	s26 =	simm.s32 $execute0_lowered;
	[smem:$0x3FD2] =	sst s25  }
0xac: {  	s6 =	sshll.u32 s26, $0x1;
	_ =	strace $0x80000046;
	[dreg:$0x1] =	wrdreg $0xFFFFFFFF  }
0xad: {  	s28 =	simm.s32 $_size_execute0_lowered;
	s4 =	sadd.s32 s4, s6;
	[dreg:$0x0] =	wrdreg $0x0  }
0xae: {  	s6 =	sshll.u32 s28, $0x1;
	[dreg:$0x2] =	wrdreg s4  }
0xaf: {  	[dreg:$0x3] =	wrdreg s6  }
0xb0: {  	[dreg:$0x4] =	wrdreg $0xC0  }
0xb1: {  	_ =	task [dreg:s8], $0x5FFFF  }
0xb2: {  	[dreg:$0x1] =	wrdreg $0xFFFFFFFF  }
0xb3: {  	[dreg:$0x0] =	wrdreg $0x60  }
0xb4: {  	[dreg:$0x2] =	wrdreg s24  }
0xb5: {  	[dreg:$0x3] =	wrdreg s16  }
0xb6: {  	[dreg:$0x4] =	wrdreg s17  }
0xb7: {  	[dreg:$0x5] =	wrdreg $0x9  }
0xb8: {  	_ =	task.clear_ibuf [dreg:s8], $0x6FFFF;
	_ =	strace $0x90000046  }
0xb9: {  	s29 =	simm.s32 $0x9;
	_ =	strace $0x80000048  }
0xba: {  	_ =	swait.ge [sflag:s29], $0x1  }
0xbb: {  	[sflag:s29] =	ssyncadd.s32 $0xFFFFFFFF  }
0xbc: {  	_ =	strace $0x90000048  }
0xbd: {  	_ =	sfence  }
0xbe: {  	s30 =	sld [smem:$0x0];
	_ =	sdelay $0x2  }
0xbf: {  	s31 =	sshll.u32 s1, $0xD;
	s1 =	sshrl.u32 s1, $0x2  }
0xc0: {  	s3 =	sand.u32 $0x4000, s31;
	s1 =	sadd.s32 s1, s30  }
0xc1: {  	s0 =	sor.u32 s3, s0;
	s1 =	sshll.u32 s1, $0x11  }
0xc2: {  	s0 =	sor.u32 s1, s0  }
0xc3: {  	s0 =	sadd.s32 $0x8F2B, s0  }
0xc4: {  	[sflag:s0] =	ssyncadd.remote.s32 $0x1  }
0xc5: {  	_ =	sfence.sel $0xFFFF  }
0xc6: {  	[dreg:$0x0] =	wrdreg $0xFFFFFFFF;
	(pc) =	sbr.abs _section_cstart, $3  }
0xc7: {  	[dreg:$0x1] =	wrdreg $0xFFFFFFFF  }
0xc8: {  	_ =	task.clear_ibuf [dreg:s8], $0x2FFFF;
	_ =	strace $0x9FFFFFFF  }
0xc9: {  	(tm) =	ssettm $0x7FFFFFFF  }
tec
execute0_lowered:
.L_overlay_start_1:
0x0: {  	(tag) =	ssettag $0x1  }
0x1: {  	s0 =	rddreg [dreg:$0x0]  }
0x2: {  	s29 =	rddreg [dreg:$0x1]  }
0x3: {  	s3 =	rddreg [dreg:$0x2]  }
0x4: {  	s4 =	simm.s32 $0x0;
	s2 =	srdreg.scid;
	s10 =	stileid.u32  }
0x5: {  	s18 =	simm.s32 $0x18800;
	s30 =	simm.s32 $0x800;
	s31 =	simm.s32 $0x8800  }
0x6: {  	s11 =	simm.s32 $0x6;
	s12 =	simm.s32 $0x12800;
	s13 =	simm.s32 $0x7  }
0x7: {  	s14 =	simm.s32 $0x14800;
	s15 =	simm.s32 $0x8;
	s16 =	simm.s32 $0x16800  }
0x8: {  	s1 =	simm.s32 $0x0;
	s2 =	sand.u32 $0x1, s2;
	s5 =	sshll.u32 s10, $0x1  }
0x9: {  	[smem:$0x7FF] =	sst s4;
	s6 =	sadd.s32 $0x1200, s0;
	s5 =	sor.u32 s2, s5  }
0xa: {  	s7 =	sadd.s32 $0x62E00, s0;
	s0 =	sadd.s32 $0x1000, s0;
	s8 =	sshll.u32 s5, $0x5  }
0xb: {  	_ =	strace $0x80000047;
	[dreg:$0x5] =	wrdreg s0;
	s8 =	sadd.s32 s6, s8  }
0xc: {  	p0 =	sgt.u32 s10, $0x4;
	s21 =	sadd.s32 $0x30D40, s8;
	[dreg:$0x4] =	wrdreg s8  }
0xd: {  	s10 =	simm.s32 $0x10800;
	s22 =	sadd.s32 $0x400, s8;
	[dreg:$0x6] =	wrdreg s21  }
0xe: {  	s2 =	ssub.s32 $0x2, s2;
	s23 =	sadd.s32 $0x31140, s8;
	[dreg:$0x7] =	wrdreg s22  }
0xf: {  	s9 =	sshrl.u32 s2, $0x1;
	s24 =	sadd.s32 $0x800, s8;
	[dreg:$0x8] =	wrdreg s23  }
0x10: {  	s20 =	ssub.s32 s2, s9;
	s25 =	sadd.s32 $0x31540, s8;
	[dreg:$0x9] =	wrdreg s24  }
.Ltmp0:
0x11: {  	s26 =	sadd.s32 $0xC00, s8;
	[dreg:$0xa] =	wrdreg s25;
	(pc) =	sbr.rel .LBB2_1-.Ltmp0, $4  }
0x12: {  	s9 =	simm.s32 $0x5;
	s28 =	sadd.s32 $0x31940, s8;
	[dreg:$0xb] =	wrdreg s26  }
0x13: {  	s0 =	smax.u32 s20, $0x1;
	s20 =	simm.s32 $0xA800;
	[dreg:$0xc] =	wrdreg s28  }
0x14: {  	v0 =	vlaneseq.u32;
	[dreg:$0xd] =	wrdreg s0;
	s0 =	simm.s32 $0x2800;
	s22 =	simm.s32 $0x4800  }
0x15: {  	v0 =	vmul.u32 $0x20, v0;
	s23 =	simm.s32 $0xC800;
	s25 =	simm.s32 $0x6800;
	s26 =	simm.s32 $0xE800  }
.LBB2_13:
0x16: {  	s1 =	simm.s32 $0x9  }
0x17: {  	_ =	swait.ge [sflag:s1], $0x2000  }
0x18: {  	[sflag:s1] =	ssyncset.done $0x0  }
0x19: {  	s8 =	simm.s32 $0xD;
	[sflag:s1] =	ssyncadd.s32 $0xFFFFE000  }
0x1a: {  	_ =	swait.ge [sflag:s8], $0x800  }
0x1b: {  	[sflag:s8] =	ssyncset.done $0x0  }
0x1c: {  	s17 =	simm.s32 $0xA;
	[sflag:s8] =	ssyncadd.s32 $0xFFFFF800  }
0x1d: {  	_ =	swait.ge [sflag:s17], $0x2000  }
0x1e: {  	[sflag:s17] =	ssyncset.done $0x0  }
0x1f: {  	s19 =	simm.s32 $0xE;
	[sflag:s17] =	ssyncadd.s32 $0xFFFFE000  }
0x20: {  	_ =	swait.ge [sflag:s19], $0x800  }
0x21: {  	[sflag:s19] =	ssyncset.done $0x0  }
0x22: {  	s21 =	simm.s32 $0xB;
	[sflag:s19] =	ssyncadd.s32 $0xFFFFF800  }
0x23: {  	_ =	swait.ge [sflag:s21], $0x2000  }
0x24: {  	[sflag:s21] =	ssyncset.done $0x0  }
0x25: {  	s24 =	simm.s32 $0xF;
	[sflag:s21] =	ssyncadd.s32 $0xFFFFE000  }
0x26: {  	_ =	swait.ge [sflag:s24], $0x800  }
0x27: {  	[sflag:s24] =	ssyncset.done $0x0  }
0x28: {  	s2 =	simm.s32 @!p0 $0xC;
	[sflag:s24] =	ssyncadd.s32 $0xFFFFF800  }
0x29: {  	_ =	swait.ge @!p0 [sflag:s2], $0x2000  }
0x2a: {  	[sflag:s2] =	ssyncset.done @!p0 $0x0  }
0x2b: {  	[sflag:s2] =	ssyncadd.s32 @!p0 $0xFFFFE000;
	s2 =	simm.s32 @!p0 $0x10  }
0x2c: {  	_ =	swait.ge @!p0 [sflag:s2], $0x800  }
0x2d: {  	s28 =	rddreg [dreg:$0xe]  }
0x2e: {  	s8 =	rddreg [dreg:$0xd];
	s1 =	sadd.s32 $0x1, s28  }
0x2f: {  	p1 =	sne.s32 s1, s8  }
.Ltmp1:
0x30: {  	_ = 	snop;
	(pc) =	sbr.rel @!p1 .LBB2_14-.Ltmp1, $3  }
0x31: {  	_ =	sdelay $0x1  }
0x32: {  	[sflag:s2] =	ssyncset.done @!p0 $0x0  }
0x33: {  	[sflag:s2] =	ssyncadd.s32 @!p0 $0xFFFFF800  }
.LBB2_1:
0x34: {  	[dreg:$0xe] =	wrdreg s1  }
0x35: {  	s2 =	rddreg [dreg:$0x5];
	s1 =	simm.s32 $0x11  }
0x36: {  	[tilespmem:s18], [sflag:$0x11] =	stream.linear.gather [hbm4b:s2+s4], $0x800, $0x38;
	[tilespmem:$0x19000] =	vst v63  }
0x37: {  	_ =	swait.ge [sflag:s1], $0x800  }
0x38: {  	[sflag:s1] =	ssyncset.done $0x0  }
0x39: {  	s8 =	rddreg [dreg:$0x4];
	[sflag:s1] =	ssyncadd.s32 $0xFFFFF800  }
0x3a: {  	[tilespmem:s4], [sflag:$0x1] =	stream.linear.gather [hbm4b:s8+s4], $0x100, $0x38;
	[tilespmem:$0x19000] =	vst v63  }
0x3b: {  	s17 =	rddreg [dreg:$0x6];
	s8 =	simm.s32 $0x400  }
0x3c: {  	[tilespmem:s8], [sflag:$0x1] =	stream.linear.gather [hbm4b:s17+s4], $0x100, $0x38;
	[tilespmem:$0x19000] =	vst v63  }
0x3d: {  	s19 =	rddreg [dreg:$0x7];
	s17 =	simm.s32 $0x100  }
0x3e: {  	[tilespmem:s17], [sflag:$0x2] =	stream.linear.gather [hbm4b:s19+s4], $0x100, $0x38;
	[tilespmem:$0x19000] =	vst v63  }
0x3f: {  	s21 =	rddreg [dreg:$0x8];
	s19 =	simm.s32 $0x500  }
0x40: {  	[tilespmem:s19], [sflag:$0x2] =	stream.linear.gather [hbm4b:s21+s4], $0x100, $0x38;
	[tilespmem:$0x19000] =	vst v63  }
0x41: {  	s24 =	rddreg [dreg:$0x9];
	s21 =	simm.s32 $0x200  }
0x42: {  	[tilespmem:s21], [sflag:$0x3] =	stream.linear.gather [hbm4b:s24+s4], $0x100, $0x38;
	[tilespmem:$0x19000] =	vst v63  }
0x43: {  	s28 =	rddreg [dreg:$0xa];
	s24 =	simm.s32 $0x600  }
0x44: {  	[tilespmem:s24], [sflag:$0x3] =	stream.linear.gather [hbm4b:s28+s4], $0x100, $0x38;
	[tilespmem:$0x19000] =	vst v63  }
0x45: {  	s1 =	rddreg [dreg:$0xb];
	s28 =	simm.s32 $0x300  }
0x46: {  	[tilespmem:s28], [sflag:$0x4] =	stream.linear.gather [hbm4b:s1+s4], $0x100, $0x38;
	[tilespmem:$0x19000] =	vst v63  }
0x47: {  	s2 =	rddreg [dreg:$0xc];
	s1 =	simm.s32 $0x700  }
0x48: {  	[tilespmem:s1], [sflag:$0x4] =	stream.linear.gather [hbm4b:s2+s4], $0x100, $0x38;
	[tilespmem:$0x19000] =	vst v63  }
0x49: {  	s1 =	simm.s32 $0x1  }
0x4a: {  	_ =	swait.ge [sflag:s1], $0x100  }
0x4b: {  	[sflag:s1] =	ssyncset.done $0x0  }
0x4c: {  	[sflag:s1] =	ssyncadd.s32 $0xFFFFFF00  }
0x4d: {  	_ =	swait.ge [sflag:s1], $0x100  }
0x4e: {  	[sflag:s1] =	ssyncset.done $0x0  }
0x4f: {  	s2 =	simm.s32 $0x80;
	[sflag:s1] =	ssyncadd.s32 $0xFFFFFF00  }
0x50: {  	[tilespmem:s30], [sflag:$0x5] =	stream.indirect.gather [hbm4b:s7+s2], $0x20, s4, s2, $0xb8;
	[tilespmem:$0x19000] =	vst v63  }
0x51: {  	_ = 	snop  }
0x52: {  	[tilespmem:s31], [sflag:$0x5] =	stream.indirect.gather [hbm4b:s7+s2], $0x20, s8, s2, $0xb8;
	[tilespmem:$0x19000] =	vst v63  }
0x53: {  	s1 =	simm.s32 $0x1800  }
0x54: {  	[tilespmem:s1], [sflag:$0x5] =	stream.indirect.gather [hbm4b:s7+s2], $0x20, s2, s2, $0xb8;
	[tilespmem:$0x19000] =	vst v63  }
0x55: {  	s8 =	simm.s32 $0x480;
	s1 =	smov.u32 s5;
	s5 =	simm.s32 $0x9800  }
0x56: {  	[tilespmem:s5], [sflag:$0x5] =	stream.indirect.gather [hbm4b:s7+s2], $0x20, s8, s2, $0xb8;
	[tilespmem:$0x19000] =	vst v63  }
0x57: {  	s8 =	simm.s32 $0x2  }
0x58: {  	_ =	swait.ge [sflag:s8], $0x100  }
0x59: {  	[sflag:s8] =	ssyncset.done $0x0  }
0x5a: {  	[sflag:s8] =	ssyncadd.s32 $0xFFFFFF00  }
0x5b: {  	_ =	swait.ge [sflag:s8], $0x100  }
0x5c: {  	[sflag:s8] =	ssyncset.done $0x0  }
0x5d: {  	[sflag:s8] =	ssyncadd.s32 $0xFFFFFF00  }
0x5e: {  	[tilespmem:s0], [sflag:$0x6] =	stream.indirect.gather [hbm4b:s7+s2], $0x20, s17, s2, $0xb8;
	[tilespmem:$0x19000] =	vst v63  }
0x5f: {  	_ = 	snop  }
0x60: {  	[tilespmem:s20], [sflag:$0x6] =	stream.indirect.gather [hbm4b:s7+s2], $0x20, s19, s2, $0xb8;
	[tilespmem:$0x19000] =	vst v63  }
0x61: {  	s17 =	simm.s32 $0x180;
	s19 =	simm.s32 $0x3800  }
0x62: {  	[tilespmem:s19], [sflag:$0x6] =	stream.indirect.gather [hbm4b:s7+s2], $0x20, s17, s2, $0xb8;
	[tilespmem:$0x19000] =	vst v63  }
0x63: {  	s8 =	simm.s32 $0x3;
	s17 =	simm.s32 $0x580;
	s19 =	simm.s32 $0xB800  }
0x64: {  	[tilespmem:s19], [sflag:$0x6] =	stream.indirect.gather [hbm4b:s7+s2], $0x20, s17, s2, $0xb8;
	[tilespmem:$0x19000] =	vst v63  }
0x65: {  	_ =	swait.ge [sflag:s8], $0x100  }
0x66: {  	[sflag:s8] =	ssyncset.done $0x0  }
0x67: {  	[sflag:s8] =	ssyncadd.s32 $0xFFFFFF00  }
0x68: {  	_ =	swait.ge [sflag:s8], $0x100  }
0x69: {  	[sflag:s8] =	ssyncset.done $0x0  }
0x6a: {  	[sflag:s8] =	ssyncadd.s32 $0xFFFFFF00  }
0x6b: {  	[tilespmem:s22], [sflag:$0x7] =	stream.indirect.gather [hbm4b:s7+s2], $0x20, s21, s2, $0xb8;
	[tilespmem:$0x19000] =	vst v63  }
0x6c: {  	_ = 	snop  }
0x6d: {  	[tilespmem:s23], [sflag:$0x7] =	stream.indirect.gather [hbm4b:s7+s2], $0x20, s24, s2, $0xb8;
	[tilespmem:$0x19000] =	vst v63  }
0x6e: {  	s17 =	simm.s32 $0x280;
	s19 =	simm.s32 $0x5800  }
0x6f: {  	[tilespmem:s19], [sflag:$0x7] =	stream.indirect.gather [hbm4b:s7+s2], $0x20, s17, s2, $0xb8;
	[tilespmem:$0x19000] =	vst v63  }
0x70: {  	s8 =	simm.s32 $0x4;
	s21 =	simm.s32 $0x680;
	s24 =	simm.s32 $0xD800  }
0x71: {  	[tilespmem:s24], [sflag:$0x7] =	stream.indirect.gather [hbm4b:s7+s2], $0x20, s21, s2, $0xb8;
	[tilespmem:$0x19000] =	vst v63  }
0x72: {  	_ =	swait.ge [sflag:s8], $0x100  }
0x73: {  	[sflag:s8] =	ssyncset.done $0x0  }
0x74: {  	[sflag:s8] =	ssyncadd.s32 $0xFFFFFF00  }
0x75: {  	_ =	swait.ge [sflag:s8], $0x100  }
0x76: {  	[sflag:s8] =	ssyncset.done $0x0  }
0x77: {  	[sflag:s8] =	ssyncadd.s32 $0xFFFFFF00  }
0x78: {  	[tilespmem:s25], [sflag:$0x8] =	stream.indirect.gather [hbm4b:s7+s2], $0x20, s28, s2, $0xb8;
	[tilespmem:$0x19000] =	vst v63  }
0x79: {  	s17 =	simm.s32 $0x700  }
0x7a: {  	[tilespmem:s26], [sflag:$0x8] =	stream.indirect.gather [hbm4b:s7+s2], $0x20, s17, s2, $0xb8;
	[tilespmem:$0x19000] =	vst v63  }
.Ltmp2:
0x7b: {  	_ = 	snop;
	(pc) =	sbr.rel .LBB2_2-.Ltmp2, $4  }
0x7c: {  	s5 =	smov.u32 s1;
	s19 =	simm.s32 $0x380;
	s21 =	simm.s32 $0x7800  }
0x7d: {  	[tilespmem:s21], [sflag:$0x8] =	stream.indirect.gather [hbm4b:s7+s2], $0x20, s19, s2, $0xb8;
	[tilespmem:$0x19000] =	vst v63  }
0x7e: {  	s24 =	simm.s32 $0x780;
	s8 =	simm.s32 $0x0;
	s28 =	simm.s32 $0xF800  }
0x7f: {  	[tilespmem:s28], [sflag:$0x8] =	stream.indirect.gather [hbm4b:s7+s2], $0x20, s24, s2, $0xb8;
	[tilespmem:$0x19000] =	vst v63  }
.LBB2_12:
0x80: {  	s8 =	sadd.s32 $0x1, s8  }
0x81: {  	p1 =	sne.s32 s8, $0x31  }
.Ltmp3:
0x82: {  	_ = 	snop;
	(pc) =	sbr.rel @!p1 .LBB2_13-.Ltmp3, $1  }
0x83: {  	_ =	sdelay $0x3  }
.LBB2_2:
0x84: {  	_ =	swait.ge [sflag:s9], $0x1000  }
0x85: {  	[sflag:s9] =	ssyncset.done $0x0  }
0x86: {  	[sflag:s9] =	ssyncadd.s32 $0xFFFFF000  }
0x87: {  	_ =	swait.ge [sflag:s9], $0x1000  }
0x88: {  	[sflag:s9] =	ssyncset.done $0x0  }
0x89: {  	s2 =	sshll.u32 s8, $0x7;
	[sflag:s9] =	ssyncadd.s32 $0xFFFFF000  }
0x8a: {  	s19 =	sor.u32 s5, s2;
	_ =	swait.ge [sflag:s9], $0x1000  }
0x8b: {  	p2 =	sgt.u32 s19, $0x17E9;
	[sflag:s9] =	ssyncset.done $0x0  }
0x8c: {  	s2 =	sshll.u32 @!p2 s19, $0x5;
	[sflag:s9] =	ssyncadd.s32 $0xFFFFF000  }
0x8d: {  	s2 =	sand.u32 @!p2 $0x1FFFFFE0, s2;
	_ =	swait.ge [sflag:s9], $0x1000  }
0x8e: {  	s2 =	sadd.s32 @!p2 s6, s2;
	[sflag:s9] =	ssyncset.done $0x0  }
0x8f: {  	s21 =	simm.s32 @!p2 $0x0;
	s28 =	sadd.s32 @!p2 $0x1000, s2;
	[sflag:s9] =	ssyncadd.s32 $0xFFFFF000  }
0x90: {  	[tilespmem:s21], [sflag:$0x1] =	stream.linear.gather @!p2 [hbm4b:s28+s21], $0x100, $0x38;
	[tilespmem:$0x19000] =	vst v63  }
0x91: {  	p1 =	seq.s32 s8, $0x0;
	s2 =	sadd.s32 @!p2 $0x31D40, s2;
	s28 =	simm.s32 @!p2 $0x400  }
0x92: {  	[tilespmem:s28], [sflag:$0x1] =	stream.linear.gather @!p2 [hbm4b:s2+s21], $0x100, $0x38;
	[tilespmem:$0x19000] =	vst v63  }
0x93: {  	s2 =	simm.s32 @!p1 $0x9  }
0x94: {  	_ =	swait.ge @!p1 [sflag:s2], $0x2000  }
0x95: {  	[sflag:s2] =	ssyncset.done @!p1 $0x0  }
0x96: {  	[sflag:s2] =	ssyncadd.s32 @!p1 $0xFFFFE000;
	s2 =	simm.s32 @!p1 $0xD  }
0x97: {  	_ =	swait.ge @!p1 [sflag:s2], $0x800  }
0x98: {  	[sflag:s2] =	ssyncset.done @!p1 $0x0  }
0x99: {  	s28 =	simm.s32 $0x0;
	[sflag:s2] =	ssyncadd.s32 @!p1 $0xFFFFF800  }
.LBB2_3:
0x9a: {  	v1 =	vmov s28  }
0x9b: {  	v1 =	vshll.u32 v1, $0x5  }
0x9c: {  	v1 =	vor.u32 v0, v1  }
0x9d: {  	v2 =	vor.u32 $0x1, v1;
	_ =	sdelay $0x1  }
0x9e: {  	v3 =	vor.u32 $0x2, v1;
	_ =	sdelay $0x1  }
0x9f: {  	v4 =	vor.u32 $0x3, v1;
	v5 =	vld.idx.msk [tilespmem:v1+s31+$0x0], $0xffff  }
0xa0: {  	v6 =	vld.idx.msk [tilespmem:v2+s31+$0x0], $0xffff;
	_ =	sdelay $0x1  }
0xa1: {  	v7 =	vld.idx.msk [tilespmem:v3+s31+$0x0], $0xffff;
	_ =	sdelay $0x1  }
0xa2: {  	v8 =	vld.idx.msk [tilespmem:v4+s31+$0x0], $0xffff  }
0xa3: {  	v9 =	vmul.f32 v5, v5;
	v10 =	vmul.f32 v6, v6;
	_ =	sdelay $0x1  }
0xa4: {  	v11 =	vld.idx.msk [tilespmem:v1+s30+$0x0], $0xffff;
	v32 =	vmul.f32 v7, v7;
	v9 =	vadd.f32 v10, v9  }
0xa5: {  	v12 =	vld.idx.msk [tilespmem:v2+s30+$0x0], $0xffff  }
0xa6: {  	v13 =	vld.idx.msk [tilespmem:v3+s30+$0x0], $0xffff;
	v33 =	vmul.f32 v8, v8;
	v9 =	vadd.f32 v32, v9  }
0xa7: {  	v14 =	vld.idx.msk [tilespmem:v4+s30+$0x0], $0xffff  }
0xa8: {  	v9 =	vadd.f32 v33, v9  }
0xa9: {  	v34 =	vmul.f32 v5, v11  }
0xaa: {  	v35 =	vmul.f32 v6, v12;
	(erf) = vrcp.f32 v9  }
0xab: {  	v15 =	vmul.f32 v7, v13;
	v16 =	vmul.f32 v5, v12  }
0xac: {  	v17 =	vmul.f32 v6, v11;
	v36 =	vmul.f32 v8, v14  }
0xad: {  	v18 =	vmul.f32 v8, v13;
	v37 =	vmul.f32 v5, v13  }
0xae: {  	v19 =	vmul.f32 v7, v11;
	v5 =	vmul.f32 v5, v14;
	v9 =	vadd.f32 v35, v34  }
0xaf: {  	v11 =	vmul.f32 v8, v11;
	v8 =	vmul.f32 v8, v12;
	v16 =	vsub.f32 v16, v17  }
0xb0: {  	v40 =	vmul.f32 v7, v14;
	v39 =	vsub.f32 v37, v19;
	v9 =	vadd.f32 v15, v9  }
0xb1: {  	v7 =	vmul.f32 v7, v12;
	v5 =	vsub.f32 v5, v11;
	v38 =	vsub.f32 v16, v18  }
0xb2: {  	v41 =	vmul.f32 v6, v14;
	v8 =	vadd.f32 v8, v39;
	v9 =	vadd.f32 v36, v9  }
0xb3: {  	v6 =	vmul.f32 v6, v13;
	v5 =	vsub.f32 v5, v7;
	v43 =	vadd.f32 v38, v40;
	v42 =	vpop (erf)  }
0xb4: {  	v8 =	vsub.f32 v8, v41;
	v44 =	vmul.f32 v42, v9  }
0xb5: {  	v46 =	vor.u32 $0x4, v1;
	v5 =	vadd.f32 v5, v6;
	v45 =	vmul.f32 v42, v43  }
0xb6: {  	v47 =	vor.u32 $0x5, v1;
	v8 =	vmul.f32 v42, v8;
	[tilespmem:v1+s10+$0x0] =	vst.idx.msk $0xffff, v44  }
0xb7: {  	v5 =	vmul.f32 v5, v42;
	[tilespmem:v2+s10+$0x0] =	vst.idx.msk $0xffff, v45  }
0xb8: {  	v2 =	vor.u32 $0x6, v1;
	[tilespmem:v3+s10+$0x0] =	vst.idx.msk $0xffff, v8  }
0xb9: {  	[tilespmem:v4+s10+$0x0] =	vst.idx.msk $0xffff, v5  }
0xba: {  	v3 =	vor.u32 $0x7, v1;
	v4 =	vld.idx.msk [tilespmem:v46+s31+$0x0], $0xffff  }
0xbb: {  	v5 =	vld.idx.msk [tilespmem:v47+s31+$0x0], $0xffff;
	_ =	sdelay $0x1  }
0xbc: {  	v8 =	vld.idx.msk [tilespmem:v2+s31+$0x0], $0xffff;
	_ =	sdelay $0x1  }
0xbd: {  	v9 =	vld.idx.msk [tilespmem:v3+s31+$0x0], $0xffff  }
0xbe: {  	v48 =	vmul.f32 v4, v4;
	v49 =	vmul.f32 v5, v5;
	_ =	sdelay $0x1  }
0xbf: {  	v50 =	vld.idx.msk [tilespmem:v46+s30+$0x0], $0xffff;
	v10 =	vadd.f32 v49, v48;
	v51 =	vmul.f32 v8, v8  }
0xc0: {  	v52 =	vld.idx.msk [tilespmem:v47+s30+$0x0], $0xffff  }
0xc1: {  	v54 =	vmul.f32 v9, v9;
	v10 =	vadd.f32 v51, v10  }
0xc2: {  	v53 =	vld.idx.msk [tilespmem:v2+s30+$0x0], $0xffff  }
0xc3: {  	v55 =	vld.idx.msk [tilespmem:v3+s30+$0x0], $0xffff;
	v10 =	vadd.f32 v54, v10  }
0xc4: {  	v56 =	vmul.f32 v4, v50  }
0xc5: {  	v57 =	vmul.f32 v5, v52;
	(erf) = vrcp.f32 v10  }
0xc6: {  	v59 =	vmul.f32 v4, v52;
	v60 =	vmul.f32 v5, v50  }
0xc7: {  	v58 =	vmul.f32 v8, v53;
	v63 =	vmul.f32 v4, v53  }
0xc8: {  	v20 =	vmul.f32 v8, v50;
	v61 =	vmul.f32 v9, v55  }
0xc9: {  	v62 =	vmul.f32 v9, v53;
	v4 =	vmul.f32 v4, v55;
	v10 =	vadd.f32 v57, v56  }
0xca: {  	v17 =	vsub.f32 v59, v60;
	v12 =	vmul.f32 v9, v50;
	v9 =	vmul.f32 v9, v52  }
0xcb: {  	v23 =	vmul.f32 v8, v55;
	v22 =	vsub.f32 v63, v20;
	v10 =	vadd.f32 v58, v10  }
0xcc: {  	v8 =	vmul.f32 v8, v52;
	v21 =	vsub.f32 v17, v62;
	v4 =	vsub.f32 v4, v12  }
0xcd: {  	v24 =	vmul.f32 v5, v55;
	v9 =	vadd.f32 v9, v22;
	v10 =	vadd.f32 v61, v10  }
0xce: {  	v5 =	vmul.f32 v5, v53;
	v26 =	vadd.f32 v21, v23;
	v4 =	vsub.f32 v4, v8;
	v25 =	vpop (erf)  }
0xcf: {  	v9 =	vsub.f32 v9, v24;
	v27 =	vmul.f32 v25, v10  }
0xd0: {  	v29 =	vor.u32 $0x8, v1;
	v4 =	vadd.f32 v4, v5;
	v28 =	vmul.f32 v25, v26  }
0xd1: {  	v30 =	vor.u32 $0x9, v1;
	v9 =	vmul.f32 v25, v9;
	[tilespmem:v46+s10+$0x0] =	vst.idx.msk $0xffff, v27  }
0xd2: {  	v4 =	vmul.f32 v4, v25;
	[tilespmem:v47+s10+$0x0] =	vst.idx.msk $0xffff, v28  }
0xd3: {  	[tilespmem:v2+s10+$0x0] =	vst.idx.msk $0xffff, v9;
	v2 =	vor.u32 $0xA, v1  }
0xd4: {  	[tilespmem:v3+s10+$0x0] =	vst.idx.msk $0xffff, v4  }
0xd5: {  	v3 =	vor.u32 $0xB, v1;
	v4 =	vld.idx.msk [tilespmem:v29+s31+$0x0], $0xffff  }
0xd6: {  	v7 =	vld.idx.msk [tilespmem:v30+s31+$0x0], $0xffff;
	_ =	sdelay $0x1  }
0xd7: {  	v8 =	vld.idx.msk [tilespmem:v2+s31+$0x0], $0xffff;
	_ =	sdelay $0x1  }
0xd8: {  	v9 =	vld.idx.msk [tilespmem:v3+s31+$0x0], $0xffff  }
0xd9: {  	v31 =	vmul.f32 v4, v4;
	v32 =	vmul.f32 v7, v7;
	_ =	sdelay $0x1  }
0xda: {  	v33 =	vld.idx.msk [tilespmem:v29+s30+$0x0], $0xffff;
	v10 =	vadd.f32 v32, v31;
	v34 =	vmul.f32 v8, v8  }
0xdb: {  	v35 =	vld.idx.msk [tilespmem:v30+s30+$0x0], $0xffff  }
0xdc: {  	v37 =	vmul.f32 v9, v9;
	v10 =	vadd.f32 v34, v10  }
0xdd: {  	v36 =	vld.idx.msk [tilespmem:v2+s30+$0x0], $0xffff  }
0xde: {  	v38 =	vld.idx.msk [tilespmem:v3+s30+$0x0], $0xffff;
	v10 =	vadd.f32 v37, v10  }
0xdf: {  	v39 =	vmul.f32 v4, v33  }
0xe0: {  	v40 =	vmul.f32 v7, v35;
	(erf) = vrcp.f32 v10  }
0xe1: {  	v42 =	vmul.f32 v4, v35;
	v43 =	vmul.f32 v7, v33  }
0xe2: {  	v41 =	vmul.f32 v8, v36;
	v46 =	vmul.f32 v4, v36  }
0xe3: {  	v47 =	vmul.f32 v8, v33;
	v44 =	vmul.f32 v9, v38  }
0xe4: {  	v45 =	vmul.f32 v9, v36;
	v4 =	vmul.f32 v4, v38;
	v10 =	vadd.f32 v40, v39  }
0xe5: {  	v17 =	vsub.f32 v42, v43;
	v12 =	vmul.f32 v9, v33;
	v9 =	vmul.f32 v9, v35  }
0xe6: {  	v50 =	vmul.f32 v8, v38;
	v49 =	vsub.f32 v46, v47;
	v10 =	vadd.f32 v41, v10  }
0xe7: {  	v8 =	vmul.f32 v8, v35;
	v48 =	vsub.f32 v17, v45;
	v4 =	vsub.f32 v4, v12  }
0xe8: {  	v51 =	vmul.f32 v7, v38;
	v9 =	vadd.f32 v9, v49;
	v10 =	vadd.f32 v44, v10  }
0xe9: {  	v7 =	vmul.f32 v7, v36;
	v53 =	vadd.f32 v48, v50;
	v4 =	vsub.f32 v4, v8;
	v52 =	vpop (erf)  }
0xea: {  	v9 =	vsub.f32 v9, v51;
	v54 =	vmul.f32 v52, v10  }
0xeb: {  	v56 =	vor.u32 $0xC, v1;
	v4 =	vadd.f32 v4, v7;
	v55 =	vmul.f32 v52, v53  }
0xec: {  	v57 =	vor.u32 $0xD, v1;
	v9 =	vmul.f32 v52, v9;
	[tilespmem:v29+s10+$0x0] =	vst.idx.msk $0xffff, v54  }
0xed: {  	v4 =	vmul.f32 v4, v52;
	[tilespmem:v30+s10+$0x0] =	vst.idx.msk $0xffff, v55  }
0xee: {  	[tilespmem:v2+s10+$0x0] =	vst.idx.msk $0xffff, v9;
	v2 =	vor.u32 $0xE, v1  }
0xef: {  	[tilespmem:v3+s10+$0x0] =	vst.idx.msk $0xffff, v4  }
0xf0: {  	v3 =	vor.u32 $0xF, v1;
	v4 =	vld.idx.msk [tilespmem:v56+s31+$0x0], $0xffff  }
0xf1: {  	v6 =	vld.idx.msk [tilespmem:v57+s31+$0x0], $0xffff;
	_ =	sdelay $0x1  }
0xf2: {  	v8 =	vld.idx.msk [tilespmem:v2+s31+$0x0], $0xffff;
	_ =	sdelay $0x1  }
0xf3: {  	v9 =	vld.idx.msk [tilespmem:v3+s31+$0x0], $0xffff  }
0xf4: {  	v58 =	vmul.f32 v4, v4;
	v59 =	vmul.f32 v6, v6;
	_ =	sdelay $0x1  }
0xf5: {  	v60 =	vld.idx.msk [tilespmem:v56+s30+$0x0], $0xffff;
	v10 =	vadd.f32 v59, v58;
	v61 =	vmul.f32 v8, v8  }
0xf6: {  	v62 =	vld.idx.msk [tilespmem:v57+s30+$0x0], $0xffff  }
0xf7: {  	v23 =	vmul.f32 v9, v9;
	v10 =	vadd.f32 v61, v10  }
0xf8: {  	v63 =	vld.idx.msk [tilespmem:v2+s30+$0x0], $0xffff  }
0xf9: {  	v24 =	vld.idx.msk [tilespmem:v3+s30+$0x0], $0xffff;
	v10 =	vadd.f32 v23, v10  }
0xfa: {  	v25 =	vmul.f32 v4, v60  }
0xfb: {  	v26 =	vmul.f32 v6, v62;
	(erf) = vrcp.f32 v10  }
0xfc: {  	v28 =	vmul.f32 v4, v62;
	v29 =	vmul.f32 v6, v60  }
0xfd: {  	v27 =	vmul.f32 v8, v63;
	v32 =	vmul.f32 v4, v63  }
0xfe: {  	v33 =	vmul.f32 v8, v60;
	v30 =	vmul.f32 v9, v24  }
0xff: {  	v31 =	vmul.f32 v9, v63;
	v4 =	vmul.f32 v4, v24;
	v10 =	vadd.f32 v26, v25  }
0x100: {  	v17 =	vsub.f32 v28, v29;
	v12 =	vmul.f32 v9, v60;
	v9 =	vmul.f32 v9, v62  }
0x101: {  	v36 =	vmul.f32 v8, v24;
	v35 =	vsub.f32 v32, v33;
	v10 =	vadd.f32 v27, v10  }
0x102: {  	v8 =	vmul.f32 v8, v62;
	v34 =	vsub.f32 v17, v31;
	v4 =	vsub.f32 v4, v12  }
0x103: {  	v37 =	vmul.f32 v6, v24;
	v9 =	vadd.f32 v9, v35;
	v10 =	vadd.f32 v30, v10  }
0x104: {  	v6 =	vmul.f32 v6, v63;
	v39 =	vadd.f32 v34, v36;
	v4 =	vsub.f32 v4, v8;
	v38 =	vpop (erf)  }
0x105: {  	v9 =	vsub.f32 v9, v37;
	v40 =	vmul.f32 v38, v10  }
0x106: {  	v42 =	vor.u32 $0x10, v1;
	v4 =	vadd.f32 v4, v6;
	v41 =	vmul.f32 v38, v39  }
0x107: {  	v43 =	vor.u32 $0x11, v1;
	v9 =	vmul.f32 v38, v9;
	[tilespmem:v56+s10+$0x0] =	vst.idx.msk $0xffff, v40  }
0x108: {  	v4 =	vmul.f32 v4, v38;
	[tilespmem:v57+s10+$0x0] =	vst.idx.msk $0xffff, v41  }
0x109: {  	[tilespmem:v2+s10+$0x0] =	vst.idx.msk $0xffff, v9;
	v2 =	vor.u32 $0x12, v1  }
0x10a: {  	[tilespmem:v3+s10+$0x0] =	vst.idx.msk $0xffff, v4  }
0x10b: {  	v3 =	vor.u32 $0x13, v1;
	v4 =	vld.idx.msk [tilespmem:v42+s31+$0x0], $0xffff  }
0x10c: {  	v5 =	vld.idx.msk [tilespmem:v43+s31+$0x0], $0xffff;
	_ =	sdelay $0x1  }
0x10d: {  	v8 =	vld.idx.msk [tilespmem:v2+s31+$0x0], $0xffff;
	_ =	sdelay $0x1  }
0x10e: {  	v9 =	vld.idx.msk [tilespmem:v3+s31+$0x0], $0xffff  }
0x10f: {  	v44 =	vmul.f32 v4, v4;
	v45 =	vmul.f32 v5, v5;
	_ =	sdelay $0x1  }
0x110: {  	v46 =	vld.idx.msk [tilespmem:v42+s30+$0x0], $0xffff;
	v10 =	vadd.f32 v45, v44;
	v47 =	vmul.f32 v8, v8  }
0x111: {  	v48 =	vld.idx.msk [tilespmem:v43+s30+$0x0], $0xffff  }
0x112: {  	v50 =	vmul.f32 v9, v9;
	v10 =	vadd.f32 v47, v10  }
0x113: {  	v49 =	vld.idx.msk [tilespmem:v2+s30+$0x0], $0xffff  }
0x114: {  	v51 =	vld.idx.msk [tilespmem:v3+s30+$0x0], $0xffff;
	v10 =	vadd.f32 v50, v10  }
0x115: {  	v52 =	vmul.f32 v4, v46  }
0x116: {  	v53 =	vmul.f32 v5, v48;
	(erf) = vrcp.f32 v10  }
0x117: {  	v55 =	vmul.f32 v4, v48;
	v56 =	vmul.f32 v5, v46  }
0x118: {  	v54 =	vmul.f32 v8, v49;
	v59 =	vmul.f32 v4, v49  }
0x119: {  	v60 =	vmul.f32 v8, v46;
	v57 =	vmul.f32 v9, v51  }
0x11a: {  	v58 =	vmul.f32 v9, v49;
	v4 =	vmul.f32 v4, v51;
	v10 =	vadd.f32 v53, v52  }
0x11b: {  	v17 =	vsub.f32 v55, v56;
	v12 =	vmul.f32 v9, v46;
	v9 =	vmul.f32 v9, v48  }
0x11c: {  	v63 =	vmul.f32 v8, v51;
	v62 =	vsub.f32 v59, v60;
	v10 =	vadd.f32 v54, v10  }
0x11d: {  	v8 =	vmul.f32 v8, v48;
	v61 =	vsub.f32 v17, v58;
	v4 =	vsub.f32 v4, v12  }
0x11e: {  	v19 =	vmul.f32 v5, v51;
	v9 =	vadd.f32 v9, v62;
	v10 =	vadd.f32 v57, v10  }
0x11f: {  	v5 =	vmul.f32 v5, v49;
	v21 =	vadd.f32 v61, v63;
	v4 =	vsub.f32 v4, v8;
	v20 =	vpop (erf)  }
0x120: {  	v9 =	vsub.f32 v9, v19;
	v22 =	vmul.f32 v20, v10  }
0x121: {  	v24 =	vor.u32 $0x14, v1;
	v4 =	vadd.f32 v4, v5;
	v23 =	vmul.f32 v20, v21  }
0x122: {  	v25 =	vor.u32 $0x15, v1;
	v9 =	vmul.f32 v20, v9;
	[tilespmem:v42+s10+$0x0] =	vst.idx.msk $0xffff, v22  }
0x123: {  	v4 =	vmul.f32 v4, v20;
	[tilespmem:v43+s10+$0x0] =	vst.idx.msk $0xffff, v23  }
0x124: {  	[tilespmem:v2+s10+$0x0] =	vst.idx.msk $0xffff, v9;
	v2 =	vor.u32 $0x16, v1  }
0x125: {  	[tilespmem:v3+s10+$0x0] =	vst.idx.msk $0xffff, v4  }
0x126: {  	v3 =	vor.u32 $0x17, v1;
	v4 =	vld.idx.msk [tilespmem:v24+s31+$0x0], $0xffff  }
0x127: {  	v7 =	vld.idx.msk [tilespmem:v25+s31+$0x0], $0xffff;
	_ =	sdelay $0x1  }
0x128: {  	v8 =	vld.idx.msk [tilespmem:v2+s31+$0x0], $0xffff;
	_ =	sdelay $0x1  }
0x129: {  	v9 =	vld.idx.msk [tilespmem:v3+s31+$0x0], $0xffff  }
0x12a: {  	v26 =	vmul.f32 v4, v4;
	v27 =	vmul.f32 v7, v7;
	_ =	sdelay $0x1  }
0x12b: {  	v28 =	vld.idx.msk [tilespmem:v24+s30+$0x0], $0xffff;
	v10 =	vadd.f32 v27, v26;
	v29 =	vmul.f32 v8, v8  }
0x12c: {  	v30 =	vld.idx.msk [tilespmem:v25+s30+$0x0], $0xffff  }
0x12d: {  	v32 =	vmul.f32 v9, v9;
	v10 =	vadd.f32 v29, v10  }
0x12e: {  	v31 =	vld.idx.msk [tilespmem:v2+s30+$0x0], $0xffff  }
0x12f: {  	v33 =	vld.idx.msk [tilespmem:v3+s30+$0x0], $0xffff;
	v10 =	vadd.f32 v32, v10  }
0x130: {  	v34 =	vmul.f32 v4, v28  }
0x131: {  	v35 =	vmul.f32 v7, v30;
	(erf) = vrcp.f32 v10  }
0x132: {  	v37 =	vmul.f32 v4, v30;
	v38 =	vmul.f32 v7, v28  }
0x133: {  	v36 =	vmul.f32 v8, v31;
	v41 =	vmul.f32 v4, v31  }
0x134: {  	v42 =	vmul.f32 v8, v28;
	v39 =	vmul.f32 v9, v33  }
0x135: {  	v40 =	vmul.f32 v9, v31;
	v4 =	vmul.f32 v4, v33;
	v10 =	vadd.f32 v35, v34  }
0x136: {  	v17 =	vsub.f32 v37, v38;
	v12 =	vmul.f32 v9, v28;
	v9 =	vmul.f32 v9, v30  }
0x137: {  	v45 =	vmul.f32 v8, v33;
	v44 =	vsub.f32 v41, v42;
	v10 =	vadd.f32 v36, v10  }
0x138: {  	v8 =	vmul.f32 v8, v30;
	v43 =	vsub.f32 v17, v40;
	v4 =	vsub.f32 v4, v12  }
0x139: {  	v46 =	vmul.f32 v7, v33;
	v9 =	vadd.f32 v9, v44;
	v10 =	vadd.f32 v39, v10  }
0x13a: {  	v7 =	vmul.f32 v7, v31;
	v48 =	vadd.f32 v43, v45;
	v4 =	vsub.f32 v4, v8;
	v47 =	vpop (erf)  }
0x13b: {  	v9 =	vsub.f32 v9, v46;
	v49 =	vmul.f32 v47, v10  }
0x13c: {  	v51 =	vor.u32 $0x18, v1;
	v4 =	vadd.f32 v4, v7;
	v50 =	vmul.f32 v47, v48  }
0x13d: {  	v52 =	vor.u32 $0x19, v1;
	v9 =	vmul.f32 v47, v9;
	[tilespmem:v24+s10+$0x0] =	vst.idx.msk $0xffff, v49  }
0x13e: {  	v4 =	vmul.f32 v4, v47;
	[tilespmem:v25+s10+$0x0] =	vst.idx.msk $0xffff, v50  }
0x13f: {  	[tilespmem:v2+s10+$0x0] =	vst.idx.msk $0xffff, v9;
	v2 =	vor.u32 $0x1A, v1  }
0x140: {  	[tilespmem:v3+s10+$0x0] =	vst.idx.msk $0xffff, v4  }
0x141: {  	v3 =	vor.u32 $0x1B, v1;
	v4 =	vld.idx.msk [tilespmem:v51+s31+$0x0], $0xffff  }
0x142: {  	v6 =	vld.idx.msk [tilespmem:v52+s31+$0x0], $0xffff;
	_ =	sdelay $0x1  }
0x143: {  	v8 =	vld.idx.msk [tilespmem:v2+s31+$0x0], $0xffff;
	_ =	sdelay $0x1  }
0x144: {  	v9 =	vld.idx.msk [tilespmem:v3+s31+$0x0], $0xffff  }
0x145: {  	v53 =	vmul.f32 v4, v4;
	v54 =	vmul.f32 v6, v6;
	_ =	sdelay $0x1  }
0x146: {  	v55 =	vld.idx.msk [tilespmem:v51+s30+$0x0], $0xffff;
	v10 =	vadd.f32 v54, v53;
	v56 =	vmul.f32 v8, v8  }
0x147: {  	v57 =	vld.idx.msk [tilespmem:v52+s30+$0x0], $0xffff  }
0x148: {  	v59 =	vmul.f32 v9, v9;
	v10 =	vadd.f32 v56, v10  }
0x149: {  	v58 =	vld.idx.msk [tilespmem:v2+s30+$0x0], $0xffff  }
0x14a: {  	v60 =	vld.idx.msk [tilespmem:v3+s30+$0x0], $0xffff;
	v10 =	vadd.f32 v59, v10  }
0x14b: {  	v61 =	vmul.f32 v4, v55  }
0x14c: {  	v62 =	vmul.f32 v6, v57;
	(erf) = vrcp.f32 v10  }
0x14d: {  	v22 =	vmul.f32 v4, v57;
	v23 =	vmul.f32 v6, v55  }
0x14e: {  	v63 =	vmul.f32 v8, v58;
	v26 =	vmul.f32 v4, v58  }
0x14f: {  	v27 =	vmul.f32 v8, v55;
	v24 =	vmul.f32 v9, v60  }
0x150: {  	v25 =	vmul.f32 v9, v58;
	v4 =	vmul.f32 v4, v60;
	v10 =	vadd.f32 v62, v61  }
0x151: {  	v17 =	vsub.f32 v22, v23;
	v12 =	vmul.f32 v9, v55;
	v9 =	vmul.f32 v9, v57  }
0x152: {  	v30 =	vmul.f32 v8, v60;
	v29 =	vsub.f32 v26, v27;
	v10 =	vadd.f32 v63, v10  }
0x153: {  	v8 =	vmul.f32 v8, v57;
	v28 =	vsub.f32 v17, v25;
	v4 =	vsub.f32 v4, v12  }
0x154: {  	v31 =	vmul.f32 v6, v60;
	v9 =	vadd.f32 v9, v29;
	v10 =	vadd.f32 v24, v10  }
0x155: {  	v6 =	vmul.f32 v6, v58;
	v33 =	vadd.f32 v28, v30;
	v4 =	vsub.f32 v4, v8;
	v32 =	vpop (erf)  }
0x156: {  	v9 =	vsub.f32 v9, v31;
	v34 =	vmul.f32 v32, v10  }
0x157: {  	v36 =	vor.u32 $0x1C, v1;
	v4 =	vadd.f32 v4, v6;
	v35 =	vmul.f32 v32, v33  }
0x158: {  	v37 =	vor.u32 $0x1D, v1;
	v9 =	vmul.f32 v32, v9;
	[tilespmem:v51+s10+$0x0] =	vst.idx.msk $0xffff, v34  }
0x159: {  	v4 =	vmul.f32 v4, v32;
	[tilespmem:v52+s10+$0x0] =	vst.idx.msk $0xffff, v35  }
0x15a: {  	[tilespmem:v2+s10+$0x0] =	vst.idx.msk $0xffff, v9;
	v2 =	vor.u32 $0x1E, v1  }
0x15b: {  	[tilespmem:v3+s10+$0x0] =	vst.idx.msk $0xffff, v4  }
0x15c: {  	v1 =	vor.u32 $0x1F, v1;
	v3 =	vld.idx.msk [tilespmem:v36+s31+$0x0], $0xffff  }
0x15d: {  	v4 =	vld.idx.msk [tilespmem:v37+s31+$0x0], $0xffff;
	_ =	sdelay $0x1  }
0x15e: {  	v5 =	vld.idx.msk [tilespmem:v2+s31+$0x0], $0xffff;
	_ =	sdelay $0x1  }
0x15f: {  	v8 =	vld.idx.msk [tilespmem:v1+s31+$0x0], $0xffff  }
0x160: {  	v38 =	vmul.f32 v3, v3;
	v39 =	vmul.f32 v4, v4;
	_ =	sdelay $0x1  }
0x161: {  	v40 =	vld.idx.msk [tilespmem:v36+s30+$0x0], $0xffff;
	v9 =	vadd.f32 v39, v38;
	v41 =	vmul.f32 v5, v5  }
0x162: {  	v42 =	vld.idx.msk [tilespmem:v37+s30+$0x0], $0xffff  }
0x163: {  	v43 =	vld.idx.msk [tilespmem:v2+s30+$0x0], $0xffff;
	v44 =	vmul.f32 v8, v8;
	v9 =	vadd.f32 v41, v9  }
0x164: {  	v45 =	vld.idx.msk [tilespmem:v1+s30+$0x0], $0xffff  }
0x165: {  	v9 =	vadd.f32 v44, v9  }
0x166: {  	v46 =	vmul.f32 v3, v40  }
0x167: {  	v47 =	vmul.f32 v4, v42;
	(erf) = vrcp.f32 v9  }
0x168: {  	v49 =	vmul.f32 v3, v42;
	v50 =	vmul.f32 v4, v40  }
0x169: {  	v48 =	vmul.f32 v5, v43;
	v51 =	vmul.f32 v8, v45  }
0x16a: {  	v52 =	vmul.f32 v8, v43;
	v53 =	vmul.f32 v3, v43  }
0x16b: {  	v54 =	vmul.f32 v5, v40;
	v3 =	vmul.f32 v3, v45;
	v9 =	vadd.f32 v47, v46  }
0x16c: {  	v16 =	vsub.f32 v49, v50;
	v11 =	vmul.f32 v8, v40;
	v8 =	vmul.f32 v8, v42  }
0x16d: {  	v57 =	vmul.f32 v5, v45;
	v56 =	vsub.f32 v53, v54;
	v9 =	vadd.f32 v48, v9  }
0x16e: {  	v5 =	vmul.f32 v5, v42;
	v55 =	vsub.f32 v16, v52;
	v3 =	vsub.f32 v3, v11  }
0x16f: {  	v58 =	vmul.f32 v4, v45;
	v8 =	vadd.f32 v8, v56;
	v9 =	vadd.f32 v51, v9  }
0x170: {  	v4 =	vmul.f32 v4, v43;
	v60 =	vadd.f32 v55, v57;
	v3 =	vsub.f32 v3, v5;
	v59 =	vpop (erf)  }
0x171: {  	p3 =	sne.s32 s28, $0xF0;
	v8 =	vsub.f32 v8, v58;
	v61 =	vmul.f32 v59, v9  }
.Ltmp4:
0x172: {  	v3 =	vadd.f32 v3, v4;
	v62 =	vmul.f32 v59, v60;
	(pc) =	sbr.rel @p3 .LBB2_3-.Ltmp4, $4  }
0x173: {  	v63 =	vmul.f32 v59, v8;
	[tilespmem:v36+s10+$0x0] =	vst.idx.msk $0xffff, v61  }
0x174: {  	v3 =	vmul.f32 v3, v59;
	[tilespmem:v37+s10+$0x0] =	vst.idx.msk $0xffff, v62  }
0x175: {  	[tilespmem:v2+s10+$0x0] =	vst.idx.msk $0xffff, v63  }
0x176: {  	s28 =	sadd.s32 $0x10, s28;
	[tilespmem:v1+s10+$0x0] =	vst.idx.msk $0xffff, v3  }
0x177: {  	s2 =	sshll.u32 s19, $0xA  }
0x178: {  	s24 =	sshll.u32 s19, $0x8;
	s2 =	sadd.s32 s29, s2  }
0x179: {  	[hbm4b:s2+s4] =	stream.linear.scatter [tilespmem:s10], [sflag:$0x9], $0x2000, $0x38;
	[tilespmem:$0x19000] =	vst v63  }
0x17a: {  	s2 =	sadd.s32 s3, s24  }
0x17b: {  	[hbm4b:s2+s4] =	stream.linear.scatter [tilespmem:s18], [sflag:$0xD], $0x800, $0x38;
	[tilespmem:$0x19000] =	vst v63  }
0x17c: {  	s2 =	simm.s32 @!p2 $0x1  }
0x17d: {  	_ =	swait.ge @!p2 [sflag:s2], $0x100  }
0x17e: {  	[sflag:s2] =	ssyncset.done @!p2 $0x0  }
0x17f: {  	[sflag:s2] =	ssyncadd.s32 @!p2 $0xFFFFFF00  }
0x180: {  	_ =	swait.ge @!p2 [sflag:s2], $0x100  }
0x181: {  	s21 =	simm.s32 @!p2 $0x0;
	[sflag:s2] =	ssyncset.done @!p2 $0x0  }
0x182: {  	s28 =	simm.s32 @!p2 $0x800;
	[sflag:s2] =	ssyncadd.s32 @!p2 $0xFFFFFF00;
	s2 =	simm.s32 @!p2 $0x80  }
0x183: {  	[tilespmem:s28], [sflag:$0x5] =	stream.indirect.gather @!p2 [hbm4b:s7+s2], $0x20, s21, s2, $0xb8;
	[tilespmem:$0x19000] =	vst v63  }
0x184: {  	s21 =	simm.s32 @!p2 $0x400;
	s28 =	simm.s32 @!p2 $0x8800  }
0x185: {  	[tilespmem:s28], [sflag:$0x5] =	stream.indirect.gather @!p2 [hbm4b:s7+s2], $0x20, s21, s2, $0xb8;
	[tilespmem:$0x19000] =	vst v63  }
0x186: {  	s21 =	simm.s32 @!p2 $0x1800  }
0x187: {  	[tilespmem:s21], [sflag:$0x5] =	stream.indirect.gather @!p2 [hbm4b:s7+s2], $0x20, s2, s2, $0xb8;
	[tilespmem:$0x19000] =	vst v63  }
0x188: {  	s28 =	simm.s32 @!p2 $0x9800;
	s21 =	simm.s32 @!p2 $0x480  }
0x189: {  	[tilespmem:s28], [sflag:$0x5] =	stream.indirect.gather @!p2 [hbm4b:s7+s2], $0x20, s21, s2, $0xb8;
	[tilespmem:$0x19000] =	vst v63  }
0x18a: {  	_ =	swait.ge [sflag:s11], $0x1000  }
0x18b: {  	[sflag:s11] =	ssyncset.done $0x0  }
0x18c: {  	[sflag:s11] =	ssyncadd.s32 $0xFFFFF000  }
0x18d: {  	_ =	swait.ge [sflag:s11], $0x1000  }
0x18e: {  	[sflag:s11] =	ssyncset.done $0x0  }
0x18f: {  	[sflag:s11] =	ssyncadd.s32 $0xFFFFF000  }
0x190: {  	s28 =	sor.u32 $0x20, s19;
	_ =	swait.ge [sflag:s11], $0x1000  }
0x191: {  	p2 =	sgt.u32 s28, $0x17E9;
	[sflag:s11] =	ssyncset.done $0x0  }
0x192: {  	s2 =	sshll.u32 @!p2 s28, $0x5;
	[sflag:s11] =	ssyncadd.s32 $0xFFFFF000  }
0x193: {  	s2 =	sand.u32 @!p2 $0x1FFFFFE0, s2;
	_ =	swait.ge [sflag:s11], $0x1000  }
0x194: {  	s24 =	simm.s32 @!p2 $0x0;
	s2 =	sadd.s32 @!p2 s6, s2;
	[sflag:s11] =	ssyncset.done $0x0  }
0x195: {  	s17 =	simm.s32 @!p2 $0x100;
	s21 =	sadd.s32 @!p2 $0x1000, s2;
	[sflag:s11] =	ssyncadd.s32 $0xFFFFF000  }
0x196: {  	[tilespmem:s17], [sflag:$0x2] =	stream.linear.gather @!p2 [hbm4b:s21+s24], $0x100, $0x38;
	[tilespmem:$0x19000] =	vst v63  }
0x197: {  	s2 =	sadd.s32 @!p2 $0x31D40, s2;
	s17 =	simm.s32 @!p2 $0x500  }
0x198: {  	[tilespmem:s17], [sflag:$0x2] =	stream.linear.gather @!p2 [hbm4b:s2+s24], $0x100, $0x38;
	[tilespmem:$0x19000] =	vst v63  }
0x199: {  	s2 =	simm.s32 @!p1 $0xA  }
0x19a: {  	_ =	swait.ge @!p1 [sflag:s2], $0x2000  }
0x19b: {  	[sflag:s2] =	ssyncset.done @!p1 $0x0  }
0x19c: {  	[sflag:s2] =	ssyncadd.s32 @!p1 $0xFFFFE000;
	s2 =	simm.s32 @!p1 $0xE  }
0x19d: {  	_ =	swait.ge @!p1 [sflag:s2], $0x800  }
0x19e: {  	[sflag:s2] =	ssyncset.done @!p1 $0x0  }
0x19f: {  	[sflag:s2] =	ssyncadd.s32 @!p1 $0xFFFFF800;
	s2 =	simm.s32 $0x0  }
.LBB2_5:
0x1a0: {  	v1 =	vmov s2  }
0x1a1: {  	v1 =	vshll.u32 v1, $0x5  }
0x1a2: {  	v1 =	vor.u32 v0, v1  }
0x1a3: {  	v2 =	vor.u32 $0x1, v1;
	_ =	sdelay $0x1  }
0x1a4: {  	v3 =	vor.u32 $0x2, v1;
	_ =	sdelay $0x1  }
0x1a5: {  	v4 =	vor.u32 $0x3, v1;
	v5 =	vld.idx.msk [tilespmem:v1+s20+$0x0], $0xffff  }
0x1a6: {  	v6 =	vld.idx.msk [tilespmem:v2+s20+$0x0], $0xffff;
	_ =	sdelay $0x1  }
0x1a7: {  	v7 =	vld.idx.msk [tilespmem:v3+s20+$0x0], $0xffff;
	_ =	sdelay $0x1  }
0x1a8: {  	v8 =	vld.idx.msk [tilespmem:v4+s20+$0x0], $0xffff  }
0x1a9: {  	v9 =	vmul.f32 v5, v5;
	v10 =	vmul.f32 v6, v6;
	_ =	sdelay $0x1  }
0x1aa: {  	v11 =	vld.idx.msk [tilespmem:v1+s0+$0x0], $0xffff;
	v32 =	vmul.f32 v7, v7;
	v9 =	vadd.f32 v10, v9  }
0x1ab: {  	v12 =	vld.idx.msk [tilespmem:v2+s0+$0x0], $0xffff  }
0x1ac: {  	v13 =	vld.idx.msk [tilespmem:v3+s0+$0x0], $0xffff;
	v33 =	vmul.f32 v8, v8;
	v9 =	vadd.f32 v32, v9  }
0x1ad: {  	v14 =	vld.idx.msk [tilespmem:v4+s0+$0x0], $0xffff  }
0x1ae: {  	v9 =	vadd.f32 v33, v9  }
0x1af: {  	v34 =	vmul.f32 v5, v11  }
0x1b0: {  	v35 =	vmul.f32 v6, v12;
	(erf) = vrcp.f32 v9  }
0x1b1: {  	v15 =	vmul.f32 v7, v13;
	v16 =	vmul.f32 v5, v12  }
0x1b2: {  	v17 =	vmul.f32 v6, v11;
	v36 =	vmul.f32 v8, v14  }
0x1b3: {  	v18 =	vmul.f32 v8, v13;
	v37 =	vmul.f32 v5, v13  }
0x1b4: {  	v19 =	vmul.f32 v7, v11;
	v5 =	vmul.f32 v5, v14;
	v9 =	vadd.f32 v35, v34  }
0x1b5: {  	v11 =	vmul.f32 v8, v11;
	v8 =	vmul.f32 v8, v12;
	v16 =	vsub.f32 v16, v17  }
0x1b6: {  	v40 =	vmul.f32 v7, v14;
	v39 =	vsub.f32 v37, v19;
	v9 =	vadd.f32 v15, v9  }
0x1b7: {  	v7 =	vmul.f32 v7, v12;
	v5 =	vsub.f32 v5, v11;
	v38 =	vsub.f32 v16, v18  }
0x1b8: {  	v41 =	vmul.f32 v6, v14;
	v8 =	vadd.f32 v8, v39;
	v9 =	vadd.f32 v36, v9  }
0x1b9: {  	v6 =	vmul.f32 v6, v13;
	v5 =	vsub.f32 v5, v7;
	v43 =	vadd.f32 v38, v40;
	v42 =	vpop (erf)  }
0x1ba: {  	v8 =	vsub.f32 v8, v41;
	v44 =	vmul.f32 v42, v9  }
0x1bb: {  	v46 =	vor.u32 $0x4, v1;
	v5 =	vadd.f32 v5, v6;
	v45 =	vmul.f32 v42, v43  }
0x1bc: {  	v47 =	vor.u32 $0x5, v1;
	v8 =	vmul.f32 v42, v8;
	[tilespmem:v1+s12+$0x0] =	vst.idx.msk $0xffff, v44  }
0x1bd: {  	v5 =	vmul.f32 v5, v42;
	[tilespmem:v2+s12+$0x0] =	vst.idx.msk $0xffff, v45  }
0x1be: {  	v2 =	vor.u32 $0x6, v1;
	[tilespmem:v3+s12+$0x0] =	vst.idx.msk $0xffff, v8  }
0x1bf: {  	[tilespmem:v4+s12+$0x0] =	vst.idx.msk $0xffff, v5  }
0x1c0: {  	v3 =	vor.u32 $0x7, v1;
	v4 =	vld.idx.msk [tilespmem:v46+s20+$0x0], $0xffff  }
0x1c1: {  	v5 =	vld.idx.msk [tilespmem:v47+s20+$0x0], $0xffff;
	_ =	sdelay $0x1  }
0x1c2: {  	v8 =	vld.idx.msk [tilespmem:v2+s20+$0x0], $0xffff;
	_ =	sdelay $0x1  }
0x1c3: {  	v9 =	vld.idx.msk [tilespmem:v3+s20+$0x0], $0xffff  }
0x1c4: {  	v48 =	vmul.f32 v4, v4;
	v49 =	vmul.f32 v5, v5;
	_ =	sdelay $0x1  }
0x1c5: {  	v50 =	vld.idx.msk [tilespmem:v46+s0+$0x0], $0xffff;
	v10 =	vadd.f32 v49, v48;
	v51 =	vmul.f32 v8, v8  }
0x1c6: {  	v52 =	vld.idx.msk [tilespmem:v47+s0+$0x0], $0xffff  }
0x1c7: {  	v54 =	vmul.f32 v9, v9;
	v10 =	vadd.f32 v51, v10  }
0x1c8: {  	v53 =	vld.idx.msk [tilespmem:v2+s0+$0x0], $0xffff  }
0x1c9: {  	v55 =	vld.idx.msk [tilespmem:v3+s0+$0x0], $0xffff;
	v10 =	vadd.f32 v54, v10  }
0x1ca: {  	v56 =	vmul.f32 v4, v50  }
0x1cb: {  	v57 =	vmul.f32 v5, v52;
	(erf) = vrcp.f32 v10  }
0x1cc: {  	v59 =	vmul.f32 v4, v52;
	v60 =	vmul.f32 v5, v50  }
0x1cd: {  	v58 =	vmul.f32 v8, v53;
	v63 =	vmul.f32 v4, v53  }
0x1ce: {  	v20 =	vmul.f32 v8, v50;
	v61 =	vmul.f32 v9, v55  }
0x1cf: {  	v62 =	vmul.f32 v9, v53;
	v4 =	vmul.f32 v4, v55;
	v10 =	vadd.f32 v57, v56  }
0x1d0: {  	v17 =	vsub.f32 v59, v60;
	v12 =	vmul.f32 v9, v50;
	v9 =	vmul.f32 v9, v52  }
0x1d1: {  	v23 =	vmul.f32 v8, v55;
	v22 =	vsub.f32 v63, v20;
	v10 =	vadd.f32 v58, v10  }
0x1d2: {  	v8 =	vmul.f32 v8, v52;
	v21 =	vsub.f32 v17, v62;
	v4 =	vsub.f32 v4, v12  }
0x1d3: {  	v24 =	vmul.f32 v5, v55;
	v9 =	vadd.f32 v9, v22;
	v10 =	vadd.f32 v61, v10  }
0x1d4: {  	v5 =	vmul.f32 v5, v53;
	v26 =	vadd.f32 v21, v23;
	v4 =	vsub.f32 v4, v8;
	v25 =	vpop (erf)  }
0x1d5: {  	v9 =	vsub.f32 v9, v24;
	v27 =	vmul.f32 v25, v10  }
0x1d6: {  	v29 =	vor.u32 $0x8, v1;
	v4 =	vadd.f32 v4, v5;
	v28 =	vmul.f32 v25, v26  }
0x1d7: {  	v30 =	vor.u32 $0x9, v1;
	v9 =	vmul.f32 v25, v9;
	[tilespmem:v46+s12+$0x0] =	vst.idx.msk $0xffff, v27  }
0x1d8: {  	v4 =	vmul.f32 v4, v25;
	[tilespmem:v47+s12+$0x0] =	vst.idx.msk $0xffff, v28  }
0x1d9: {  	[tilespmem:v2+s12+$0x0] =	vst.idx.msk $0xffff, v9;
	v2 =	vor.u32 $0xA, v1  }
0x1da: {  	[tilespmem:v3+s12+$0x0] =	vst.idx.msk $0xffff, v4  }
0x1db: {  	v3 =	vor.u32 $0xB, v1;
	v4 =	vld.idx.msk [tilespmem:v29+s20+$0x0], $0xffff  }
0x1dc: {  	v7 =	vld.idx.msk [tilespmem:v30+s20+$0x0], $0xffff;
	_ =	sdelay $0x1  }
0x1dd: {  	v8 =	vld.idx.msk [tilespmem:v2+s20+$0x0], $0xffff;
	_ =	sdelay $0x1  }
0x1de: {  	v9 =	vld.idx.msk [tilespmem:v3+s20+$0x0], $0xffff  }
0x1df: {  	v31 =	vmul.f32 v4, v4;
	v32 =	vmul.f32 v7, v7;
	_ =	sdelay $0x1  }
0x1e0: {  	v33 =	vld.idx.msk [tilespmem:v29+s0+$0x0], $0xffff;
	v10 =	vadd.f32 v32, v31;
	v34 =	vmul.f32 v8, v8  }
0x1e1: {  	v35 =	vld.idx.msk [tilespmem:v30+s0+$0x0], $0xffff  }
0x1e2: {  	v37 =	vmul.f32 v9, v9;
	v10 =	vadd.f32 v34, v10  }
0x1e3: {  	v36 =	vld.idx.msk [tilespmem:v2+s0+$0x0], $0xffff  }
0x1e4: {  	v38 =	vld.idx.msk [tilespmem:v3+s0+$0x0], $0xffff;
	v10 =	vadd.f32 v37, v10  }
0x1e5: {  	v39 =	vmul.f32 v4, v33  }
0x1e6: {  	v40 =	vmul.f32 v7, v35;
	(erf) = vrcp.f32 v10  }
0x1e7: {  	v42 =	vmul.f32 v4, v35;
	v43 =	vmul.f32 v7, v33  }
0x1e8: {  	v41 =	vmul.f32 v8, v36;
	v46 =	vmul.f32 v4, v36  }
0x1e9: {  	v47 =	vmul.f32 v8, v33;
	v44 =	vmul.f32 v9, v38  }
0x1ea: {  	v45 =	vmul.f32 v9, v36;
	v4 =	vmul.f32 v4, v38;
	v10 =	vadd.f32 v40, v39  }
0x1eb: {  	v17 =	vsub.f32 v42, v43;
	v12 =	vmul.f32 v9, v33;
	v9 =	vmul.f32 v9, v35  }
0x1ec: {  	v50 =	vmul.f32 v8, v38;
	v49 =	vsub.f32 v46, v47;
	v10 =	vadd.f32 v41, v10  }
0x1ed: {  	v8 =	vmul.f32 v8, v35;
	v48 =	vsub.f32 v17, v45;
	v4 =	vsub.f32 v4, v12  }
0x1ee: {  	v51 =	vmul.f32 v7, v38;
	v9 =	vadd.f32 v9, v49;
	v10 =	vadd.f32 v44, v10  }
0x1ef: {  	v7 =	vmul.f32 v7, v36;
	v53 =	vadd.f32 v48, v50;
	v4 =	vsub.f32 v4, v8;
	v52 =	vpop (erf)  }
0x1f0: {  	v9 =	vsub.f32 v9, v51;
	v54 =	vmul.f32 v52, v10  }
0x1f1: {  	v56 =	vor.u32 $0xC, v1;
	v4 =	vadd.f32 v4, v7;
	v55 =	vmul.f32 v52, v53  }
0x1f2: {  	v57 =	vor.u32 $0xD, v1;
	v9 =	vmul.f32 v52, v9;
	[tilespmem:v29+s12+$0x0] =	vst.idx.msk $0xffff, v54  }
0x1f3: {  	v4 =	vmul.f32 v4, v52;
	[tilespmem:v30+s12+$0x0] =	vst.idx.msk $0xffff, v55  }
0x1f4: {  	[tilespmem:v2+s12+$0x0] =	vst.idx.msk $0xffff, v9;
	v2 =	vor.u32 $0xE, v1  }
0x1f5: {  	[tilespmem:v3+s12+$0x0] =	vst.idx.msk $0xffff, v4  }
0x1f6: {  	v3 =	vor.u32 $0xF, v1;
	v4 =	vld.idx.msk [tilespmem:v56+s20+$0x0], $0xffff  }
0x1f7: {  	v6 =	vld.idx.msk [tilespmem:v57+s20+$0x0], $0xffff;
	_ =	sdelay $0x1  }
0x1f8: {  	v8 =	vld.idx.msk [tilespmem:v2+s20+$0x0], $0xffff;
	_ =	sdelay $0x1  }
0x1f9: {  	v9 =	vld.idx.msk [tilespmem:v3+s20+$0x0], $0xffff  }
0x1fa: {  	v58 =	vmul.f32 v4, v4;
	v59 =	vmul.f32 v6, v6;
	_ =	sdelay $0x1  }
0x1fb: {  	v60 =	vld.idx.msk [tilespmem:v56+s0+$0x0], $0xffff;
	v10 =	vadd.f32 v59, v58;
	v61 =	vmul.f32 v8, v8  }
0x1fc: {  	v62 =	vld.idx.msk [tilespmem:v57+s0+$0x0], $0xffff  }
0x1fd: {  	v23 =	vmul.f32 v9, v9;
	v10 =	vadd.f32 v61, v10  }
0x1fe: {  	v63 =	vld.idx.msk [tilespmem:v2+s0+$0x0], $0xffff  }
0x1ff: {  	v24 =	vld.idx.msk [tilespmem:v3+s0+$0x0], $0xffff;
	v10 =	vadd.f32 v23, v10  }
0x200: {  	v25 =	vmul.f32 v4, v60  }
0x201: {  	v26 =	vmul.f32 v6, v62;
	(erf) = vrcp.f32 v10  }
0x202: {  	v28 =	vmul.f32 v4, v62;
	v29 =	vmul.f32 v6, v60  }
0x203: {  	v27 =	vmul.f32 v8, v63;
	v32 =	vmul.f32 v4, v63  }
0x204: {  	v33 =	vmul.f32 v8, v60;
	v30 =	vmul.f32 v9, v24  }
0x205: {  	v31 =	vmul.f32 v9, v63;
	v4 =	vmul.f32 v4, v24;
	v10 =	vadd.f32 v26, v25  }
0x206: {  	v17 =	vsub.f32 v28, v29;
	v12 =	vmul.f32 v9, v60;
	v9 =	vmul.f32 v9, v62  }
0x207: {  	v36 =	vmul.f32 v8, v24;
	v35 =	vsub.f32 v32, v33;
	v10 =	vadd.f32 v27, v10  }
0x208: {  	v8 =	vmul.f32 v8, v62;
	v34 =	vsub.f32 v17, v31;
	v4 =	vsub.f32 v4, v12  }
0x209: {  	v37 =	vmul.f32 v6, v24;
	v9 =	vadd.f32 v9, v35;
	v10 =	vadd.f32 v30, v10  }
0x20a: {  	v6 =	vmul.f32 v6, v63;
	v39 =	vadd.f32 v34, v36;
	v4 =	vsub.f32 v4, v8;
	v38 =	vpop (erf)  }
0x20b: {  	v9 =	vsub.f32 v9, v37;
	v40 =	vmul.f32 v38, v10  }
0x20c: {  	v42 =	vor.u32 $0x10, v1;
	v4 =	vadd.f32 v4, v6;
	v41 =	vmul.f32 v38, v39  }
0x20d: {  	v43 =	vor.u32 $0x11, v1;
	v9 =	vmul.f32 v38, v9;
	[tilespmem:v56+s12+$0x0] =	vst.idx.msk $0xffff, v40  }
0x20e: {  	v4 =	vmul.f32 v4, v38;
	[tilespmem:v57+s12+$0x0] =	vst.idx.msk $0xffff, v41  }
0x20f: {  	[tilespmem:v2+s12+$0x0] =	vst.idx.msk $0xffff, v9;
	v2 =	vor.u32 $0x12, v1  }
0x210: {  	[tilespmem:v3+s12+$0x0] =	vst.idx.msk $0xffff, v4  }
0x211: {  	v3 =	vor.u32 $0x13, v1;
	v4 =	vld.idx.msk [tilespmem:v42+s20+$0x0], $0xffff  }
0x212: {  	v5 =	vld.idx.msk [tilespmem:v43+s20+$0x0], $0xffff;
	_ =	sdelay $0x1  }
0x213: {  	v8 =	vld.idx.msk [tilespmem:v2+s20+$0x0], $0xffff;
	_ =	sdelay $0x1  }
0x214: {  	v9 =	vld.idx.msk [tilespmem:v3+s20+$0x0], $0xffff  }
0x215: {  	v44 =	vmul.f32 v4, v4;
	v45 =	vmul.f32 v5, v5;
	_ =	sdelay $0x1  }
0x216: {  	v46 =	vld.idx.msk [tilespmem:v42+s0+$0x0], $0xffff;
	v10 =	vadd.f32 v45, v44;
	v47 =	vmul.f32 v8, v8  }
0x217: {  	v48 =	vld.idx.msk [tilespmem:v43+s0+$0x0], $0xffff  }
0x218: {  	v50 =	vmul.f32 v9, v9;
	v10 =	vadd.f32 v47, v10  }
0x219: {  	v49 =	vld.idx.msk [tilespmem:v2+s0+$0x0], $0xffff  }
0x21a: {  	v51 =	vld.idx.msk [tilespmem:v3+s0+$0x0], $0xffff;
	v10 =	vadd.f32 v50, v10  }
0x21b: {  	v52 =	vmul.f32 v4, v46  }
0x21c: {  	v53 =	vmul.f32 v5, v48;
	(erf) = vrcp.f32 v10  }
0x21d: {  	v55 =	vmul.f32 v4, v48;
	v56 =	vmul.f32 v5, v46  }
0x21e: {  	v54 =	vmul.f32 v8, v49;
	v59 =	vmul.f32 v4, v49  }
0x21f: {  	v60 =	vmul.f32 v8, v46;
	v57 =	vmul.f32 v9, v51  }
0x220: {  	v58 =	vmul.f32 v9, v49;
	v4 =	vmul.f32 v4, v51;
	v10 =	vadd.f32 v53, v52  }
0x221: {  	v17 =	vsub.f32 v55, v56;
	v12 =	vmul.f32 v9, v46;
	v9 =	vmul.f32 v9, v48  }
0x222: {  	v63 =	vmul.f32 v8, v51;
	v62 =	vsub.f32 v59, v60;
	v10 =	vadd.f32 v54, v10  }
0x223: {  	v8 =	vmul.f32 v8, v48;
	v61 =	vsub.f32 v17, v58;
	v4 =	vsub.f32 v4, v12  }
0x224: {  	v19 =	vmul.f32 v5, v51;
	v9 =	vadd.f32 v9, v62;
	v10 =	vadd.f32 v57, v10  }
0x225: {  	v5 =	vmul.f32 v5, v49;
	v21 =	vadd.f32 v61, v63;
	v4 =	vsub.f32 v4, v8;
	v20 =	vpop (erf)  }
0x226: {  	v9 =	vsub.f32 v9, v19;
	v22 =	vmul.f32 v20, v10  }
0x227: {  	v24 =	vor.u32 $0x14, v1;
	v4 =	vadd.f32 v4, v5;
	v23 =	vmul.f32 v20, v21  }
0x228: {  	v25 =	vor.u32 $0x15, v1;
	v9 =	vmul.f32 v20, v9;
	[tilespmem:v42+s12+$0x0] =	vst.idx.msk $0xffff, v22  }
0x229: {  	v4 =	vmul.f32 v4, v20;
	[tilespmem:v43+s12+$0x0] =	vst.idx.msk $0xffff, v23  }
0x22a: {  	[tilespmem:v2+s12+$0x0] =	vst.idx.msk $0xffff, v9;
	v2 =	vor.u32 $0x16, v1  }
0x22b: {  	[tilespmem:v3+s12+$0x0] =	vst.idx.msk $0xffff, v4  }
0x22c: {  	v3 =	vor.u32 $0x17, v1;
	v4 =	vld.idx.msk [tilespmem:v24+s20+$0x0], $0xffff  }
0x22d: {  	v7 =	vld.idx.msk [tilespmem:v25+s20+$0x0], $0xffff;
	_ =	sdelay $0x1  }
0x22e: {  	v8 =	vld.idx.msk [tilespmem:v2+s20+$0x0], $0xffff;
	_ =	sdelay $0x1  }
0x22f: {  	v9 =	vld.idx.msk [tilespmem:v3+s20+$0x0], $0xffff  }
0x230: {  	v26 =	vmul.f32 v4, v4;
	v27 =	vmul.f32 v7, v7;
	_ =	sdelay $0x1  }
0x231: {  	v28 =	vld.idx.msk [tilespmem:v24+s0+$0x0], $0xffff;
	v10 =	vadd.f32 v27, v26;
	v29 =	vmul.f32 v8, v8  }
0x232: {  	v30 =	vld.idx.msk [tilespmem:v25+s0+$0x0], $0xffff  }
0x233: {  	v32 =	vmul.f32 v9, v9;
	v10 =	vadd.f32 v29, v10  }
0x234: {  	v31 =	vld.idx.msk [tilespmem:v2+s0+$0x0], $0xffff  }
0x235: {  	v33 =	vld.idx.msk [tilespmem:v3+s0+$0x0], $0xffff;
	v10 =	vadd.f32 v32, v10  }
0x236: {  	v34 =	vmul.f32 v4, v28  }
0x237: {  	v35 =	vmul.f32 v7, v30;
	(erf) = vrcp.f32 v10  }
0x238: {  	v37 =	vmul.f32 v4, v30;
	v38 =	vmul.f32 v7, v28  }
0x239: {  	v36 =	vmul.f32 v8, v31;
	v41 =	vmul.f32 v4, v31  }
0x23a: {  	v42 =	vmul.f32 v8, v28;
	v39 =	vmul.f32 v9, v33  }
0x23b: {  	v40 =	vmul.f32 v9, v31;
	v4 =	vmul.f32 v4, v33;
	v10 =	vadd.f32 v35, v34  }
0x23c: {  	v17 =	vsub.f32 v37, v38;
	v12 =	vmul.f32 v9, v28;
	v9 =	vmul.f32 v9, v30  }
0x23d: {  	v45 =	vmul.f32 v8, v33;
	v44 =	vsub.f32 v41, v42;
	v10 =	vadd.f32 v36, v10  }
0x23e: {  	v8 =	vmul.f32 v8, v30;
	v43 =	vsub.f32 v17, v40;
	v4 =	vsub.f32 v4, v12  }
0x23f: {  	v46 =	vmul.f32 v7, v33;
	v9 =	vadd.f32 v9, v44;
	v10 =	vadd.f32 v39, v10  }
0x240: {  	v7 =	vmul.f32 v7, v31;
	v48 =	vadd.f32 v43, v45;
	v4 =	vsub.f32 v4, v8;
	v47 =	vpop (erf)  }
0x241: {  	v9 =	vsub.f32 v9, v46;
	v49 =	vmul.f32 v47, v10  }
0x242: {  	v51 =	vor.u32 $0x18, v1;
	v4 =	vadd.f32 v4, v7;
	v50 =	vmul.f32 v47, v48  }
0x243: {  	v52 =	vor.u32 $0x19, v1;
	v9 =	vmul.f32 v47, v9;
	[tilespmem:v24+s12+$0x0] =	vst.idx.msk $0xffff, v49  }
0x244: {  	v4 =	vmul.f32 v4, v47;
	[tilespmem:v25+s12+$0x0] =	vst.idx.msk $0xffff, v50  }
0x245: {  	[tilespmem:v2+s12+$0x0] =	vst.idx.msk $0xffff, v9;
	v2 =	vor.u32 $0x1A, v1  }
0x246: {  	[tilespmem:v3+s12+$0x0] =	vst.idx.msk $0xffff, v4  }
0x247: {  	v3 =	vor.u32 $0x1B, v1;
	v4 =	vld.idx.msk [tilespmem:v51+s20+$0x0], $0xffff  }
0x248: {  	v6 =	vld.idx.msk [tilespmem:v52+s20+$0x0], $0xffff;
	_ =	sdelay $0x1  }
0x249: {  	v8 =	vld.idx.msk [tilespmem:v2+s20+$0x0], $0xffff;
	_ =	sdelay $0x1  }
0x24a: {  	v9 =	vld.idx.msk [tilespmem:v3+s20+$0x0], $0xffff  }
0x24b: {  	v53 =	vmul.f32 v4, v4;
	v54 =	vmul.f32 v6, v6;
	_ =	sdelay $0x1  }
0x24c: {  	v55 =	vld.idx.msk [tilespmem:v51+s0+$0x0], $0xffff;
	v10 =	vadd.f32 v54, v53;
	v56 =	vmul.f32 v8, v8  }
0x24d: {  	v57 =	vld.idx.msk [tilespmem:v52+s0+$0x0], $0xffff  }
0x24e: {  	v59 =	vmul.f32 v9, v9;
	v10 =	vadd.f32 v56, v10  }
0x24f: {  	v58 =	vld.idx.msk [tilespmem:v2+s0+$0x0], $0xffff  }
0x250: {  	v60 =	vld.idx.msk [tilespmem:v3+s0+$0x0], $0xffff;
	v10 =	vadd.f32 v59, v10  }
0x251: {  	v61 =	vmul.f32 v4, v55  }
0x252: {  	v62 =	vmul.f32 v6, v57;
	(erf) = vrcp.f32 v10  }
0x253: {  	v22 =	vmul.f32 v4, v57;
	v23 =	vmul.f32 v6, v55  }
0x254: {  	v63 =	vmul.f32 v8, v58;
	v26 =	vmul.f32 v4, v58  }
0x255: {  	v27 =	vmul.f32 v8, v55;
	v24 =	vmul.f32 v9, v60  }
0x256: {  	v25 =	vmul.f32 v9, v58;
	v4 =	vmul.f32 v4, v60;
	v10 =	vadd.f32 v62, v61  }
0x257: {  	v17 =	vsub.f32 v22, v23;
	v12 =	vmul.f32 v9, v55;
	v9 =	vmul.f32 v9, v57  }
0x258: {  	v30 =	vmul.f32 v8, v60;
	v29 =	vsub.f32 v26, v27;
	v10 =	vadd.f32 v63, v10  }
0x259: {  	v8 =	vmul.f32 v8, v57;
	v28 =	vsub.f32 v17, v25;
	v4 =	vsub.f32 v4, v12  }
0x25a: {  	v31 =	vmul.f32 v6, v60;
	v9 =	vadd.f32 v9, v29;
	v10 =	vadd.f32 v24, v10  }
0x25b: {  	v6 =	vmul.f32 v6, v58;
	v33 =	vadd.f32 v28, v30;
	v4 =	vsub.f32 v4, v8;
	v32 =	vpop (erf)  }
0x25c: {  	v9 =	vsub.f32 v9, v31;
	v34 =	vmul.f32 v32, v10  }
0x25d: {  	v36 =	vor.u32 $0x1C, v1;
	v4 =	vadd.f32 v4, v6;
	v35 =	vmul.f32 v32, v33  }
0x25e: {  	v37 =	vor.u32 $0x1D, v1;
	v9 =	vmul.f32 v32, v9;
	[tilespmem:v51+s12+$0x0] =	vst.idx.msk $0xffff, v34  }
0x25f: {  	v4 =	vmul.f32 v4, v32;
	[tilespmem:v52+s12+$0x0] =	vst.idx.msk $0xffff, v35  }
0x260: {  	[tilespmem:v2+s12+$0x0] =	vst.idx.msk $0xffff, v9;
	v2 =	vor.u32 $0x1E, v1  }
0x261: {  	[tilespmem:v3+s12+$0x0] =	vst.idx.msk $0xffff, v4  }
0x262: {  	v1 =	vor.u32 $0x1F, v1;
	v3 =	vld.idx.msk [tilespmem:v36+s20+$0x0], $0xffff  }
0x263: {  	v4 =	vld.idx.msk [tilespmem:v37+s20+$0x0], $0xffff;
	_ =	sdelay $0x1  }
0x264: {  	v5 =	vld.idx.msk [tilespmem:v2+s20+$0x0], $0xffff;
	_ =	sdelay $0x1  }
0x265: {  	v8 =	vld.idx.msk [tilespmem:v1+s20+$0x0], $0xffff  }
0x266: {  	v38 =	vmul.f32 v3, v3;
	v39 =	vmul.f32 v4, v4;
	_ =	sdelay $0x1  }
0x267: {  	v40 =	vld.idx.msk [tilespmem:v36+s0+$0x0], $0xffff;
	v9 =	vadd.f32 v39, v38;
	v41 =	vmul.f32 v5, v5  }
0x268: {  	v42 =	vld.idx.msk [tilespmem:v37+s0+$0x0], $0xffff  }
0x269: {  	v43 =	vld.idx.msk [tilespmem:v2+s0+$0x0], $0xffff;
	v44 =	vmul.f32 v8, v8;
	v9 =	vadd.f32 v41, v9  }
0x26a: {  	v45 =	vld.idx.msk [tilespmem:v1+s0+$0x0], $0xffff  }
0x26b: {  	v9 =	vadd.f32 v44, v9  }
0x26c: {  	v46 =	vmul.f32 v3, v40  }
0x26d: {  	v47 =	vmul.f32 v4, v42;
	(erf) = vrcp.f32 v9  }
0x26e: {  	v49 =	vmul.f32 v3, v42;
	v50 =	vmul.f32 v4, v40  }
0x26f: {  	v48 =	vmul.f32 v5, v43;
	v51 =	vmul.f32 v8, v45  }
0x270: {  	v52 =	vmul.f32 v8, v43;
	v53 =	vmul.f32 v3, v43  }
0x271: {  	v54 =	vmul.f32 v5, v40;
	v3 =	vmul.f32 v3, v45;
	v9 =	vadd.f32 v47, v46  }
0x272: {  	v16 =	vsub.f32 v49, v50;
	v11 =	vmul.f32 v8, v40;
	v8 =	vmul.f32 v8, v42  }
0x273: {  	v57 =	vmul.f32 v5, v45;
	v56 =	vsub.f32 v53, v54;
	v9 =	vadd.f32 v48, v9  }
0x274: {  	v5 =	vmul.f32 v5, v42;
	v55 =	vsub.f32 v16, v52;
	v3 =	vsub.f32 v3, v11  }
0x275: {  	v58 =	vmul.f32 v4, v45;
	v8 =	vadd.f32 v8, v56;
	v9 =	vadd.f32 v51, v9  }
0x276: {  	v4 =	vmul.f32 v4, v43;
	v60 =	vadd.f32 v55, v57;
	v3 =	vsub.f32 v3, v5;
	v59 =	vpop (erf)  }
0x277: {  	p3 =	sne.s32 s2, $0xF0;
	v8 =	vsub.f32 v8, v58;
	v61 =	vmul.f32 v59, v9  }
.Ltmp5:
0x278: {  	v3 =	vadd.f32 v3, v4;
	v62 =	vmul.f32 v59, v60;
	(pc) =	sbr.rel @p3 .LBB2_5-.Ltmp5, $4  }
0x279: {  	v63 =	vmul.f32 v59, v8;
	[tilespmem:v36+s12+$0x0] =	vst.idx.msk $0xffff, v61  }
0x27a: {  	v3 =	vmul.f32 v3, v59;
	[tilespmem:v37+s12+$0x0] =	vst.idx.msk $0xffff, v62  }
0x27b: {  	[tilespmem:v2+s12+$0x0] =	vst.idx.msk $0xffff, v63  }
0x27c: {  	s2 =	sadd.s32 $0x10, s2;
	[tilespmem:v1+s12+$0x0] =	vst.idx.msk $0xffff, v3  }
0x27d: {  	s2 =	sshll.u32 s28, $0xA  }
0x27e: {  	s24 =	sshll.u32 s28, $0x8;
	s2 =	sadd.s32 s29, s2  }
0x27f: {  	[hbm4b:s2+s4] =	stream.linear.scatter [tilespmem:s12], [sflag:$0xA], $0x2000, $0x38;
	[tilespmem:$0x19000] =	vst v63  }
0x280: {  	s2 =	sadd.s32 s3, s24  }
0x281: {  	[hbm4b:s2+s4] =	stream.linear.scatter [tilespmem:s18], [sflag:$0xE], $0x800, $0x38;
	[tilespmem:$0x19000] =	vst v63  }
0x282: {  	s2 =	simm.s32 @!p2 $0x2  }
0x283: {  	_ =	swait.ge @!p2 [sflag:s2], $0x100  }
0x284: {  	[sflag:s2] =	ssyncset.done @!p2 $0x0  }
0x285: {  	[sflag:s2] =	ssyncadd.s32 @!p2 $0xFFFFFF00  }
0x286: {  	_ =	swait.ge @!p2 [sflag:s2], $0x100  }
0x287: {  	s17 =	simm.s32 @!p2 $0x100;
	[sflag:s2] =	ssyncset.done @!p2 $0x0  }
0x288: {  	s21 =	simm.s32 @!p2 $0x2800;
	[sflag:s2] =	ssyncadd.s32 @!p2 $0xFFFFFF00;
	s2 =	simm.s32 @!p2 $0x80  }
0x289: {  	[tilespmem:s21], [sflag:$0x6] =	stream.indirect.gather @!p2 [hbm4b:s7+s2], $0x20, s17, s2, $0xb8;
	[tilespmem:$0x19000] =	vst v63  }
0x28a: {  	s17 =	simm.s32 @!p2 $0x500;
	s21 =	simm.s32 @!p2 $0xA800  }
0x28b: {  	[tilespmem:s21], [sflag:$0x6] =	stream.indirect.gather @!p2 [hbm4b:s7+s2], $0x20, s17, s2, $0xb8;
	[tilespmem:$0x19000] =	vst v63  }
0x28c: {  	s17 =	simm.s32 @!p2 $0x180;
	s21 =	simm.s32 @!p2 $0x3800  }
0x28d: {  	[tilespmem:s21], [sflag:$0x6] =	stream.indirect.gather @!p2 [hbm4b:s7+s2], $0x20, s17, s2, $0xb8;
	[tilespmem:$0x19000] =	vst v63  }
0x28e: {  	s17 =	simm.s32 @!p2 $0x580;
	s21 =	simm.s32 @!p2 $0xB800  }
0x28f: {  	[tilespmem:s21], [sflag:$0x6] =	stream.indirect.gather @!p2 [hbm4b:s7+s2], $0x20, s17, s2, $0xb8;
	[tilespmem:$0x19000] =	vst v63  }
0x290: {  	_ =	swait.ge [sflag:s13], $0x1000  }
0x291: {  	[sflag:s13] =	ssyncset.done $0x0  }
0x292: {  	[sflag:s13] =	ssyncadd.s32 $0xFFFFF000  }
0x293: {  	_ =	swait.ge [sflag:s13], $0x1000  }
0x294: {  	[sflag:s13] =	ssyncset.done $0x0  }
0x295: {  	[sflag:s13] =	ssyncadd.s32 $0xFFFFF000  }
0x296: {  	s28 =	sor.u32 $0x40, s19;
	_ =	swait.ge [sflag:s13], $0x1000  }
0x297: {  	p2 =	sgt.u32 s28, $0x17E9;
	[sflag:s13] =	ssyncset.done $0x0  }
0x298: {  	s2 =	sshll.u32 @!p2 s28, $0x5;
	[sflag:s13] =	ssyncadd.s32 $0xFFFFF000  }
0x299: {  	s2 =	sand.u32 @!p2 $0x1FFFFFE0, s2;
	_ =	swait.ge [sflag:s13], $0x1000  }
0x29a: {  	s21 =	simm.s32 @!p2 $0x0;
	s2 =	sadd.s32 @!p2 s6, s2;
	[sflag:s13] =	ssyncset.done $0x0  }
0x29b: {  	s24 =	simm.s32 @!p2 $0x200;
	s17 =	sadd.s32 @!p2 $0x1000, s2;
	[sflag:s13] =	ssyncadd.s32 $0xFFFFF000  }
0x29c: {  	[tilespmem:s24], [sflag:$0x3] =	stream.linear.gather @!p2 [hbm4b:s17+s21], $0x100, $0x38;
	[tilespmem:$0x19000] =	vst v63  }
0x29d: {  	s2 =	sadd.s32 @!p2 $0x31D40, s2;
	s17 =	simm.s32 @!p2 $0x600  }
0x29e: {  	[tilespmem:s17], [sflag:$0x3] =	stream.linear.gather @!p2 [hbm4b:s2+s21], $0x100, $0x38;
	[tilespmem:$0x19000] =	vst v63  }
0x29f: {  	s2 =	simm.s32 @!p1 $0xB  }
0x2a0: {  	_ =	swait.ge @!p1 [sflag:s2], $0x2000  }
0x2a1: {  	[sflag:s2] =	ssyncset.done @!p1 $0x0  }
0x2a2: {  	[sflag:s2] =	ssyncadd.s32 @!p1 $0xFFFFE000;
	s2 =	simm.s32 @!p1 $0xF  }
0x2a3: {  	_ =	swait.ge @!p1 [sflag:s2], $0x800  }
0x2a4: {  	[sflag:s2] =	ssyncset.done @!p1 $0x0  }
0x2a5: {  	[sflag:s2] =	ssyncadd.s32 @!p1 $0xFFFFF800;
	s2 =	simm.s32 $0x0  }
.LBB2_7:
0x2a6: {  	v1 =	vmov s2  }
0x2a7: {  	v1 =	vshll.u32 v1, $0x5  }
0x2a8: {  	v1 =	vor.u32 v0, v1  }
0x2a9: {  	v2 =	vor.u32 $0x1, v1;
	_ =	sdelay $0x1  }
0x2aa: {  	v3 =	vor.u32 $0x2, v1;
	_ =	sdelay $0x1  }
0x2ab: {  	v4 =	vor.u32 $0x3, v1;
	v5 =	vld.idx.msk [tilespmem:v1+s23+$0x0], $0xffff  }
0x2ac: {  	v6 =	vld.idx.msk [tilespmem:v2+s23+$0x0], $0xffff;
	_ =	sdelay $0x1  }
0x2ad: {  	v7 =	vld.idx.msk [tilespmem:v3+s23+$0x0], $0xffff;
	_ =	sdelay $0x1  }
0x2ae: {  	v8 =	vld.idx.msk [tilespmem:v4+s23+$0x0], $0xffff  }
0x2af: {  	v9 =	vmul.f32 v5, v5;
	v10 =	vmul.f32 v6, v6;
	_ =	sdelay $0x1  }
0x2b0: {  	v11 =	vld.idx.msk [tilespmem:v1+s22+$0x0], $0xffff;
	v32 =	vmul.f32 v7, v7;
	v9 =	vadd.f32 v10, v9  }
0x2b1: {  	v12 =	vld.idx.msk [tilespmem:v2+s22+$0x0], $0xffff  }
0x2b2: {  	v13 =	vld.idx.msk [tilespmem:v3+s22+$0x0], $0xffff;
	v33 =	vmul.f32 v8, v8;
	v9 =	vadd.f32 v32, v9  }
0x2b3: {  	v14 =	vld.idx.msk [tilespmem:v4+s22+$0x0], $0xffff  }
0x2b4: {  	v9 =	vadd.f32 v33, v9  }
0x2b5: {  	v34 =	vmul.f32 v5, v11  }
0x2b6: {  	v35 =	vmul.f32 v6, v12;
	(erf) = vrcp.f32 v9  }
0x2b7: {  	v15 =	vmul.f32 v7, v13;
	v16 =	vmul.f32 v5, v12  }
0x2b8: {  	v17 =	vmul.f32 v6, v11;
	v36 =	vmul.f32 v8, v14  }
0x2b9: {  	v18 =	vmul.f32 v8, v13;
	v37 =	vmul.f32 v5, v13  }
0x2ba: {  	v19 =	vmul.f32 v7, v11;
	v5 =	vmul.f32 v5, v14;
	v9 =	vadd.f32 v35, v34  }
0x2bb: {  	v11 =	vmul.f32 v8, v11;
	v8 =	vmul.f32 v8, v12;
	v16 =	vsub.f32 v16, v17  }
0x2bc: {  	v40 =	vmul.f32 v7, v14;
	v39 =	vsub.f32 v37, v19;
	v9 =	vadd.f32 v15, v9  }
0x2bd: {  	v7 =	vmul.f32 v7, v12;
	v5 =	vsub.f32 v5, v11;
	v38 =	vsub.f32 v16, v18  }
0x2be: {  	v41 =	vmul.f32 v6, v14;
	v8 =	vadd.f32 v8, v39;
	v9 =	vadd.f32 v36, v9  }
0x2bf: {  	v6 =	vmul.f32 v6, v13;
	v5 =	vsub.f32 v5, v7;
	v43 =	vadd.f32 v38, v40;
	v42 =	vpop (erf)  }
0x2c0: {  	v8 =	vsub.f32 v8, v41;
	v44 =	vmul.f32 v42, v9  }
0x2c1: {  	v46 =	vor.u32 $0x4, v1;
	v5 =	vadd.f32 v5, v6;
	v45 =	vmul.f32 v42, v43  }
0x2c2: {  	v47 =	vor.u32 $0x5, v1;
	v8 =	vmul.f32 v42, v8;
	[tilespmem:v1+s14+$0x0] =	vst.idx.msk $0xffff, v44  }
0x2c3: {  	v5 =	vmul.f32 v5, v42;
	[tilespmem:v2+s14+$0x0] =	vst.idx.msk $0xffff, v45  }
0x2c4: {  	v2 =	vor.u32 $0x6, v1;
	[tilespmem:v3+s14+$0x0] =	vst.idx.msk $0xffff, v8  }
0x2c5: {  	[tilespmem:v4+s14+$0x0] =	vst.idx.msk $0xffff, v5  }
0x2c6: {  	v3 =	vor.u32 $0x7, v1;
	v4 =	vld.idx.msk [tilespmem:v46+s23+$0x0], $0xffff  }
0x2c7: {  	v5 =	vld.idx.msk [tilespmem:v47+s23+$0x0], $0xffff;
	_ =	sdelay $0x1  }
0x2c8: {  	v8 =	vld.idx.msk [tilespmem:v2+s23+$0x0], $0xffff;
	_ =	sdelay $0x1  }
0x2c9: {  	v9 =	vld.idx.msk [tilespmem:v3+s23+$0x0], $0xffff  }
0x2ca: {  	v48 =	vmul.f32 v4, v4;
	v49 =	vmul.f32 v5, v5;
	_ =	sdelay $0x1  }
0x2cb: {  	v50 =	vld.idx.msk [tilespmem:v46+s22+$0x0], $0xffff;
	v10 =	vadd.f32 v49, v48;
	v51 =	vmul.f32 v8, v8  }
0x2cc: {  	v52 =	vld.idx.msk [tilespmem:v47+s22+$0x0], $0xffff  }
0x2cd: {  	v54 =	vmul.f32 v9, v9;
	v10 =	vadd.f32 v51, v10  }
0x2ce: {  	v53 =	vld.idx.msk [tilespmem:v2+s22+$0x0], $0xffff  }
0x2cf: {  	v55 =	vld.idx.msk [tilespmem:v3+s22+$0x0], $0xffff;
	v10 =	vadd.f32 v54, v10  }
0x2d0: {  	v56 =	vmul.f32 v4, v50  }
0x2d1: {  	v57 =	vmul.f32 v5, v52;
	(erf) = vrcp.f32 v10  }
0x2d2: {  	v59 =	vmul.f32 v4, v52;
	v60 =	vmul.f32 v5, v50  }
0x2d3: {  	v58 =	vmul.f32 v8, v53;
	v63 =	vmul.f32 v4, v53  }
0x2d4: {  	v20 =	vmul.f32 v8, v50;
	v61 =	vmul.f32 v9, v55  }
0x2d5: {  	v62 =	vmul.f32 v9, v53;
	v4 =	vmul.f32 v4, v55;
	v10 =	vadd.f32 v57, v56  }
0x2d6: {  	v17 =	vsub.f32 v59, v60;
	v12 =	vmul.f32 v9, v50;
	v9 =	vmul.f32 v9, v52  }
0x2d7: {  	v23 =	vmul.f32 v8, v55;
	v22 =	vsub.f32 v63, v20;
	v10 =	vadd.f32 v58, v10  }
0x2d8: {  	v8 =	vmul.f32 v8, v52;
	v21 =	vsub.f32 v17, v62;
	v4 =	vsub.f32 v4, v12  }
0x2d9: {  	v24 =	vmul.f32 v5, v55;
	v9 =	vadd.f32 v9, v22;
	v10 =	vadd.f32 v61, v10  }
0x2da: {  	v5 =	vmul.f32 v5, v53;
	v26 =	vadd.f32 v21, v23;
	v4 =	vsub.f32 v4, v8;
	v25 =	vpop (erf)  }
0x2db: {  	v9 =	vsub.f32 v9, v24;
	v27 =	vmul.f32 v25, v10  }
0x2dc: {  	v29 =	vor.u32 $0x8, v1;
	v4 =	vadd.f32 v4, v5;
	v28 =	vmul.f32 v25, v26  }
0x2dd: {  	v30 =	vor.u32 $0x9, v1;
	v9 =	vmul.f32 v25, v9;
	[tilespmem:v46+s14+$0x0] =	vst.idx.msk $0xffff, v27  }
0x2de: {  	v4 =	vmul.f32 v4, v25;
	[tilespmem:v47+s14+$0x0] =	vst.idx.msk $0xffff, v28  }
0x2df: {  	[tilespmem:v2+s14+$0x0] =	vst.idx.msk $0xffff, v9;
	v2 =	vor.u32 $0xA, v1  }
0x2e0: {  	[tilespmem:v3+s14+$0x0] =	vst.idx.msk $0xffff, v4  }
0x2e1: {  	v3 =	vor.u32 $0xB, v1;
	v4 =	vld.idx.msk [tilespmem:v29+s23+$0x0], $0xffff  }
0x2e2: {  	v7 =	vld.idx.msk [tilespmem:v30+s23+$0x0], $0xffff;
	_ =	sdelay $0x1  }
0x2e3: {  	v8 =	vld.idx.msk [tilespmem:v2+s23+$0x0], $0xffff;
	_ =	sdelay $0x1  }
0x2e4: {  	v9 =	vld.idx.msk [tilespmem:v3+s23+$0x0], $0xffff  }
0x2e5: {  	v31 =	vmul.f32 v4, v4;
	v32 =	vmul.f32 v7, v7;
	_ =	sdelay $0x1  }
0x2e6: {  	v33 =	vld.idx.msk [tilespmem:v29+s22+$0x0], $0xffff;
	v10 =	vadd.f32 v32, v31;
	v34 =	vmul.f32 v8, v8  }
0x2e7: {  	v35 =	vld.idx.msk [tilespmem:v30+s22+$0x0], $0xffff  }
0x2e8: {  	v37 =	vmul.f32 v9, v9;
	v10 =	vadd.f32 v34, v10  }
0x2e9: {  	v36 =	vld.idx.msk [tilespmem:v2+s22+$0x0], $0xffff  }
0x2ea: {  	v38 =	vld.idx.msk [tilespmem:v3+s22+$0x0], $0xffff;
	v10 =	vadd.f32 v37, v10  }
0x2eb: {  	v39 =	vmul.f32 v4, v33  }
0x2ec: {  	v40 =	vmul.f32 v7, v35;
	(erf) = vrcp.f32 v10  }
0x2ed: {  	v42 =	vmul.f32 v4, v35;
	v43 =	vmul.f32 v7, v33  }
0x2ee: {  	v41 =	vmul.f32 v8, v36;
	v46 =	vmul.f32 v4, v36  }
0x2ef: {  	v47 =	vmul.f32 v8, v33;
	v44 =	vmul.f32 v9, v38  }
0x2f0: {  	v45 =	vmul.f32 v9, v36;
	v4 =	vmul.f32 v4, v38;
	v10 =	vadd.f32 v40, v39  }
0x2f1: {  	v17 =	vsub.f32 v42, v43;
	v12 =	vmul.f32 v9, v33;
	v9 =	vmul.f32 v9, v35  }
0x2f2: {  	v50 =	vmul.f32 v8, v38;
	v49 =	vsub.f32 v46, v47;
	v10 =	vadd.f32 v41, v10  }
0x2f3: {  	v8 =	vmul.f32 v8, v35;
	v48 =	vsub.f32 v17, v45;
	v4 =	vsub.f32 v4, v12  }
0x2f4: {  	v51 =	vmul.f32 v7, v38;
	v9 =	vadd.f32 v9, v49;
	v10 =	vadd.f32 v44, v10  }
0x2f5: {  	v7 =	vmul.f32 v7, v36;
	v53 =	vadd.f32 v48, v50;
	v4 =	vsub.f32 v4, v8;
	v52 =	vpop (erf)  }
0x2f6: {  	v9 =	vsub.f32 v9, v51;
	v54 =	vmul.f32 v52, v10  }
0x2f7: {  	v56 =	vor.u32 $0xC, v1;
	v4 =	vadd.f32 v4, v7;
	v55 =	vmul.f32 v52, v53  }
0x2f8: {  	v57 =	vor.u32 $0xD, v1;
	v9 =	vmul.f32 v52, v9;
	[tilespmem:v29+s14+$0x0] =	vst.idx.msk $0xffff, v54  }
0x2f9: {  	v4 =	vmul.f32 v4, v52;
	[tilespmem:v30+s14+$0x0] =	vst.idx.msk $0xffff, v55  }
0x2fa: {  	[tilespmem:v2+s14+$0x0] =	vst.idx.msk $0xffff, v9;
	v2 =	vor.u32 $0xE, v1  }
0x2fb: {  	[tilespmem:v3+s14+$0x0] =	vst.idx.msk $0xffff, v4  }
0x2fc: {  	v3 =	vor.u32 $0xF, v1;
	v4 =	vld.idx.msk [tilespmem:v56+s23+$0x0], $0xffff  }
0x2fd: {  	v6 =	vld.idx.msk [tilespmem:v57+s23+$0x0], $0xffff;
	_ =	sdelay $0x1  }
0x2fe: {  	v8 =	vld.idx.msk [tilespmem:v2+s23+$0x0], $0xffff;
	_ =	sdelay $0x1  }
0x2ff: {  	v9 =	vld.idx.msk [tilespmem:v3+s23+$0x0], $0xffff  }
0x300: {  	v58 =	vmul.f32 v4, v4;
	v59 =	vmul.f32 v6, v6;
	_ =	sdelay $0x1  }
0x301: {  	v60 =	vld.idx.msk [tilespmem:v56+s22+$0x0], $0xffff;
	v10 =	vadd.f32 v59, v58;
	v61 =	vmul.f32 v8, v8  }
0x302: {  	v62 =	vld.idx.msk [tilespmem:v57+s22+$0x0], $0xffff  }
0x303: {  	v23 =	vmul.f32 v9, v9;
	v10 =	vadd.f32 v61, v10  }
0x304: {  	v63 =	vld.idx.msk [tilespmem:v2+s22+$0x0], $0xffff  }
0x305: {  	v24 =	vld.idx.msk [tilespmem:v3+s22+$0x0], $0xffff;
	v10 =	vadd.f32 v23, v10  }
0x306: {  	v25 =	vmul.f32 v4, v60  }
0x307: {  	v26 =	vmul.f32 v6, v62;
	(erf) = vrcp.f32 v10  }
0x308: {  	v28 =	vmul.f32 v4, v62;
	v29 =	vmul.f32 v6, v60  }
0x309: {  	v27 =	vmul.f32 v8, v63;
	v32 =	vmul.f32 v4, v63  }
0x30a: {  	v33 =	vmul.f32 v8, v60;
	v30 =	vmul.f32 v9, v24  }
0x30b: {  	v31 =	vmul.f32 v9, v63;
	v4 =	vmul.f32 v4, v24;
	v10 =	vadd.f32 v26, v25  }
0x30c: {  	v17 =	vsub.f32 v28, v29;
	v12 =	vmul.f32 v9, v60;
	v9 =	vmul.f32 v9, v62  }
0x30d: {  	v36 =	vmul.f32 v8, v24;
	v35 =	vsub.f32 v32, v33;
	v10 =	vadd.f32 v27, v10  }
0x30e: {  	v8 =	vmul.f32 v8, v62;
	v34 =	vsub.f32 v17, v31;
	v4 =	vsub.f32 v4, v12  }
0x30f: {  	v37 =	vmul.f32 v6, v24;
	v9 =	vadd.f32 v9, v35;
	v10 =	vadd.f32 v30, v10  }
0x310: {  	v6 =	vmul.f32 v6, v63;
	v39 =	vadd.f32 v34, v36;
	v4 =	vsub.f32 v4, v8;
	v38 =	vpop (erf)  }
0x311: {  	v9 =	vsub.f32 v9, v37;
	v40 =	vmul.f32 v38, v10  }
0x312: {  	v42 =	vor.u32 $0x10, v1;
	v4 =	vadd.f32 v4, v6;
	v41 =	vmul.f32 v38, v39  }
0x313: {  	v43 =	vor.u32 $0x11, v1;
	v9 =	vmul.f32 v38, v9;
	[tilespmem:v56+s14+$0x0] =	vst.idx.msk $0xffff, v40  }
0x314: {  	v4 =	vmul.f32 v4, v38;
	[tilespmem:v57+s14+$0x0] =	vst.idx.msk $0xffff, v41  }
0x315: {  	[tilespmem:v2+s14+$0x0] =	vst.idx.msk $0xffff, v9;
	v2 =	vor.u32 $0x12, v1  }
0x316: {  	[tilespmem:v3+s14+$0x0] =	vst.idx.msk $0xffff, v4  }
0x317: {  	v3 =	vor.u32 $0x13, v1;
	v4 =	vld.idx.msk [tilespmem:v42+s23+$0x0], $0xffff  }
0x318: {  	v5 =	vld.idx.msk [tilespmem:v43+s23+$0x0], $0xffff;
	_ =	sdelay $0x1  }
0x319: {  	v8 =	vld.idx.msk [tilespmem:v2+s23+$0x0], $0xffff;
	_ =	sdelay $0x1  }
0x31a: {  	v9 =	vld.idx.msk [tilespmem:v3+s23+$0x0], $0xffff  }
0x31b: {  	v44 =	vmul.f32 v4, v4;
	v45 =	vmul.f32 v5, v5;
	_ =	sdelay $0x1  }
0x31c: {  	v46 =	vld.idx.msk [tilespmem:v42+s22+$0x0], $0xffff;
	v10 =	vadd.f32 v45, v44;
	v47 =	vmul.f32 v8, v8  }
0x31d: {  	v48 =	vld.idx.msk [tilespmem:v43+s22+$0x0], $0xffff  }
0x31e: {  	v50 =	vmul.f32 v9, v9;
	v10 =	vadd.f32 v47, v10  }
0x31f: {  	v49 =	vld.idx.msk [tilespmem:v2+s22+$0x0], $0xffff  }
0x320: {  	v51 =	vld.idx.msk [tilespmem:v3+s22+$0x0], $0xffff;
	v10 =	vadd.f32 v50, v10  }
0x321: {  	v52 =	vmul.f32 v4, v46  }
0x322: {  	v53 =	vmul.f32 v5, v48;
	(erf) = vrcp.f32 v10  }
0x323: {  	v55 =	vmul.f32 v4, v48;
	v56 =	vmul.f32 v5, v46  }
0x324: {  	v54 =	vmul.f32 v8, v49;
	v59 =	vmul.f32 v4, v49  }
0x325: {  	v60 =	vmul.f32 v8, v46;
	v57 =	vmul.f32 v9, v51  }
0x326: {  	v58 =	vmul.f32 v9, v49;
	v4 =	vmul.f32 v4, v51;
	v10 =	vadd.f32 v53, v52  }
0x327: {  	v17 =	vsub.f32 v55, v56;
	v12 =	vmul.f32 v9, v46;
	v9 =	vmul.f32 v9, v48  }
0x328: {  	v63 =	vmul.f32 v8, v51;
	v62 =	vsub.f32 v59, v60;
	v10 =	vadd.f32 v54, v10  }
0x329: {  	v8 =	vmul.f32 v8, v48;
	v61 =	vsub.f32 v17, v58;
	v4 =	vsub.f32 v4, v12  }
0x32a: {  	v19 =	vmul.f32 v5, v51;
	v9 =	vadd.f32 v9, v62;
	v10 =	vadd.f32 v57, v10  }
0x32b: {  	v5 =	vmul.f32 v5, v49;
	v21 =	vadd.f32 v61, v63;
	v4 =	vsub.f32 v4, v8;
	v20 =	vpop (erf)  }
0x32c: {  	v9 =	vsub.f32 v9, v19;
	v22 =	vmul.f32 v20, v10  }
0x32d: {  	v24 =	vor.u32 $0x14, v1;
	v4 =	vadd.f32 v4, v5;
	v23 =	vmul.f32 v20, v21  }
0x32e: {  	v25 =	vor.u32 $0x15, v1;
	v9 =	vmul.f32 v20, v9;
	[tilespmem:v42+s14+$0x0] =	vst.idx.msk $0xffff, v22  }
0x32f: {  	v4 =	vmul.f32 v4, v20;
	[tilespmem:v43+s14+$0x0] =	vst.idx.msk $0xffff, v23  }
0x330: {  	[tilespmem:v2+s14+$0x0] =	vst.idx.msk $0xffff, v9;
	v2 =	vor.u32 $0x16, v1  }
0x331: {  	[tilespmem:v3+s14+$0x0] =	vst.idx.msk $0xffff, v4  }
0x332: {  	v3 =	vor.u32 $0x17, v1;
	v4 =	vld.idx.msk [tilespmem:v24+s23+$0x0], $0xffff  }
0x333: {  	v7 =	vld.idx.msk [tilespmem:v25+s23+$0x0], $0xffff;
	_ =	sdelay $0x1  }
0x334: {  	v8 =	vld.idx.msk [tilespmem:v2+s23+$0x0], $0xffff;
	_ =	sdelay $0x1  }
0x335: {  	v9 =	vld.idx.msk [tilespmem:v3+s23+$0x0], $0xffff  }
0x336: {  	v26 =	vmul.f32 v4, v4;
	v27 =	vmul.f32 v7, v7;
	_ =	sdelay $0x1  }
0x337: {  	v28 =	vld.idx.msk [tilespmem:v24+s22+$0x0], $0xffff;
	v10 =	vadd.f32 v27, v26;
	v29 =	vmul.f32 v8, v8  }
0x338: {  	v30 =	vld.idx.msk [tilespmem:v25+s22+$0x0], $0xffff  }
0x339: {  	v32 =	vmul.f32 v9, v9;
	v10 =	vadd.f32 v29, v10  }
0x33a: {  	v31 =	vld.idx.msk [tilespmem:v2+s22+$0x0], $0xffff  }
0x33b: {  	v33 =	vld.idx.msk [tilespmem:v3+s22+$0x0], $0xffff;
	v10 =	vadd.f32 v32, v10  }
0x33c: {  	v34 =	vmul.f32 v4, v28  }
0x33d: {  	v35 =	vmul.f32 v7, v30;
	(erf) = vrcp.f32 v10  }
0x33e: {  	v37 =	vmul.f32 v4, v30;
	v38 =	vmul.f32 v7, v28  }
0x33f: {  	v36 =	vmul.f32 v8, v31;
	v41 =	vmul.f32 v4, v31  }
0x340: {  	v42 =	vmul.f32 v8, v28;
	v39 =	vmul.f32 v9, v33  }
0x341: {  	v40 =	vmul.f32 v9, v31;
	v4 =	vmul.f32 v4, v33;
	v10 =	vadd.f32 v35, v34  }
0x342: {  	v17 =	vsub.f32 v37, v38;
	v12 =	vmul.f32 v9, v28;
	v9 =	vmul.f32 v9, v30  }
0x343: {  	v45 =	vmul.f32 v8, v33;
	v44 =	vsub.f32 v41, v42;
	v10 =	vadd.f32 v36, v10  }
0x344: {  	v8 =	vmul.f32 v8, v30;
	v43 =	vsub.f32 v17, v40;
	v4 =	vsub.f32 v4, v12  }
0x345: {  	v46 =	vmul.f32 v7, v33;
	v9 =	vadd.f32 v9, v44;
	v10 =	vadd.f32 v39, v10  }
0x346: {  	v7 =	vmul.f32 v7, v31;
	v48 =	vadd.f32 v43, v45;
	v4 =	vsub.f32 v4, v8;
	v47 =	vpop (erf)  }
0x347: {  	v9 =	vsub.f32 v9, v46;
	v49 =	vmul.f32 v47, v10  }
0x348: {  	v51 =	vor.u32 $0x18, v1;
	v4 =	vadd.f32 v4, v7;
	v50 =	vmul.f32 v47, v48  }
0x349: {  	v52 =	vor.u32 $0x19, v1;
	v9 =	vmul.f32 v47, v9;
	[tilespmem:v24+s14+$0x0] =	vst.idx.msk $0xffff, v49  }
0x34a: {  	v4 =	vmul.f32 v4, v47;
	[tilespmem:v25+s14+$0x0] =	vst.idx.msk $0xffff, v50  }
0x34b: {  	[tilespmem:v2+s14+$0x0] =	vst.idx.msk $0xffff, v9;
	v2 =	vor.u32 $0x1A, v1  }
0x34c: {  	[tilespmem:v3+s14+$0x0] =	vst.idx.msk $0xffff, v4  }
0x34d: {  	v3 =	vor.u32 $0x1B, v1;
	v4 =	vld.idx.msk [tilespmem:v51+s23+$0x0], $0xffff  }
0x34e: {  	v6 =	vld.idx.msk [tilespmem:v52+s23+$0x0], $0xffff;
	_ =	sdelay $0x1  }
0x34f: {  	v8 =	vld.idx.msk [tilespmem:v2+s23+$0x0], $0xffff;
	_ =	sdelay $0x1  }
0x350: {  	v9 =	vld.idx.msk [tilespmem:v3+s23+$0x0], $0xffff  }
0x351: {  	v53 =	vmul.f32 v4, v4;
	v54 =	vmul.f32 v6, v6;
	_ =	sdelay $0x1  }
0x352: {  	v55 =	vld.idx.msk [tilespmem:v51+s22+$0x0], $0xffff;
	v10 =	vadd.f32 v54, v53;
	v56 =	vmul.f32 v8, v8  }
0x353: {  	v57 =	vld.idx.msk [tilespmem:v52+s22+$0x0], $0xffff  }
0x354: {  	v59 =	vmul.f32 v9, v9;
	v10 =	vadd.f32 v56, v10  }
0x355: {  	v58 =	vld.idx.msk [tilespmem:v2+s22+$0x0], $0xffff  }
0x356: {  	v60 =	vld.idx.msk [tilespmem:v3+s22+$0x0], $0xffff;
	v10 =	vadd.f32 v59, v10  }
0x357: {  	v61 =	vmul.f32 v4, v55  }
0x358: {  	v62 =	vmul.f32 v6, v57;
	(erf) = vrcp.f32 v10  }
0x359: {  	v22 =	vmul.f32 v4, v57;
	v23 =	vmul.f32 v6, v55  }
0x35a: {  	v63 =	vmul.f32 v8, v58;
	v26 =	vmul.f32 v4, v58  }
0x35b: {  	v27 =	vmul.f32 v8, v55;
	v24 =	vmul.f32 v9, v60  }
0x35c: {  	v25 =	vmul.f32 v9, v58;
	v4 =	vmul.f32 v4, v60;
	v10 =	vadd.f32 v62, v61  }
0x35d: {  	v17 =	vsub.f32 v22, v23;
	v12 =	vmul.f32 v9, v55;
	v9 =	vmul.f32 v9, v57  }
0x35e: {  	v30 =	vmul.f32 v8, v60;
	v29 =	vsub.f32 v26, v27;
	v10 =	vadd.f32 v63, v10  }
0x35f: {  	v8 =	vmul.f32 v8, v57;
	v28 =	vsub.f32 v17, v25;
	v4 =	vsub.f32 v4, v12  }
0x360: {  	v31 =	vmul.f32 v6, v60;
	v9 =	vadd.f32 v9, v29;
	v10 =	vadd.f32 v24, v10  }
0x361: {  	v6 =	vmul.f32 v6, v58;
	v33 =	vadd.f32 v28, v30;
	v4 =	vsub.f32 v4, v8;
	v32 =	vpop (erf)  }
0x362: {  	v9 =	vsub.f32 v9, v31;
	v34 =	vmul.f32 v32, v10  }
0x363: {  	v36 =	vor.u32 $0x1C, v1;
	v4 =	vadd.f32 v4, v6;
	v35 =	vmul.f32 v32, v33  }
0x364: {  	v37 =	vor.u32 $0x1D, v1;
	v9 =	vmul.f32 v32, v9;
	[tilespmem:v51+s14+$0x0] =	vst.idx.msk $0xffff, v34  }
0x365: {  	v4 =	vmul.f32 v4, v32;
	[tilespmem:v52+s14+$0x0] =	vst.idx.msk $0xffff, v35  }
0x366: {  	[tilespmem:v2+s14+$0x0] =	vst.idx.msk $0xffff, v9;
	v2 =	vor.u32 $0x1E, v1  }
0x367: {  	[tilespmem:v3+s14+$0x0] =	vst.idx.msk $0xffff, v4  }
0x368: {  	v1 =	vor.u32 $0x1F, v1;
	v3 =	vld.idx.msk [tilespmem:v36+s23+$0x0], $0xffff  }
0x369: {  	v4 =	vld.idx.msk [tilespmem:v37+s23+$0x0], $0xffff;
	_ =	sdelay $0x1  }
0x36a: {  	v5 =	vld.idx.msk [tilespmem:v2+s23+$0x0], $0xffff;
	_ =	sdelay $0x1  }
0x36b: {  	v8 =	vld.idx.msk [tilespmem:v1+s23+$0x0], $0xffff  }
0x36c: {  	v38 =	vmul.f32 v3, v3;
	v39 =	vmul.f32 v4, v4;
	_ =	sdelay $0x1  }
0x36d: {  	v40 =	vld.idx.msk [tilespmem:v36+s22+$0x0], $0xffff;
	v9 =	vadd.f32 v39, v38;
	v41 =	vmul.f32 v5, v5  }
0x36e: {  	v42 =	vld.idx.msk [tilespmem:v37+s22+$0x0], $0xffff  }
0x36f: {  	v43 =	vld.idx.msk [tilespmem:v2+s22+$0x0], $0xffff;
	v44 =	vmul.f32 v8, v8;
	v9 =	vadd.f32 v41, v9  }
0x370: {  	v45 =	vld.idx.msk [tilespmem:v1+s22+$0x0], $0xffff  }
0x371: {  	v9 =	vadd.f32 v44, v9  }
0x372: {  	v46 =	vmul.f32 v3, v40  }
0x373: {  	v47 =	vmul.f32 v4, v42;
	(erf) = vrcp.f32 v9  }
0x374: {  	v49 =	vmul.f32 v3, v42;
	v50 =	vmul.f32 v4, v40  }
0x375: {  	v48 =	vmul.f32 v5, v43;
	v51 =	vmul.f32 v8, v45  }
0x376: {  	v52 =	vmul.f32 v8, v43;
	v53 =	vmul.f32 v3, v43  }
0x377: {  	v54 =	vmul.f32 v5, v40;
	v3 =	vmul.f32 v3, v45;
	v9 =	vadd.f32 v47, v46  }
0x378: {  	v16 =	vsub.f32 v49, v50;
	v11 =	vmul.f32 v8, v40;
	v8 =	vmul.f32 v8, v42  }
0x379: {  	v57 =	vmul.f32 v5, v45;
	v56 =	vsub.f32 v53, v54;
	v9 =	vadd.f32 v48, v9  }
0x37a: {  	v5 =	vmul.f32 v5, v42;
	v55 =	vsub.f32 v16, v52;
	v3 =	vsub.f32 v3, v11  }
0x37b: {  	v58 =	vmul.f32 v4, v45;
	v8 =	vadd.f32 v8, v56;
	v9 =	vadd.f32 v51, v9  }
0x37c: {  	v4 =	vmul.f32 v4, v43;
	v60 =	vadd.f32 v55, v57;
	v3 =	vsub.f32 v3, v5;
	v59 =	vpop (erf)  }
0x37d: {  	p3 =	sne.s32 s2, $0xF0;
	v8 =	vsub.f32 v8, v58;
	v61 =	vmul.f32 v59, v9  }
.Ltmp6:
0x37e: {  	v3 =	vadd.f32 v3, v4;
	v62 =	vmul.f32 v59, v60;
	(pc) =	sbr.rel @p3 .LBB2_7-.Ltmp6, $4  }
0x37f: {  	v63 =	vmul.f32 v59, v8;
	[tilespmem:v36+s14+$0x0] =	vst.idx.msk $0xffff, v61  }
0x380: {  	v3 =	vmul.f32 v3, v59;
	[tilespmem:v37+s14+$0x0] =	vst.idx.msk $0xffff, v62  }
0x381: {  	[tilespmem:v2+s14+$0x0] =	vst.idx.msk $0xffff, v63  }
0x382: {  	s2 =	sadd.s32 $0x10, s2;
	[tilespmem:v1+s14+$0x0] =	vst.idx.msk $0xffff, v3  }
0x383: {  	s2 =	sshll.u32 s28, $0xA  }
0x384: {  	s28 =	sshll.u32 s28, $0x8;
	s2 =	sadd.s32 s29, s2  }
0x385: {  	[hbm4b:s2+s4] =	stream.linear.scatter [tilespmem:s14], [sflag:$0xB], $0x2000, $0x38;
	[tilespmem:$0x19000] =	vst v63  }
0x386: {  	s2 =	sadd.s32 s3, s28  }
0x387: {  	[hbm4b:s2+s4] =	stream.linear.scatter [tilespmem:s18], [sflag:$0xF], $0x800, $0x38;
	[tilespmem:$0x19000] =	vst v63  }
0x388: {  	s2 =	simm.s32 @!p2 $0x3  }
0x389: {  	_ =	swait.ge @!p2 [sflag:s2], $0x100  }
0x38a: {  	[sflag:s2] =	ssyncset.done @!p2 $0x0  }
0x38b: {  	[sflag:s2] =	ssyncadd.s32 @!p2 $0xFFFFFF00  }
0x38c: {  	_ =	swait.ge @!p2 [sflag:s2], $0x100  }
0x38d: {  	s17 =	simm.s32 @!p2 $0x200;
	[sflag:s2] =	ssyncset.done @!p2 $0x0  }
0x38e: {  	s21 =	simm.s32 @!p2 $0x4800;
	[sflag:s2] =	ssyncadd.s32 @!p2 $0xFFFFFF00;
	s2 =	simm.s32 @!p2 $0x80  }
0x38f: {  	[tilespmem:s21], [sflag:$0x7] =	stream.indirect.gather @!p2 [hbm4b:s7+s2], $0x20, s17, s2, $0xb8;
	[tilespmem:$0x19000] =	vst v63  }
0x390: {  	s17 =	simm.s32 @!p2 $0x600;
	s21 =	simm.s32 @!p2 $0xC800  }
0x391: {  	[tilespmem:s21], [sflag:$0x7] =	stream.indirect.gather @!p2 [hbm4b:s7+s2], $0x20, s17, s2, $0xb8;
	[tilespmem:$0x19000] =	vst v63  }
0x392: {  	s17 =	simm.s32 @!p2 $0x280;
	s21 =	simm.s32 @!p2 $0x5800  }
0x393: {  	[tilespmem:s21], [sflag:$0x7] =	stream.indirect.gather @!p2 [hbm4b:s7+s2], $0x20, s17, s2, $0xb8;
	[tilespmem:$0x19000] =	vst v63  }
0x394: {  	s19 =	sor.u32 $0x60, s19;
	s17 =	simm.s32 @!p2 $0x680;
	s21 =	simm.s32 @!p2 $0xD800  }
0x395: {  	[tilespmem:s21], [sflag:$0x7] =	stream.indirect.gather @!p2 [hbm4b:s7+s2], $0x20, s17, s2, $0xb8;
	[tilespmem:$0x19000] =	vst v63  }
0x396: {  	p2 =	sgt.u32 s19, $0x1869  }
.Ltmp7:
0x397: {  	_ = 	snop;
	(pc) =	sbr.rel @p2 .LBB2_12-.Ltmp7, $1  }
0x398: {  	_ =	sdelay $0x3  }
0x399: {  	_ =	swait.ge [sflag:s15], $0x1000  }
0x39a: {  	[sflag:s15] =	ssyncset.done $0x0  }
0x39b: {  	[sflag:s15] =	ssyncadd.s32 $0xFFFFF000  }
0x39c: {  	_ =	swait.ge [sflag:s15], $0x1000  }
0x39d: {  	[sflag:s15] =	ssyncset.done $0x0  }
0x39e: {  	[sflag:s15] =	ssyncadd.s32 $0xFFFFF000  }
0x39f: {  	_ =	swait.ge [sflag:s15], $0x1000  }
0x3a0: {  	p2 =	sgt.u32 s19, $0x17E9;
	[sflag:s15] =	ssyncset.done $0x0  }
0x3a1: {  	s2 =	sshll.u32 @!p2 s19, $0x5;
	[sflag:s15] =	ssyncadd.s32 $0xFFFFF000  }
0x3a2: {  	s2 =	sand.u32 @!p2 $0x1FFFFFE0, s2;
	_ =	swait.ge [sflag:s15], $0x1000  }
0x3a3: {  	s21 =	simm.s32 @!p2 $0x0;
	s2 =	sadd.s32 @!p2 s6, s2;
	[sflag:s15] =	ssyncset.done $0x0  }
0x3a4: {  	s24 =	simm.s32 @!p2 $0x300;
	s17 =	sadd.s32 @!p2 $0x1000, s2;
	[sflag:s15] =	ssyncadd.s32 $0xFFFFF000  }
0x3a5: {  	[tilespmem:s24], [sflag:$0x4] =	stream.linear.gather @!p2 [hbm4b:s17+s21], $0x100, $0x38;
	[tilespmem:$0x19000] =	vst v63  }
0x3a6: {  	s2 =	sadd.s32 @!p2 $0x31D40, s2;
	s17 =	simm.s32 @!p2 $0x700  }
0x3a7: {  	[tilespmem:s17], [sflag:$0x4] =	stream.linear.gather @!p2 [hbm4b:s2+s21], $0x100, $0x38;
	[tilespmem:$0x19000] =	vst v63  }
0x3a8: {  	s2 =	simm.s32 @!p1 $0xC  }
0x3a9: {  	_ =	swait.ge @!p1 [sflag:s2], $0x2000  }
0x3aa: {  	[sflag:s2] =	ssyncset.done @!p1 $0x0  }
0x3ab: {  	[sflag:s2] =	ssyncadd.s32 @!p1 $0xFFFFE000;
	s2 =	simm.s32 @!p1 $0x10  }
0x3ac: {  	_ =	swait.ge @!p1 [sflag:s2], $0x800  }
0x3ad: {  	[sflag:s2] =	ssyncset.done @!p1 $0x0  }
0x3ae: {  	[sflag:s2] =	ssyncadd.s32 @!p1 $0xFFFFF800;
	s2 =	simm.s32 $0x0  }
.LBB2_10:
0x3af: {  	v1 =	vmov s2  }
0x3b0: {  	v1 =	vshll.u32 v1, $0x5  }
0x3b1: {  	v1 =	vor.u32 v0, v1  }
0x3b2: {  	v2 =	vor.u32 $0x1, v1;
	_ =	sdelay $0x1  }
0x3b3: {  	v3 =	vor.u32 $0x2, v1;
	_ =	sdelay $0x1  }
0x3b4: {  	v4 =	vor.u32 $0x3, v1;
	v5 =	vld.idx.msk [tilespmem:v1+s26+$0x0], $0xffff  }
0x3b5: {  	v6 =	vld.idx.msk [tilespmem:v2+s26+$0x0], $0xffff;
	_ =	sdelay $0x1  }
0x3b6: {  	v7 =	vld.idx.msk [tilespmem:v3+s26+$0x0], $0xffff;
	_ =	sdelay $0x1  }
0x3b7: {  	v8 =	vld.idx.msk [tilespmem:v4+s26+$0x0], $0xffff  }
0x3b8: {  	v9 =	vmul.f32 v5, v5;
	v10 =	vmul.f32 v6, v6;
	_ =	sdelay $0x1  }
0x3b9: {  	v11 =	vld.idx.msk [tilespmem:v1+s25+$0x0], $0xffff;
	v32 =	vmul.f32 v7, v7;
	v9 =	vadd.f32 v10, v9  }
0x3ba: {  	v12 =	vld.idx.msk [tilespmem:v2+s25+$0x0], $0xffff  }
0x3bb: {  	v13 =	vld.idx.msk [tilespmem:v3+s25+$0x0], $0xffff;
	v33 =	vmul.f32 v8, v8;
	v9 =	vadd.f32 v32, v9  }
0x3bc: {  	v14 =	vld.idx.msk [tilespmem:v4+s25+$0x0], $0xffff  }
0x3bd: {  	v9 =	vadd.f32 v33, v9  }
0x3be: {  	v34 =	vmul.f32 v5, v11  }
0x3bf: {  	v35 =	vmul.f32 v6, v12;
	(erf) = vrcp.f32 v9  }
0x3c0: {  	v15 =	vmul.f32 v7, v13;
	v16 =	vmul.f32 v5, v12  }
0x3c1: {  	v17 =	vmul.f32 v6, v11;
	v36 =	vmul.f32 v8, v14  }
0x3c2: {  	v18 =	vmul.f32 v8, v13;
	v37 =	vmul.f32 v5, v13  }
0x3c3: {  	v19 =	vmul.f32 v7, v11;
	v5 =	vmul.f32 v5, v14;
	v9 =	vadd.f32 v35, v34  }
0x3c4: {  	v11 =	vmul.f32 v8, v11;
	v8 =	vmul.f32 v8, v12;
	v16 =	vsub.f32 v16, v17  }
0x3c5: {  	v40 =	vmul.f32 v7, v14;
	v39 =	vsub.f32 v37, v19;
	v9 =	vadd.f32 v15, v9  }
0x3c6: {  	v7 =	vmul.f32 v7, v12;
	v5 =	vsub.f32 v5, v11;
	v38 =	vsub.f32 v16, v18  }
0x3c7: {  	v41 =	vmul.f32 v6, v14;
	v8 =	vadd.f32 v8, v39;
	v9 =	vadd.f32 v36, v9  }
0x3c8: {  	v6 =	vmul.f32 v6, v13;
	v5 =	vsub.f32 v5, v7;
	v43 =	vadd.f32 v38, v40;
	v42 =	vpop (erf)  }
0x3c9: {  	v8 =	vsub.f32 v8, v41;
	v44 =	vmul.f32 v42, v9  }
0x3ca: {  	v46 =	vor.u32 $0x4, v1;
	v5 =	vadd.f32 v5, v6;
	v45 =	vmul.f32 v42, v43  }
0x3cb: {  	v47 =	vor.u32 $0x5, v1;
	v8 =	vmul.f32 v42, v8;
	[tilespmem:v1+s16+$0x0] =	vst.idx.msk $0xffff, v44  }
0x3cc: {  	v5 =	vmul.f32 v5, v42;
	[tilespmem:v2+s16+$0x0] =	vst.idx.msk $0xffff, v45  }
0x3cd: {  	v2 =	vor.u32 $0x6, v1;
	[tilespmem:v3+s16+$0x0] =	vst.idx.msk $0xffff, v8  }
0x3ce: {  	[tilespmem:v4+s16+$0x0] =	vst.idx.msk $0xffff, v5  }
0x3cf: {  	v3 =	vor.u32 $0x7, v1;
	v4 =	vld.idx.msk [tilespmem:v46+s26+$0x0], $0xffff  }
0x3d0: {  	v5 =	vld.idx.msk [tilespmem:v47+s26+$0x0], $0xffff;
	_ =	sdelay $0x1  }
0x3d1: {  	v8 =	vld.idx.msk [tilespmem:v2+s26+$0x0], $0xffff;
	_ =	sdelay $0x1  }
0x3d2: {  	v9 =	vld.idx.msk [tilespmem:v3+s26+$0x0], $0xffff  }
0x3d3: {  	v48 =	vmul.f32 v4, v4;
	v49 =	vmul.f32 v5, v5;
	_ =	sdelay $0x1  }
0x3d4: {  	v50 =	vld.idx.msk [tilespmem:v46+s25+$0x0], $0xffff;
	v10 =	vadd.f32 v49, v48;
	v51 =	vmul.f32 v8, v8  }
0x3d5: {  	v52 =	vld.idx.msk [tilespmem:v47+s25+$0x0], $0xffff  }
0x3d6: {  	v54 =	vmul.f32 v9, v9;
	v10 =	vadd.f32 v51, v10  }
0x3d7: {  	v53 =	vld.idx.msk [tilespmem:v2+s25+$0x0], $0xffff  }
0x3d8: {  	v55 =	vld.idx.msk [tilespmem:v3+s25+$0x0], $0xffff;
	v10 =	vadd.f32 v54, v10  }
0x3d9: {  	v56 =	vmul.f32 v4, v50  }
0x3da: {  	v57 =	vmul.f32 v5, v52;
	(erf) = vrcp.f32 v10  }
0x3db: {  	v59 =	vmul.f32 v4, v52;
	v60 =	vmul.f32 v5, v50  }
0x3dc: {  	v58 =	vmul.f32 v8, v53;
	v63 =	vmul.f32 v4, v53  }
0x3dd: {  	v20 =	vmul.f32 v8, v50;
	v61 =	vmul.f32 v9, v55  }
0x3de: {  	v62 =	vmul.f32 v9, v53;
	v4 =	vmul.f32 v4, v55;
	v10 =	vadd.f32 v57, v56  }
0x3df: {  	v17 =	vsub.f32 v59, v60;
	v12 =	vmul.f32 v9, v50;
	v9 =	vmul.f32 v9, v52  }
0x3e0: {  	v23 =	vmul.f32 v8, v55;
	v22 =	vsub.f32 v63, v20;
	v10 =	vadd.f32 v58, v10  }
0x3e1: {  	v8 =	vmul.f32 v8, v52;
	v21 =	vsub.f32 v17, v62;
	v4 =	vsub.f32 v4, v12  }
0x3e2: {  	v24 =	vmul.f32 v5, v55;
	v9 =	vadd.f32 v9, v22;
	v10 =	vadd.f32 v61, v10  }
0x3e3: {  	v5 =	vmul.f32 v5, v53;
	v26 =	vadd.f32 v21, v23;
	v4 =	vsub.f32 v4, v8;
	v25 =	vpop (erf)  }
0x3e4: {  	v9 =	vsub.f32 v9, v24;
	v27 =	vmul.f32 v25, v10  }
0x3e5: {  	v29 =	vor.u32 $0x8, v1;
	v4 =	vadd.f32 v4, v5;
	v28 =	vmul.f32 v25, v26  }
0x3e6: {  	v30 =	vor.u32 $0x9, v1;
	v9 =	vmul.f32 v25, v9;
	[tilespmem:v46+s16+$0x0] =	vst.idx.msk $0xffff, v27  }
0x3e7: {  	v4 =	vmul.f32 v4, v25;
	[tilespmem:v47+s16+$0x0] =	vst.idx.msk $0xffff, v28  }
0x3e8: {  	[tilespmem:v2+s16+$0x0] =	vst.idx.msk $0xffff, v9;
	v2 =	vor.u32 $0xA, v1  }
0x3e9: {  	[tilespmem:v3+s16+$0x0] =	vst.idx.msk $0xffff, v4  }
0x3ea: {  	v3 =	vor.u32 $0xB, v1;
	v4 =	vld.idx.msk [tilespmem:v29+s26+$0x0], $0xffff  }
0x3eb: {  	v7 =	vld.idx.msk [tilespmem:v30+s26+$0x0], $0xffff;
	_ =	sdelay $0x1  }
0x3ec: {  	v8 =	vld.idx.msk [tilespmem:v2+s26+$0x0], $0xffff;
	_ =	sdelay $0x1  }
0x3ed: {  	v9 =	vld.idx.msk [tilespmem:v3+s26+$0x0], $0xffff  }
0x3ee: {  	v31 =	vmul.f32 v4, v4;
	v32 =	vmul.f32 v7, v7;
	_ =	sdelay $0x1  }
0x3ef: {  	v33 =	vld.idx.msk [tilespmem:v29+s25+$0x0], $0xffff;
	v10 =	vadd.f32 v32, v31;
	v34 =	vmul.f32 v8, v8  }
0x3f0: {  	v35 =	vld.idx.msk [tilespmem:v30+s25+$0x0], $0xffff  }
0x3f1: {  	v37 =	vmul.f32 v9, v9;
	v10 =	vadd.f32 v34, v10  }
0x3f2: {  	v36 =	vld.idx.msk [tilespmem:v2+s25+$0x0], $0xffff  }
0x3f3: {  	v38 =	vld.idx.msk [tilespmem:v3+s25+$0x0], $0xffff;
	v10 =	vadd.f32 v37, v10  }
0x3f4: {  	v39 =	vmul.f32 v4, v33  }
0x3f5: {  	v40 =	vmul.f32 v7, v35;
	(erf) = vrcp.f32 v10  }
0x3f6: {  	v42 =	vmul.f32 v4, v35;
	v43 =	vmul.f32 v7, v33  }
0x3f7: {  	v41 =	vmul.f32 v8, v36;
	v46 =	vmul.f32 v4, v36  }
0x3f8: {  	v47 =	vmul.f32 v8, v33;
	v44 =	vmul.f32 v9, v38  }
0x3f9: {  	v45 =	vmul.f32 v9, v36;
	v4 =	vmul.f32 v4, v38;
	v10 =	vadd.f32 v40, v39  }
0x3fa: {  	v17 =	vsub.f32 v42, v43;
	v12 =	vmul.f32 v9, v33;
	v9 =	vmul.f32 v9, v35  }
0x3fb: {  	v50 =	vmul.f32 v8, v38;
	v49 =	vsub.f32 v46, v47;
	v10 =	vadd.f32 v41, v10  }
0x3fc: {  	v8 =	vmul.f32 v8, v35;
	v48 =	vsub.f32 v17, v45;
	v4 =	vsub.f32 v4, v12  }
0x3fd: {  	v51 =	vmul.f32 v7, v38;
	v9 =	vadd.f32 v9, v49;
	v10 =	vadd.f32 v44, v10  }
0x3fe: {  	v7 =	vmul.f32 v7, v36;
	v53 =	vadd.f32 v48, v50;
	v4 =	vsub.f32 v4, v8;
	v52 =	vpop (erf)  }
0x3ff: {  	v9 =	vsub.f32 v9, v51;
	v54 =	vmul.f32 v52, v10  }
0x400: {  	v56 =	vor.u32 $0xC, v1;
	v4 =	vadd.f32 v4, v7;
	v55 =	vmul.f32 v52, v53  }
0x401: {  	v57 =	vor.u32 $0xD, v1;
	v9 =	vmul.f32 v52, v9;
	[tilespmem:v29+s16+$0x0] =	vst.idx.msk $0xffff, v54  }
0x402: {  	v4 =	vmul.f32 v4, v52;
	[tilespmem:v30+s16+$0x0] =	vst.idx.msk $0xffff, v55  }
0x403: {  	[tilespmem:v2+s16+$0x0] =	vst.idx.msk $0xffff, v9;
	v2 =	vor.u32 $0xE, v1  }
0x404: {  	[tilespmem:v3+s16+$0x0] =	vst.idx.msk $0xffff, v4  }
0x405: {  	v3 =	vor.u32 $0xF, v1;
	v4 =	vld.idx.msk [tilespmem:v56+s26+$0x0], $0xffff  }
0x406: {  	v6 =	vld.idx.msk [tilespmem:v57+s26+$0x0], $0xffff;
	_ =	sdelay $0x1  }
0x407: {  	v8 =	vld.idx.msk [tilespmem:v2+s26+$0x0], $0xffff;
	_ =	sdelay $0x1  }
0x408: {  	v9 =	vld.idx.msk [tilespmem:v3+s26+$0x0], $0xffff  }
0x409: {  	v58 =	vmul.f32 v4, v4;
	v59 =	vmul.f32 v6, v6;
	_ =	sdelay $0x1  }
0x40a: {  	v60 =	vld.idx.msk [tilespmem:v56+s25+$0x0], $0xffff;
	v10 =	vadd.f32 v59, v58;
	v61 =	vmul.f32 v8, v8  }
0x40b: {  	v62 =	vld.idx.msk [tilespmem:v57+s25+$0x0], $0xffff  }
0x40c: {  	v23 =	vmul.f32 v9, v9;
	v10 =	vadd.f32 v61, v10  }
0x40d: {  	v63 =	vld.idx.msk [tilespmem:v2+s25+$0x0], $0xffff  }
0x40e: {  	v24 =	vld.idx.msk [tilespmem:v3+s25+$0x0], $0xffff;
	v10 =	vadd.f32 v23, v10  }
0x40f: {  	v25 =	vmul.f32 v4, v60  }
0x410: {  	v26 =	vmul.f32 v6, v62;
	(erf) = vrcp.f32 v10  }
0x411: {  	v28 =	vmul.f32 v4, v62;
	v29 =	vmul.f32 v6, v60  }
0x412: {  	v27 =	vmul.f32 v8, v63;
	v32 =	vmul.f32 v4, v63  }
0x413: {  	v33 =	vmul.f32 v8, v60;
	v30 =	vmul.f32 v9, v24  }
0x414: {  	v31 =	vmul.f32 v9, v63;
	v4 =	vmul.f32 v4, v24;
	v10 =	vadd.f32 v26, v25  }
0x415: {  	v17 =	vsub.f32 v28, v29;
	v12 =	vmul.f32 v9, v60;
	v9 =	vmul.f32 v9, v62  }
0x416: {  	v36 =	vmul.f32 v8, v24;
	v35 =	vsub.f32 v32, v33;
	v10 =	vadd.f32 v27, v10  }
0x417: {  	v8 =	vmul.f32 v8, v62;
	v34 =	vsub.f32 v17, v31;
	v4 =	vsub.f32 v4, v12  }
0x418: {  	v37 =	vmul.f32 v6, v24;
	v9 =	vadd.f32 v9, v35;
	v10 =	vadd.f32 v30, v10  }
0x419: {  	v6 =	vmul.f32 v6, v63;
	v39 =	vadd.f32 v34, v36;
	v4 =	vsub.f32 v4, v8;
	v38 =	vpop (erf)  }
0x41a: {  	v9 =	vsub.f32 v9, v37;
	v40 =	vmul.f32 v38, v10  }
0x41b: {  	v42 =	vor.u32 $0x10, v1;
	v4 =	vadd.f32 v4, v6;
	v41 =	vmul.f32 v38, v39  }
0x41c: {  	v43 =	vor.u32 $0x11, v1;
	v9 =	vmul.f32 v38, v9;
	[tilespmem:v56+s16+$0x0] =	vst.idx.msk $0xffff, v40  }
0x41d: {  	v4 =	vmul.f32 v4, v38;
	[tilespmem:v57+s16+$0x0] =	vst.idx.msk $0xffff, v41  }
0x41e: {  	[tilespmem:v2+s16+$0x0] =	vst.idx.msk $0xffff, v9;
	v2 =	vor.u32 $0x12, v1  }
0x41f: {  	[tilespmem:v3+s16+$0x0] =	vst.idx.msk $0xffff, v4  }
0x420: {  	v3 =	vor.u32 $0x13, v1;
	v4 =	vld.idx.msk [tilespmem:v42+s26+$0x0], $0xffff  }
0x421: {  	v5 =	vld.idx.msk [tilespmem:v43+s26+$0x0], $0xffff;
	_ =	sdelay $0x1  }
0x422: {  	v8 =	vld.idx.msk [tilespmem:v2+s26+$0x0], $0xffff;
	_ =	sdelay $0x1  }
0x423: {  	v9 =	vld.idx.msk [tilespmem:v3+s26+$0x0], $0xffff  }
0x424: {  	v44 =	vmul.f32 v4, v4;
	v45 =	vmul.f32 v5, v5;
	_ =	sdelay $0x1  }
0x425: {  	v46 =	vld.idx.msk [tilespmem:v42+s25+$0x0], $0xffff;
	v10 =	vadd.f32 v45, v44;
	v47 =	vmul.f32 v8, v8  }
0x426: {  	v48 =	vld.idx.msk [tilespmem:v43+s25+$0x0], $0xffff  }
0x427: {  	v50 =	vmul.f32 v9, v9;
	v10 =	vadd.f32 v47, v10  }
0x428: {  	v49 =	vld.idx.msk [tilespmem:v2+s25+$0x0], $0xffff  }
0x429: {  	v51 =	vld.idx.msk [tilespmem:v3+s25+$0x0], $0xffff;
	v10 =	vadd.f32 v50, v10  }
0x42a: {  	v52 =	vmul.f32 v4, v46  }
0x42b: {  	v53 =	vmul.f32 v5, v48;
	(erf) = vrcp.f32 v10  }
0x42c: {  	v55 =	vmul.f32 v4, v48;
	v56 =	vmul.f32 v5, v46  }
0x42d: {  	v54 =	vmul.f32 v8, v49;
	v59 =	vmul.f32 v4, v49  }
0x42e: {  	v60 =	vmul.f32 v8, v46;
	v57 =	vmul.f32 v9, v51  }
0x42f: {  	v58 =	vmul.f32 v9, v49;
	v4 =	vmul.f32 v4, v51;
	v10 =	vadd.f32 v53, v52  }
0x430: {  	v17 =	vsub.f32 v55, v56;
	v12 =	vmul.f32 v9, v46;
	v9 =	vmul.f32 v9, v48  }
0x431: {  	v63 =	vmul.f32 v8, v51;
	v62 =	vsub.f32 v59, v60;
	v10 =	vadd.f32 v54, v10  }
0x432: {  	v8 =	vmul.f32 v8, v48;
	v61 =	vsub.f32 v17, v58;
	v4 =	vsub.f32 v4, v12  }
0x433: {  	v19 =	vmul.f32 v5, v51;
	v9 =	vadd.f32 v9, v62;
	v10 =	vadd.f32 v57, v10  }
0x434: {  	v5 =	vmul.f32 v5, v49;
	v21 =	vadd.f32 v61, v63;
	v4 =	vsub.f32 v4, v8;
	v20 =	vpop (erf)  }
0x435: {  	v9 =	vsub.f32 v9, v19;
	v22 =	vmul.f32 v20, v10  }
0x436: {  	v24 =	vor.u32 $0x14, v1;
	v4 =	vadd.f32 v4, v5;
	v23 =	vmul.f32 v20, v21  }
0x437: {  	v25 =	vor.u32 $0x15, v1;
	v9 =	vmul.f32 v20, v9;
	[tilespmem:v42+s16+$0x0] =	vst.idx.msk $0xffff, v22  }
0x438: {  	v4 =	vmul.f32 v4, v20;
	[tilespmem:v43+s16+$0x0] =	vst.idx.msk $0xffff, v23  }
0x439: {  	[tilespmem:v2+s16+$0x0] =	vst.idx.msk $0xffff, v9;
	v2 =	vor.u32 $0x16, v1  }
0x43a: {  	[tilespmem:v3+s16+$0x0] =	vst.idx.msk $0xffff, v4  }
0x43b: {  	v3 =	vor.u32 $0x17, v1;
	v4 =	vld.idx.msk [tilespmem:v24+s26+$0x0], $0xffff  }
0x43c: {  	v7 =	vld.idx.msk [tilespmem:v25+s26+$0x0], $0xffff;
	_ =	sdelay $0x1  }
0x43d: {  	v8 =	vld.idx.msk [tilespmem:v2+s26+$0x0], $0xffff;
	_ =	sdelay $0x1  }
0x43e: {  	v9 =	vld.idx.msk [tilespmem:v3+s26+$0x0], $0xffff  }
0x43f: {  	v26 =	vmul.f32 v4, v4;
	v27 =	vmul.f32 v7, v7;
	_ =	sdelay $0x1  }
0x440: {  	v28 =	vld.idx.msk [tilespmem:v24+s25+$0x0], $0xffff;
	v10 =	vadd.f32 v27, v26;
	v29 =	vmul.f32 v8, v8  }
0x441: {  	v30 =	vld.idx.msk [tilespmem:v25+s25+$0x0], $0xffff  }
0x442: {  	v32 =	vmul.f32 v9, v9;
	v10 =	vadd.f32 v29, v10  }
0x443: {  	v31 =	vld.idx.msk [tilespmem:v2+s25+$0x0], $0xffff  }
0x444: {  	v33 =	vld.idx.msk [tilespmem:v3+s25+$0x0], $0xffff;
	v10 =	vadd.f32 v32, v10  }
0x445: {  	v34 =	vmul.f32 v4, v28  }
0x446: {  	v35 =	vmul.f32 v7, v30;
	(erf) = vrcp.f32 v10  }
0x447: {  	v37 =	vmul.f32 v4, v30;
	v38 =	vmul.f32 v7, v28  }
0x448: {  	v36 =	vmul.f32 v8, v31;
	v41 =	vmul.f32 v4, v31  }
0x449: {  	v42 =	vmul.f32 v8, v28;
	v39 =	vmul.f32 v9, v33  }
0x44a: {  	v40 =	vmul.f32 v9, v31;
	v4 =	vmul.f32 v4, v33;
	v10 =	vadd.f32 v35, v34  }
0x44b: {  	v17 =	vsub.f32 v37, v38;
	v12 =	vmul.f32 v9, v28;
	v9 =	vmul.f32 v9, v30  }
0x44c: {  	v45 =	vmul.f32 v8, v33;
	v44 =	vsub.f32 v41, v42;
	v10 =	vadd.f32 v36, v10  }
0x44d: {  	v8 =	vmul.f32 v8, v30;
	v43 =	vsub.f32 v17, v40;
	v4 =	vsub.f32 v4, v12  }
0x44e: {  	v46 =	vmul.f32 v7, v33;
	v9 =	vadd.f32 v9, v44;
	v10 =	vadd.f32 v39, v10  }
0x44f: {  	v7 =	vmul.f32 v7, v31;
	v48 =	vadd.f32 v43, v45;
	v4 =	vsub.f32 v4, v8;
	v47 =	vpop (erf)  }
0x450: {  	v9 =	vsub.f32 v9, v46;
	v49 =	vmul.f32 v47, v10  }
0x451: {  	v51 =	vor.u32 $0x18, v1;
	v4 =	vadd.f32 v4, v7;
	v50 =	vmul.f32 v47, v48  }
0x452: {  	v52 =	vor.u32 $0x19, v1;
	v9 =	vmul.f32 v47, v9;
	[tilespmem:v24+s16+$0x0] =	vst.idx.msk $0xffff, v49  }
0x453: {  	v4 =	vmul.f32 v4, v47;
	[tilespmem:v25+s16+$0x0] =	vst.idx.msk $0xffff, v50  }
0x454: {  	[tilespmem:v2+s16+$0x0] =	vst.idx.msk $0xffff, v9;
	v2 =	vor.u32 $0x1A, v1  }
0x455: {  	[tilespmem:v3+s16+$0x0] =	vst.idx.msk $0xffff, v4  }
0x456: {  	v3 =	vor.u32 $0x1B, v1;
	v4 =	vld.idx.msk [tilespmem:v51+s26+$0x0], $0xffff  }
0x457: {  	v6 =	vld.idx.msk [tilespmem:v52+s26+$0x0], $0xffff;
	_ =	sdelay $0x1  }
0x458: {  	v8 =	vld.idx.msk [tilespmem:v2+s26+$0x0], $0xffff;
	_ =	sdelay $0x1  }
0x459: {  	v9 =	vld.idx.msk [tilespmem:v3+s26+$0x0], $0xffff  }
0x45a: {  	v53 =	vmul.f32 v4, v4;
	v54 =	vmul.f32 v6, v6;
	_ =	sdelay $0x1  }
0x45b: {  	v55 =	vld.idx.msk [tilespmem:v51+s25+$0x0], $0xffff;
	v10 =	vadd.f32 v54, v53;
	v56 =	vmul.f32 v8, v8  }
0x45c: {  	v57 =	vld.idx.msk [tilespmem:v52+s25+$0x0], $0xffff  }
0x45d: {  	v59 =	vmul.f32 v9, v9;
	v10 =	vadd.f32 v56, v10  }
0x45e: {  	v58 =	vld.idx.msk [tilespmem:v2+s25+$0x0], $0xffff  }
0x45f: {  	v60 =	vld.idx.msk [tilespmem:v3+s25+$0x0], $0xffff;
	v10 =	vadd.f32 v59, v10  }
0x460: {  	v61 =	vmul.f32 v4, v55  }
0x461: {  	v62 =	vmul.f32 v6, v57;
	(erf) = vrcp.f32 v10  }
0x462: {  	v22 =	vmul.f32 v4, v57;
	v23 =	vmul.f32 v6, v55  }
0x463: {  	v63 =	vmul.f32 v8, v58;
	v26 =	vmul.f32 v4, v58  }
0x464: {  	v27 =	vmul.f32 v8, v55;
	v24 =	vmul.f32 v9, v60  }
0x465: {  	v25 =	vmul.f32 v9, v58;
	v4 =	vmul.f32 v4, v60;
	v10 =	vadd.f32 v62, v61  }
0x466: {  	v17 =	vsub.f32 v22, v23;
	v12 =	vmul.f32 v9, v55;
	v9 =	vmul.f32 v9, v57  }
0x467: {  	v30 =	vmul.f32 v8, v60;
	v29 =	vsub.f32 v26, v27;
	v10 =	vadd.f32 v63, v10  }
0x468: {  	v8 =	vmul.f32 v8, v57;
	v28 =	vsub.f32 v17, v25;
	v4 =	vsub.f32 v4, v12  }
0x469: {  	v31 =	vmul.f32 v6, v60;
	v9 =	vadd.f32 v9, v29;
	v10 =	vadd.f32 v24, v10  }
0x46a: {  	v6 =	vmul.f32 v6, v58;
	v33 =	vadd.f32 v28, v30;
	v4 =	vsub.f32 v4, v8;
	v32 =	vpop (erf)  }
0x46b: {  	v9 =	vsub.f32 v9, v31;
	v34 =	vmul.f32 v32, v10  }
0x46c: {  	v36 =	vor.u32 $0x1C, v1;
	v4 =	vadd.f32 v4, v6;
	v35 =	vmul.f32 v32, v33  }
0x46d: {  	v37 =	vor.u32 $0x1D, v1;
	v9 =	vmul.f32 v32, v9;
	[tilespmem:v51+s16+$0x0] =	vst.idx.msk $0xffff, v34  }
0x46e: {  	v4 =	vmul.f32 v4, v32;
	[tilespmem:v52+s16+$0x0] =	vst.idx.msk $0xffff, v35  }
0x46f: {  	[tilespmem:v2+s16+$0x0] =	vst.idx.msk $0xffff, v9;
	v2 =	vor.u32 $0x1E, v1  }
0x470: {  	[tilespmem:v3+s16+$0x0] =	vst.idx.msk $0xffff, v4  }
0x471: {  	v1 =	vor.u32 $0x1F, v1;
	v3 =	vld.idx.msk [tilespmem:v36+s26+$0x0], $0xffff  }
0x472: {  	v4 =	vld.idx.msk [tilespmem:v37+s26+$0x0], $0xffff;
	_ =	sdelay $0x1  }
0x473: {  	v5 =	vld.idx.msk [tilespmem:v2+s26+$0x0], $0xffff;
	_ =	sdelay $0x1  }
0x474: {  	v8 =	vld.idx.msk [tilespmem:v1+s26+$0x0], $0xffff  }
0x475: {  	v38 =	vmul.f32 v3, v3;
	v39 =	vmul.f32 v4, v4;
	_ =	sdelay $0x1  }
0x476: {  	v40 =	vld.idx.msk [tilespmem:v36+s25+$0x0], $0xffff;
	v9 =	vadd.f32 v39, v38;
	v41 =	vmul.f32 v5, v5  }
0x477: {  	v42 =	vld.idx.msk [tilespmem:v37+s25+$0x0], $0xffff  }
0x478: {  	v43 =	vld.idx.msk [tilespmem:v2+s25+$0x0], $0xffff;
	v44 =	vmul.f32 v8, v8;
	v9 =	vadd.f32 v41, v9  }
0x479: {  	v45 =	vld.idx.msk [tilespmem:v1+s25+$0x0], $0xffff  }
0x47a: {  	v9 =	vadd.f32 v44, v9  }
0x47b: {  	v46 =	vmul.f32 v3, v40  }
0x47c: {  	v47 =	vmul.f32 v4, v42;
	(erf) = vrcp.f32 v9  }
0x47d: {  	v49 =	vmul.f32 v3, v42;
	v50 =	vmul.f32 v4, v40  }
0x47e: {  	v48 =	vmul.f32 v5, v43;
	v51 =	vmul.f32 v8, v45  }
0x47f: {  	v52 =	vmul.f32 v8, v43;
	v53 =	vmul.f32 v3, v43  }
0x480: {  	v54 =	vmul.f32 v5, v40;
	v3 =	vmul.f32 v3, v45;
	v9 =	vadd.f32 v47, v46  }
0x481: {  	v16 =	vsub.f32 v49, v50;
	v11 =	vmul.f32 v8, v40;
	v8 =	vmul.f32 v8, v42  }
0x482: {  	v57 =	vmul.f32 v5, v45;
	v56 =	vsub.f32 v53, v54;
	v9 =	vadd.f32 v48, v9  }
0x483: {  	v5 =	vmul.f32 v5, v42;
	v55 =	vsub.f32 v16, v52;
	v3 =	vsub.f32 v3, v11  }
0x484: {  	v58 =	vmul.f32 v4, v45;
	v8 =	vadd.f32 v8, v56;
	v9 =	vadd.f32 v51, v9  }
0x485: {  	v4 =	vmul.f32 v4, v43;
	v60 =	vadd.f32 v55, v57;
	v3 =	vsub.f32 v3, v5;
	v59 =	vpop (erf)  }
0x486: {  	p1 =	sne.s32 s2, $0xF0;
	v8 =	vsub.f32 v8, v58;
	v61 =	vmul.f32 v59, v9  }
.Ltmp8:
0x487: {  	v3 =	vadd.f32 v3, v4;
	v62 =	vmul.f32 v59, v60;
	(pc) =	sbr.rel @p1 .LBB2_10-.Ltmp8, $4  }
0x488: {  	v63 =	vmul.f32 v59, v8;
	[tilespmem:v36+s16+$0x0] =	vst.idx.msk $0xffff, v61  }
0x489: {  	v3 =	vmul.f32 v3, v59;
	[tilespmem:v37+s16+$0x0] =	vst.idx.msk $0xffff, v62  }
0x48a: {  	[tilespmem:v2+s16+$0x0] =	vst.idx.msk $0xffff, v63  }
0x48b: {  	s2 =	sadd.s32 $0x10, s2;
	[tilespmem:v1+s16+$0x0] =	vst.idx.msk $0xffff, v3  }
0x48c: {  	s2 =	sshll.u32 s19, $0xA  }
0x48d: {  	s28 =	sshll.u32 s19, $0x8;
	s2 =	sadd.s32 s29, s2  }
0x48e: {  	[hbm4b:s2+s4] =	stream.linear.scatter [tilespmem:s16], [sflag:$0xC], $0x2000, $0x38;
	[tilespmem:$0x19000] =	vst v63  }
0x48f: {  	s2 =	sadd.s32 s3, s28  }
0x490: {  	[hbm4b:s2+s4] =	stream.linear.scatter [tilespmem:s18], [sflag:$0x10], $0x800, $0x38;
	[tilespmem:$0x19000] =	vst v63  }
0x491: {  	s2 =	simm.s32 @!p2 $0x4  }
0x492: {  	_ =	swait.ge @!p2 [sflag:s2], $0x100  }
0x493: {  	[sflag:s2] =	ssyncset.done @!p2 $0x0  }
0x494: {  	[sflag:s2] =	ssyncadd.s32 @!p2 $0xFFFFFF00  }
0x495: {  	_ =	swait.ge @!p2 [sflag:s2], $0x100  }
0x496: {  	s17 =	simm.s32 @!p2 $0x300;
	[sflag:s2] =	ssyncset.done @!p2 $0x0  }
0x497: {  	s19 =	simm.s32 @!p2 $0x6800;
	[sflag:s2] =	ssyncadd.s32 @!p2 $0xFFFFFF00;
	s2 =	simm.s32 @!p2 $0x80  }
0x498: {  	[tilespmem:s19], [sflag:$0x8] =	stream.indirect.gather @!p2 [hbm4b:s7+s2], $0x20, s17, s2, $0xb8;
	[tilespmem:$0x19000] =	vst v63  }
0x499: {  	s17 =	simm.s32 @!p2 $0x700;
	s19 =	simm.s32 @!p2 $0xE800  }
0x49a: {  	[tilespmem:s19], [sflag:$0x8] =	stream.indirect.gather @!p2 [hbm4b:s7+s2], $0x20, s17, s2, $0xb8;
	[tilespmem:$0x19000] =	vst v63  }
.Ltmp9:
0x49b: {  	_ = 	snop;
	(pc) =	sbr.rel .LBB2_12-.Ltmp9, $4  }
0x49c: {  	s17 =	simm.s32 @!p2 $0x380;
	s19 =	simm.s32 @!p2 $0x7800  }
0x49d: {  	[tilespmem:s19], [sflag:$0x8] =	stream.indirect.gather @!p2 [hbm4b:s7+s2], $0x20, s17, s2, $0xb8;
	[tilespmem:$0x19000] =	vst v63  }
0x49e: {  	s17 =	simm.s32 @!p2 $0x780;
	s19 =	simm.s32 @!p2 $0xF800  }
0x49f: {  	[tilespmem:s19], [sflag:$0x8] =	stream.indirect.gather @!p2 [hbm4b:s7+s2], $0x20, s17, s2, $0xb8;
	[tilespmem:$0x19000] =	vst v63  }
.LBB2_14:
0x4a0: {  	_ =	sfence.sel $0x180000  }
0x4a1: {  	[bflag:$0x0] =	sbarrier.arrive $0xFFFF  }
0x4a2: {  	_ =	strace $0x90000047  }
0x4a3: {  	s0 =	stileid.u32;
	[bflag:$0x2] =	sbarrier.arrive $0xFFFF  }
0x4a4: {  	p0 =	sne.s32 s0, $0x0;
	s0 =	rddreg [dreg:$0x3]  }
0x4a5: {  	s0 =	sadd.s32 @!p0 $0x100000, s0  }
0x4a6: {  	[sflag:s0] =	ssyncadd.tile.s32 @!p0 $0x1;
	_ =	shalt  }
.Lfunc_end2:
_tile_overlayer_lowered:
.L_overlay_start_2:
0x4a7: {  	(tag) =	ssettag $0x2  }
0x4a8: {  	s0 =	rddreg [dreg:$0x0];
	s2 =	stileid.u32  }
0x4a9: {  	s1 =	rddreg [dreg:$0x1];
	p0 =	sne.s32 s2, $0x0  }
0x4aa: {  	s3 =	rddreg [dreg:$0x2];
	[bflag:$0x3] =	sbarrier.arrive $0xFFFF;
	s2 =	simm.s32 @!p0 $0x1C11  }
0x4ab: {  	[timem:s3], [sflag:s2] =	dma.local @!p0 [hbm:s0], s1  }
0x4ac: {  	s0 =	simm.s32 @!p0 $0x11  }
0x4ad: {  	_ =	swait.ge @!p0 [sflag:s0], s1  }
0x4ae: {  	s1 =	ssub.s32 @!p0 $0x0, s1;
	[sflag:s0] =	ssyncset.done @!p0 $0x0  }
0x4af: {  	[sflag:s0] =	ssyncadd.s32 @!p0 s1  }
0x4b0: {  	[bflag:$0x3] =	sbarrier.arrive $0xFFFF  }
0x4b1: {  	_ =	shalt  }

// kernel: sparse-core-data-format-call.1.cloned.1.call-start
scs
called_computation.1_lowered:
.L_overlay_start_0:
0x0: {  	s1 =	sld [smem:$0x3FD9]  }
0x1: {  	s2 =	sld [smem:$0x3FFE];
	_ =	sdelay $0x1  }
0x2: {  	s3 =	srdreg.scid  }
0x3: {  	s0 =	sand.u32 $0x1, s3  }
0x4: {  	s17 =	sshll.u32 s0, $0xA;
	s1 =	sadd.s32 s2, s1  }
0x5: {  	s1 =	sadd.s32 s1, s17  }
0x6: {  	[smem:$0x3FC5] =	sst s1  }
0x7: {  	_ = 	snop  }
0x8: {  	(tm) =	ssettm $0x1  }
0x9: {  	s18 =	sld [smem:$0x3FFB];
	_ =	sdelay $0x3  }
0xa: {  	_ =	strace s18  }
0xb: {  	s1 =	sld [smem:$0x3FFC];
	_ =	sdelay $0x3  }
0xc: {  	_ =	strace s1  }
0xd: {  	s1 =	sld [smem:$0x3FFD];
	_ =	sdelay $0x3  }
0xe: {  	_ =	strace s1  }
0xf: {  	_ =	strace $0x8FFFFFFF  }
0x10: {  	s19 =	sld [smem:$0x3FDB];
	_ =	sdelay $0x1  }
0x11: {  	s20 =	simm.s32 $_scs_section_size  }
0x12: {  	s4 =	simm.s32 $_size__tile_overlayer_lowered;
	s5 =	simm.s32 $_tile_overlayer_lowered  }
0x13: {  	s23 =	simm.s32 $0x1BFF;
	s22 =	sshll.u32 s5, $0x1;
	s1 =	sadd.s32 s20, s19  }
0x14: {  	s6 =	simm.s32 $0x0;
	s21 =	sshll.u32 s4, $0x1;
	s4 =	sadd.s32 s22, s1  }
0x15: {  	[timem:s6], [sflag:s23] =	dma.local [hbm:s4], s21  }
0x16: {  	_ =	swait.ge [sflag:s23], s21  }
0x17: {  	s2 =	ssub.s32 $0x0, s21;
	[sflag:s23] =	ssyncset.done $0x0  }
0x18: {  	[sflag:s23] =	ssyncadd.s32 s2;
	_ =	sdelay $0x1  }
0x19: {  	s24 =	simm.s32 $0x1B8B  }
0x1a: {  	_ =	swait.ge [sflag:s24], $0x1  }
0x1b: {  	[sflag:s24] =	ssyncset.done $0x0  }
0x1c: {  	s26 =	simm.s32 $0x1B8E;
	s25 =	sld [smem:$0x3FFE];
	[sflag:s24] =	ssyncadd.s32 $0xFFFFFFFF  }
0x1d: {  	s27 =	simm.s32 $execute0_lowered;
	[smem:$0x3FD2] =	sst s26  }
0x1e: {  	s4 =	sshll.u32 s27, $0x1;
	_ =	strace $0x80000049;
	[dreg:$0x1] =	wrdreg $0xFFFFFFFF  }
0x1f: {  	s28 =	simm.s32 $_size_execute0_lowered;
	s1 =	sadd.s32 s1, s4;
	[dreg:$0x0] =	wrdreg $0x0  }
0x20: {  	s4 =	sshll.u32 s28, $0x1;
	[dreg:$0x2] =	wrdreg s1  }
0x21: {  	[dreg:$0x3] =	wrdreg s4  }
0x22: {  	[dreg:$0x4] =	wrdreg $0xC0  }
0x23: {  	_ =	task [dreg:s6], $0x5FFFF  }
0x24: {  	[dreg:$0x1] =	wrdreg $0xFFFFFFFF  }
0x25: {  	[dreg:$0x0] =	wrdreg $0x60  }
0x26: {  	[dreg:$0x2] =	wrdreg s25  }
0x27: {  	[dreg:$0x3] =	wrdreg $0xA  }
0x28: {  	_ =	task.clear_ibuf [dreg:s6], $0x4FFFF;
	_ =	strace $0x90000049  }
0x29: {  	s29 =	simm.s32 $0xA;
	_ =	strace $0x8000004B  }
0x2a: {  	_ =	swait.ge [sflag:s29], $0x1  }
0x2b: {  	[sflag:s29] =	ssyncadd.s32 $0xFFFFFFFF  }
0x2c: {  	_ =	strace $0x9000004B  }
0x2d: {  	_ =	sfence  }
0x2e: {  	s30 =	sld [smem:$0x0];
	_ =	sdelay $0x2  }
0x2f: {  	s31 =	sshll.u32 s3, $0xD;
	s3 =	sshrl.u32 s3, $0x2  }
0x30: {  	s2 =	sand.u32 $0x4000, s31;
	s1 =	sadd.s32 s3, s30  }
0x31: {  	s0 =	sor.u32 s2, s0;
	s1 =	sshll.u32 s1, $0x11  }
0x32: {  	s0 =	sor.u32 s1, s0  }
0x33: {  	s0 =	sadd.s32 $0x8F2B, s0  }
0x34: {  	[sflag:s0] =	ssyncadd.remote.s32 $0x1  }
0x35: {  	_ =	sfence.sel $0xFFFF  }
0x36: {  	[dreg:$0x0] =	wrdreg $0xFFFFFFFF;
	(pc) =	sbr.abs _section_cstart, $3  }
0x37: {  	[dreg:$0x1] =	wrdreg $0xFFFFFFFF  }
0x38: {  	_ =	task.clear_ibuf [dreg:s6], $0x2FFFF;
	_ =	strace $0x9FFFFFFF  }
0x39: {  	(tm) =	ssettm $0x7FFFFFFF  }
tec
execute0_lowered:
.L_overlay_start_1:
0x0: {  	(tag) =	ssettag $0x1  }
0x1: {  	s0 =	srdreg.scid  }
0x2: {  	s1 =	sshll.u32 s0, $0x4  }
0x3: {  	s4 =	rddreg [dreg:$0x0];
	s0 =	stileid.u32;
	s1 =	sand.u32 $0x10, s1  }
0x4: {  	s7 =	simm.s32 $0x1;
	s8 =	simm.s32 $0x2;
	s1 =	sor.u32 s0, s1  }
0x5: {  	s11 =	simm.s32 $0x0;
	s10 =	simm.s32 $0x0;
	s2 =	sshll.u32 s1, $0x7  }
0x6: {  	s3 =	sadd.s32 $0x1000, s4;
	s4 =	sadd.s32 $0x186B000, s4;
	s6 =	ssub.s32 $0x186A00, s2  }
.Ltmp0:
0x7: {  	s1 =	rddreg [dreg:$0x1];
	s5 =	sand.u32 $0xF80, s6;
	(pc) =	sbr.rel .LBB1_1-.Ltmp0, $4  }
0x8: {  	_ =	strace $0x8000004A;
	s9 =	smov.u32 s2;
	p0 =	sne.s32 s5, $0x0  }
0x9: {  	s6 =	sshrl.u32 s6, $0xC;
	s5 =	simm.s32 $0x1;
	s7 =	simm.s32 @!p0 $0x0  }
0xa: {  	[sflag:s5] =	ssyncpa.u1 $0x0;
	p0 =	por $0x0, $0x0;
	s6 =	sadd.s32 s7, s6  }
0xb: {  	[sflag:s8] =	ssyncpa.u1 $0x0;
	s8 =	simm.s32 $0xC35000;
	s7 =	sadd.s32 $0x1, s6  }
.LBB1_4:
0xc: {  	s14 =	sshll.u32 s11, $0x3  }
0xd: {  	s14 =	sand.u32 $0xFFFFFC00, s14  }
0xe: {  	s15 =	sshrl.u32 s14, $0x9  }
0xf: {  	s15 =	smulhi.u32 $0xA7C5AD, s15;
	_ =	sdelay $0x1  }
0x10: {  	s15 =	sshrl.u32 s15, $0x3  }
0x11: {  	s28 =	sand.u32 $0x7F, s11;
	s16 =	smul.u32 $0x186A00, s15  }
0x12: {  	s11 =	sor.u32 s28, s14  }
0x13: {  	s29 =	sand.u32 $0x1F, s15;
	s11 =	ssub.s32 s11, s16  }
0x14: {  	s14 =	smul.u32 $0x30D40, s29;
	s30 =	sshrl.u32 s11, $0x3;
	s11 =	sand.u32 $0x7, s11  }
0x15: {  	s15 =	sadd.s32 s4, s30;
	s11 =	sshll.u32 s11, $0x12  }
0x16: {  	[tilespmem:s13+$0x0 ss:$0x81] =	vst.msk $0xffff, v0;
	s31 =	sadd.s32 s14, s15;
	s11 =	sor.u32 $0x400, s11  }
0x17: {  	[hbm4b:s31+s11] =	stream.strided.scatter [tilespmem:s12], [sflag:$0x2], $0x1000, s8, s11, $0x20;
	[tilespmem:$0x4040] =	vst v63  }
.LBB1_5:
0x18: {  	s13 =	sadd.s32 $0x1000, s9  }
0x19: {  	p2 =	sgt.s32 s13, $0x1869FF  }
0x1a: {  	s13 =	smov.u32 @p2 s2;
	p2 =	sne.s32 s10, s7  }
.Ltmp1:
0x1b: {  	p1 =	slt.u32 s10, $0x2;
	(pc) =	sbr.rel @!p2 .LBB1_6-.Ltmp1, $4  }
0x1c: {  	s12 =	simm.s32 @!p1 $0x2  }
0x1d: {  	s14 =	sadd.s32 $0x1, s10;
	_ =	swait.ge @!p1 [sflag:s12], $0x1000  }
0x1e: {  	s11 =	smov.u32 s9;
	p0 =	por !p0, !p0;
	[sflag:s12] =	ssyncset.done @!p1 $0x0  }
0x1f: {  	s10 =	smov.u32 s14;
	s9 =	smov.u32 s13;
	[sflag:s12] =	ssyncadd.s32 @!p1 $0xFFFFF000  }
.LBB1_1:
0x20: {  	p1 =	sge.u32 s10, s6  }
0x21: {  	s12 =	sand.u32 @!p1 $0x1FFFFFF, s9  }
0x22: {  	s13 =	smulhi.u32 @!p1 $0x14F8B59, s12;
	_ =	sdelay $0x1  }
0x23: {  	s13 =	sshrl.u32 @!p1 s13, $0xD  }
0x24: {  	s13 =	smul.u32 @!p1 $0x186A00, s13;
	_ =	sdelay $0x1  }
0x25: {  	s31 =	sadd.s32 $0xFFFFFFFF, s10;
	s14 =	sxor.u32 @!p1 $0xFFFFFFFF, s10;
	s12 =	ssub.s32 @!p1 s12, s13  }
0x26: {  	s15 =	simm.s32 @!p1 $0x80;
	s14 =	sshll.u32 @!p1 s14, $0xC;
	s12 =	sshll.u32 @!p1 s12, $0x4  }
0x27: {  	s13 =	sand.u32 @!p1 $0x1000, s14;
	s14 =	simm.s32 @!p1 $0x20;
	s12 =	sadd.s32 @!p1 s3, s12  }
0x28: {  	[tilespmem:s13], [sflag:$0x1] =	stream.strided.gather @!p1 [hbm4b:s12+s14], $0x1000, s15, s14, $0x38;
	[tilespmem:$0x4040] =	vst v63  }
0x29: {  	p1 =	sge.u32 s31, s6  }
.Ltmp2:
0x2a: {  	_ = 	snop;
	(pc) =	sbr.rel @p1 .LBB1_5-.Ltmp2, $1  }
0x2b: {  	_ =	sdelay $0x3  }
0x2c: {  	s12 =	simm.s32 $0x1  }
0x2d: {  	_ =	swait.ge [sflag:s5], $0x1000;
	s12 =	simm.s32 @!p0 $0x0  }
0x2e: {  	[sflag:s5] =	ssyncset.done $0x0;
	s13 =	sshll.u32 s12, $0xC  }
0x2f: {  	[sflag:s5] =	ssyncadd.s32 $0xFFFFF000;
	s16 =	sor.u32 $0x10, s13  }
0x30: {  	s12 =	smul.u32 $0x4080, s12;
	v1 =	vld [tilespmem:s16+$0x0]  }
0x31: {  	s30 =	sand.u32 $0x1, s10;
	v0 =	vld [tilespmem:s16+$0xFFFFFFF0]  }
0x32: {  	s13 =	smul.u32 $0x4080, s30;
	s12 =	sshrl.u32 s12, $0x2  }
0x33: {  	s14 =	sor.u32 $0x2000, s12  }
0x34: {  	s31 =	sshrl.u32 s13, $0x2;
	s13 =	sadd.s32 $0x0, s14  }
0x35: {  	s15 =	simm.s32 $0x4;
	s16 =	sadd.s32 $0x20, s16;
	s12 =	sor.u32 $0x2000, s31;
	[tilespmem:s13+$0x810 ss:$0x81] =	vst.msk $0xffff, v1  }
.LBB1_3:
0x36: {  	v1 =	vld [tilespmem:s16+$0x0];
	p1 =	sne.s32 s15, $0x1FC;
	[tilespmem:s13+$0x0 ss:$0x81] =	vst.msk $0xffff, v0;
	s13 =	smov.u32 s15;
	s15 =	sadd.s32 $0x4, s15  }
.Ltmp3:
0x37: {  	v0 =	vld [tilespmem:s16+$0xFFFFFFF0];
	(pc) =	sbr.rel @p1 .LBB1_3-.Ltmp3, $4  }
0x38: {  	_ = 	snop  }
0x39: {  	s13 =	sshra.s32 s13, $0x2  }
0x3a: {  	s13 =	sadd.s32 s13, s14  }
0x3b: {  	s16 =	sadd.s32 $0x20, s16;
	[tilespmem:s13+$0x810 ss:$0x81] =	vst.msk $0xffff, v1  }
.Ltmp4:
0x3c: {  	_ = 	snop;
	(pc) =	sbr.rel .LBB1_4-.Ltmp4, $1  }
0x3d: {  	_ =	sdelay $0x3  }
.LBB1_6:
0x3e: {  	_ =	sfence.sel $0x180000  }
0x3f: {  	s2 =	simm.s32 $0x1;
	[bflag:$0x0] =	sbarrier.arrive $0xFFFF  }
0x40: {  	s31 =	simm.s32 $0x2;
	[sflag:s2] =	ssyncpa.u1 $0x1  }
0x41: {  	[sflag:s31] =	ssyncpa.u1 $0x1  }
0x42: {  	p0 =	sne.s32 s0, $0x0;
	_ =	strace $0x9000004A  }
0x43: {  	s0 =	sadd.s32 @!p0 $0x100000, s1;
	[bflag:$0x2] =	sbarrier.arrive $0xFFFF  }
0x44: {  	[sflag:s0] =	ssyncadd.tile.s32 @!p0 $0x1;
	_ =	shalt  }
.Lfunc_end1:
_tile_overlayer_lowered:
.L_overlay_start_2:
0x45: {  	(tag) =	ssettag $0x2  }
0x46: {  	s0 =	rddreg [dreg:$0x0];
	s2 =	stileid.u32  }
0x47: {  	s1 =	rddreg [dreg:$0x1];
	p0 =	sne.s32 s2, $0x0  }
0x48: {  	s3 =	rddreg [dreg:$0x2];
	[bflag:$0x3] =	sbarrier.arrive $0xFFFF;
	s2 =	simm.s32 @!p0 $0x1C01  }
0x49: {  	[timem:s3], [sflag:s2] =	dma.local @!p0 [hbm:s0], s1  }
0x4a: {  	s0 =	simm.s32 @!p0 $0x1  }
0x4b: {  	_ =	swait.ge @!p0 [sflag:s0], s1  }
0x4c: {  	s1 =	ssub.s32 @!p0 $0x0, s1;
	[sflag:s0] =	ssyncset.done @!p0 $0x0  }
0x4d: {  	[sflag:s0] =	ssyncadd.s32 @!p0 s1  }
0x4e: {  	[bflag:$0x3] =	sbarrier.arrive $0xFFFF  }
0x4f: {  	_ =	shalt  }

// kernel: sparse-core-data-format-call.cloned.1.call-start
scs
called_computation_lowered:
.L_overlay_start_0:
0x0: {  	s2 =	sld [smem:$0x3FD9]  }
0x1: {  	s3 =	sld [smem:$0x3FFE];
	_ =	sdelay $0x1  }
0x2: {  	s1 =	srdreg.scid  }
0x3: {  	s0 =	sand.u32 $0x1, s1  }
0x4: {  	s16 =	sshll.u32 s0, $0xA;
	s2 =	sadd.s32 s3, s2  }
0x5: {  	s2 =	sadd.s32 s2, s16  }
0x6: {  	[smem:$0x3FC5] =	sst s2  }
0x7: {  	_ = 	snop  }
0x8: {  	s2 =	sld [smem:$0x3FD0];
	_ =	sdelay $0x2  }
0x9: {  	s17 =	simm.s32 $0xB;
	s4 =	simm.s32 $0x10  }
0xa: {  	[smem:s4], [sflag:s17] =	dma.local [hbm:s2], $0x1  }
0xb: {  	_ =	swait.eq [sflag:s17], $0x1  }
0xc: {  	[sflag:s17] =	ssyncset.done $0x0  }
0xd: {  	[sflag:s17] =	ssyncadd.s32 $0xFFFFFFFF  }
0xe: {  	s18 =	sld [smem:$0x11];
	(tm) =	ssettm $0x1  }
0xf: {  	s19 =	sld [smem:$0x3FFB];
	_ =	sdelay $0x3  }
0x10: {  	_ =	strace s19  }
0x11: {  	s2 =	sld [smem:$0x3FFC];
	_ =	sdelay $0x3  }
0x12: {  	_ =	strace s2  }
0x13: {  	s2 =	sld [smem:$0x3FFD];
	_ =	sdelay $0x3  }
0x14: {  	_ =	strace s2  }
0x15: {  	_ =	strace $0x8FFFFFFF  }
0x16: {  	s20 =	sld [smem:$0x3FDB];
	_ =	sdelay $0x1  }
0x17: {  	s21 =	simm.s32 $_scs_section_size  }
0x18: {  	s5 =	simm.s32 $_size__tile_overlayer_lowered;
	s6 =	simm.s32 $_tile_overlayer_lowered  }
0x19: {  	s7 =	simm.s32 $0x1BFF;
	s22 =	sshll.u32 s6, $0x1;
	s4 =	sadd.s32 s21, s20  }
0x1a: {  	s23 =	simm.s32 $0x0;
	s5 =	sshll.u32 s5, $0x1;
	s6 =	sadd.s32 s22, s4  }
0x1b: {  	[timem:s23], [sflag:s7] =	dma.local [hbm:s6], s5  }
0x1c: {  	_ =	swait.ge [sflag:s7], s5  }
0x1d: {  	s5 =	ssub.s32 $0x0, s5;
	[sflag:s7] =	ssyncset.done $0x0  }
0x1e: {  	[sflag:s7] =	ssyncadd.s32 s5;
	_ =	sdelay $0x1  }
0x1f: {  	s24 =	simm.s32 $0x1B8B  }
0x20: {  	_ =	swait.ge [sflag:s24], $0x1  }
0x21: {  	[sflag:s24] =	ssyncset.done $0x0  }
0x22: {  	[sflag:s24] =	ssyncadd.s32 $0xFFFFFFFF  }
0x23: {  	s5 =	sld [smem:$0x0]  }
0x24: {  	s6 =	sand.u32 $0xFFFFFFFE, s1  }
0x25: {  	p0 =	sne.s32 s1, s6  }
0x26: {  	s6 =	sshll.u32 @p0 s6, $0xE  }
0x27: {  	s6 =	sadd.s32 @p0 $0x11B8D, s6;
	s7 =	sshll.u32 @p0 s5, $0x11  }
0x28: {  	s6 =	sor.u32 @p0 s7, s6  }
0x29: {  	[sflag:s6] =	ssyncadd.remote.s32 @p0 $0x1;
	_ =	sdelay $0x1  }
0x2a: {  	s6 =	simm.s32 @p0 $0x1B8D  }
0x2b: {  	_ =	swait.eq @p0 [sflag:s6], $0x1  }
0x2c: {  	[sflag:s6] =	ssyncadd.s32 @p0 $0xFFFFFFFF  }
0x2d: {  	s7 =	sshll.u32 @!p0 s1, $0xE  }
0x2e: {  	s7 =	sor.u32 @!p0 $0x4000, s7;
	s6 =	simm.s32 @!p0 $0x1B8D  }
0x2f: {  	s5 =	sshll.u32 @!p0 s5, $0x11;
	s7 =	sadd.s32 @!p0 $0x11B8D, s7;
	_ =	swait.eq @!p0 [sflag:s6], $0x1  }
0x30: {  	s5 =	sor.u32 @!p0 s5, s7;
	[sflag:s6] =	ssyncadd.s32 @!p0 $0xFFFFFFFF  }
0x31: {  	s26 =	simm.s32 $0x1B8E;
	s25 =	sld [smem:$0x3FFE];
	[sflag:s5] =	ssyncadd.remote.s32 @!p0 $0x1  }
0x32: {  	s27 =	simm.s32 $execute0_lowered;
	[smem:$0x3FD2] =	sst s26  }
0x33: {  	s6 =	sshll.u32 s27, $0x1;
	_ =	strace $0x8000004C;
	[dreg:$0x1] =	wrdreg $0xFFFFFFFF  }
0x34: {  	s28 =	simm.s32 $_size_execute0_lowered;
	s4 =	sadd.s32 s4, s6;
	[dreg:$0x0] =	wrdreg $0x0  }
0x35: {  	s6 =	sshll.u32 s28, $0x1;
	[dreg:$0x2] =	wrdreg s4  }
0x36: {  	[dreg:$0x3] =	wrdreg s6  }
0x37: {  	[dreg:$0x4] =	wrdreg $0xC0  }
0x38: {  	_ =	task [dreg:s23], $0x5FFFF  }
0x39: {  	[dreg:$0x1] =	wrdreg $0xFFFFFFFF  }
0x3a: {  	[dreg:$0x0] =	wrdreg $0x60  }
0x3b: {  	[dreg:$0x2] =	wrdreg s25  }
0x3c: {  	[dreg:$0x3] =	wrdreg s18  }
0x3d: {  	[dreg:$0x4] =	wrdreg $0x9  }
0x3e: {  	_ =	task.clear_ibuf [dreg:s23], $0x5FFFF;
	_ =	strace $0x9000004C  }
0x3f: {  	s29 =	simm.s32 $0x9;
	_ =	strace $0x8000004E  }
0x40: {  	_ =	swait.ge [sflag:s29], $0x1  }
0x41: {  	[sflag:s29] =	ssyncadd.s32 $0xFFFFFFFF  }
0x42: {  	_ =	strace $0x9000004E  }
0x43: {  	_ =	sfence  }
0x44: {  	s30 =	sld [smem:$0x0];
	_ =	sdelay $0x2  }
0x45: {  	s31 =	sshll.u32 s1, $0xD;
	s1 =	sshrl.u32 s1, $0x2  }
0x46: {  	s4 =	sand.u32 $0x4000, s31;
	s1 =	sadd.s32 s1, s30  }
0x47: {  	s0 =	sor.u32 s4, s0;
	s1 =	sshll.u32 s1, $0x11  }
0x48: {  	s0 =	sor.u32 s1, s0  }
0x49: {  	s0 =	sadd.s32 $0x8F2B, s0  }
0x4a: {  	[sflag:s0] =	ssyncadd.remote.s32 $0x1  }
0x4b: {  	_ =	sfence.sel $0xFFFF  }
0x4c: {  	[dreg:$0x0] =	wrdreg $0xFFFFFFFF;
	(pc) =	sbr.abs _section_cstart, $3  }
0x4d: {  	[dreg:$0x1] =	wrdreg $0xFFFFFFFF  }
0x4e: {  	_ =	task.clear_ibuf [dreg:s23], $0x2FFFF;
	_ =	strace $0x9FFFFFFF  }
0x4f: {  	(tm) =	ssettm $0x7FFFFFFF  }
tec
execute0_lowered:
.L_overlay_start_1:
0x0: {  	(tag) =	ssettag $0x1  }
0x1: {  	s0 =	srdreg.scid  }
0x2: {  	s1 =	sshll.u32 s0, $0x4  }
0x3: {  	s6 =	rddreg [dreg:$0x0];
	s0 =	stileid.u32;
	s1 =	sand.u32 $0x10, s1  }
0x4: {  	s3 =	rddreg [dreg:$0x1];
	s1 =	sor.u32 s0, s1  }
0x5: {  	s7 =	simm.s32 $0x1;
	s8 =	simm.s32 $0x2;
	s2 =	sshll.u32 s1, $0x7  }
0x6: {  	s10 =	simm.s32 $0x0;
	s9 =	simm.s32 $0x0;
	s5 =	ssub.s32 $0x186A00, s2  }
.Ltmp0:
0x7: {  	s6 =	sadd.s32 $0x1E85800, s6;
	s4 =	sand.u32 $0xF80, s5;
	(pc) =	sbr.rel .LBB1_1-.Ltmp0, $4  }
0x8: {  	s1 =	rddreg [dreg:$0x2];
	_ =	strace $0x8000004D;
	p0 =	sne.s32 s4, $0x0  }
0x9: {  	s5 =	sshrl.u32 s5, $0xC;
	s4 =	simm.s32 $0x1;
	s7 =	simm.s32 @!p0 $0x0  }
0xa: {  	[sflag:s4] =	ssyncpa.u1 $0x0;
	p0 =	por $0x0, $0x0;
	s5 =	sadd.s32 s7, s5  }
0xb: {  	[sflag:s8] =	ssyncpa.u1 $0x0;
	s8 =	smov.u32 s2;
	s7 =	sadd.s32 $0x1, s5  }
.LBB1_4:
0xc: {  	[tilespmem:s20+$0xFFFFFFFA ss:$0x81] =	vst.msk $0xff, v4  }
0xd: {  	v4 =	vld.msk [tilespmem:s21+$0xFFFFFFF0], $0xff;
	_ =	sdelay $0x3  }
0xe: {  	[tilespmem:s18+$0xFFFFFFFB ss:$0x81] =	vst.msk $0xff, v3  }
0xf: {  	v3 =	vld.msk [tilespmem:s19+$0xFFFFFFF8], $0xff;
	[tilespmem:s20+$0xFFFFFFFB ss:$0x81] =	vst.msk $0xff, v4  }
0x10: {  	v4 =	vld.msk [tilespmem:s21+$0xFFFFFFF8], $0xff;
	_ =	sdelay $0x3  }
0x11: {  	v5 =	vld.msk [tilespmem:s17+$0x0], $0xff;
	[tilespmem:s18+$0xFFFFFFFC ss:$0x81] =	vst.msk $0xff, v3  }
0x12: {  	v3 =	vld.msk [tilespmem:s19+$0x0], $0xff;
	[tilespmem:s20+$0xFFFFFFFC ss:$0x81] =	vst.msk $0xff, v4  }
0x13: {  	v4 =	vld.msk [tilespmem:s21+$0x0], $0xff;
	_ =	sdelay $0x2  }
0x14: {  	[tilespmem:s16+$0xFFFFFFFD ss:$0x81] =	vst.msk $0xff, v5  }
0x15: {  	v5 =	vld.msk [tilespmem:s17+$0x8], $0xff;
	[tilespmem:s18+$0xFFFFFFFD ss:$0x81] =	vst.msk $0xff, v3  }
0x16: {  	v3 =	vld.msk [tilespmem:s19+$0x8], $0xff;
	[tilespmem:s20+$0xFFFFFFFD ss:$0x81] =	vst.msk $0xff, v4  }
0x17: {  	v4 =	vld.msk [tilespmem:s21+$0x8], $0xff;
	_ =	sdelay $0x1  }
0x18: {  	[tilespmem:s13+$0xFFFFFFFE ss:$0x81] =	vst.msk $0xff, v2  }
0x19: {  	v2 =	vld.msk [tilespmem:s15+$0x10], $0xff;
	[tilespmem:s16+$0xFFFFFFFE ss:$0x81] =	vst.msk $0xff, v5  }
0x1a: {  	v5 =	vld.msk [tilespmem:s17+$0x10], $0xff;
	[tilespmem:s18+$0xFFFFFFFE ss:$0x81] =	vst.msk $0xff, v3  }
0x1b: {  	v3 =	vld.msk [tilespmem:s19+$0x10], $0xff;
	[tilespmem:s20+$0xFFFFFFFE ss:$0x81] =	vst.msk $0xff, v4  }
0x1c: {  	s23 =	sshll.u32 s10, $0x3;
	v4 =	vld.msk [tilespmem:s21+$0x10], $0xff  }
0x1d: {  	[tilespmem:s12+$0xFFFFFFFF ss:$0x81] =	vst.msk $0xff, v1;
	s23 =	sand.u32 $0xFFFFFC00, s23  }
0x1e: {  	v1 =	vld.msk [tilespmem:s14+$0x18], $0xff;
	s27 =	sshrl.u32 s23, $0x9;
	[tilespmem:s13+$0xFFFFFFFF ss:$0x81] =	vst.msk $0xff, v2  }
0x1f: {  	s14 =	smulhi.u32 $0xA7C5AD, s27;
	v2 =	vld.msk [tilespmem:s15+$0x18], $0xff;
	[tilespmem:s16+$0xFFFFFFFF ss:$0x81] =	vst.msk $0xff, v5  }
0x20: {  	v61 =	vld.msk [tilespmem:s17+$0x18], $0xff;
	[tilespmem:s18+$0xFFFFFFFF ss:$0x81] =	vst.msk $0xff, v3  }
0x21: {  	s14 =	sshrl.u32 s14, $0x3;
	v62 =	vld.msk [tilespmem:s19+$0x18], $0xff;
	[tilespmem:s20+$0xFFFFFFFF ss:$0x81] =	vst.msk $0xff, v4  }
0x22: {  	[tilespmem:s11+$0x0 ss:$0x81] =	vst.msk $0xff, v0;
	s28 =	sand.u32 $0x7F, s10;
	s29 =	smul.u32 $0x186A00, s14;
	v63 =	vld.msk [tilespmem:s21+$0x18], $0xff  }
0x23: {  	s10 =	sor.u32 s28, s23;
	[tilespmem:s12+$0x0 ss:$0x81] =	vst.msk $0xff, v1  }
0x24: {  	s30 =	sand.u32 $0x7, s14;
	s10 =	ssub.s32 s10, s29;
	[tilespmem:s13+$0x0 ss:$0x81] =	vst.msk $0xff, v2  }
0x25: {  	s11 =	smul.u32 $0x30D40, s30;
	s31 =	sshrl.u32 s10, $0x3;
	[tilespmem:s16+$0x0 ss:$0x81] =	vst.msk $0xff, v61  }
0x26: {  	s12 =	sadd.s32 s3, s31;
	[tilespmem:s18+$0x0 ss:$0x81] =	vst.msk $0xff, v62  }
0x27: {  	s10 =	sand.u32 $0x7, s10;
	s11 =	sadd.s32 s11, s12;
	[tilespmem:s20+$0x0 ss:$0x81] =	vst.msk $0xff, v63  }
0x28: {  	[hbm4b:s11+s10] =	stream.linear.scatter [tilespmem:s22], [sflag:$0x2], $0x400, $0x20;
	[tilespmem:$0x1010] =	vst v63  }
.LBB1_5:
0x29: {  	s12 =	sadd.s32 $0x1000, s8  }
0x2a: {  	p2 =	sgt.s32 s12, $0x1869FF  }
0x2b: {  	s12 =	smov.u32 @p2 s2;
	p2 =	sne.s32 s9, s7  }
.Ltmp1:
0x2c: {  	p1 =	slt.u32 s9, $0x2;
	(pc) =	sbr.rel @!p2 .LBB1_6-.Ltmp1, $4  }
0x2d: {  	s11 =	simm.s32 @!p1 $0x2  }
0x2e: {  	s13 =	sadd.s32 $0x1, s9;
	_ =	swait.ge @!p1 [sflag:s11], $0x400  }
0x2f: {  	s10 =	smov.u32 s8;
	p0 =	por !p0, !p0;
	[sflag:s11] =	ssyncset.done @!p1 $0x0  }
0x30: {  	s9 =	smov.u32 s13;
	s8 =	smov.u32 s12;
	[sflag:s11] =	ssyncadd.s32 @!p1 $0xFFFFFC00  }
.LBB1_1:
0x31: {  	p1 =	sge.u32 s9, s5  }
0x32: {  	s11 =	sand.u32 @!p1 $0x1FFFFFF, s8  }
0x33: {  	s12 =	smulhi.u32 @!p1 $0x14F8B59, s11;
	_ =	sdelay $0x1  }
0x34: {  	s12 =	sshrl.u32 @!p1 s12, $0xD  }
0x35: {  	s12 =	smul.u32 @!p1 $0x186A00, s12;
	_ =	sdelay $0x1  }
0x36: {  	s31 =	sadd.s32 $0xFFFFFFFF, s9;
	s13 =	sxor.u32 @!p1 $0xFFFFFFFF, s9;
	s11 =	ssub.s32 @!p1 s11, s12  }
0x37: {  	s14 =	simm.s32 @!p1 $0x80;
	s13 =	sshll.u32 @!p1 s13, $0xA;
	s11 =	sshll.u32 @!p1 s11, $0x4  }
0x38: {  	s12 =	sand.u32 @!p1 $0x400, s13;
	s13 =	simm.s32 @!p1 $0x8;
	s11 =	sadd.s32 @!p1 s6, s11  }
0x39: {  	[tilespmem:s12], [sflag:$0x1] =	stream.strided.gather @!p1 [hbm4b:s11+s13], $0x400, s14, s13, $0x38;
	[tilespmem:$0x1010] =	vst v63  }
0x3a: {  	p1 =	sge.u32 s31, s5  }
.Ltmp2:
0x3b: {  	_ = 	snop;
	(pc) =	sbr.rel @p1 .LBB1_5-.Ltmp2, $1  }
0x3c: {  	_ =	sdelay $0x3  }
0x3d: {  	s11 =	simm.s32 $0x1  }
0x3e: {  	_ =	swait.ge [sflag:s4], $0x400;
	s11 =	simm.s32 @!p0 $0x0  }
0x3f: {  	[sflag:s4] =	ssyncset.done $0x0;
	s12 =	sshll.u32 s11, $0xA  }
0x40: {  	[sflag:s4] =	ssyncadd.s32 $0xFFFFFC00;
	s20 =	sor.u32 $0x20, s12  }
0x41: {  	v0 =	vld.msk [tilespmem:s20+$0xFFFFFFE0], $0xff  }
0x42: {  	s11 =	smul.u32 $0x1020, s11;
	_ =	sdelay $0x1  }
0x43: {  	s11 =	sshrl.u32 s11, $0x2  }
0x44: {  	s11 =	sor.u32 $0x807, s11  }
0x45: {  	[tilespmem:s11+$0xFFFFFFF9 ss:$0x81] =	vst.msk $0xff, v0  }
0x46: {  	v0 =	vld.msk [tilespmem:s20+$0xFFFFFFE8], $0xff  }
0x47: {  	s14 =	sadd.s32 $0x40, s20  }
0x48: {  	v1 =	vld.msk [tilespmem:s14+$0xFFFFFFE0], $0xff;
	_ =	sdelay $0x2  }
0x49: {  	[tilespmem:s11+$0xFFFFFFFA ss:$0x81] =	vst.msk $0xff, v0  }
0x4a: {  	s12 =	sadd.s32 $0x8, s11;
	v0 =	vld.msk [tilespmem:s20+$0xFFFFFFF0], $0xff  }
0x4b: {  	[tilespmem:s12+$0xFFFFFFF9 ss:$0x81] =	vst.msk $0xff, v1  }
0x4c: {  	v1 =	vld.msk [tilespmem:s14+$0xFFFFFFE8], $0xff  }
0x4d: {  	s15 =	sadd.s32 $0x40, s14  }
0x4e: {  	v2 =	vld.msk [tilespmem:s15+$0xFFFFFFE0], $0xff  }
0x4f: {  	[tilespmem:s11+$0xFFFFFFFB ss:$0x81] =	vst.msk $0xff, v0  }
0x50: {  	v0 =	vld.msk [tilespmem:s20+$0xFFFFFFF8], $0xff  }
0x51: {  	[tilespmem:s12+$0xFFFFFFFA ss:$0x81] =	vst.msk $0xff, v1  }
0x52: {  	s13 =	sadd.s32 $0x8, s12;
	v1 =	vld.msk [tilespmem:s14+$0xFFFFFFF0], $0xff  }
0x53: {  	[tilespmem:s13+$0xFFFFFFF9 ss:$0x81] =	vst.msk $0xff, v2  }
0x54: {  	s17 =	sadd.s32 $0x40, s15;
	v2 =	vld.msk [tilespmem:s15+$0xFFFFFFE8], $0xff  }
0x55: {  	[tilespmem:s11+$0xFFFFFFFC ss:$0x81] =	vst.msk $0xff, v0;
	v0 =	vld.msk [tilespmem:s17+$0xFFFFFFE0], $0xff  }
0x56: {  	v3 =	vld.msk [tilespmem:s20+$0x0], $0xff  }
0x57: {  	[tilespmem:s12+$0xFFFFFFFB ss:$0x81] =	vst.msk $0xff, v1  }
0x58: {  	v1 =	vld.msk [tilespmem:s14+$0xFFFFFFF8], $0xff  }
0x59: {  	s16 =	sadd.s32 $0x8, s13;
	[tilespmem:s13+$0xFFFFFFFA ss:$0x81] =	vst.msk $0xff, v2  }
0x5a: {  	v2 =	vld.msk [tilespmem:s15+$0xFFFFFFF0], $0xff;
	[tilespmem:s16+$0xFFFFFFF9 ss:$0x81] =	vst.msk $0xff, v0  }
0x5b: {  	v0 =	vld.msk [tilespmem:s17+$0xFFFFFFE8], $0xff;
	[tilespmem:s11+$0xFFFFFFFD ss:$0x81] =	vst.msk $0xff, v3  }
0x5c: {  	s19 =	sadd.s32 $0x40, s17;
	v3 =	vld.msk [tilespmem:s20+$0x8], $0xff  }
0x5d: {  	[tilespmem:s12+$0xFFFFFFFC ss:$0x81] =	vst.msk $0xff, v1;
	v1 =	vld.msk [tilespmem:s19+$0xFFFFFFE0], $0xff  }
0x5e: {  	v4 =	vld.msk [tilespmem:s14+$0x0], $0xff  }
0x5f: {  	[tilespmem:s13+$0xFFFFFFFB ss:$0x81] =	vst.msk $0xff, v2  }
0x60: {  	v2 =	vld.msk [tilespmem:s15+$0xFFFFFFF8], $0xff;
	[tilespmem:s16+$0xFFFFFFFA ss:$0x81] =	vst.msk $0xff, v0  }
0x61: {  	s18 =	sadd.s32 $0x8, s16;
	v0 =	vld.msk [tilespmem:s17+$0xFFFFFFF0], $0xff;
	[tilespmem:s11+$0xFFFFFFFE ss:$0x81] =	vst.msk $0xff, v3  }
0x62: {  	[tilespmem:s18+$0xFFFFFFF9 ss:$0x81] =	vst.msk $0xff, v1;
	v1 =	vld.msk [tilespmem:s20+$0x10], $0xff  }
0x63: {  	[tilespmem:s12+$0xFFFFFFFD ss:$0x81] =	vst.msk $0xff, v4;
	v3 =	vld.msk [tilespmem:s19+$0xFFFFFFE8], $0xff  }
0x64: {  	s21 =	sadd.s32 $0x40, s19;
	v4 =	vld.msk [tilespmem:s14+$0x8], $0xff  }
0x65: {  	[tilespmem:s13+$0xFFFFFFFC ss:$0x81] =	vst.msk $0xff, v2;
	v2 =	vld.msk [tilespmem:s21+$0xFFFFFFE0], $0xff  }
0x66: {  	v5 =	vld.msk [tilespmem:s15+$0x0], $0xff;
	[tilespmem:s16+$0xFFFFFFFB ss:$0x81] =	vst.msk $0xff, v0  }
0x67: {  	v6 =	vld.msk [tilespmem:s17+$0xFFFFFFF8], $0xff;
	[tilespmem:s11+$0xFFFFFFFF ss:$0x81] =	vst.msk $0xff, v1  }
0x68: {  	s22 =	sand.u32 $0x1, s9;
	[tilespmem:s18+$0xFFFFFFFA ss:$0x81] =	vst.msk $0xff, v3;
	v0 =	vld.msk [tilespmem:s20+$0x18], $0xff  }
0x69: {  	s22 =	smul.u32 $0x1020, s22;
	[tilespmem:s12+$0xFFFFFFFE ss:$0x81] =	vst.msk $0xff, v4;
	v3 =	vld.msk [tilespmem:s19+$0xFFFFFFF0], $0xff;
	s20 =	sadd.s32 $0x8, s18  }
0x6a: {  	v1 =	vld.msk [tilespmem:s14+$0x10], $0xff;
	[tilespmem:s20+$0xFFFFFFF9 ss:$0x81] =	vst.msk $0xff, v2  }
0x6b: {  	s22 =	sshrl.u32 s22, $0x2;
	[tilespmem:s13+$0xFFFFFFFD ss:$0x81] =	vst.msk $0xff, v5;
	v4 =	vld.msk [tilespmem:s21+$0xFFFFFFE8], $0xff  }
0x6c: {  	s23 =	simm.s32 $0x28;
	s22 =	sor.u32 $0x800, s22;
	s24 =	sadd.s32 $0x40, s21;
	v2 =	vld.msk [tilespmem:s15+$0x8], $0xff;
	[tilespmem:s16+$0xFFFFFFFC ss:$0x81] =	vst.msk $0xff, v6  }
.LBB1_3:
0x6d: {  	v5 =	vld.msk [tilespmem:s24+$0xFFFFFFE0], $0xff;
	[tilespmem:s11+$0x0 ss:$0x81] =	vst.msk $0xff, v0;
	s11 =	smov.u32 s12;
	s12 =	smov.u32 s13;
	s13 =	smov.u32 s16  }
0x6e: {  	s23 =	sadd.s32 $0x8, s23;
	s16 =	smov.u32 s18;
	[tilespmem:s18+$0xFFFFFFFB ss:$0x81] =	vst.msk $0xff, v3;
	v6 =	vld.msk [tilespmem:s17+$0x0], $0xff;
	s18 =	smov.u32 s20  }
0x6f: {  	p1 =	slt.u32 s23, $0x78;
	v7 =	vld.msk [tilespmem:s19+$0xFFFFFFF8], $0xff;
	[tilespmem:s11+$0xFFFFFFFF ss:$0x81] =	vst.msk $0xff, v1  }
.Ltmp3:
0x70: {  	[tilespmem:s20+$0xFFFFFFFA ss:$0x81] =	vst.msk $0xff, v4;
	v0 =	vld.msk [tilespmem:s14+$0x18], $0xff;
	s14 =	smov.u32 s15;
	s15 =	smov.u32 s17;
	(pc) =	sbr.rel @p1 .LBB1_3-.Ltmp3, $4  }
0x71: {  	s20 =	sadd.s32 $0x8, s20;
	s17 =	smov.u32 s19;
	s19 =	smov.u32 s21;
	v3 =	vld.msk [tilespmem:s21+$0xFFFFFFF0], $0xff;
	[tilespmem:s12+$0xFFFFFFFE ss:$0x81] =	vst.msk $0xff, v2  }
0x72: {  	s21 =	smov.u32 s24;
	[tilespmem:s20+$0xFFFFFFF9 ss:$0x81] =	vst.msk $0xff, v5;
	v1 =	vld.msk [tilespmem:s14+$0x10], $0xff  }
0x73: {  	v4 =	vld.msk [tilespmem:s24+$0xFFFFFFE8], $0xff;
	[tilespmem:s13+$0xFFFFFFFD ss:$0x81] =	vst.msk $0xff, v6  }
0x74: {  	s24 =	sadd.s32 $0x40, s24;
	[tilespmem:s16+$0xFFFFFFFC ss:$0x81] =	vst.msk $0xff, v7;
	v2 =	vld.msk [tilespmem:s15+$0x8], $0xff  }
.Ltmp4:
0x75: {  	_ = 	snop;
	(pc) =	sbr.rel .LBB1_4-.Ltmp4, $1  }
0x76: {  	_ =	sdelay $0x3  }
.LBB1_6:
0x77: {  	_ =	sfence.sel $0x180000  }
0x78: {  	s2 =	simm.s32 $0x1;
	[bflag:$0x0] =	sbarrier.arrive $0xFFFF  }
0x79: {  	s31 =	simm.s32 $0x2;
	[sflag:s2] =	ssyncpa.u1 $0x1  }
0x7a: {  	[sflag:s31] =	ssyncpa.u1 $0x1  }
0x7b: {  	p0 =	sne.s32 s0, $0x0;
	_ =	strace $0x9000004D  }
0x7c: {  	s0 =	sadd.s32 @!p0 $0x100000, s1;
	[bflag:$0x2] =	sbarrier.arrive $0xFFFF  }
0x7d: {  	[sflag:s0] =	ssyncadd.tile.s32 @!p0 $0x1;
	_ =	shalt  }
.Lfunc_end1:
_tile_overlayer_lowered:
.L_overlay_start_2:
0x7e: {  	(tag) =	ssettag $0x2  }
0x7f: {  	s0 =	rddreg [dreg:$0x0];
	s2 =	stileid.u32  }
0x80: {  	s1 =	rddreg [dreg:$0x1];
	p0 =	sne.s32 s2, $0x0  }
0x81: {  	s3 =	rddreg [dreg:$0x2];
	[bflag:$0x3] =	sbarrier.arrive $0xFFFF;
	s2 =	simm.s32 @!p0 $0x1C01  }
0x82: {  	[timem:s3], [sflag:s2] =	dma.local @!p0 [hbm:s0], s1  }
0x83: {  	s0 =	simm.s32 @!p0 $0x1  }
0x84: {  	_ =	swait.ge @!p0 [sflag:s0], s1  }
0x85: {  	s1 =	ssub.s32 @!p0 $0x0, s1;
	[sflag:s0] =	ssyncset.done @!p0 $0x0  }
0x86: {  	[sflag:s0] =	ssyncadd.s32 @!p0 s1  }
0x87: {  	[bflag:$0x3] =	sbarrier.arrive $0xFFFF  }
0x88: {  	_ =	shalt  }

</sc_bundles>
